<compile_context>
chip_gen: v7x
topology: tpu7x:2x2x1
jax: 0.10.2.dev20260603
libtpu: 0.0.44.dev20260713+nightly
codegen_flags: <defaults>
</compile_context>

<pallas_src>
import jax
import jax.numpy as jnp
from jax.experimental import pallas as pl
from jax.experimental.pallas import tpu as pltpu
from jax.experimental.pallas import tpu_sc as plsc

_NUM_CODES = 8192
_DIM = 256
_TOKENS = 8192
_TM = 512
_NTILES = _TOKENS // _TM
_TB = 128
_CH = 128
_NS = 1
_GATHER_W = 128


def _dist_argmin_kernel(x_ref, embT_ref, idx_ref, loss_ref, esq_ref):
    i = pl.program_id(0)

    @pl.when(i == 0)
    def _init():
        e = embT_ref[...]
        esq_ref[...] = jnp.sum(e * e, axis=0, keepdims=True)
        loss_ref[...] = jnp.zeros_like(loss_ref)

    x = x_ref[...]
    xsq = jnp.sum(x * x, axis=1, keepdims=True)
    mm2 = jax.lax.dot_general(
        x + x, embT_ref[...],
        dimension_numbers=(((1,), (0,)), ((), ())),
        preferred_element_type=jnp.float32,
    )
    esq = esq_ref[...]

    idx_parts = []
    m_parts = []
    nch = _NUM_CODES // _CH
    big = jnp.float32(_NUM_CODES)
    for tb in range(_TM // _TB):
        r0 = tb * _TB
        xsq_b = xsq[r0:r0 + _TB, :]
        mrun = [None] * _NS
        irun = [None] * _NS
        for c in range(nch):
            s = c % _NS
            l0 = c * _CH
            dc = (xsq_b - mm2[r0:r0 + _TB, l0:l0 + _CH]) \
                + esq[:, l0:l0 + _CH]
            if mrun[s] is None:
                mrun[s] = dc
                irun[s] = jnp.full((_TB, _CH), float(c), jnp.float32)
            else:
                better = dc < mrun[s]
                mrun[s] = jnp.minimum(mrun[s], dc)
                irun[s] = jnp.where(better, jnp.float32(c), irun[s])
        mall = mrun[0]
        for s in range(1, _NS):
            mall = jnp.minimum(mall, mrun[s])
        iall = jnp.where(mrun[0] == mall, irun[0], big)
        for s in range(1, _NS):
            iall = jnp.minimum(
                iall, jnp.where(mrun[s] == mall, irun[s], big))
        m_b = jnp.min(mall, axis=1, keepdims=True)
        lane = jax.lax.broadcasted_iota(
            jnp.int32, (_TB, _CH), 1).astype(jnp.float32)
        jl = iall * jnp.float32(_CH) + lane
        ids = jnp.where(mall == m_b, jl, big)
        idx_parts.append(jnp.min(ids, axis=1))
        m_parts.append(m_b)
    idx_ref[...] = jnp.concatenate(idx_parts).astype(
        jnp.int32).reshape(1, 1, _TM)
    m = jnp.concatenate(m_parts, axis=0)
    loss_ref[...] += jnp.sum(m, keepdims=True).reshape(1, 1)

    @pl.when(i == pl.num_programs(0) - 1)
    def _finalize():
        loss_ref[...] = loss_ref[...] * (0.25 / float(_TOKENS * _DIM))


def _vq_tc(flat_x, embT):
    ntiles = flat_x.shape[0] // _TM
    return pl.pallas_call(
        _dist_argmin_kernel,
        grid=(ntiles,),
        in_specs=[
            pl.BlockSpec((_TM, _DIM), lambda i: (i, 0)),
            pl.BlockSpec((_DIM, _NUM_CODES), lambda i: (0, 0)),
        ],
        out_specs=[
            pl.BlockSpec((1, 1, _TM), lambda i: (i, 0, 0)),
            pl.BlockSpec((1, 1), lambda i: (0, 0)),
        ],
        out_shape=[
            jax.ShapeDtypeStruct((ntiles, 1, _TM), jnp.int32),
            jax.ShapeDtypeStruct((1, 1), jnp.float32),
        ],
        scratch_shapes=[pltpu.VMEM((1, _NUM_CODES), jnp.float32)],
    )(flat_x, embT)


def _sc_gather(emb, idx2d):
    n = idx2d.shape[1]

    @pl.kernel(
        out_type=jax.ShapeDtypeStruct((n, _DIM), emb.dtype),
        mesh=plsc.VectorSubcoreMesh(core_axis_name="core",
                                    subcore_axis_name="subcore"),
    )
    def _gather(x_hbm, i_hbm, o_hbm):
        def body(i_vmem, o_vmem):
            pltpu.sync_copy(x_hbm.at[i_vmem.at[0]], o_vmem)

        pltpu.emit_pipeline(
            body,
            grid=(n // _GATHER_W,),
            in_specs=[pl.BlockSpec((1, _GATHER_W), index_map=lambda i: (0, i))],
            out_specs=[pl.BlockSpec((_GATHER_W, _DIM),
                                    index_map=lambda i: (i, 0))],
            core_axis_name=("core", "subcore"),
            dimension_semantics=(pltpu.PARALLEL,),
        )(i_hbm, o_hbm)

    return _gather(emb, idx2d)


def kernel(x, embedding):
    B, C, H, W = x.shape
    flat_x = jnp.transpose(x, (0, 2, 3, 1)).reshape(-1, C)
    embT = embedding.T
    idx3, loss11 = _vq_tc(flat_x, embT)
    idx = idx3.reshape(-1)
    q_flat = _sc_gather(embedding, idx.reshape(1, -1))
    quantized = jnp.transpose(q_flat.reshape(B, H, W, C), (0, 3, 1, 2))
    return (loss11[0, 0], quantized, idx)

# --- scband reference (transcript-rebuilt; emitter-appended) ---
"""Pipeline reference for scband-vector-quantizer-14671608283802 (READ-ONLY COPY).

The authoritative reference and input builder live on the scoring server;
editing this copy changes nothing except your own understanding.
"""

import jax, jax.numpy as jnp
import numpy as np

NUM_EMBEDDINGS = 8192
EMBEDDING_DIM = 256

def setup_inputs(seed: int = 0) -> dict:
    key = jax.random.key(seed)
    k1, k2 = jax.random.split(key)
    x = jax.random.normal(k1, (8, 256, 32, 32), dtype=jnp.float32)
    limit = 3 ** 0.5
    embedding = jax.random.uniform(k2, (NUM_EMBEDDINGS, EMBEDDING_DIM), dtype=jnp.float32, minval=-limit, maxval=limit)
    return {"x": x, "embedding": embedding}

def reference(x, embedding):
    B, C, H, W = x.shape
    flat_x = jnp.transpose(x, (0, 2, 3, 1)).reshape(-1, C)
    distances = (flat_x ** 2).sum(axis=1, keepdims=True) - 2.0 * (flat_x @ embedding.T) + (embedding.T ** 2).sum(axis=0, keepdims=True)
    encoding_indices = jnp.argmin(distances, axis=1)
    quantized = jnp.take(embedding, encoding_indices, axis=0)
    quantized = jnp.transpose(quantized.reshape(B, H, W, C), (0, 3, 1, 2))
    e_latent_loss = jnp.mean((jax.lax.stop_gradient(quantized) - x) ** 2)
    loss = 0.25 * e_latent_loss
    quantized_st = x + jax.lax.stop_gradient(quantized - x)
    return (loss, quantized_st, encoding_indices)

if __name__ == "__main__":
    import jax
    _d = setup_inputs()
    print(jax.jit(kernel)(*tuple(_d.values())))

</pallas_src>

<mosaic_0001>
#map = affine_map<(d0, d1) -> (0, 0)>
module attributes {stable_mosaic.version = 14 : i64} {
  func.func @_gather(%arg0: i32, %arg1: i32, %arg2: memref<8192x256xf32, #tpu.memory_space<hbm>>, %arg3: memref<1x8192xi32, #tpu.memory_space<hbm>>, %arg4: memref<8192x256xf32, #tpu.memory_space<hbm>>) attributes {dimension_semantics = [#tpu.dimension_semantics<core_parallel>, #tpu.dimension_semantics<subcore_parallel>], iteration_bounds = array<i64: 2, 16>, scalar_prefetch = 0 : i64, scratch_operands = 0 : i64, tpu.core_type = #tpu.core_type<sc_vector_subcore>, window_params = [{transform_indices = #map}, {transform_indices = #map}, {transform_indices = #map}]} {
    %mul3A = arith.constant 1 : i32
    %mul3A_0 = arith.muli %arg1, %mul3A : i32
    %add3A = arith.constant 0 : i32
    %add3A_1 = arith.addi %add3A, %mul3A_0 : i32
    %mul3A_2 = arith.constant 16 : i32
    %mul3A_3 = arith.muli %arg0, %mul3A_2 : i32
    %add3A_4 = arith.addi %add3A_1, %mul3A_3 : i32
    %mul3A_5 = arith.constant 2 : i32
    %mul3A_6 = arith.muli %add3A_4, %mul3A_5 : i32
    "tpu.region"() ({
      %run_scoped3A = memref.alloca() : memref<2x1x128xi32, #tpu.memory_space<vmem>>
      %run_scoped3A_7 = tpu.sem_alloc : memref<2x!tpu.dma_semaphore, #tpu.memory_space<semaphore_mem>>
      %run_scoped3A_8 = memref.alloca() : memref<2x128x256xf32, #tpu.memory_space<vmem>>
      %run_scoped3A_9 = tpu.sem_alloc : memref<2x!tpu.dma_semaphore, #tpu.memory_space<semaphore_mem>>
      %add3A_10 = arith.constant 0 : i32
      %add3A_11 = arith.addi %add3A_10, %mul3A_6 : i32
      %select_n3A = arith.constant true
      %select_n3A_12 = arith.constant 0 : i32
      %select_n3A_13 = arith.constant -1 : i32
      %select_n3A_14 = arith.select %select_n3A, %select_n3A_13, %select_n3A_12 : i32
      %eq3A = arith.constant -1 : i32
      %eq3A_15 = arith.cmpi eq, %select_n3A_14, %eq3A : i32
      %select_n3A_16 = arith.constant 1 : i32
      %select_n3A_17 = arith.select %eq3A_15, %select_n3A_16, %select_n3A_14 : i32
      %add3A_18 = arith.addi %select_n3A_17, %mul3A_6 : i32
      %select_n3A_19 = arith.constant true
      %select_n3A_20 = arith.constant 0 : i32
      %select_n3A_21 = arith.constant 1 : i32
      %select_n3A_22 = arith.select %select_n3A_19, %select_n3A_21, %select_n3A_20 : i32
      %eq3A_23 = arith.constant 2 : i32
      %eq3A_24 = arith.cmpi eq, %select_n3A_22, %eq3A_23 : i32
      %select_n3A_25 = arith.constant 0 : i32
      %select_n3A_26 = arith.select %eq3A_24, %select_n3A_25, %select_n3A_22 : i32
      %add3A_27 = arith.addi %select_n3A_26, %mul3A_6 : i32
      %add3A_28 = arith.constant 1 : i32
      %add3A_29 = arith.addi %select_n3A_26, %add3A_28 : i32
      %select_n3A_30 = arith.constant true
      %select_n3A_31 = arith.select %select_n3A_30, %add3A_29, %select_n3A_26 : i32
      %eq3A_32 = arith.constant 2 : i32
      %eq3A_33 = arith.cmpi eq, %select_n3A_31, %eq3A_32 : i32
      %select_n3A_34 = arith.constant 0 : i32
      %select_n3A_35 = arith.select %eq3A_33, %select_n3A_34, %select_n3A_31 : i32
      %add3A_36 = arith.addi %select_n3A_35, %mul3A_6 : i32
      "tpu.trace_start"() <{level = 10 : i32, message = "ep_initialize_0"}> : () -> ()
      %rem3A = arith.constant 0 : i32
      %rem3A_37 = arith.constant 2 : i32
      %rem3A_38 = arith.remui %rem3A, %rem3A_37 : i32
      %mul3A_39 = arith.constant 128 : i32
      %mul3A_40 = arith.muli %mul3A_39, %add3A_11 : i32
      %dma_start3A = arith.constant 0 : i32
      %dma_start3A_41 = arith.constant 0 : i32
      %dma_start3A_42 = tpu.memref_slice %run_scoped3A[%rem3A_38, %dma_start3A, %dma_start3A_41] : memref<2x1x128xi32, #tpu.memory_space<vmem>> -> memref<1x1x128xi32, #tpu.memory_space<vmem>>
      %dma_start3A_43 = tpu.memref_squeeze %dma_start3A_42 : memref<1x1x128xi32, #tpu.memory_space<vmem>> -> memref<1x128xi32, #tpu.memory_space<vmem>>
      %dma_start3A_44 = arith.constant 0 : i32
      %dma_start3A_45 = tpu.memref_slice %arg3[%dma_start3A_44, %mul3A_40] : memref<1x8192xi32, #tpu.memory_space<hbm>> -> memref<1x128xi32, #tpu.memory_space<hbm>>
      %dma_start3A_46 = tpu.memref_slice %run_scoped3A_7[%rem3A_38] : memref<2x!tpu.dma_semaphore, #tpu.memory_space<semaphore_mem>> -> memref<1x!tpu.dma_semaphore, #tpu.memory_space<semaphore_mem>>
      %dma_start3A_47 = tpu.memref_squeeze %dma_start3A_46 : memref<1x!tpu.dma_semaphore, #tpu.memory_space<semaphore_mem>> -> memref<!tpu.dma_semaphore, #tpu.memory_space<semaphore_mem>>
      %dma_start3A_48 = arith.constant 0 : i32
      %dma_start3A_49 = arith.constant 0 : i32
      %dma_start3A_50 = tpu.memref_slice %run_scoped3A[%rem3A_38, %dma_start3A_48, %dma_start3A_49] : memref<2x1x128xi32, #tpu.memory_space<vmem>> -> memref<1x1x128xi32, #tpu.memory_space<vmem>>
      %dma_start3A_51 = tpu.memref_squeeze %dma_start3A_50 : memref<1x1x128xi32, #tpu.memory_space<vmem>> -> memref<1x128xi32, #tpu.memory_space<vmem>>
      %dma_start3A_52 = arith.constant 0 : i32
      %dma_start3A_53 = tpu.memref_slice %arg3[%dma_start3A_52, %mul3A_40] : memref<1x8192xi32, #tpu.memory_space<hbm>> -> memref<1x128xi32, #tpu.memory_space<hbm>>
      tpu.enqueue_dma source(%dma_start3A_53 : memref<1x128xi32, #tpu.memory_space<hbm>>) target(%dma_start3A_51 : memref<1x128xi32, #tpu.memory_space<vmem>>) target_semaphore(%dma_start3A_47 : memref<!tpu.dma_semaphore, #tpu.memory_space<semaphore_mem>>)
      %add3A_54 = arith.constant 0 : i32
      %add3A_55 = arith.constant 1 : i32
      %add3A_56 = arith.addi %add3A_54, %add3A_55 : i32
      %select_n3A_57 = arith.constant true
      %select_n3A_58 = arith.constant 0 : i32
      %select_n3A_59 = arith.select %select_n3A_57, %add3A_56, %select_n3A_58 : i32
      "tpu.trace_stop"() : () -> ()
      %scan3A = arith.constant 0 : i32
      %scan3A_60 = arith.constant 0 : i32
      %scan3A_61 = arith.constant 0 : i32
      %scan3A_62 = arith.constant 0 : i32
      %scan3A_63 = arith.constant 0 : i32
      %scan3A_64 = arith.constant 2 : i32
      %scan3A_65 = arith.addi %scan3A_63, %scan3A_64 : i32
      %scan3A_66 = arith.constant 1 : i32
      %scan3A_67:5 = scf.for %scan3A_121 = %scan3A_63 to %scan3A_65 step %scan3A_66 iter_args(%scan3A_122 = %select_n3A_59, %scan3A_123 = %scan3A, %scan3A_124 = %scan3A_60, %scan3A_125 = %scan3A_61, %scan3A_126 = %scan3A_62) -> (i32, i32, i32, i32, i32)  : i32 {
        %eq3A_127 = arith.constant 0 : i32
        %eq3A_128 = arith.cmpi eq, %scan3A_121, %eq3A_127 : i32
        %eq3A_129 = arith.constant 1 : i32
        %eq3A_130 = arith.cmpi eq, %scan3A_121, %eq3A_129 : i32
        %add3A_131 = arith.addi %scan3A_126, %mul3A_6 : i32
        %sub3A_132 = arith.constant 1 : i32
        %sub3A_133 = arith.subi %scan3A_126, %sub3A_132 : i32
        %select_n3A_134 = arith.constant true
        %select_n3A_135 = arith.select %select_n3A_134, %sub3A_133, %scan3A_126 : i32
        %eq3A_136 = arith.constant -1 : i32
        %eq3A_137 = arith.cmpi eq, %select_n3A_135, %eq3A_136 : i32
        %select_n3A_138 = arith.constant 1 : i32
        %select_n3A_139 = arith.select %eq3A_137, %select_n3A_138, %select_n3A_135 : i32
        %add3A_140 = arith.addi %select_n3A_139, %mul3A_6 : i32
        %add3A_141 = arith.constant 1 : i32
        %add3A_142 = arith.addi %scan3A_126, %add3A_141 : i32
        %select_n3A_143 = arith.constant true
        %select_n3A_144 = arith.select %select_n3A_143, %add3A_142, %scan3A_126 : i32
        %eq3A_145 = arith.constant 2 : i32
        %eq3A_146 = arith.cmpi eq, %select_n3A_144, %eq3A_145 : i32
        %select_n3A_147 = arith.constant 0 : i32
        %select_n3A_148 = arith.select %eq3A_146, %select_n3A_147, %select_n3A_144 : i32
        %add3A_149 = arith.addi %select_n3A_148, %mul3A_6 : i32
        %add3A_150 = arith.constant 1 : i32
        %add3A_151 = arith.addi %select_n3A_148, %add3A_150 : i32
        %select_n3A_152 = arith.constant true
        %select_n3A_153 = arith.select %select_n3A_152, %add3A_151, %select_n3A_148 : i32
        %eq3A_154 = arith.constant 2 : i32
        %eq3A_155 = arith.cmpi eq, %select_n3A_153, %eq3A_154 : i32
        %select_n3A_156 = arith.constant 0 : i32
        %select_n3A_157 = arith.select %eq3A_155, %select_n3A_156, %select_n3A_153 : i32
        %add3A_158 = arith.addi %select_n3A_157, %mul3A_6 : i32
        %ne3A = arith.cmpi ne, %add3A_131, %add3A_149 : i32
        %or3A = arith.constant false
        %or3A_159 = arith.ori %or3A, %ne3A : i1
        %ge3A = arith.constant 1 : i32
        %ge3A_160 = arith.cmpi sge, %scan3A_121, %ge3A : i32
        %not3A = arith.constant true
        %not3A_161 = arith.xori %ge3A_160, %not3A : i1
        %and3A = arith.andi %or3A_159, %not3A_161 : i1
        %convert_element_type3A = arith.extui %and3A : i1 to i32
        %cond3A = arith.constant 0 : i32
        %cond3A_162 = arith.cmpi ne, %convert_element_type3A, %cond3A : i32
        scf.if %cond3A_162 {
          "tpu.trace_start"() <{level = 10 : i32, message = "ep_copy_in"}> : () -> ()
          %rem3A_264 = arith.constant 2 : i32
          %rem3A_265 = arith.remui %scan3A_122, %rem3A_264 : i32
          %mul3A_266 = arith.constant 128 : i32
          %mul3A_267 = arith.muli %mul3A_266, %add3A_149 : i32
          %dma_start3A_268 = arith.constant 0 : i32
          %dma_start3A_269 = arith.constant 0 : i32
          %dma_start3A_270 = tpu.memref_slice %run_scoped3A[%rem3A_265, %dma_start3A_268, %dma_start3A_269] : memref<2x1x128xi32, #tpu.memory_space<vmem>> -> memref<1x1x128xi32, #tpu.memory_space<vmem>>
          %dma_start3A_271 = tpu.memref_squeeze %dma_start3A_270 : memref<1x1x128xi32, #tpu.memory_space<vmem>> -> memref<1x128xi32, #tpu.memory_space<vmem>>
          %dma_start3A_272 = arith.constant 0 : i32
          %dma_start3A_273 = tpu.memref_slice %arg3[%dma_start3A_272, %mul3A_267] : memref<1x8192xi32, #tpu.memory_space<hbm>> -> memref<1x128xi32, #tpu.memory_space<hbm>>
          %dma_start3A_274 = tpu.memref_slice %run_scoped3A_7[%rem3A_265] : memref<2x!tpu.dma_semaphore, #tpu.memory_space<semaphore_mem>> -> memref<1x!tpu.dma_semaphore, #tpu.memory_space<semaphore_mem>>
          %dma_start3A_275 = tpu.memref_squeeze %dma_start3A_274 : memref<1x!tpu.dma_semaphore, #tpu.memory_space<semaphore_mem>> -> memref<!tpu.dma_semaphore, #tpu.memory_space<semaphore_mem>>
          %dma_start3A_276 = arith.constant 0 : i32
          %dma_start3A_277 = arith.constant 0 : i32
          %dma_start3A_278 = tpu.memref_slice %run_scoped3A[%rem3A_265, %dma_start3A_276, %dma_start3A_277] : memref<2x1x128xi32, #tpu.memory_space<vmem>> -> memref<1x1x128xi32, #tpu.memory_space<vmem>>
          %dma_start3A_279 = tpu.memref_squeeze %dma_start3A_278 : memref<1x1x128xi32, #tpu.memory_space<vmem>> -> memref<1x128xi32, #tpu.memory_space<vmem>>
          %dma_start3A_280 = arith.constant 0 : i32
          %dma_start3A_281 = tpu.memref_slice %arg3[%dma_start3A_280, %mul3A_267] : memref<1x8192xi32, #tpu.memory_space<hbm>> -> memref<1x128xi32, #tpu.memory_space<hbm>>
          tpu.enqueue_dma source(%dma_start3A_281 : memref<1x128xi32, #tpu.memory_space<hbm>>) target(%dma_start3A_279 : memref<1x128xi32, #tpu.memory_space<vmem>>) target_semaphore(%dma_start3A_275 : memref<!tpu.dma_semaphore, #tpu.memory_space<semaphore_mem>>)
          "tpu.trace_stop"() : () -> ()
        } else {
        }
        %and3A_163 = arith.constant true
        %and3A_164 = arith.andi %and3A, %and3A_163 : i1
        %add3A_165 = arith.constant 1 : i32
        %add3A_166 = arith.addi %scan3A_122, %add3A_165 : i32
        %select_n3A_167 = arith.select %and3A_164, %add3A_166, %scan3A_122 : i32
        %ne3A_168 = arith.cmpi ne, %add3A_131, %add3A_149 : i32
        %or3A_169 = arith.constant false
        %or3A_170 = arith.ori %or3A_169, %ne3A_168 : i1
        %or3A_171 = arith.constant false
        %or3A_172 = arith.ori %or3A_170, %or3A_171 : i1
        %ge3A_173 = arith.constant 1 : i32
        %ge3A_174 = arith.cmpi sge, %scan3A_121, %ge3A_173 : i32
        %not3A_175 = arith.constant true
        %not3A_176 = arith.xori %ge3A_174, %not3A_175 : i1
        %and3A_177 = arith.andi %or3A_172, %not3A_176 : i1
        %ne3A_178 = arith.cmpi ne, %add3A_131, %add3A_140 : i32
        %or3A_179 = arith.constant false
        %or3A_180 = arith.ori %or3A_179, %ne3A_178 : i1
        %or3A_181 = arith.ori %or3A_180, %eq3A_128 : i1
        %convert_element_type3A_182 = arith.extui %or3A_181 : i1 to i32
        %cond3A_183 = arith.constant 0 : i32
        %cond3A_184 = arith.cmpi ne, %convert_element_type3A_182, %cond3A_183 : i32
        scf.if %cond3A_184 {
          "tpu.trace_start"() <{level = 10 : i32, message = "ep_wait_in"}> : () -> ()
          %mul3A_264 = arith.constant 128 : i32
          %mul3A_265 = arith.muli %mul3A_264, %add3A_131 : i32
          %rem3A_266 = arith.constant 2 : i32
          %rem3A_267 = arith.remui %scan3A_123, %rem3A_266 : i32
          %dma_wait3A_268 = arith.constant 0 : i32
          %dma_wait3A_269 = arith.constant 0 : i32
          %dma_wait3A_270 = tpu.memref_slice %run_scoped3A[%rem3A_267, %dma_wait3A_268, %dma_wait3A_269] : memref<2x1x128xi32, #tpu.memory_space<vmem>> -> memref<1x1x128xi32, #tpu.memory_space<vmem>>
          %dma_wait3A_271 = tpu.memref_squeeze %dma_wait3A_270 : memref<1x1x128xi32, #tpu.memory_space<vmem>> -> memref<1x128xi32, #tpu.memory_space<vmem>>
          %dma_wait3A_272 = arith.constant 0 : i32
          %dma_wait3A_273 = tpu.memref_slice %arg3[%dma_wait3A_272, %mul3A_265] : memref<1x8192xi32, #tpu.memory_space<hbm>> -> memref<1x128xi32, #tpu.memory_space<hbm>>
          %dma_wait3A_274 = tpu.memref_slice %run_scoped3A_7[%rem3A_267] : memref<2x!tpu.dma_semaphore, #tpu.memory_space<semaphore_mem>> -> memref<1x!tpu.dma_semaphore, #tpu.memory_space<semaphore_mem>>
          %dma_wait3A_275 = tpu.memref_squeeze %dma_wait3A_274 : memref<1x!tpu.dma_semaphore, #tpu.memory_space<semaphore_mem>> -> memref<!tpu.dma_semaphore, #tpu.memory_space<semaphore_mem>>
          %dma_wait3A_276 = arith.constant 0 : i32
          %dma_wait3A_277 = arith.constant 0 : i32
          %dma_wait3A_278 = tpu.memref_slice %run_scoped3A[%rem3A_267, %dma_wait3A_276, %dma_wait3A_277] : memref<2x1x128xi32, #tpu.memory_space<vmem>> -> memref<1x1x128xi32, #tpu.memory_space<vmem>>
          %dma_wait3A_279 = tpu.memref_squeeze %dma_wait3A_278 : memref<1x1x128xi32, #tpu.memory_space<vmem>> -> memref<1x128xi32, #tpu.memory_space<vmem>>
          %dma_wait3A_280 = arith.constant 0 : i32
          %dma_wait3A_281 = tpu.memref_slice %arg3[%dma_wait3A_280, %mul3A_265] : memref<1x8192xi32, #tpu.memory_space<hbm>> -> memref<1x128xi32, #tpu.memory_space<hbm>>
          tpu.wait_dma2 semaphore(%dma_wait3A_275 : memref<!tpu.dma_semaphore, #tpu.memory_space<semaphore_mem>>) src(%dma_wait3A_281 : memref<1x128xi32, #tpu.memory_space<hbm>>) dst(%dma_wait3A_279 : memref<1x128xi32, #tpu.memory_space<vmem>>)
          "tpu.trace_stop"() : () -> ()
        } else {
        }
        %ne3A_185 = arith.cmpi ne, %add3A_131, %add3A_140 : i32
        %or3A_186 = arith.constant false
        %or3A_187 = arith.ori %or3A_186, %ne3A_185 : i1
        %or3A_188 = arith.constant false
        %or3A_189 = arith.ori %or3A_187, %or3A_188 : i1
        %or3A_190 = arith.ori %or3A_189, %eq3A_128 : i1
        %convert_element_type3A_191 = arith.extui %or3A_190 : i1 to i32
        %cond3A_192 = arith.constant 0 : i32
        %cond3A_193 = arith.cmpi ne, %convert_element_type3A_191, %cond3A_192 : i32
        scf.if %cond3A_193 {
        } else {
        }
        %rem3A_194 = arith.constant 2 : i32
        %rem3A_195 = arith.remui %scan3A_123, %rem3A_194 : i32
        %rem3A_196 = arith.constant 2 : i32
        %rem3A_197 = arith.remui %scan3A_124, %rem3A_196 : i32
        %run_scoped3A_198 = arith.constant 0 : i32
        "tpu.trace_start"() <{level = 10 : i32, message = "ep_run_kernel"}> : () -> ()
        "tpu.region"() ({
          %run_scoped3A_264 = tpu.sem_alloc : memref<!tpu.dma_semaphore, #tpu.memory_space<semaphore_mem>>
          %dma_start3A_265 = arith.constant 0 : i32
          %dma_start3A_266 = arith.constant 0 : i32
          %dma_start3A_267 = tpu.memref_slice %run_scoped3A_8[%rem3A_197, %dma_start3A_265, %dma_start3A_266] : memref<2x128x256xf32, #tpu.memory_space<vmem>> -> memref<1x128x256xf32, #tpu.memory_space<vmem>>
          %dma_start3A_268 = tpu.memref_squeeze %dma_start3A_267 : memref<1x128x256xf32, #tpu.memory_space<vmem>> -> memref<128x256xf32, #tpu.memory_space<vmem>>
          %dma_start3A_269 = arith.constant 0 : i32
          %dma_start3A_270 = arith.constant 0 : i32
          %dma_start3A_271 = tpu.memref_slice %run_scoped3A[%rem3A_195, %dma_start3A_269, %dma_start3A_270] : memref<2x1x128xi32, #tpu.memory_space<vmem>> -> memref<1x1x128xi32, #tpu.memory_space<vmem>>
          %dma_start3A_272 = tpu.memref_squeeze %dma_start3A_271 : memref<1x1x128xi32, #tpu.memory_space<vmem>> -> memref<1x128xi32, #tpu.memory_space<vmem>>
          %dma_start3A_273 = arith.constant 0 : i32
          %dma_start3A_274 = tpu.memref_slice %dma_start3A_272[%run_scoped3A_198, %dma_start3A_273] : memref<1x128xi32, #tpu.memory_space<vmem>> -> memref<1x128xi32, #tpu.memory_space<vmem>>
          %dma_start3A_275 = tpu.memref_squeeze %dma_start3A_274 : memref<1x128xi32, #tpu.memory_space<vmem>> -> memref<128xi32, #tpu.memory_space<vmem>>
          %dma_start3A_276 = arith.constant 0 : i32
          %dma_start3A_277 = arith.constant 0 : i32
          %dma_start3A_278 = tpu.memref_slice %arg2[%dma_start3A_276, %dma_start3A_277] : memref<8192x256xf32, #tpu.memory_space<hbm>> -> memref<8192x256xf32, #tpu.memory_space<hbm>>
          tpu.enqueue_indirect_dma source(%dma_start3A_278 : memref<8192x256xf32, #tpu.memory_space<hbm>>) target(%dma_start3A_268 : memref<128x256xf32, #tpu.memory_space<vmem>>) offsets(%dma_start3A_275 : memref<128xi32, #tpu.memory_space<vmem>>) semaphore(%run_scoped3A_264 : memref<!tpu.dma_semaphore, #tpu.memory_space<semaphore_mem>>)
          %dma_wait3A_279 = arith.constant 0 : i32
          %dma_wait3A_280 = arith.constant 0 : i32
          %dma_wait3A_281 = tpu.memref_slice %run_scoped3A_8[%rem3A_197, %dma_wait3A_279, %dma_wait3A_280] : memref<2x128x256xf32, #tpu.memory_space<vmem>> -> memref<1x128x256xf32, #tpu.memory_space<vmem>>
          %dma_wait3A_282 = tpu.memref_squeeze %dma_wait3A_281 : memref<1x128x256xf32, #tpu.memory_space<vmem>> -> memref<128x256xf32, #tpu.memory_space<vmem>>
          %dma_wait3A_283 = arith.constant 0 : i32
          %dma_wait3A_284 = arith.constant 0 : i32
          %dma_wait3A_285 = tpu.memref_slice %run_scoped3A[%rem3A_195, %dma_wait3A_283, %dma_wait3A_284] : memref<2x1x128xi32, #tpu.memory_space<vmem>> -> memref<1x1x128xi32, #tpu.memory_space<vmem>>
          %dma_wait3A_286 = tpu.memref_squeeze %dma_wait3A_285 : memref<1x1x128xi32, #tpu.memory_space<vmem>> -> memref<1x128xi32, #tpu.memory_space<vmem>>
          %dma_wait3A_287 = arith.constant 0 : i32
          %dma_wait3A_288 = tpu.memref_slice %dma_wait3A_286[%run_scoped3A_198, %dma_wait3A_287] : memref<1x128xi32, #tpu.memory_space<vmem>> -> memref<1x128xi32, #tpu.memory_space<vmem>>
          %dma_wait3A_289 = tpu.memref_squeeze %dma_wait3A_288 : memref<1x128xi32, #tpu.memory_space<vmem>> -> memref<128xi32, #tpu.memory_space<vmem>>
          %dma_wait3A_290 = arith.constant 0 : i32
          %dma_wait3A_291 = arith.constant 0 : i32
          %dma_wait3A_292 = tpu.memref_slice %arg2[%dma_wait3A_290, %dma_wait3A_291] : memref<8192x256xf32, #tpu.memory_space<hbm>> -> memref<8192x256xf32, #tpu.memory_space<hbm>>
          tpu.wait_indirect_dma semaphore(%run_scoped3A_264 : memref<!tpu.dma_semaphore, #tpu.memory_space<semaphore_mem>>) src(%dma_wait3A_292 : memref<8192x256xf32, #tpu.memory_space<hbm>>) dst(%dma_wait3A_282 : memref<128x256xf32, #tpu.memory_space<vmem>>)
          tpu.yield
        }) : () -> ()
        "tpu.trace_stop"() : () -> ()
        %ne3A_199 = arith.cmpi ne, %add3A_131, %add3A_149 : i32
        %or3A_200 = arith.constant false
        %or3A_201 = arith.ori %or3A_200, %ne3A_199 : i1
        %or3A_202 = arith.ori %or3A_201, %eq3A_130 : i1
        %convert_element_type3A_203 = arith.extui %or3A_202 : i1 to i32
        %cond3A_204 = arith.constant 0 : i32
        %cond3A_205 = arith.cmpi ne, %convert_element_type3A_203, %cond3A_204 : i32
        scf.if %cond3A_205 {
        } else {
        }
        %and3A_206 = arith.constant false
        %and3A_207 = arith.andi %or3A_202, %and3A_206 : i1
        %ne3A_208 = arith.cmpi ne, %add3A_131, %add3A_149 : i32
        %or3A_209 = arith.constant false
        %or3A_210 = arith.ori %or3A_209, %ne3A_208 : i1
        %or3A_211 = arith.constant false
        %or3A_212 = arith.ori %or3A_210, %or3A_211 : i1
        %or3A_213 = arith.ori %or3A_212, %eq3A_130 : i1
        %convert_element_type3A_214 = arith.extui %or3A_213 : i1 to i32
        %cond3A_215 = arith.constant 0 : i32
        %cond3A_216 = arith.cmpi ne, %convert_element_type3A_214, %cond3A_215 : i32
        scf.if %cond3A_216 {
          "tpu.trace_start"() <{level = 10 : i32, message = "ep_copy_out"}> : () -> ()
          %rem3A_264 = arith.constant 2 : i32
          %rem3A_265 = arith.remui %scan3A_124, %rem3A_264 : i32
          %mul3A_266 = arith.constant 128 : i32
          %mul3A_267 = arith.muli %mul3A_266, %add3A_131 : i32
          %dma_start3A_268 = arith.constant 0 : i32
          %dma_start3A_269 = arith.constant 0 : i32
          %dma_start3A_270 = tpu.memref_slice %run_scoped3A_8[%rem3A_265, %dma_start3A_268, %dma_start3A_269] : memref<2x128x256xf32, #tpu.memory_space<vmem>> -> memref<1x128x256xf32, #tpu.memory_space<vmem>>
          %dma_start3A_271 = tpu.memref_squeeze %dma_start3A_270 : memref<1x128x256xf32, #tpu.memory_space<vmem>> -> memref<128x256xf32, #tpu.memory_space<vmem>>
          %dma_start3A_272 = arith.constant 0 : i32
          %dma_start3A_273 = tpu.memref_slice %arg4[%mul3A_267, %dma_start3A_272] : memref<8192x256xf32, #tpu.memory_space<hbm>> -> memref<128x256xf32, #tpu.memory_space<hbm>>
          %dma_start3A_274 = tpu.memref_slice %run_scoped3A_9[%rem3A_265] : memref<2x!tpu.dma_semaphore, #tpu.memory_space<semaphore_mem>> -> memref<1x!tpu.dma_semaphore, #tpu.memory_space<semaphore_mem>>
          %dma_start3A_275 = tpu.memref_squeeze %dma_start3A_274 : memref<1x!tpu.dma_semaphore, #tpu.memory_space<semaphore_mem>> -> memref<!tpu.dma_semaphore, #tpu.memory_space<semaphore_mem>>
          %dma_start3A_276 = arith.constant 0 : i32
          %dma_start3A_277 = tpu.memref_slice %arg4[%mul3A_267, %dma_start3A_276] : memref<8192x256xf32, #tpu.memory_space<hbm>> -> memref<128x256xf32, #tpu.memory_space<hbm>>
          %dma_start3A_278 = arith.constant 0 : i32
          %dma_start3A_279 = arith.constant 0 : i32
          %dma_start3A_280 = tpu.memref_slice %run_scoped3A_8[%rem3A_265, %dma_start3A_278, %dma_start3A_279] : memref<2x128x256xf32, #tpu.memory_space<vmem>> -> memref<1x128x256xf32, #tpu.memory_space<vmem>>
          %dma_start3A_281 = tpu.memref_squeeze %dma_start3A_280 : memref<1x128x256xf32, #tpu.memory_space<vmem>> -> memref<128x256xf32, #tpu.memory_space<vmem>>
          tpu.enqueue_dma source(%dma_start3A_281 : memref<128x256xf32, #tpu.memory_space<vmem>>) target(%dma_start3A_277 : memref<128x256xf32, #tpu.memory_space<hbm>>) target_semaphore(%dma_start3A_275 : memref<!tpu.dma_semaphore, #tpu.memory_space<semaphore_mem>>)
          "tpu.trace_stop"() : () -> ()
        } else {
        }
        %and3A_217 = arith.constant true
        %and3A_218 = arith.andi %or3A_213, %and3A_217 : i1
        %add3A_219 = arith.constant 1 : i32
        %add3A_220 = arith.addi %scan3A_124, %add3A_219 : i32
        %select_n3A_221 = arith.select %and3A_218, %add3A_220, %scan3A_124 : i32
        %ne3A_222 = arith.cmpi ne, %add3A_131, %add3A_140 : i32
        %or3A_223 = arith.constant false
        %or3A_224 = arith.ori %or3A_223, %ne3A_222 : i1
        %not3A_225 = arith.constant true
        %not3A_226 = arith.xori %eq3A_128, %not3A_225 : i1
        %and3A_227 = arith.andi %or3A_224, %not3A_226 : i1
        %convert_element_type3A_228 = arith.extui %and3A_227 : i1 to i32
        %cond3A_229 = arith.constant 0 : i32
        %cond3A_230 = arith.cmpi ne, %convert_element_type3A_228, %cond3A_229 : i32
        scf.if %cond3A_230 {
        } else {
        }
        %and3A_231 = arith.constant false
        %and3A_232 = arith.andi %and3A_227, %and3A_231 : i1
        %ne3A_233 = arith.cmpi ne, %add3A_131, %add3A_140 : i32
        %or3A_234 = arith.constant false
        %or3A_235 = arith.ori %or3A_234, %ne3A_233 : i1
        %or3A_236 = arith.constant false
        %or3A_237 = arith.ori %or3A_235, %or3A_236 : i1
        %not3A_238 = arith.constant true
        %not3A_239 = arith.xori %eq3A_128, %not3A_238 : i1
        %and3A_240 = arith.andi %or3A_237, %not3A_239 : i1
        %convert_element_type3A_241 = arith.extui %and3A_240 : i1 to i32
        %cond3A_242 = arith.constant 0 : i32
        %cond3A_243 = arith.cmpi ne, %convert_element_type3A_241, %cond3A_242 : i32
        scf.if %cond3A_243 {
          "tpu.trace_start"() <{level = 10 : i32, message = "ep_wait_out"}> : () -> ()
          %rem3A_264 = arith.constant 2 : i32
          %rem3A_265 = arith.remui %scan3A_125, %rem3A_264 : i32
          %mul3A_266 = arith.constant 128 : i32
          %mul3A_267 = arith.muli %mul3A_266, %add3A_140 : i32
          %dma_wait3A_268 = arith.constant 0 : i32
          %dma_wait3A_269 = arith.constant 0 : i32
          %dma_wait3A_270 = tpu.memref_slice %run_scoped3A_8[%rem3A_265, %dma_wait3A_268, %dma_wait3A_269] : memref<2x128x256xf32, #tpu.memory_space<vmem>> -> memref<1x128x256xf32, #tpu.memory_space<vmem>>
          %dma_wait3A_271 = tpu.memref_squeeze %dma_wait3A_270 : memref<1x128x256xf32, #tpu.memory_space<vmem>> -> memref<128x256xf32, #tpu.memory_space<vmem>>
          %dma_wait3A_272 = arith.constant 0 : i32
          %dma_wait3A_273 = tpu.memref_slice %arg4[%mul3A_267, %dma_wait3A_272] : memref<8192x256xf32, #tpu.memory_space<hbm>> -> memref<128x256xf32, #tpu.memory_space<hbm>>
          %dma_wait3A_274 = tpu.memref_slice %run_scoped3A_9[%rem3A_265] : memref<2x!tpu.dma_semaphore, #tpu.memory_space<semaphore_mem>> -> memref<1x!tpu.dma_semaphore, #tpu.memory_space<semaphore_mem>>
          %dma_wait3A_275 = tpu.memref_squeeze %dma_wait3A_274 : memref<1x!tpu.dma_semaphore, #tpu.memory_space<semaphore_mem>> -> memref<!tpu.dma_semaphore, #tpu.memory_space<semaphore_mem>>
          %dma_wait3A_276 = arith.constant 0 : i32
          %dma_wait3A_277 = tpu.memref_slice %arg4[%mul3A_267, %dma_wait3A_276] : memref<8192x256xf32, #tpu.memory_space<hbm>> -> memref<128x256xf32, #tpu.memory_space<hbm>>
          %dma_wait3A_278 = arith.constant 0 : i32
          %dma_wait3A_279 = arith.constant 0 : i32
          %dma_wait3A_280 = tpu.memref_slice %run_scoped3A_8[%rem3A_265, %dma_wait3A_278, %dma_wait3A_279] : memref<2x128x256xf32, #tpu.memory_space<vmem>> -> memref<1x128x256xf32, #tpu.memory_space<vmem>>
          %dma_wait3A_281 = tpu.memref_squeeze %dma_wait3A_280 : memref<1x128x256xf32, #tpu.memory_space<vmem>> -> memref<128x256xf32, #tpu.memory_space<vmem>>
          tpu.wait_dma2 semaphore(%dma_wait3A_275 : memref<!tpu.dma_semaphore, #tpu.memory_space<semaphore_mem>>) src(%dma_wait3A_281 : memref<128x256xf32, #tpu.memory_space<vmem>>) dst(%dma_wait3A_277 : memref<128x256xf32, #tpu.memory_space<hbm>>)
          "tpu.trace_stop"() : () -> ()
        } else {
        }
        %and3A_244 = arith.constant true
        %and3A_245 = arith.andi %and3A_240, %and3A_244 : i1
        %add3A_246 = arith.constant 1 : i32
        %add3A_247 = arith.addi %scan3A_125, %add3A_246 : i32
        %select_n3A_248 = arith.select %and3A_245, %add3A_247, %scan3A_125 : i32
        %ne3A_249 = arith.cmpi ne, %add3A_131, %add3A_149 : i32
        %or3A_250 = arith.constant false
        %or3A_251 = arith.ori %or3A_250, %ne3A_249 : i1
        %or3A_252 = arith.ori %or3A_251, %eq3A_130 : i1
        %add3A_253 = arith.constant 1 : i32
        %add3A_254 = arith.addi %scan3A_123, %add3A_253 : i32
        %select_n3A_255 = arith.select %or3A_252, %add3A_254, %scan3A_123 : i32
        %add3A_256 = arith.constant 1 : i32
        %add3A_257 = arith.addi %scan3A_126, %add3A_256 : i32
        %select_n3A_258 = arith.constant true
        %select_n3A_259 = arith.select %select_n3A_258, %add3A_257, %scan3A_126 : i32
        %eq3A_260 = arith.constant 2 : i32
        %eq3A_261 = arith.cmpi eq, %select_n3A_259, %eq3A_260 : i32
        %select_n3A_262 = arith.constant 0 : i32
        %select_n3A_263 = arith.select %eq3A_261, %select_n3A_262, %select_n3A_259 : i32
        scf.yield %select_n3A_167, %select_n3A_255, %select_n3A_221, %select_n3A_248, %select_n3A_263 : i32, i32, i32, i32, i32
      }
      %scan3A_68 = arith.constant 2 : i32
      %sub3A = arith.constant 1 : i32
      %sub3A_69 = arith.subi %scan3A_67#4, %sub3A : i32
      %select_n3A_70 = arith.constant true
      %select_n3A_71 = arith.select %select_n3A_70, %sub3A_69, %scan3A_67#4 : i32
      %eq3A_72 = arith.constant -1 : i32
      %eq3A_73 = arith.cmpi eq, %select_n3A_71, %eq3A_72 : i32
      %select_n3A_74 = arith.constant 1 : i32
      %select_n3A_75 = arith.select %eq3A_73, %select_n3A_74, %select_n3A_71 : i32
      %add3A_76 = arith.addi %select_n3A_75, %mul3A_6 : i32
      %sub3A_77 = arith.constant 1 : i32
      %sub3A_78 = arith.subi %select_n3A_75, %sub3A_77 : i32
      %select_n3A_79 = arith.constant true
      %select_n3A_80 = arith.select %select_n3A_79, %sub3A_78, %select_n3A_75 : i32
      %eq3A_81 = arith.constant -1 : i32
      %eq3A_82 = arith.cmpi eq, %select_n3A_80, %eq3A_81 : i32
      %select_n3A_83 = arith.constant 1 : i32
      %select_n3A_84 = arith.select %eq3A_82, %select_n3A_83, %select_n3A_80 : i32
      %add3A_85 = arith.addi %select_n3A_84, %mul3A_6 : i32
      %add3A_86 = arith.constant 1 : i32
      %add3A_87 = arith.addi %select_n3A_75, %add3A_86 : i32
      %select_n3A_88 = arith.constant true
      %select_n3A_89 = arith.select %select_n3A_88, %add3A_87, %select_n3A_75 : i32
      %eq3A_90 = arith.constant 2 : i32
      %eq3A_91 = arith.cmpi eq, %select_n3A_89, %eq3A_90 : i32
      %select_n3A_92 = arith.constant 0 : i32
      %select_n3A_93 = arith.select %eq3A_91, %select_n3A_92, %select_n3A_89 : i32
      %add3A_94 = arith.addi %select_n3A_93, %mul3A_6 : i32
      %add3A_95 = arith.constant 1 : i32
      %add3A_96 = arith.addi %select_n3A_93, %add3A_95 : i32
      %select_n3A_97 = arith.constant true
      %select_n3A_98 = arith.select %select_n3A_97, %add3A_96, %select_n3A_93 : i32
      %eq3A_99 = arith.constant 2 : i32
      %eq3A_100 = arith.cmpi eq, %select_n3A_98, %eq3A_99 : i32
      %select_n3A_101 = arith.constant 0 : i32
      %select_n3A_102 = arith.select %eq3A_100, %select_n3A_101, %select_n3A_98 : i32
      %add3A_103 = arith.addi %select_n3A_102, %mul3A_6 : i32
      "tpu.trace_start"() <{level = 10 : i32, message = "ep_finalize"}> : () -> ()
      %rem3A_104 = arith.constant 2 : i32
      %rem3A_105 = arith.remui %scan3A_67#3, %rem3A_104 : i32
      %mul3A_106 = arith.constant 128 : i32
      %mul3A_107 = arith.muli %mul3A_106, %add3A_76 : i32
      %dma_wait3A = arith.constant 0 : i32
      %dma_wait3A_108 = arith.constant 0 : i32
      %dma_wait3A_109 = tpu.memref_slice %run_scoped3A_8[%rem3A_105, %dma_wait3A, %dma_wait3A_108] : memref<2x128x256xf32, #tpu.memory_space<vmem>> -> memref<1x128x256xf32, #tpu.memory_space<vmem>>
      %dma_wait3A_110 = tpu.memref_squeeze %dma_wait3A_109 : memref<1x128x256xf32, #tpu.memory_space<vmem>> -> memref<128x256xf32, #tpu.memory_space<vmem>>
      %dma_wait3A_111 = arith.constant 0 : i32
      %dma_wait3A_112 = tpu.memref_slice %arg4[%mul3A_107, %dma_wait3A_111] : memref<8192x256xf32, #tpu.memory_space<hbm>> -> memref<128x256xf32, #tpu.memory_space<hbm>>
      %dma_wait3A_113 = tpu.memref_slice %run_scoped3A_9[%rem3A_105] : memref<2x!tpu.dma_semaphore, #tpu.memory_space<semaphore_mem>> -> memref<1x!tpu.dma_semaphore, #tpu.memory_space<semaphore_mem>>
      %dma_wait3A_114 = tpu.memref_squeeze %dma_wait3A_113 : memref<1x!tpu.dma_semaphore, #tpu.memory_space<semaphore_mem>> -> memref<!tpu.dma_semaphore, #tpu.memory_space<semaphore_mem>>
      %dma_wait3A_115 = arith.constant 0 : i32
      %dma_wait3A_116 = tpu.memref_slice %arg4[%mul3A_107, %dma_wait3A_115] : memref<8192x256xf32, #tpu.memory_space<hbm>> -> memref<128x256xf32, #tpu.memory_space<hbm>>
      %dma_wait3A_117 = arith.constant 0 : i32
      %dma_wait3A_118 = arith.constant 0 : i32
      %dma_wait3A_119 = tpu.memref_slice %run_scoped3A_8[%rem3A_105, %dma_wait3A_117, %dma_wait3A_118] : memref<2x128x256xf32, #tpu.memory_space<vmem>> -> memref<1x128x256xf32, #tpu.memory_space<vmem>>
      %dma_wait3A_120 = tpu.memref_squeeze %dma_wait3A_119 : memref<1x128x256xf32, #tpu.memory_space<vmem>> -> memref<128x256xf32, #tpu.memory_space<vmem>>
      tpu.wait_dma2 semaphore(%dma_wait3A_114 : memref<!tpu.dma_semaphore, #tpu.memory_space<semaphore_mem>>) src(%dma_wait3A_120 : memref<128x256xf32, #tpu.memory_space<vmem>>) dst(%dma_wait3A_116 : memref<128x256xf32, #tpu.memory_space<hbm>>)
      "tpu.trace_stop"() : () -> ()
      tpu.yield
    }) : () -> ()
    return
  }
}

module attributes {stable_mosaic.version = 14 : i64} {
  func.func @_dist_argmin_kernel(%arg0: i32, %arg1: memref<512x256xf32, #tpu.memory_space<vmem>>, %arg2: memref<256x8192xf32, #tpu.memory_space<vmem>>, %arg3: memref<1x1x512xi32, #tpu.memory_space<vmem>>, %arg4: memref<1x1xf32, #tpu.memory_space<vmem>>, %arg5: memref<1x8192xf32, #tpu.memory_space<vmem>>) attributes {dimension_semantics = [#tpu.dimension_semantics<arbitrary>], iteration_bounds = array<i64: 16>, scalar_prefetch = 0 : i64, scratch_operands = 1 : i64, tpu.core_type = #tpu.core_type<tc>, window_params = [{transform_indices = @transform_0, window_bounds = array<i64: 512, 256>}, {pipeline_mode = #tpu.pipeline_mode<synchronous>, transform_indices = @transform_1, window_bounds = array<i64: 256, 8192>}, {transform_indices = @transform_2, window_bounds = array<i64: 1, 1, 512>}, {pipeline_mode = #tpu.pipeline_mode<synchronous>, transform_indices = @transform_3, window_bounds = array<i64: 1, 1>}]} {
    %eq3A = arith.constant 0 : i32
    %eq3A_0 = arith.cmpi eq, %arg0, %eq3A : i32
    %convert_element_type3A = arith.extui %eq3A_0 : i1 to i32
    %cond3A = arith.constant 0 : i32
    %cond3A_1 = arith.cmpi ne, %convert_element_type3A, %cond3A : i32
    scf.if %cond3A_1 {
      %get3A_2915 = arith.constant 0 : index
      %get3A_2916 = arith.constant 0 : index
      %get3A_2917 = vector.load %arg2[%get3A_2915, %get3A_2916] : memref<256x8192xf32, #tpu.memory_space<vmem>>, vector<256x8192xf32>
      %mul3A_2918 = arith.mulf %get3A_2917, %get3A_2917 : vector<256x8192xf32>
      %reduce_sum3A_2919 = arith.constant dense<0.000000e+00> : vector<8192xf32>
      %reduce_sum3A_2920 = vector.multi_reduction <add>, %mul3A_2918, %reduce_sum3A_2919 [0] : vector<256x8192xf32> to vector<8192xf32>
      %broadcast_in_dim3A_2921 = vector.shape_cast %reduce_sum3A_2920 : vector<8192xf32> to vector<1x8192xf32>
      %swap3A_2922 = arith.constant 0 : index
      %swap3A_2923 = arith.constant 0 : index
      %swap3A_2924 = vector.load %arg5[%swap3A_2922, %swap3A_2923] : memref<1x8192xf32, #tpu.memory_space<vmem>>, vector<1x8192xf32>
      tpu.vector_store %arg5[%swap3A_2922, %swap3A_2923], %broadcast_in_dim3A_2921 {strides = array<i32>} : memref<1x8192xf32, #tpu.memory_space<vmem>>, vector<1x8192xf32>,
      %broadcast_in_dim3A_2925 = arith.constant 0.000000e+00 : f32
      %broadcast_in_dim3A_2926 = vector.broadcast %broadcast_in_dim3A_2925 : f32 to vector<1x1xf32>
      %swap3A_2927 = arith.constant 0 : index
      %swap3A_2928 = arith.constant 0 : index
      %swap3A_2929 = vector.load %arg4[%swap3A_2927, %swap3A_2928] : memref<1x1xf32, #tpu.memory_space<vmem>>, vector<1x1xf32>
      tpu.vector_store %arg4[%swap3A_2927, %swap3A_2928], %broadcast_in_dim3A_2926 {strides = array<i32>} : memref<1x1xf32, #tpu.memory_space<vmem>>, vector<1x1xf32>,
    } else {
    }
    %get3A = arith.constant 0 : index
    %get3A_2 = arith.constant 0 : index
    %get3A_3 = vector.load %arg1[%get3A, %get3A_2] : memref<512x256xf32, #tpu.memory_space<vmem>>, vector<512x256xf32>
    %mul3A = arith.mulf %get3A_3, %get3A_3 : vector<512x256xf32>
    %reduce_sum3A = arith.constant dense<0.000000e+00> : vector<512xf32>
    %reduce_sum3A_4 = vector.multi_reduction <add>, %mul3A, %reduce_sum3A [1] : vector<512x256xf32> to vector<512xf32>
    %broadcast_in_dim3A = vector.shape_cast %reduce_sum3A_4 : vector<512xf32> to vector<512x1xf32>
    %add3A = arith.addf %get3A_3, %get3A_3 : vector<512x256xf32>
    %get3A_5 = arith.constant 0 : index
    %get3A_6 = arith.constant 0 : index
    %get3A_7 = vector.load %arg2[%get3A_5, %get3A_6] : memref<256x8192xf32, #tpu.memory_space<vmem>>, vector<256x8192xf32>
    %dot_general3A = arith.constant dense<0.000000e+00> : vector<512x8192xf32>
    %dot_general3A_8 = tpu.matmul %add3A, %get3A_7, %dot_general3A {dimension_numbers = #tpu.dot_dimension_numbers<[1], [0], [0], [1], [0, 0, 1, 1], [], []>, transpose_lhs_hint = false} : vector<512x256xf32>, vector<256x8192xf32>, vector<512x8192xf32> -> vector<512x8192xf32>
    %get3A_9 = arith.constant 0 : index
    %get3A_10 = arith.constant 0 : index
    %get3A_11 = vector.load %arg5[%get3A_9, %get3A_10] : memref<1x8192xf32, #tpu.memory_space<vmem>>, vector<1x8192xf32>
    %slice3A = vector.extract_strided_slice %broadcast_in_dim3A {offsets = [0, 0], sizes = [128, 1], strides = [1, 1]} : vector<512x1xf32> to vector<128x1xf32>
    %slice3A_12 = vector.extract_strided_slice %dot_general3A_8 {offsets = [0, 0], sizes = [128, 128], strides = [1, 1]} : vector<512x8192xf32> to vector<128x128xf32>
    %sub3A = vector.broadcast %slice3A : vector<128x1xf32> to vector<128x128xf32>
    %sub3A_13 = arith.subf %sub3A, %slice3A_12 : vector<128x128xf32>
    %slice3A_14 = vector.extract_strided_slice %get3A_11 {offsets = [0, 0], sizes = [1, 128], strides = [1, 1]} : vector<1x8192xf32> to vector<1x128xf32>
    %add3A_15 = vector.broadcast %slice3A_14 : vector<1x128xf32> to vector<128x128xf32>
    %add3A_16 = arith.addf %sub3A_13, %add3A_15 : vector<128x128xf32>
    %broadcast_in_dim3A_17 = arith.constant 0.000000e+00 : f32
    %broadcast_in_dim3A_18 = vector.broadcast %broadcast_in_dim3A_17 : f32 to vector<128x128xf32>
    %slice3A_19 = vector.extract_strided_slice %dot_general3A_8 {offsets = [0, 128], sizes = [128, 128], strides = [1, 1]} : vector<512x8192xf32> to vector<128x128xf32>
    %sub3A_20 = vector.broadcast %slice3A : vector<128x1xf32> to vector<128x128xf32>
    %sub3A_21 = arith.subf %sub3A_20, %slice3A_19 : vector<128x128xf32>
    %slice3A_22 = vector.extract_strided_slice %get3A_11 {offsets = [0, 128], sizes = [1, 128], strides = [1, 1]} : vector<1x8192xf32> to vector<1x128xf32>
    %add3A_23 = vector.broadcast %slice3A_22 : vector<1x128xf32> to vector<128x128xf32>
    %add3A_24 = arith.addf %sub3A_21, %add3A_23 : vector<128x128xf32>
    %lt3A = arith.cmpf olt, %add3A_24, %add3A_16 : vector<128x128xf32>
    %min3A = arith.minimumf %add3A_16, %add3A_24 : vector<128x128xf32>
    %jit3A = arith.constant 1.000000e+00 : f32
    %broadcast_in_dim3A_25 = vector.broadcast %jit3A : f32 to vector<128x128xf32>
    %select_n3A = arith.select %lt3A, %broadcast_in_dim3A_25, %broadcast_in_dim3A_18 : vector<128x128xi1>, vector<128x128xf32>
    %slice3A_26 = vector.extract_strided_slice %dot_general3A_8 {offsets = [0, 256], sizes = [128, 128], strides = [1, 1]} : vector<512x8192xf32> to vector<128x128xf32>
    %sub3A_27 = vector.broadcast %slice3A : vector<128x1xf32> to vector<128x128xf32>
    %sub3A_28 = arith.subf %sub3A_27, %slice3A_26 : vector<128x128xf32>
    %slice3A_29 = vector.extract_strided_slice %get3A_11 {offsets = [0, 256], sizes = [1, 128], strides = [1, 1]} : vector<1x8192xf32> to vector<1x128xf32>
    %add3A_30 = vector.broadcast %slice3A_29 : vector<1x128xf32> to vector<128x128xf32>
    %add3A_31 = arith.addf %sub3A_28, %add3A_30 : vector<128x128xf32>
    %lt3A_32 = arith.cmpf olt, %add3A_31, %min3A : vector<128x128xf32>
    %min3A_33 = arith.minimumf %min3A, %add3A_31 : vector<128x128xf32>
    %jit3A_34 = arith.constant 2.000000e+00 : f32
    %broadcast_in_dim3A_35 = vector.broadcast %jit3A_34 : f32 to vector<128x128xf32>
    %select_n3A_36 = arith.select %lt3A_32, %broadcast_in_dim3A_35, %select_n3A : vector<128x128xi1>, vector<128x128xf32>
    %slice3A_37 = vector.extract_strided_slice %dot_general3A_8 {offsets = [0, 384], sizes = [128, 128], strides = [1, 1]} : vector<512x8192xf32> to vector<128x128xf32>
    %sub3A_38 = vector.broadcast %slice3A : vector<128x1xf32> to vector<128x128xf32>
    %sub3A_39 = arith.subf %sub3A_38, %slice3A_37 : vector<128x128xf32>
    %slice3A_40 = vector.extract_strided_slice %get3A_11 {offsets = [0, 384], sizes = [1, 128], strides = [1, 1]} : vector<1x8192xf32> to vector<1x128xf32>
    %add3A_41 = vector.broadcast %slice3A_40 : vector<1x128xf32> to vector<128x128xf32>
    %add3A_42 = arith.addf %sub3A_39, %add3A_41 : vector<128x128xf32>
    %lt3A_43 = arith.cmpf olt, %add3A_42, %min3A_33 : vector<128x128xf32>
    %min3A_44 = arith.minimumf %min3A_33, %add3A_42 : vector<128x128xf32>
    %jit3A_45 = arith.constant 3.000000e+00 : f32
    %broadcast_in_dim3A_46 = vector.broadcast %jit3A_45 : f32 to vector<128x128xf32>
    %select_n3A_47 = arith.select %lt3A_43, %broadcast_in_dim3A_46, %select_n3A_36 : vector<128x128xi1>, vector<128x128xf32>
    %slice3A_48 = vector.extract_strided_slice %dot_general3A_8 {offsets = [0, 512], sizes = [128, 128], strides = [1, 1]} : vector<512x8192xf32> to vector<128x128xf32>
    %sub3A_49 = vector.broadcast %slice3A : vector<128x1xf32> to vector<128x128xf32>
    %sub3A_50 = arith.subf %sub3A_49, %slice3A_48 : vector<128x128xf32>
    %slice3A_51 = vector.extract_strided_slice %get3A_11 {offsets = [0, 512], sizes = [1, 128], strides = [1, 1]} : vector<1x8192xf32> to vector<1x128xf32>
    %add3A_52 = vector.broadcast %slice3A_51 : vector<1x128xf32> to vector<128x128xf32>
    %add3A_53 = arith.addf %sub3A_50, %add3A_52 : vector<128x128xf32>
    %lt3A_54 = arith.cmpf olt, %add3A_53, %min3A_44 : vector<128x128xf32>
    %min3A_55 = arith.minimumf %min3A_44, %add3A_53 : vector<128x128xf32>
    %jit3A_56 = arith.constant 4.000000e+00 : f32
    %broadcast_in_dim3A_57 = vector.broadcast %jit3A_56 : f32 to vector<128x128xf32>
    %select_n3A_58 = arith.select %lt3A_54, %broadcast_in_dim3A_57, %select_n3A_47 : vector<128x128xi1>, vector<128x128xf32>
    %slice3A_59 = vector.extract_strided_slice %dot_general3A_8 {offsets = [0, 640], sizes = [128, 128], strides = [1, 1]} : vector<512x8192xf32> to vector<128x128xf32>
    %sub3A_60 = vector.broadcast %slice3A : vector<128x1xf32> to vector<128x128xf32>
    %sub3A_61 = arith.subf %sub3A_60, %slice3A_59 : vector<128x128xf32>
    %slice3A_62 = vector.extract_strided_slice %get3A_11 {offsets = [0, 640], sizes = [1, 128], strides = [1, 1]} : vector<1x8192xf32> to vector<1x128xf32>
    %add3A_63 = vector.broadcast %slice3A_62 : vector<1x128xf32> to vector<128x128xf32>
    %add3A_64 = arith.addf %sub3A_61, %add3A_63 : vector<128x128xf32>
    %lt3A_65 = arith.cmpf olt, %add3A_64, %min3A_55 : vector<128x128xf32>
    %min3A_66 = arith.minimumf %min3A_55, %add3A_64 : vector<128x128xf32>
    %jit3A_67 = arith.constant 5.000000e+00 : f32
    %broadcast_in_dim3A_68 = vector.broadcast %jit3A_67 : f32 to vector<128x128xf32>
    %select_n3A_69 = arith.select %lt3A_65, %broadcast_in_dim3A_68, %select_n3A_58 : vector<128x128xi1>, vector<128x128xf32>
    %slice3A_70 = vector.extract_strided_slice %dot_general3A_8 {offsets = [0, 768], sizes = [128, 128], strides = [1, 1]} : vector<512x8192xf32> to vector<128x128xf32>
    %sub3A_71 = vector.broadcast %slice3A : vector<128x1xf32> to vector<128x128xf32>
    %sub3A_72 = arith.subf %sub3A_71, %slice3A_70 : vector<128x128xf32>
    %slice3A_73 = vector.extract_strided_slice %get3A_11 {offsets = [0, 768], sizes = [1, 128], strides = [1, 1]} : vector<1x8192xf32> to vector<1x128xf32>
    %add3A_74 = vector.broadcast %slice3A_73 : vector<1x128xf32> to vector<128x128xf32>
    %add3A_75 = arith.addf %sub3A_72, %add3A_74 : vector<128x128xf32>
    %lt3A_76 = arith.cmpf olt, %add3A_75, %min3A_66 : vector<128x128xf32>
    %min3A_77 = arith.minimumf %min3A_66, %add3A_75 : vector<128x128xf32>
    %jit3A_78 = arith.constant 6.000000e+00 : f32
    %broadcast_in_dim3A_79 = vector.broadcast %jit3A_78 : f32 to vector<128x128xf32>
    %select_n3A_80 = arith.select %lt3A_76, %broadcast_in_dim3A_79, %select_n3A_69 : vector<128x128xi1>, vector<128x128xf32>
    %slice3A_81 = vector.extract_strided_slice %dot_general3A_8 {offsets = [0, 896], sizes = [128, 128], strides = [1, 1]} : vector<512x8192xf32> to vector<128x128xf32>
    %sub3A_82 = vector.broadcast %slice3A : vector<128x1xf32> to vector<128x128xf32>
    %sub3A_83 = arith.subf %sub3A_82, %slice3A_81 : vector<128x128xf32>
    %slice3A_84 = vector.extract_strided_slice %get3A_11 {offsets = [0, 896], sizes = [1, 128], strides = [1, 1]} : vector<1x8192xf32> to vector<1x128xf32>
    %add3A_85 = vector.broadcast %slice3A_84 : vector<1x128xf32> to vector<128x128xf32>
    %add3A_86 = arith.addf %sub3A_83, %add3A_85 : vector<128x128xf32>
    %lt3A_87 = arith.cmpf olt, %add3A_86, %min3A_77 : vector<128x128xf32>
    %min3A_88 = arith.minimumf %min3A_77, %add3A_86 : vector<128x128xf32>
    %jit3A_89 = arith.constant 7.000000e+00 : f32
    %broadcast_in_dim3A_90 = vector.broadcast %jit3A_89 : f32 to vector<128x128xf32>
    %select_n3A_91 = arith.select %lt3A_87, %broadcast_in_dim3A_90, %select_n3A_80 : vector<128x128xi1>, vector<128x128xf32>
    %slice3A_92 = vector.extract_strided_slice %dot_general3A_8 {offsets = [0, 1024], sizes = [128, 128], strides = [1, 1]} : vector<512x8192xf32> to vector<128x128xf32>
    %sub3A_93 = vector.broadcast %slice3A : vector<128x1xf32> to vector<128x128xf32>
    %sub3A_94 = arith.subf %sub3A_93, %slice3A_92 : vector<128x128xf32>
    %slice3A_95 = vector.extract_strided_slice %get3A_11 {offsets = [0, 1024], sizes = [1, 128], strides = [1, 1]} : vector<1x8192xf32> to vector<1x128xf32>
    %add3A_96 = vector.broadcast %slice3A_95 : vector<1x128xf32> to vector<128x128xf32>
    %add3A_97 = arith.addf %sub3A_94, %add3A_96 : vector<128x128xf32>
    %lt3A_98 = arith.cmpf olt, %add3A_97, %min3A_88 : vector<128x128xf32>
    %min3A_99 = arith.minimumf %min3A_88, %add3A_97 : vector<128x128xf32>
    %jit3A_100 = arith.constant 8.000000e+00 : f32
    %broadcast_in_dim3A_101 = vector.broadcast %jit3A_100 : f32 to vector<128x128xf32>
    %select_n3A_102 = arith.select %lt3A_98, %broadcast_in_dim3A_101, %select_n3A_91 : vector<128x128xi1>, vector<128x128xf32>
    %slice3A_103 = vector.extract_strided_slice %dot_general3A_8 {offsets = [0, 1152], sizes = [128, 128], strides = [1, 1]} : vector<512x8192xf32> to vector<128x128xf32>
    %sub3A_104 = vector.broadcast %slice3A : vector<128x1xf32> to vector<128x128xf32>
    %sub3A_105 = arith.subf %sub3A_104, %slice3A_103 : vector<128x128xf32>
    %slice3A_106 = vector.extract_strided_slice %get3A_11 {offsets = [0, 1152], sizes = [1, 128], strides = [1, 1]} : vector<1x8192xf32> to vector<1x128xf32>
    %add3A_107 = vector.broadcast %slice3A_106 : vector<1x128xf32> to vector<128x128xf32>
    %add3A_108 = arith.addf %sub3A_105, %add3A_107 : vector<128x128xf32>
    %lt3A_109 = arith.cmpf olt, %add3A_108, %min3A_99 : vector<128x128xf32>
    %min3A_110 = arith.minimumf %min3A_99, %add3A_108 : vector<128x128xf32>
    %jit3A_111 = arith.constant 9.000000e+00 : f32
    %broadcast_in_dim3A_112 = vector.broadcast %jit3A_111 : f32 to vector<128x128xf32>
    %select_n3A_113 = arith.select %lt3A_109, %broadcast_in_dim3A_112, %select_n3A_102 : vector<128x128xi1>, vector<128x128xf32>
    %slice3A_114 = vector.extract_strided_slice %dot_general3A_8 {offsets = [0, 1280], sizes = [128, 128], strides = [1, 1]} : vector<512x8192xf32> to vector<128x128xf32>
    %sub3A_115 = vector.broadcast %slice3A : vector<128x1xf32> to vector<128x128xf32>
    %sub3A_116 = arith.subf %sub3A_115, %slice3A_114 : vector<128x128xf32>
    %slice3A_117 = vector.extract_strided_slice %get3A_11 {offsets = [0, 1280], sizes = [1, 128], strides = [1, 1]} : vector<1x8192xf32> to vector<1x128xf32>
    %add3A_118 = vector.broadcast %slice3A_117 : vector<1x128xf32> to vector<128x128xf32>
    %add3A_119 = arith.addf %sub3A_116, %add3A_118 : vector<128x128xf32>
    %lt3A_120 = arith.cmpf olt, %add3A_119, %min3A_110 : vector<128x128xf32>
    %min3A_121 = arith.minimumf %min3A_110, %add3A_119 : vector<128x128xf32>
    %jit3A_122 = arith.constant 1.000000e+01 : f32
    %broadcast_in_dim3A_123 = vector.broadcast %jit3A_122 : f32 to vector<128x128xf32>
    %select_n3A_124 = arith.select %lt3A_120, %broadcast_in_dim3A_123, %select_n3A_113 : vector<128x128xi1>, vector<128x128xf32>
    %slice3A_125 = vector.extract_strided_slice %dot_general3A_8 {offsets = [0, 1408], sizes = [128, 128], strides = [1, 1]} : vector<512x8192xf32> to vector<128x128xf32>
    %sub3A_126 = vector.broadcast %slice3A : vector<128x1xf32> to vector<128x128xf32>
    %sub3A_127 = arith.subf %sub3A_126, %slice3A_125 : vector<128x128xf32>
    %slice3A_128 = vector.extract_strided_slice %get3A_11 {offsets = [0, 1408], sizes = [1, 128], strides = [1, 1]} : vector<1x8192xf32> to vector<1x128xf32>
    %add3A_129 = vector.broadcast %slice3A_128 : vector<1x128xf32> to vector<128x128xf32>
    %add3A_130 = arith.addf %sub3A_127, %add3A_129 : vector<128x128xf32>
    %lt3A_131 = arith.cmpf olt, %add3A_130, %min3A_121 : vector<128x128xf32>
    %min3A_132 = arith.minimumf %min3A_121, %add3A_130 : vector<128x128xf32>
    %jit3A_133 = arith.constant 1.100000e+01 : f32
    %broadcast_in_dim3A_134 = vector.broadcast %jit3A_133 : f32 to vector<128x128xf32>
    %select_n3A_135 = arith.select %lt3A_131, %broadcast_in_dim3A_134, %select_n3A_124 : vector<128x128xi1>, vector<128x128xf32>
    %slice3A_136 = vector.extract_strided_slice %dot_general3A_8 {offsets = [0, 1536], sizes = [128, 128], strides = [1, 1]} : vector<512x8192xf32> to vector<128x128xf32>
    %sub3A_137 = vector.broadcast %slice3A : vector<128x1xf32> to vector<128x128xf32>
    %sub3A_138 = arith.subf %sub3A_137, %slice3A_136 : vector<128x128xf32>
    %slice3A_139 = vector.extract_strided_slice %get3A_11 {offsets = [0, 1536], sizes = [1, 128], strides = [1, 1]} : vector<1x8192xf32> to vector<1x128xf32>
    %add3A_140 = vector.broadcast %slice3A_139 : vector<1x128xf32> to vector<128x128xf32>
    %add3A_141 = arith.addf %sub3A_138, %add3A_140 : vector<128x128xf32>
    %lt3A_142 = arith.cmpf olt, %add3A_141, %min3A_132 : vector<128x128xf32>
    %min3A_143 = arith.minimumf %min3A_132, %add3A_141 : vector<128x128xf32>
    %jit3A_144 = arith.constant 1.200000e+01 : f32
    %broadcast_in_dim3A_145 = vector.broadcast %jit3A_144 : f32 to vector<128x128xf32>
    %select_n3A_146 = arith.select %lt3A_142, %broadcast_in_dim3A_145, %select_n3A_135 : vector<128x128xi1>, vector<128x128xf32>
    %slice3A_147 = vector.extract_strided_slice %dot_general3A_8 {offsets = [0, 1664], sizes = [128, 128], strides = [1, 1]} : vector<512x8192xf32> to vector<128x128xf32>
    %sub3A_148 = vector.broadcast %slice3A : vector<128x1xf32> to vector<128x128xf32>
    %sub3A_149 = arith.subf %sub3A_148, %slice3A_147 : vector<128x128xf32>
    %slice3A_150 = vector.extract_strided_slice %get3A_11 {offsets = [0, 1664], sizes = [1, 128], strides = [1, 1]} : vector<1x8192xf32> to vector<1x128xf32>
    %add3A_151 = vector.broadcast %slice3A_150 : vector<1x128xf32> to vector<128x128xf32>
    %add3A_152 = arith.addf %sub3A_149, %add3A_151 : vector<128x128xf32>
    %lt3A_153 = arith.cmpf olt, %add3A_152, %min3A_143 : vector<128x128xf32>
    %min3A_154 = arith.minimumf %min3A_143, %add3A_152 : vector<128x128xf32>
    %jit3A_155 = arith.constant 1.300000e+01 : f32
    %broadcast_in_dim3A_156 = vector.broadcast %jit3A_155 : f32 to vector<128x128xf32>
    %select_n3A_157 = arith.select %lt3A_153, %broadcast_in_dim3A_156, %select_n3A_146 : vector<128x128xi1>, vector<128x128xf32>
    %slice3A_158 = vector.extract_strided_slice %dot_general3A_8 {offsets = [0, 1792], sizes = [128, 128], strides = [1, 1]} : vector<512x8192xf32> to vector<128x128xf32>
    %sub3A_159 = vector.broadcast %slice3A : vector<128x1xf32> to vector<128x128xf32>
    %sub3A_160 = arith.subf %sub3A_159, %slice3A_158 : vector<128x128xf32>
    %slice3A_161 = vector.extract_strided_slice %get3A_11 {offsets = [0, 1792], sizes = [1, 128], strides = [1, 1]} : vector<1x8192xf32> to vector<1x128xf32>
    %add3A_162 = vector.broadcast %slice3A_161 : vector<1x128xf32> to vector<128x128xf32>
    %add3A_163 = arith.addf %sub3A_160, %add3A_162 : vector<128x128xf32>
    %lt3A_164 = arith.cmpf olt, %add3A_163, %min3A_154 : vector<128x128xf32>
    %min3A_165 = arith.minimumf %min3A_154, %add3A_163 : vector<128x128xf32>
    %jit3A_166 = arith.constant 1.400000e+01 : f32
    %broadcast_in_dim3A_167 = vector.broadcast %jit3A_166 : f32 to vector<128x128xf32>
    %select_n3A_168 = arith.select %lt3A_164, %broadcast_in_dim3A_167, %select_n3A_157 : vector<128x128xi1>, vector<128x128xf32>
    %slice3A_169 = vector.extract_strided_slice %dot_general3A_8 {offsets = [0, 1920], sizes = [128, 128], strides = [1, 1]} : vector<512x8192xf32> to vector<128x128xf32>
    %sub3A_170 = vector.broadcast %slice3A : vector<128x1xf32> to vector<128x128xf32>
    %sub3A_171 = arith.subf %sub3A_170, %slice3A_169 : vector<128x128xf32>
    %slice3A_172 = vector.extract_strided_slice %get3A_11 {offsets = [0, 1920], sizes = [1, 128], strides = [1, 1]} : vector<1x8192xf32> to vector<1x128xf32>
    %add3A_173 = vector.broadcast %slice3A_172 : vector<1x128xf32> to vector<128x128xf32>
    %add3A_174 = arith.addf %sub3A_171, %add3A_173 : vector<128x128xf32>
    %lt3A_175 = arith.cmpf olt, %add3A_174, %min3A_165 : vector<128x128xf32>
    %min3A_176 = arith.minimumf %min3A_165, %add3A_174 : vector<128x128xf32>
    %jit3A_177 = arith.constant 1.500000e+01 : f32
    %broadcast_in_dim3A_178 = vector.broadcast %jit3A_177 : f32 to vector<128x128xf32>
    %select_n3A_179 = arith.select %lt3A_175, %broadcast_in_dim3A_178, %select_n3A_168 : vector<128x128xi1>, vector<128x128xf32>
    %slice3A_180 = vector.extract_strided_slice %dot_general3A_8 {offsets = [0, 2048], sizes = [128, 128], strides = [1, 1]} : vector<512x8192xf32> to vector<128x128xf32>
    %sub3A_181 = vector.broadcast %slice3A : vector<128x1xf32> to vector<128x128xf32>
    %sub3A_182 = arith.subf %sub3A_181, %slice3A_180 : vector<128x128xf32>
    %slice3A_183 = vector.extract_strided_slice %get3A_11 {offsets = [0, 2048], sizes = [1, 128], strides = [1, 1]} : vector<1x8192xf32> to vector<1x128xf32>
    %add3A_184 = vector.broadcast %slice3A_183 : vector<1x128xf32> to vector<128x128xf32>
    %add3A_185 = arith.addf %sub3A_182, %add3A_184 : vector<128x128xf32>
    %lt3A_186 = arith.cmpf olt, %add3A_185, %min3A_176 : vector<128x128xf32>
    %min3A_187 = arith.minimumf %min3A_176, %add3A_185 : vector<128x128xf32>
    %jit3A_188 = arith.constant 1.600000e+01 : f32
    %broadcast_in_dim3A_189 = vector.broadcast %jit3A_188 : f32 to vector<128x128xf32>
    %select_n3A_190 = arith.select %lt3A_186, %broadcast_in_dim3A_189, %select_n3A_179 : vector<128x128xi1>, vector<128x128xf32>
    %slice3A_191 = vector.extract_strided_slice %dot_general3A_8 {offsets = [0, 2176], sizes = [128, 128], strides = [1, 1]} : vector<512x8192xf32> to vector<128x128xf32>
    %sub3A_192 = vector.broadcast %slice3A : vector<128x1xf32> to vector<128x128xf32>
    %sub3A_193 = arith.subf %sub3A_192, %slice3A_191 : vector<128x128xf32>
    %slice3A_194 = vector.extract_strided_slice %get3A_11 {offsets = [0, 2176], sizes = [1, 128], strides = [1, 1]} : vector<1x8192xf32> to vector<1x128xf32>
    %add3A_195 = vector.broadcast %slice3A_194 : vector<1x128xf32> to vector<128x128xf32>
    %add3A_196 = arith.addf %sub3A_193, %add3A_195 : vector<128x128xf32>
    %lt3A_197 = arith.cmpf olt, %add3A_196, %min3A_187 : vector<128x128xf32>
    %min3A_198 = arith.minimumf %min3A_187, %add3A_196 : vector<128x128xf32>
    %jit3A_199 = arith.constant 1.700000e+01 : f32
    %broadcast_in_dim3A_200 = vector.broadcast %jit3A_199 : f32 to vector<128x128xf32>
    %select_n3A_201 = arith.select %lt3A_197, %broadcast_in_dim3A_200, %select_n3A_190 : vector<128x128xi1>, vector<128x128xf32>
    %slice3A_202 = vector.extract_strided_slice %dot_general3A_8 {offsets = [0, 2304], sizes = [128, 128], strides = [1, 1]} : vector<512x8192xf32> to vector<128x128xf32>
    %sub3A_203 = vector.broadcast %slice3A : vector<128x1xf32> to vector<128x128xf32>
    %sub3A_204 = arith.subf %sub3A_203, %slice3A_202 : vector<128x128xf32>
    %slice3A_205 = vector.extract_strided_slice %get3A_11 {offsets = [0, 2304], sizes = [1, 128], strides = [1, 1]} : vector<1x8192xf32> to vector<1x128xf32>
    %add3A_206 = vector.broadcast %slice3A_205 : vector<1x128xf32> to vector<128x128xf32>
    %add3A_207 = arith.addf %sub3A_204, %add3A_206 : vector<128x128xf32>
    %lt3A_208 = arith.cmpf olt, %add3A_207, %min3A_198 : vector<128x128xf32>
    %min3A_209 = arith.minimumf %min3A_198, %add3A_207 : vector<128x128xf32>
    %jit3A_210 = arith.constant 1.800000e+01 : f32
    %broadcast_in_dim3A_211 = vector.broadcast %jit3A_210 : f32 to vector<128x128xf32>
    %select_n3A_212 = arith.select %lt3A_208, %broadcast_in_dim3A_211, %select_n3A_201 : vector<128x128xi1>, vector<128x128xf32>
    %slice3A_213 = vector.extract_strided_slice %dot_general3A_8 {offsets = [0, 2432], sizes = [128, 128], strides = [1, 1]} : vector<512x8192xf32> to vector<128x128xf32>
    %sub3A_214 = vector.broadcast %slice3A : vector<128x1xf32> to vector<128x128xf32>
    %sub3A_215 = arith.subf %sub3A_214, %slice3A_213 : vector<128x128xf32>
    %slice3A_216 = vector.extract_strided_slice %get3A_11 {offsets = [0, 2432], sizes = [1, 128], strides = [1, 1]} : vector<1x8192xf32> to vector<1x128xf32>
    %add3A_217 = vector.broadcast %slice3A_216 : vector<1x128xf32> to vector<128x128xf32>
    %add3A_218 = arith.addf %sub3A_215, %add3A_217 : vector<128x128xf32>
    %lt3A_219 = arith.cmpf olt, %add3A_218, %min3A_209 : vector<128x128xf32>
    %min3A_220 = arith.minimumf %min3A_209, %add3A_218 : vector<128x128xf32>
    %jit3A_221 = arith.constant 1.900000e+01 : f32
    %broadcast_in_dim3A_222 = vector.broadcast %jit3A_221 : f32 to vector<128x128xf32>
    %select_n3A_223 = arith.select %lt3A_219, %broadcast_in_dim3A_222, %select_n3A_212 : vector<128x128xi1>, vector<128x128xf32>
    %slice3A_224 = vector.extract_strided_slice %dot_general3A_8 {offsets = [0, 2560], sizes = [128, 128], strides = [1, 1]} : vector<512x8192xf32> to vector<128x128xf32>
    %sub3A_225 = vector.broadcast %slice3A : vector<128x1xf32> to vector<128x128xf32>
    %sub3A_226 = arith.subf %sub3A_225, %slice3A_224 : vector<128x128xf32>
    %slice3A_227 = vector.extract_strided_slice %get3A_11 {offsets = [0, 2560], sizes = [1, 128], strides = [1, 1]} : vector<1x8192xf32> to vector<1x128xf32>
    %add3A_228 = vector.broadcast %slice3A_227 : vector<1x128xf32> to vector<128x128xf32>
    %add3A_229 = arith.addf %sub3A_226, %add3A_228 : vector<128x128xf32>
    %lt3A_230 = arith.cmpf olt, %add3A_229, %min3A_220 : vector<128x128xf32>
    %min3A_231 = arith.minimumf %min3A_220, %add3A_229 : vector<128x128xf32>
    %jit3A_232 = arith.constant 2.000000e+01 : f32
    %broadcast_in_dim3A_233 = vector.broadcast %jit3A_232 : f32 to vector<128x128xf32>
    %select_n3A_234 = arith.select %lt3A_230, %broadcast_in_dim3A_233, %select_n3A_223 : vector<128x128xi1>, vector<128x128xf32>
    %slice3A_235 = vector.extract_strided_slice %dot_general3A_8 {offsets = [0, 2688], sizes = [128, 128], strides = [1, 1]} : vector<512x8192xf32> to vector<128x128xf32>
    %sub3A_236 = vector.broadcast %slice3A : vector<128x1xf32> to vector<128x128xf32>
    %sub3A_237 = arith.subf %sub3A_236, %slice3A_235 : vector<128x128xf32>
    %slice3A_238 = vector.extract_strided_slice %get3A_11 {offsets = [0, 2688], sizes = [1, 128], strides = [1, 1]} : vector<1x8192xf32> to vector<1x128xf32>
    %add3A_239 = vector.broadcast %slice3A_238 : vector<1x128xf32> to vector<128x128xf32>
    %add3A_240 = arith.addf %sub3A_237, %add3A_239 : vector<128x128xf32>
    %lt3A_241 = arith.cmpf olt, %add3A_240, %min3A_231 : vector<128x128xf32>
    %min3A_242 = arith.minimumf %min3A_231, %add3A_240 : vector<128x128xf32>
    %jit3A_243 = arith.constant 2.100000e+01 : f32
    %broadcast_in_dim3A_244 = vector.broadcast %jit3A_243 : f32 to vector<128x128xf32>
    %select_n3A_245 = arith.select %lt3A_241, %broadcast_in_dim3A_244, %select_n3A_234 : vector<128x128xi1>, vector<128x128xf32>
    %slice3A_246 = vector.extract_strided_slice %dot_general3A_8 {offsets = [0, 2816], sizes = [128, 128], strides = [1, 1]} : vector<512x8192xf32> to vector<128x128xf32>
    %sub3A_247 = vector.broadcast %slice3A : vector<128x1xf32> to vector<128x128xf32>
    %sub3A_248 = arith.subf %sub3A_247, %slice3A_246 : vector<128x128xf32>
    %slice3A_249 = vector.extract_strided_slice %get3A_11 {offsets = [0, 2816], sizes = [1, 128], strides = [1, 1]} : vector<1x8192xf32> to vector<1x128xf32>
    %add3A_250 = vector.broadcast %slice3A_249 : vector<1x128xf32> to vector<128x128xf32>
    %add3A_251 = arith.addf %sub3A_248, %add3A_250 : vector<128x128xf32>
    %lt3A_252 = arith.cmpf olt, %add3A_251, %min3A_242 : vector<128x128xf32>
    %min3A_253 = arith.minimumf %min3A_242, %add3A_251 : vector<128x128xf32>
    %jit3A_254 = arith.constant 2.200000e+01 : f32
    %broadcast_in_dim3A_255 = vector.broadcast %jit3A_254 : f32 to vector<128x128xf32>
    %select_n3A_256 = arith.select %lt3A_252, %broadcast_in_dim3A_255, %select_n3A_245 : vector<128x128xi1>, vector<128x128xf32>
    %slice3A_257 = vector.extract_strided_slice %dot_general3A_8 {offsets = [0, 2944], sizes = [128, 128], strides = [1, 1]} : vector<512x8192xf32> to vector<128x128xf32>
    %sub3A_258 = vector.broadcast %slice3A : vector<128x1xf32> to vector<128x128xf32>
    %sub3A_259 = arith.subf %sub3A_258, %slice3A_257 : vector<128x128xf32>
    %slice3A_260 = vector.extract_strided_slice %get3A_11 {offsets = [0, 2944], sizes = [1, 128], strides = [1, 1]} : vector<1x8192xf32> to vector<1x128xf32>
    %add3A_261 = vector.broadcast %slice3A_260 : vector<1x128xf32> to vector<128x128xf32>
    %add3A_262 = arith.addf %sub3A_259, %add3A_261 : vector<128x128xf32>
    %lt3A_263 = arith.cmpf olt, %add3A_262, %min3A_253 : vector<128x128xf32>
    %min3A_264 = arith.minimumf %min3A_253, %add3A_262 : vector<128x128xf32>
    %jit3A_265 = arith.constant 2.300000e+01 : f32
    %broadcast_in_dim3A_266 = vector.broadcast %jit3A_265 : f32 to vector<128x128xf32>
    %select_n3A_267 = arith.select %lt3A_263, %broadcast_in_dim3A_266, %select_n3A_256 : vector<128x128xi1>, vector<128x128xf32>
    %slice3A_268 = vector.extract_strided_slice %dot_general3A_8 {offsets = [0, 3072], sizes = [128, 128], strides = [1, 1]} : vector<512x8192xf32> to vector<128x128xf32>
    %sub3A_269 = vector.broadcast %slice3A : vector<128x1xf32> to vector<128x128xf32>
    %sub3A_270 = arith.subf %sub3A_269, %slice3A_268 : vector<128x128xf32>
    %slice3A_271 = vector.extract_strided_slice %get3A_11 {offsets = [0, 3072], sizes = [1, 128], strides = [1, 1]} : vector<1x8192xf32> to vector<1x128xf32>
    %add3A_272 = vector.broadcast %slice3A_271 : vector<1x128xf32> to vector<128x128xf32>
    %add3A_273 = arith.addf %sub3A_270, %add3A_272 : vector<128x128xf32>
    %lt3A_274 = arith.cmpf olt, %add3A_273, %min3A_264 : vector<128x128xf32>
    %min3A_275 = arith.minimumf %min3A_264, %add3A_273 : vector<128x128xf32>
    %jit3A_276 = arith.constant 2.400000e+01 : f32
    %broadcast_in_dim3A_277 = vector.broadcast %jit3A_276 : f32 to vector<128x128xf32>
    %select_n3A_278 = arith.select %lt3A_274, %broadcast_in_dim3A_277, %select_n3A_267 : vector<128x128xi1>, vector<128x128xf32>
    %slice3A_279 = vector.extract_strided_slice %dot_general3A_8 {offsets = [0, 3200], sizes = [128, 128], strides = [1, 1]} : vector<512x8192xf32> to vector<128x128xf32>
    %sub3A_280 = vector.broadcast %slice3A : vector<128x1xf32> to vector<128x128xf32>
    %sub3A_281 = arith.subf %sub3A_280, %slice3A_279 : vector<128x128xf32>
    %slice3A_282 = vector.extract_strided_slice %get3A_11 {offsets = [0, 3200], sizes = [1, 128], strides = [1, 1]} : vector<1x8192xf32> to vector<1x128xf32>
    %add3A_283 = vector.broadcast %slice3A_282 : vector<1x128xf32> to vector<128x128xf32>
    %add3A_284 = arith.addf %sub3A_281, %add3A_283 : vector<128x128xf32>
    %lt3A_285 = arith.cmpf olt, %add3A_284, %min3A_275 : vector<128x128xf32>
    %min3A_286 = arith.minimumf %min3A_275, %add3A_284 : vector<128x128xf32>
    %jit3A_287 = arith.constant 2.500000e+01 : f32
    %broadcast_in_dim3A_288 = vector.broadcast %jit3A_287 : f32 to vector<128x128xf32>
    %select_n3A_289 = arith.select %lt3A_285, %broadcast_in_dim3A_288, %select_n3A_278 : vector<128x128xi1>, vector<128x128xf32>
    %slice3A_290 = vector.extract_strided_slice %dot_general3A_8 {offsets = [0, 3328], sizes = [128, 128], strides = [1, 1]} : vector<512x8192xf32> to vector<128x128xf32>
    %sub3A_291 = vector.broadcast %slice3A : vector<128x1xf32> to vector<128x128xf32>
    %sub3A_292 = arith.subf %sub3A_291, %slice3A_290 : vector<128x128xf32>
    %slice3A_293 = vector.extract_strided_slice %get3A_11 {offsets = [0, 3328], sizes = [1, 128], strides = [1, 1]} : vector<1x8192xf32> to vector<1x128xf32>
    %add3A_294 = vector.broadcast %slice3A_293 : vector<1x128xf32> to vector<128x128xf32>
    %add3A_295 = arith.addf %sub3A_292, %add3A_294 : vector<128x128xf32>
    %lt3A_296 = arith.cmpf olt, %add3A_295, %min3A_286 : vector<128x128xf32>
    %min3A_297 = arith.minimumf %min3A_286, %add3A_295 : vector<128x128xf32>
    %jit3A_298 = arith.constant 2.600000e+01 : f32
    %broadcast_in_dim3A_299 = vector.broadcast %jit3A_298 : f32 to vector<128x128xf32>
    %select_n3A_300 = arith.select %lt3A_296, %broadcast_in_dim3A_299, %select_n3A_289 : vector<128x128xi1>, vector<128x128xf32>
    %slice3A_301 = vector.extract_strided_slice %dot_general3A_8 {offsets = [0, 3456], sizes = [128, 128], strides = [1, 1]} : vector<512x8192xf32> to vector<128x128xf32>
    %sub3A_302 = vector.broadcast %slice3A : vector<128x1xf32> to vector<128x128xf32>
    %sub3A_303 = arith.subf %sub3A_302, %slice3A_301 : vector<128x128xf32>
    %slice3A_304 = vector.extract_strided_slice %get3A_11 {offsets = [0, 3456], sizes = [1, 128], strides = [1, 1]} : vector<1x8192xf32> to vector<1x128xf32>
    %add3A_305 = vector.broadcast %slice3A_304 : vector<1x128xf32> to vector<128x128xf32>
    %add3A_306 = arith.addf %sub3A_303, %add3A_305 : vector<128x128xf32>
    %lt3A_307 = arith.cmpf olt, %add3A_306, %min3A_297 : vector<128x128xf32>
    %min3A_308 = arith.minimumf %min3A_297, %add3A_306 : vector<128x128xf32>
    %jit3A_309 = arith.constant 2.700000e+01 : f32
    %broadcast_in_dim3A_310 = vector.broadcast %jit3A_309 : f32 to vector<128x128xf32>
    %select_n3A_311 = arith.select %lt3A_307, %broadcast_in_dim3A_310, %select_n3A_300 : vector<128x128xi1>, vector<128x128xf32>
    %slice3A_312 = vector.extract_strided_slice %dot_general3A_8 {offsets = [0, 3584], sizes = [128, 128], strides = [1, 1]} : vector<512x8192xf32> to vector<128x128xf32>
    %sub3A_313 = vector.broadcast %slice3A : vector<128x1xf32> to vector<128x128xf32>
    %sub3A_314 = arith.subf %sub3A_313, %slice3A_312 : vector<128x128xf32>
    %slice3A_315 = vector.extract_strided_slice %get3A_11 {offsets = [0, 3584], sizes = [1, 128], strides = [1, 1]} : vector<1x8192xf32> to vector<1x128xf32>
    %add3A_316 = vector.broadcast %slice3A_315 : vector<1x128xf32> to vector<128x128xf32>
    %add3A_317 = arith.addf %sub3A_314, %add3A_316 : vector<128x128xf32>
    %lt3A_318 = arith.cmpf olt, %add3A_317, %min3A_308 : vector<128x128xf32>
    %min3A_319 = arith.minimumf %min3A_308, %add3A_317 : vector<128x128xf32>
    %jit3A_320 = arith.constant 2.800000e+01 : f32
    %broadcast_in_dim3A_321 = vector.broadcast %jit3A_320 : f32 to vector<128x128xf32>
    %select_n3A_322 = arith.select %lt3A_318, %broadcast_in_dim3A_321, %select_n3A_311 : vector<128x128xi1>, vector<128x128xf32>
    %slice3A_323 = vector.extract_strided_slice %dot_general3A_8 {offsets = [0, 3712], sizes = [128, 128], strides = [1, 1]} : vector<512x8192xf32> to vector<128x128xf32>
    %sub3A_324 = vector.broadcast %slice3A : vector<128x1xf32> to vector<128x128xf32>
    %sub3A_325 = arith.subf %sub3A_324, %slice3A_323 : vector<128x128xf32>
    %slice3A_326 = vector.extract_strided_slice %get3A_11 {offsets = [0, 3712], sizes = [1, 128], strides = [1, 1]} : vector<1x8192xf32> to vector<1x128xf32>
    %add3A_327 = vector.broadcast %slice3A_326 : vector<1x128xf32> to vector<128x128xf32>
    %add3A_328 = arith.addf %sub3A_325, %add3A_327 : vector<128x128xf32>
    %lt3A_329 = arith.cmpf olt, %add3A_328, %min3A_319 : vector<128x128xf32>
    %min3A_330 = arith.minimumf %min3A_319, %add3A_328 : vector<128x128xf32>
    %jit3A_331 = arith.constant 2.900000e+01 : f32
    %broadcast_in_dim3A_332 = vector.broadcast %jit3A_331 : f32 to vector<128x128xf32>
    %select_n3A_333 = arith.select %lt3A_329, %broadcast_in_dim3A_332, %select_n3A_322 : vector<128x128xi1>, vector<128x128xf32>
    %slice3A_334 = vector.extract_strided_slice %dot_general3A_8 {offsets = [0, 3840], sizes = [128, 128], strides = [1, 1]} : vector<512x8192xf32> to vector<128x128xf32>
    %sub3A_335 = vector.broadcast %slice3A : vector<128x1xf32> to vector<128x128xf32>
    %sub3A_336 = arith.subf %sub3A_335, %slice3A_334 : vector<128x128xf32>
    %slice3A_337 = vector.extract_strided_slice %get3A_11 {offsets = [0, 3840], sizes = [1, 128], strides = [1, 1]} : vector<1x8192xf32> to vector<1x128xf32>
    %add3A_338 = vector.broadcast %slice3A_337 : vector<1x128xf32> to vector<128x128xf32>
    %add3A_339 = arith.addf %sub3A_336, %add3A_338 : vector<128x128xf32>
    %lt3A_340 = arith.cmpf olt, %add3A_339, %min3A_330 : vector<128x128xf32>
    %min3A_341 = arith.minimumf %min3A_330, %add3A_339 : vector<128x128xf32>
    %jit3A_342 = arith.constant 3.000000e+01 : f32
    %broadcast_in_dim3A_343 = vector.broadcast %jit3A_342 : f32 to vector<128x128xf32>
    %select_n3A_344 = arith.select %lt3A_340, %broadcast_in_dim3A_343, %select_n3A_333 : vector<128x128xi1>, vector<128x128xf32>
    %slice3A_345 = vector.extract_strided_slice %dot_general3A_8 {offsets = [0, 3968], sizes = [128, 128], strides = [1, 1]} : vector<512x8192xf32> to vector<128x128xf32>
    %sub3A_346 = vector.broadcast %slice3A : vector<128x1xf32> to vector<128x128xf32>
    %sub3A_347 = arith.subf %sub3A_346, %slice3A_345 : vector<128x128xf32>
    %slice3A_348 = vector.extract_strided_slice %get3A_11 {offsets = [0, 3968], sizes = [1, 128], strides = [1, 1]} : vector<1x8192xf32> to vector<1x128xf32>
    %add3A_349 = vector.broadcast %slice3A_348 : vector<1x128xf32> to vector<128x128xf32>
    %add3A_350 = arith.addf %sub3A_347, %add3A_349 : vector<128x128xf32>
    %lt3A_351 = arith.cmpf olt, %add3A_350, %min3A_341 : vector<128x128xf32>
    %min3A_352 = arith.minimumf %min3A_341, %add3A_350 : vector<128x128xf32>
    %jit3A_353 = arith.constant 3.100000e+01 : f32
    %broadcast_in_dim3A_354 = vector.broadcast %jit3A_353 : f32 to vector<128x128xf32>
    %select_n3A_355 = arith.select %lt3A_351, %broadcast_in_dim3A_354, %select_n3A_344 : vector<128x128xi1>, vector<128x128xf32>
    %slice3A_356 = vector.extract_strided_slice %dot_general3A_8 {offsets = [0, 4096], sizes = [128, 128], strides = [1, 1]} : vector<512x8192xf32> to vector<128x128xf32>
    %sub3A_357 = vector.broadcast %slice3A : vector<128x1xf32> to vector<128x128xf32>
    %sub3A_358 = arith.subf %sub3A_357, %slice3A_356 : vector<128x128xf32>
    %slice3A_359 = vector.extract_strided_slice %get3A_11 {offsets = [0, 4096], sizes = [1, 128], strides = [1, 1]} : vector<1x8192xf32> to vector<1x128xf32>
    %add3A_360 = vector.broadcast %slice3A_359 : vector<1x128xf32> to vector<128x128xf32>
    %add3A_361 = arith.addf %sub3A_358, %add3A_360 : vector<128x128xf32>
    %lt3A_362 = arith.cmpf olt, %add3A_361, %min3A_352 : vector<128x128xf32>
    %min3A_363 = arith.minimumf %min3A_352, %add3A_361 : vector<128x128xf32>
    %jit3A_364 = arith.constant 3.200000e+01 : f32
    %broadcast_in_dim3A_365 = vector.broadcast %jit3A_364 : f32 to vector<128x128xf32>
    %select_n3A_366 = arith.select %lt3A_362, %broadcast_in_dim3A_365, %select_n3A_355 : vector<128x128xi1>, vector<128x128xf32>
    %slice3A_367 = vector.extract_strided_slice %dot_general3A_8 {offsets = [0, 4224], sizes = [128, 128], strides = [1, 1]} : vector<512x8192xf32> to vector<128x128xf32>
    %sub3A_368 = vector.broadcast %slice3A : vector<128x1xf32> to vector<128x128xf32>
    %sub3A_369 = arith.subf %sub3A_368, %slice3A_367 : vector<128x128xf32>
    %slice3A_370 = vector.extract_strided_slice %get3A_11 {offsets = [0, 4224], sizes = [1, 128], strides = [1, 1]} : vector<1x8192xf32> to vector<1x128xf32>
    %add3A_371 = vector.broadcast %slice3A_370 : vector<1x128xf32> to vector<128x128xf32>
    %add3A_372 = arith.addf %sub3A_369, %add3A_371 : vector<128x128xf32>
    %lt3A_373 = arith.cmpf olt, %add3A_372, %min3A_363 : vector<128x128xf32>
    %min3A_374 = arith.minimumf %min3A_363, %add3A_372 : vector<128x128xf32>
    %jit3A_375 = arith.constant 3.300000e+01 : f32
    %broadcast_in_dim3A_376 = vector.broadcast %jit3A_375 : f32 to vector<128x128xf32>
    %select_n3A_377 = arith.select %lt3A_373, %broadcast_in_dim3A_376, %select_n3A_366 : vector<128x128xi1>, vector<128x128xf32>
    %slice3A_378 = vector.extract_strided_slice %dot_general3A_8 {offsets = [0, 4352], sizes = [128, 128], strides = [1, 1]} : vector<512x8192xf32> to vector<128x128xf32>
    %sub3A_379 = vector.broadcast %slice3A : vector<128x1xf32> to vector<128x128xf32>
    %sub3A_380 = arith.subf %sub3A_379, %slice3A_378 : vector<128x128xf32>
    %slice3A_381 = vector.extract_strided_slice %get3A_11 {offsets = [0, 4352], sizes = [1, 128], strides = [1, 1]} : vector<1x8192xf32> to vector<1x128xf32>
    %add3A_382 = vector.broadcast %slice3A_381 : vector<1x128xf32> to vector<128x128xf32>
    %add3A_383 = arith.addf %sub3A_380, %add3A_382 : vector<128x128xf32>
    %lt3A_384 = arith.cmpf olt, %add3A_383, %min3A_374 : vector<128x128xf32>
    %min3A_385 = arith.minimumf %min3A_374, %add3A_383 : vector<128x128xf32>
    %jit3A_386 = arith.constant 3.400000e+01 : f32
    %broadcast_in_dim3A_387 = vector.broadcast %jit3A_386 : f32 to vector<128x128xf32>
    %select_n3A_388 = arith.select %lt3A_384, %broadcast_in_dim3A_387, %select_n3A_377 : vector<128x128xi1>, vector<128x128xf32>
    %slice3A_389 = vector.extract_strided_slice %dot_general3A_8 {offsets = [0, 4480], sizes = [128, 128], strides = [1, 1]} : vector<512x8192xf32> to vector<128x128xf32>
    %sub3A_390 = vector.broadcast %slice3A : vector<128x1xf32> to vector<128x128xf32>
    %sub3A_391 = arith.subf %sub3A_390, %slice3A_389 : vector<128x128xf32>
    %slice3A_392 = vector.extract_strided_slice %get3A_11 {offsets = [0, 4480], sizes = [1, 128], strides = [1, 1]} : vector<1x8192xf32> to vector<1x128xf32>
    %add3A_393 = vector.broadcast %slice3A_392 : vector<1x128xf32> to vector<128x128xf32>
    %add3A_394 = arith.addf %sub3A_391, %add3A_393 : vector<128x128xf32>
    %lt3A_395 = arith.cmpf olt, %add3A_394, %min3A_385 : vector<128x128xf32>
    %min3A_396 = arith.minimumf %min3A_385, %add3A_394 : vector<128x128xf32>
    %jit3A_397 = arith.constant 3.500000e+01 : f32
    %broadcast_in_dim3A_398 = vector.broadcast %jit3A_397 : f32 to vector<128x128xf32>
    %select_n3A_399 = arith.select %lt3A_395, %broadcast_in_dim3A_398, %select_n3A_388 : vector<128x128xi1>, vector<128x128xf32>
    %slice3A_400 = vector.extract_strided_slice %dot_general3A_8 {offsets = [0, 4608], sizes = [128, 128], strides = [1, 1]} : vector<512x8192xf32> to vector<128x128xf32>
    %sub3A_401 = vector.broadcast %slice3A : vector<128x1xf32> to vector<128x128xf32>
    %sub3A_402 = arith.subf %sub3A_401, %slice3A_400 : vector<128x128xf32>
    %slice3A_403 = vector.extract_strided_slice %get3A_11 {offsets = [0, 4608], sizes = [1, 128], strides = [1, 1]} : vector<1x8192xf32> to vector<1x128xf32>
    %add3A_404 = vector.broadcast %slice3A_403 : vector<1x128xf32> to vector<128x128xf32>
    %add3A_405 = arith.addf %sub3A_402, %add3A_404 : vector<128x128xf32>
    %lt3A_406 = arith.cmpf olt, %add3A_405, %min3A_396 : vector<128x128xf32>
    %min3A_407 = arith.minimumf %min3A_396, %add3A_405 : vector<128x128xf32>
    %jit3A_408 = arith.constant 3.600000e+01 : f32
    %broadcast_in_dim3A_409 = vector.broadcast %jit3A_408 : f32 to vector<128x128xf32>
    %select_n3A_410 = arith.select %lt3A_406, %broadcast_in_dim3A_409, %select_n3A_399 : vector<128x128xi1>, vector<128x128xf32>
    %slice3A_411 = vector.extract_strided_slice %dot_general3A_8 {offsets = [0, 4736], sizes = [128, 128], strides = [1, 1]} : vector<512x8192xf32> to vector<128x128xf32>
    %sub3A_412 = vector.broadcast %slice3A : vector<128x1xf32> to vector<128x128xf32>
    %sub3A_413 = arith.subf %sub3A_412, %slice3A_411 : vector<128x128xf32>
    %slice3A_414 = vector.extract_strided_slice %get3A_11 {offsets = [0, 4736], sizes = [1, 128], strides = [1, 1]} : vector<1x8192xf32> to vector<1x128xf32>
    %add3A_415 = vector.broadcast %slice3A_414 : vector<1x128xf32> to vector<128x128xf32>
    %add3A_416 = arith.addf %sub3A_413, %add3A_415 : vector<128x128xf32>
    %lt3A_417 = arith.cmpf olt, %add3A_416, %min3A_407 : vector<128x128xf32>
    %min3A_418 = arith.minimumf %min3A_407, %add3A_416 : vector<128x128xf32>
    %jit3A_419 = arith.constant 3.700000e+01 : f32
    %broadcast_in_dim3A_420 = vector.broadcast %jit3A_419 : f32 to vector<128x128xf32>
    %select_n3A_421 = arith.select %lt3A_417, %broadcast_in_dim3A_420, %select_n3A_410 : vector<128x128xi1>, vector<128x128xf32>
    %slice3A_422 = vector.extract_strided_slice %dot_general3A_8 {offsets = [0, 4864], sizes = [128, 128], strides = [1, 1]} : vector<512x8192xf32> to vector<128x128xf32>
    %sub3A_423 = vector.broadcast %slice3A : vector<128x1xf32> to vector<128x128xf32>
    %sub3A_424 = arith.subf %sub3A_423, %slice3A_422 : vector<128x128xf32>
    %slice3A_425 = vector.extract_strided_slice %get3A_11 {offsets = [0, 4864], sizes = [1, 128], strides = [1, 1]} : vector<1x8192xf32> to vector<1x128xf32>
    %add3A_426 = vector.broadcast %slice3A_425 : vector<1x128xf32> to vector<128x128xf32>
    %add3A_427 = arith.addf %sub3A_424, %add3A_426 : vector<128x128xf32>
    %lt3A_428 = arith.cmpf olt, %add3A_427, %min3A_418 : vector<128x128xf32>
    %min3A_429 = arith.minimumf %min3A_418, %add3A_427 : vector<128x128xf32>
    %jit3A_430 = arith.constant 3.800000e+01 : f32
    %broadcast_in_dim3A_431 = vector.broadcast %jit3A_430 : f32 to vector<128x128xf32>
    %select_n3A_432 = arith.select %lt3A_428, %broadcast_in_dim3A_431, %select_n3A_421 : vector<128x128xi1>, vector<128x128xf32>
    %slice3A_433 = vector.extract_strided_slice %dot_general3A_8 {offsets = [0, 4992], sizes = [128, 128], strides = [1, 1]} : vector<512x8192xf32> to vector<128x128xf32>
    %sub3A_434 = vector.broadcast %slice3A : vector<128x1xf32> to vector<128x128xf32>
    %sub3A_435 = arith.subf %sub3A_434, %slice3A_433 : vector<128x128xf32>
    %slice3A_436 = vector.extract_strided_slice %get3A_11 {offsets = [0, 4992], sizes = [1, 128], strides = [1, 1]} : vector<1x8192xf32> to vector<1x128xf32>
    %add3A_437 = vector.broadcast %slice3A_436 : vector<1x128xf32> to vector<128x128xf32>
    %add3A_438 = arith.addf %sub3A_435, %add3A_437 : vector<128x128xf32>
    %lt3A_439 = arith.cmpf olt, %add3A_438, %min3A_429 : vector<128x128xf32>
    %min3A_440 = arith.minimumf %min3A_429, %add3A_438 : vector<128x128xf32>
    %jit3A_441 = arith.constant 3.900000e+01 : f32
    %broadcast_in_dim3A_442 = vector.broadcast %jit3A_441 : f32 to vector<128x128xf32>
    %select_n3A_443 = arith.select %lt3A_439, %broadcast_in_dim3A_442, %select_n3A_432 : vector<128x128xi1>, vector<128x128xf32>
    %slice3A_444 = vector.extract_strided_slice %dot_general3A_8 {offsets = [0, 5120], sizes = [128, 128], strides = [1, 1]} : vector<512x8192xf32> to vector<128x128xf32>
    %sub3A_445 = vector.broadcast %slice3A : vector<128x1xf32> to vector<128x128xf32>
    %sub3A_446 = arith.subf %sub3A_445, %slice3A_444 : vector<128x128xf32>
    %slice3A_447 = vector.extract_strided_slice %get3A_11 {offsets = [0, 5120], sizes = [1, 128], strides = [1, 1]} : vector<1x8192xf32> to vector<1x128xf32>
    %add3A_448 = vector.broadcast %slice3A_447 : vector<1x128xf32> to vector<128x128xf32>
    %add3A_449 = arith.addf %sub3A_446, %add3A_448 : vector<128x128xf32>
    %lt3A_450 = arith.cmpf olt, %add3A_449, %min3A_440 : vector<128x128xf32>
    %min3A_451 = arith.minimumf %min3A_440, %add3A_449 : vector<128x128xf32>
    %jit3A_452 = arith.constant 4.000000e+01 : f32
    %broadcast_in_dim3A_453 = vector.broadcast %jit3A_452 : f32 to vector<128x128xf32>
    %select_n3A_454 = arith.select %lt3A_450, %broadcast_in_dim3A_453, %select_n3A_443 : vector<128x128xi1>, vector<128x128xf32>
    %slice3A_455 = vector.extract_strided_slice %dot_general3A_8 {offsets = [0, 5248], sizes = [128, 128], strides = [1, 1]} : vector<512x8192xf32> to vector<128x128xf32>
    %sub3A_456 = vector.broadcast %slice3A : vector<128x1xf32> to vector<128x128xf32>
    %sub3A_457 = arith.subf %sub3A_456, %slice3A_455 : vector<128x128xf32>
    %slice3A_458 = vector.extract_strided_slice %get3A_11 {offsets = [0, 5248], sizes = [1, 128], strides = [1, 1]} : vector<1x8192xf32> to vector<1x128xf32>
    %add3A_459 = vector.broadcast %slice3A_458 : vector<1x128xf32> to vector<128x128xf32>
    %add3A_460 = arith.addf %sub3A_457, %add3A_459 : vector<128x128xf32>
    %lt3A_461 = arith.cmpf olt, %add3A_460, %min3A_451 : vector<128x128xf32>
    %min3A_462 = arith.minimumf %min3A_451, %add3A_460 : vector<128x128xf32>
    %jit3A_463 = arith.constant 4.100000e+01 : f32
    %broadcast_in_dim3A_464 = vector.broadcast %jit3A_463 : f32 to vector<128x128xf32>
    %select_n3A_465 = arith.select %lt3A_461, %broadcast_in_dim3A_464, %select_n3A_454 : vector<128x128xi1>, vector<128x128xf32>
    %slice3A_466 = vector.extract_strided_slice %dot_general3A_8 {offsets = [0, 5376], sizes = [128, 128], strides = [1, 1]} : vector<512x8192xf32> to vector<128x128xf32>
    %sub3A_467 = vector.broadcast %slice3A : vector<128x1xf32> to vector<128x128xf32>
    %sub3A_468 = arith.subf %sub3A_467, %slice3A_466 : vector<128x128xf32>
    %slice3A_469 = vector.extract_strided_slice %get3A_11 {offsets = [0, 5376], sizes = [1, 128], strides = [1, 1]} : vector<1x8192xf32> to vector<1x128xf32>
    %add3A_470 = vector.broadcast %slice3A_469 : vector<1x128xf32> to vector<128x128xf32>
    %add3A_471 = arith.addf %sub3A_468, %add3A_470 : vector<128x128xf32>
    %lt3A_472 = arith.cmpf olt, %add3A_471, %min3A_462 : vector<128x128xf32>
    %min3A_473 = arith.minimumf %min3A_462, %add3A_471 : vector<128x128xf32>
    %jit3A_474 = arith.constant 4.200000e+01 : f32
    %broadcast_in_dim3A_475 = vector.broadcast %jit3A_474 : f32 to vector<128x128xf32>
    %select_n3A_476 = arith.select %lt3A_472, %broadcast_in_dim3A_475, %select_n3A_465 : vector<128x128xi1>, vector<128x128xf32>
    %slice3A_477 = vector.extract_strided_slice %dot_general3A_8 {offsets = [0, 5504], sizes = [128, 128], strides = [1, 1]} : vector<512x8192xf32> to vector<128x128xf32>
    %sub3A_478 = vector.broadcast %slice3A : vector<128x1xf32> to vector<128x128xf32>
    %sub3A_479 = arith.subf %sub3A_478, %slice3A_477 : vector<128x128xf32>
    %slice3A_480 = vector.extract_strided_slice %get3A_11 {offsets = [0, 5504], sizes = [1, 128], strides = [1, 1]} : vector<1x8192xf32> to vector<1x128xf32>
    %add3A_481 = vector.broadcast %slice3A_480 : vector<1x128xf32> to vector<128x128xf32>
    %add3A_482 = arith.addf %sub3A_479, %add3A_481 : vector<128x128xf32>
    %lt3A_483 = arith.cmpf olt, %add3A_482, %min3A_473 : vector<128x128xf32>
    %min3A_484 = arith.minimumf %min3A_473, %add3A_482 : vector<128x128xf32>
    %jit3A_485 = arith.constant 4.300000e+01 : f32
    %broadcast_in_dim3A_486 = vector.broadcast %jit3A_485 : f32 to vector<128x128xf32>
    %select_n3A_487 = arith.select %lt3A_483, %broadcast_in_dim3A_486, %select_n3A_476 : vector<128x128xi1>, vector<128x128xf32>
    %slice3A_488 = vector.extract_strided_slice %dot_general3A_8 {offsets = [0, 5632], sizes = [128, 128], strides = [1, 1]} : vector<512x8192xf32> to vector<128x128xf32>
    %sub3A_489 = vector.broadcast %slice3A : vector<128x1xf32> to vector<128x128xf32>
    %sub3A_490 = arith.subf %sub3A_489, %slice3A_488 : vector<128x128xf32>
    %slice3A_491 = vector.extract_strided_slice %get3A_11 {offsets = [0, 5632], sizes = [1, 128], strides = [1, 1]} : vector<1x8192xf32> to vector<1x128xf32>
    %add3A_492 = vector.broadcast %slice3A_491 : vector<1x128xf32> to vector<128x128xf32>
    %add3A_493 = arith.addf %sub3A_490, %add3A_492 : vector<128x128xf32>
    %lt3A_494 = arith.cmpf olt, %add3A_493, %min3A_484 : vector<128x128xf32>
    %min3A_495 = arith.minimumf %min3A_484, %add3A_493 : vector<128x128xf32>
    %jit3A_496 = arith.constant 4.400000e+01 : f32
    %broadcast_in_dim3A_497 = vector.broadcast %jit3A_496 : f32 to vector<128x128xf32>
    %select_n3A_498 = arith.select %lt3A_494, %broadcast_in_dim3A_497, %select_n3A_487 : vector<128x128xi1>, vector<128x128xf32>
    %slice3A_499 = vector.extract_strided_slice %dot_general3A_8 {offsets = [0, 5760], sizes = [128, 128], strides = [1, 1]} : vector<512x8192xf32> to vector<128x128xf32>
    %sub3A_500 = vector.broadcast %slice3A : vector<128x1xf32> to vector<128x128xf32>
    %sub3A_501 = arith.subf %sub3A_500, %slice3A_499 : vector<128x128xf32>
    %slice3A_502 = vector.extract_strided_slice %get3A_11 {offsets = [0, 5760], sizes = [1, 128], strides = [1, 1]} : vector<1x8192xf32> to vector<1x128xf32>
    %add3A_503 = vector.broadcast %slice3A_502 : vector<1x128xf32> to vector<128x128xf32>
    %add3A_504 = arith.addf %sub3A_501, %add3A_503 : vector<128x128xf32>
    %lt3A_505 = arith.cmpf olt, %add3A_504, %min3A_495 : vector<128x128xf32>
    %min3A_506 = arith.minimumf %min3A_495, %add3A_504 : vector<128x128xf32>
    %jit3A_507 = arith.constant 4.500000e+01 : f32
    %broadcast_in_dim3A_508 = vector.broadcast %jit3A_507 : f32 to vector<128x128xf32>
    %select_n3A_509 = arith.select %lt3A_505, %broadcast_in_dim3A_508, %select_n3A_498 : vector<128x128xi1>, vector<128x128xf32>
    %slice3A_510 = vector.extract_strided_slice %dot_general3A_8 {offsets = [0, 5888], sizes = [128, 128], strides = [1, 1]} : vector<512x8192xf32> to vector<128x128xf32>
    %sub3A_511 = vector.broadcast %slice3A : vector<128x1xf32> to vector<128x128xf32>
    %sub3A_512 = arith.subf %sub3A_511, %slice3A_510 : vector<128x128xf32>
    %slice3A_513 = vector.extract_strided_slice %get3A_11 {offsets = [0, 5888], sizes = [1, 128], strides = [1, 1]} : vector<1x8192xf32> to vector<1x128xf32>
    %add3A_514 = vector.broadcast %slice3A_513 : vector<1x128xf32> to vector<128x128xf32>
    %add3A_515 = arith.addf %sub3A_512, %add3A_514 : vector<128x128xf32>
    %lt3A_516 = arith.cmpf olt, %add3A_515, %min3A_506 : vector<128x128xf32>
    %min3A_517 = arith.minimumf %min3A_506, %add3A_515 : vector<128x128xf32>
    %jit3A_518 = arith.constant 4.600000e+01 : f32
    %broadcast_in_dim3A_519 = vector.broadcast %jit3A_518 : f32 to vector<128x128xf32>
    %select_n3A_520 = arith.select %lt3A_516, %broadcast_in_dim3A_519, %select_n3A_509 : vector<128x128xi1>, vector<128x128xf32>
    %slice3A_521 = vector.extract_strided_slice %dot_general3A_8 {offsets = [0, 6016], sizes = [128, 128], strides = [1, 1]} : vector<512x8192xf32> to vector<128x128xf32>
    %sub3A_522 = vector.broadcast %slice3A : vector<128x1xf32> to vector<128x128xf32>
    %sub3A_523 = arith.subf %sub3A_522, %slice3A_521 : vector<128x128xf32>
    %slice3A_524 = vector.extract_strided_slice %get3A_11 {offsets = [0, 6016], sizes = [1, 128], strides = [1, 1]} : vector<1x8192xf32> to vector<1x128xf32>
    %add3A_525 = vector.broadcast %slice3A_524 : vector<1x128xf32> to vector<128x128xf32>
    %add3A_526 = arith.addf %sub3A_523, %add3A_525 : vector<128x128xf32>
    %lt3A_527 = arith.cmpf olt, %add3A_526, %min3A_517 : vector<128x128xf32>
    %min3A_528 = arith.minimumf %min3A_517, %add3A_526 : vector<128x128xf32>
    %jit3A_529 = arith.constant 4.700000e+01 : f32
    %broadcast_in_dim3A_530 = vector.broadcast %jit3A_529 : f32 to vector<128x128xf32>
    %select_n3A_531 = arith.select %lt3A_527, %broadcast_in_dim3A_530, %select_n3A_520 : vector<128x128xi1>, vector<128x128xf32>
    %slice3A_532 = vector.extract_strided_slice %dot_general3A_8 {offsets = [0, 6144], sizes = [128, 128], strides = [1, 1]} : vector<512x8192xf32> to vector<128x128xf32>
    %sub3A_533 = vector.broadcast %slice3A : vector<128x1xf32> to vector<128x128xf32>
    %sub3A_534 = arith.subf %sub3A_533, %slice3A_532 : vector<128x128xf32>
    %slice3A_535 = vector.extract_strided_slice %get3A_11 {offsets = [0, 6144], sizes = [1, 128], strides = [1, 1]} : vector<1x8192xf32> to vector<1x128xf32>
    %add3A_536 = vector.broadcast %slice3A_535 : vector<1x128xf32> to vector<128x128xf32>
    %add3A_537 = arith.addf %sub3A_534, %add3A_536 : vector<128x128xf32>
    %lt3A_538 = arith.cmpf olt, %add3A_537, %min3A_528 : vector<128x128xf32>
    %min3A_539 = arith.minimumf %min3A_528, %add3A_537 : vector<128x128xf32>
    %jit3A_540 = arith.constant 4.800000e+01 : f32
    %broadcast_in_dim3A_541 = vector.broadcast %jit3A_540 : f32 to vector<128x128xf32>
    %select_n3A_542 = arith.select %lt3A_538, %broadcast_in_dim3A_541, %select_n3A_531 : vector<128x128xi1>, vector<128x128xf32>
    %slice3A_543 = vector.extract_strided_slice %dot_general3A_8 {offsets = [0, 6272], sizes = [128, 128], strides = [1, 1]} : vector<512x8192xf32> to vector<128x128xf32>
    %sub3A_544 = vector.broadcast %slice3A : vector<128x1xf32> to vector<128x128xf32>
    %sub3A_545 = arith.subf %sub3A_544, %slice3A_543 : vector<128x128xf32>
    %slice3A_546 = vector.extract_strided_slice %get3A_11 {offsets = [0, 6272], sizes = [1, 128], strides = [1, 1]} : vector<1x8192xf32> to vector<1x128xf32>
    %add3A_547 = vector.broadcast %slice3A_546 : vector<1x128xf32> to vector<128x128xf32>
    %add3A_548 = arith.addf %sub3A_545, %add3A_547 : vector<128x128xf32>
    %lt3A_549 = arith.cmpf olt, %add3A_548, %min3A_539 : vector<128x128xf32>
    %min3A_550 = arith.minimumf %min3A_539, %add3A_548 : vector<128x128xf32>
    %jit3A_551 = arith.constant 4.900000e+01 : f32
    %broadcast_in_dim3A_552 = vector.broadcast %jit3A_551 : f32 to vector<128x128xf32>
    %select_n3A_553 = arith.select %lt3A_549, %broadcast_in_dim3A_552, %select_n3A_542 : vector<128x128xi1>, vector<128x128xf32>
    %slice3A_554 = vector.extract_strided_slice %dot_general3A_8 {offsets = [0, 6400], sizes = [128, 128], strides = [1, 1]} : vector<512x8192xf32> to vector<128x128xf32>
    %sub3A_555 = vector.broadcast %slice3A : vector<128x1xf32> to vector<128x128xf32>
    %sub3A_556 = arith.subf %sub3A_555, %slice3A_554 : vector<128x128xf32>
    %slice3A_557 = vector.extract_strided_slice %get3A_11 {offsets = [0, 6400], sizes = [1, 128], strides = [1, 1]} : vector<1x8192xf32> to vector<1x128xf32>
    %add3A_558 = vector.broadcast %slice3A_557 : vector<1x128xf32> to vector<128x128xf32>
    %add3A_559 = arith.addf %sub3A_556, %add3A_558 : vector<128x128xf32>
    %lt3A_560 = arith.cmpf olt, %add3A_559, %min3A_550 : vector<128x128xf32>
    %min3A_561 = arith.minimumf %min3A_550, %add3A_559 : vector<128x128xf32>
    %jit3A_562 = arith.constant 5.000000e+01 : f32
    %broadcast_in_dim3A_563 = vector.broadcast %jit3A_562 : f32 to vector<128x128xf32>
    %select_n3A_564 = arith.select %lt3A_560, %broadcast_in_dim3A_563, %select_n3A_553 : vector<128x128xi1>, vector<128x128xf32>
    %slice3A_565 = vector.extract_strided_slice %dot_general3A_8 {offsets = [0, 6528], sizes = [128, 128], strides = [1, 1]} : vector<512x8192xf32> to vector<128x128xf32>
    %sub3A_566 = vector.broadcast %slice3A : vector<128x1xf32> to vector<128x128xf32>
    %sub3A_567 = arith.subf %sub3A_566, %slice3A_565 : vector<128x128xf32>
    %slice3A_568 = vector.extract_strided_slice %get3A_11 {offsets = [0, 6528], sizes = [1, 128], strides = [1, 1]} : vector<1x8192xf32> to vector<1x128xf32>
    %add3A_569 = vector.broadcast %slice3A_568 : vector<1x128xf32> to vector<128x128xf32>
    %add3A_570 = arith.addf %sub3A_567, %add3A_569 : vector<128x128xf32>
    %lt3A_571 = arith.cmpf olt, %add3A_570, %min3A_561 : vector<128x128xf32>
    %min3A_572 = arith.minimumf %min3A_561, %add3A_570 : vector<128x128xf32>
    %jit3A_573 = arith.constant 5.100000e+01 : f32
    %broadcast_in_dim3A_574 = vector.broadcast %jit3A_573 : f32 to vector<128x128xf32>
    %select_n3A_575 = arith.select %lt3A_571, %broadcast_in_dim3A_574, %select_n3A_564 : vector<128x128xi1>, vector<128x128xf32>
    %slice3A_576 = vector.extract_strided_slice %dot_general3A_8 {offsets = [0, 6656], sizes = [128, 128], strides = [1, 1]} : vector<512x8192xf32> to vector<128x128xf32>
    %sub3A_577 = vector.broadcast %slice3A : vector<128x1xf32> to vector<128x128xf32>
    %sub3A_578 = arith.subf %sub3A_577, %slice3A_576 : vector<128x128xf32>
    %slice3A_579 = vector.extract_strided_slice %get3A_11 {offsets = [0, 6656], sizes = [1, 128], strides = [1, 1]} : vector<1x8192xf32> to vector<1x128xf32>
    %add3A_580 = vector.broadcast %slice3A_579 : vector<1x128xf32> to vector<128x128xf32>
    %add3A_581 = arith.addf %sub3A_578, %add3A_580 : vector<128x128xf32>
    %lt3A_582 = arith.cmpf olt, %add3A_581, %min3A_572 : vector<128x128xf32>
    %min3A_583 = arith.minimumf %min3A_572, %add3A_581 : vector<128x128xf32>
    %jit3A_584 = arith.constant 5.200000e+01 : f32
    %broadcast_in_dim3A_585 = vector.broadcast %jit3A_584 : f32 to vector<128x128xf32>
    %select_n3A_586 = arith.select %lt3A_582, %broadcast_in_dim3A_585, %select_n3A_575 : vector<128x128xi1>, vector<128x128xf32>
    %slice3A_587 = vector.extract_strided_slice %dot_general3A_8 {offsets = [0, 6784], sizes = [128, 128], strides = [1, 1]} : vector<512x8192xf32> to vector<128x128xf32>
    %sub3A_588 = vector.broadcast %slice3A : vector<128x1xf32> to vector<128x128xf32>
    %sub3A_589 = arith.subf %sub3A_588, %slice3A_587 : vector<128x128xf32>
    %slice3A_590 = vector.extract_strided_slice %get3A_11 {offsets = [0, 6784], sizes = [1, 128], strides = [1, 1]} : vector<1x8192xf32> to vector<1x128xf32>
    %add3A_591 = vector.broadcast %slice3A_590 : vector<1x128xf32> to vector<128x128xf32>
    %add3A_592 = arith.addf %sub3A_589, %add3A_591 : vector<128x128xf32>
    %lt3A_593 = arith.cmpf olt, %add3A_592, %min3A_583 : vector<128x128xf32>
    %min3A_594 = arith.minimumf %min3A_583, %add3A_592 : vector<128x128xf32>
    %jit3A_595 = arith.constant 5.300000e+01 : f32
    %broadcast_in_dim3A_596 = vector.broadcast %jit3A_595 : f32 to vector<128x128xf32>
    %select_n3A_597 = arith.select %lt3A_593, %broadcast_in_dim3A_596, %select_n3A_586 : vector<128x128xi1>, vector<128x128xf32>
    %slice3A_598 = vector.extract_strided_slice %dot_general3A_8 {offsets = [0, 6912], sizes = [128, 128], strides = [1, 1]} : vector<512x8192xf32> to vector<128x128xf32>
    %sub3A_599 = vector.broadcast %slice3A : vector<128x1xf32> to vector<128x128xf32>
    %sub3A_600 = arith.subf %sub3A_599, %slice3A_598 : vector<128x128xf32>
    %slice3A_601 = vector.extract_strided_slice %get3A_11 {offsets = [0, 6912], sizes = [1, 128], strides = [1, 1]} : vector<1x8192xf32> to vector<1x128xf32>
    %add3A_602 = vector.broadcast %slice3A_601 : vector<1x128xf32> to vector<128x128xf32>
    %add3A_603 = arith.addf %sub3A_600, %add3A_602 : vector<128x128xf32>
    %lt3A_604 = arith.cmpf olt, %add3A_603, %min3A_594 : vector<128x128xf32>
    %min3A_605 = arith.minimumf %min3A_594, %add3A_603 : vector<128x128xf32>
    %jit3A_606 = arith.constant 5.400000e+01 : f32
    %broadcast_in_dim3A_607 = vector.broadcast %jit3A_606 : f32 to vector<128x128xf32>
    %select_n3A_608 = arith.select %lt3A_604, %broadcast_in_dim3A_607, %select_n3A_597 : vector<128x128xi1>, vector<128x128xf32>
    %slice3A_609 = vector.extract_strided_slice %dot_general3A_8 {offsets = [0, 7040], sizes = [128, 128], strides = [1, 1]} : vector<512x8192xf32> to vector<128x128xf32>
    %sub3A_610 = vector.broadcast %slice3A : vector<128x1xf32> to vector<128x128xf32>
    %sub3A_611 = arith.subf %sub3A_610, %slice3A_609 : vector<128x128xf32>
    %slice3A_612 = vector.extract_strided_slice %get3A_11 {offsets = [0, 7040], sizes = [1, 128], strides = [1, 1]} : vector<1x8192xf32> to vector<1x128xf32>
    %add3A_613 = vector.broadcast %slice3A_612 : vector<1x128xf32> to vector<128x128xf32>
    %add3A_614 = arith.addf %sub3A_611, %add3A_613 : vector<128x128xf32>
    %lt3A_615 = arith.cmpf olt, %add3A_614, %min3A_605 : vector<128x128xf32>
    %min3A_616 = arith.minimumf %min3A_605, %add3A_614 : vector<128x128xf32>
    %jit3A_617 = arith.constant 5.500000e+01 : f32
    %broadcast_in_dim3A_618 = vector.broadcast %jit3A_617 : f32 to vector<128x128xf32>
    %select_n3A_619 = arith.select %lt3A_615, %broadcast_in_dim3A_618, %select_n3A_608 : vector<128x128xi1>, vector<128x128xf32>
    %slice3A_620 = vector.extract_strided_slice %dot_general3A_8 {offsets = [0, 7168], sizes = [128, 128], strides = [1, 1]} : vector<512x8192xf32> to vector<128x128xf32>
    %sub3A_621 = vector.broadcast %slice3A : vector<128x1xf32> to vector<128x128xf32>
    %sub3A_622 = arith.subf %sub3A_621, %slice3A_620 : vector<128x128xf32>
    %slice3A_623 = vector.extract_strided_slice %get3A_11 {offsets = [0, 7168], sizes = [1, 128], strides = [1, 1]} : vector<1x8192xf32> to vector<1x128xf32>
    %add3A_624 = vector.broadcast %slice3A_623 : vector<1x128xf32> to vector<128x128xf32>
    %add3A_625 = arith.addf %sub3A_622, %add3A_624 : vector<128x128xf32>
    %lt3A_626 = arith.cmpf olt, %add3A_625, %min3A_616 : vector<128x128xf32>
    %min3A_627 = arith.minimumf %min3A_616, %add3A_625 : vector<128x128xf32>
    %jit3A_628 = arith.constant 5.600000e+01 : f32
    %broadcast_in_dim3A_629 = vector.broadcast %jit3A_628 : f32 to vector<128x128xf32>
    %select_n3A_630 = arith.select %lt3A_626, %broadcast_in_dim3A_629, %select_n3A_619 : vector<128x128xi1>, vector<128x128xf32>
    %slice3A_631 = vector.extract_strided_slice %dot_general3A_8 {offsets = [0, 7296], sizes = [128, 128], strides = [1, 1]} : vector<512x8192xf32> to vector<128x128xf32>
    %sub3A_632 = vector.broadcast %slice3A : vector<128x1xf32> to vector<128x128xf32>
    %sub3A_633 = arith.subf %sub3A_632, %slice3A_631 : vector<128x128xf32>
    %slice3A_634 = vector.extract_strided_slice %get3A_11 {offsets = [0, 7296], sizes = [1, 128], strides = [1, 1]} : vector<1x8192xf32> to vector<1x128xf32>
    %add3A_635 = vector.broadcast %slice3A_634 : vector<1x128xf32> to vector<128x128xf32>
    %add3A_636 = arith.addf %sub3A_633, %add3A_635 : vector<128x128xf32>
    %lt3A_637 = arith.cmpf olt, %add3A_636, %min3A_627 : vector<128x128xf32>
    %min3A_638 = arith.minimumf %min3A_627, %add3A_636 : vector<128x128xf32>
    %jit3A_639 = arith.constant 5.700000e+01 : f32
    %broadcast_in_dim3A_640 = vector.broadcast %jit3A_639 : f32 to vector<128x128xf32>
    %select_n3A_641 = arith.select %lt3A_637, %broadcast_in_dim3A_640, %select_n3A_630 : vector<128x128xi1>, vector<128x128xf32>
    %slice3A_642 = vector.extract_strided_slice %dot_general3A_8 {offsets = [0, 7424], sizes = [128, 128], strides = [1, 1]} : vector<512x8192xf32> to vector<128x128xf32>
    %sub3A_643 = vector.broadcast %slice3A : vector<128x1xf32> to vector<128x128xf32>
    %sub3A_644 = arith.subf %sub3A_643, %slice3A_642 : vector<128x128xf32>
    %slice3A_645 = vector.extract_strided_slice %get3A_11 {offsets = [0, 7424], sizes = [1, 128], strides = [1, 1]} : vector<1x8192xf32> to vector<1x128xf32>
    %add3A_646 = vector.broadcast %slice3A_645 : vector<1x128xf32> to vector<128x128xf32>
    %add3A_647 = arith.addf %sub3A_644, %add3A_646 : vector<128x128xf32>
    %lt3A_648 = arith.cmpf olt, %add3A_647, %min3A_638 : vector<128x128xf32>
    %min3A_649 = arith.minimumf %min3A_638, %add3A_647 : vector<128x128xf32>
    %jit3A_650 = arith.constant 5.800000e+01 : f32
    %broadcast_in_dim3A_651 = vector.broadcast %jit3A_650 : f32 to vector<128x128xf32>
    %select_n3A_652 = arith.select %lt3A_648, %broadcast_in_dim3A_651, %select_n3A_641 : vector<128x128xi1>, vector<128x128xf32>
    %slice3A_653 = vector.extract_strided_slice %dot_general3A_8 {offsets = [0, 7552], sizes = [128, 128], strides = [1, 1]} : vector<512x8192xf32> to vector<128x128xf32>
    %sub3A_654 = vector.broadcast %slice3A : vector<128x1xf32> to vector<128x128xf32>
    %sub3A_655 = arith.subf %sub3A_654, %slice3A_653 : vector<128x128xf32>
    %slice3A_656 = vector.extract_strided_slice %get3A_11 {offsets = [0, 7552], sizes = [1, 128], strides = [1, 1]} : vector<1x8192xf32> to vector<1x128xf32>
    %add3A_657 = vector.broadcast %slice3A_656 : vector<1x128xf32> to vector<128x128xf32>
    %add3A_658 = arith.addf %sub3A_655, %add3A_657 : vector<128x128xf32>
    %lt3A_659 = arith.cmpf olt, %add3A_658, %min3A_649 : vector<128x128xf32>
    %min3A_660 = arith.minimumf %min3A_649, %add3A_658 : vector<128x128xf32>
    %jit3A_661 = arith.constant 5.900000e+01 : f32
    %broadcast_in_dim3A_662 = vector.broadcast %jit3A_661 : f32 to vector<128x128xf32>
    %select_n3A_663 = arith.select %lt3A_659, %broadcast_in_dim3A_662, %select_n3A_652 : vector<128x128xi1>, vector<128x128xf32>
    %slice3A_664 = vector.extract_strided_slice %dot_general3A_8 {offsets = [0, 7680], sizes = [128, 128], strides = [1, 1]} : vector<512x8192xf32> to vector<128x128xf32>
    %sub3A_665 = vector.broadcast %slice3A : vector<128x1xf32> to vector<128x128xf32>
    %sub3A_666 = arith.subf %sub3A_665, %slice3A_664 : vector<128x128xf32>
    %slice3A_667 = vector.extract_strided_slice %get3A_11 {offsets = [0, 7680], sizes = [1, 128], strides = [1, 1]} : vector<1x8192xf32> to vector<1x128xf32>
    %add3A_668 = vector.broadcast %slice3A_667 : vector<1x128xf32> to vector<128x128xf32>
    %add3A_669 = arith.addf %sub3A_666, %add3A_668 : vector<128x128xf32>
    %lt3A_670 = arith.cmpf olt, %add3A_669, %min3A_660 : vector<128x128xf32>
    %min3A_671 = arith.minimumf %min3A_660, %add3A_669 : vector<128x128xf32>
    %jit3A_672 = arith.constant 6.000000e+01 : f32
    %broadcast_in_dim3A_673 = vector.broadcast %jit3A_672 : f32 to vector<128x128xf32>
    %select_n3A_674 = arith.select %lt3A_670, %broadcast_in_dim3A_673, %select_n3A_663 : vector<128x128xi1>, vector<128x128xf32>
    %slice3A_675 = vector.extract_strided_slice %dot_general3A_8 {offsets = [0, 7808], sizes = [128, 128], strides = [1, 1]} : vector<512x8192xf32> to vector<128x128xf32>
    %sub3A_676 = vector.broadcast %slice3A : vector<128x1xf32> to vector<128x128xf32>
    %sub3A_677 = arith.subf %sub3A_676, %slice3A_675 : vector<128x128xf32>
    %slice3A_678 = vector.extract_strided_slice %get3A_11 {offsets = [0, 7808], sizes = [1, 128], strides = [1, 1]} : vector<1x8192xf32> to vector<1x128xf32>
    %add3A_679 = vector.broadcast %slice3A_678 : vector<1x128xf32> to vector<128x128xf32>
    %add3A_680 = arith.addf %sub3A_677, %add3A_679 : vector<128x128xf32>
    %lt3A_681 = arith.cmpf olt, %add3A_680, %min3A_671 : vector<128x128xf32>
    %min3A_682 = arith.minimumf %min3A_671, %add3A_680 : vector<128x128xf32>
    %jit3A_683 = arith.constant 6.100000e+01 : f32
    %broadcast_in_dim3A_684 = vector.broadcast %jit3A_683 : f32 to vector<128x128xf32>
    %select_n3A_685 = arith.select %lt3A_681, %broadcast_in_dim3A_684, %select_n3A_674 : vector<128x128xi1>, vector<128x128xf32>
    %slice3A_686 = vector.extract_strided_slice %dot_general3A_8 {offsets = [0, 7936], sizes = [128, 128], strides = [1, 1]} : vector<512x8192xf32> to vector<128x128xf32>
    %sub3A_687 = vector.broadcast %slice3A : vector<128x1xf32> to vector<128x128xf32>
    %sub3A_688 = arith.subf %sub3A_687, %slice3A_686 : vector<128x128xf32>
    %slice3A_689 = vector.extract_strided_slice %get3A_11 {offsets = [0, 7936], sizes = [1, 128], strides = [1, 1]} : vector<1x8192xf32> to vector<1x128xf32>
    %add3A_690 = vector.broadcast %slice3A_689 : vector<1x128xf32> to vector<128x128xf32>
    %add3A_691 = arith.addf %sub3A_688, %add3A_690 : vector<128x128xf32>
    %lt3A_692 = arith.cmpf olt, %add3A_691, %min3A_682 : vector<128x128xf32>
    %min3A_693 = arith.minimumf %min3A_682, %add3A_691 : vector<128x128xf32>
    %jit3A_694 = arith.constant 6.200000e+01 : f32
    %broadcast_in_dim3A_695 = vector.broadcast %jit3A_694 : f32 to vector<128x128xf32>
    %select_n3A_696 = arith.select %lt3A_692, %broadcast_in_dim3A_695, %select_n3A_685 : vector<128x128xi1>, vector<128x128xf32>
    %slice3A_697 = vector.extract_strided_slice %dot_general3A_8 {offsets = [0, 8064], sizes = [128, 128], strides = [1, 1]} : vector<512x8192xf32> to vector<128x128xf32>
    %sub3A_698 = vector.broadcast %slice3A : vector<128x1xf32> to vector<128x128xf32>
    %sub3A_699 = arith.subf %sub3A_698, %slice3A_697 : vector<128x128xf32>
    %slice3A_700 = vector.extract_strided_slice %get3A_11 {offsets = [0, 8064], sizes = [1, 128], strides = [1, 1]} : vector<1x8192xf32> to vector<1x128xf32>
    %add3A_701 = vector.broadcast %slice3A_700 : vector<1x128xf32> to vector<128x128xf32>
    %add3A_702 = arith.addf %sub3A_699, %add3A_701 : vector<128x128xf32>
    %lt3A_703 = arith.cmpf olt, %add3A_702, %min3A_693 : vector<128x128xf32>
    %min3A_704 = arith.minimumf %min3A_693, %add3A_702 : vector<128x128xf32>
    %jit3A_705 = arith.constant 6.300000e+01 : f32
    %broadcast_in_dim3A_706 = vector.broadcast %jit3A_705 : f32 to vector<128x128xf32>
    %select_n3A_707 = arith.select %lt3A_703, %broadcast_in_dim3A_706, %select_n3A_696 : vector<128x128xi1>, vector<128x128xf32>
    %eq3A_708 = arith.cmpf oeq, %min3A_704, %min3A_704 : vector<128x128xf32>
    %jit3A_709 = arith.constant 8.192000e+03 : f32
    %broadcast_in_dim3A_710 = vector.broadcast %jit3A_709 : f32 to vector<128x128xf32>
    %select_n3A_711 = arith.select %eq3A_708, %select_n3A_707, %broadcast_in_dim3A_710 : vector<128x128xi1>, vector<128x128xf32>
    %reduce_min3A = arith.constant dense<0x7F800000> : vector<128xf32>
    %reduce_min3A_712 = vector.multi_reduction <minimumf>, %min3A_704, %reduce_min3A [1] : vector<128x128xf32> to vector<128xf32>
    %broadcast_in_dim3A_713 = vector.shape_cast %reduce_min3A_712 : vector<128xf32> to vector<128x1xf32>
    %iota3A = tpu.iota {dimensions = array<i32: 1>} : vector<128x128xi32>
    %convert_element_type3A_714 = arith.sitofp %iota3A : vector<128x128xi32> to vector<128x128xf32>
    %mul3A_715 = arith.constant 1.280000e+02 : f32
    %mul3A_716 = vector.broadcast %mul3A_715 : f32 to vector<128x128xf32>
    %mul3A_717 = arith.mulf %select_n3A_711, %mul3A_716 : vector<128x128xf32>
    %add3A_718 = arith.addf %mul3A_717, %convert_element_type3A_714 : vector<128x128xf32>
    %eq3A_719 = vector.broadcast %broadcast_in_dim3A_713 : vector<128x1xf32> to vector<128x128xf32>
    %eq3A_720 = arith.cmpf oeq, %min3A_704, %eq3A_719 : vector<128x128xf32>
    %jit3A_721 = arith.constant 8.192000e+03 : f32
    %broadcast_in_dim3A_722 = vector.broadcast %jit3A_721 : f32 to vector<128x128xf32>
    %select_n3A_723 = arith.select %eq3A_720, %add3A_718, %broadcast_in_dim3A_722 : vector<128x128xi1>, vector<128x128xf32>
    %reduce_min3A_724 = arith.constant dense<0x7F800000> : vector<128xf32>
    %reduce_min3A_725 = vector.multi_reduction <minimumf>, %select_n3A_723, %reduce_min3A_724 [1] : vector<128x128xf32> to vector<128xf32>
    %slice3A_726 = vector.extract_strided_slice %broadcast_in_dim3A {offsets = [128, 0], sizes = [128, 1], strides = [1, 1]} : vector<512x1xf32> to vector<128x1xf32>
    %slice3A_727 = vector.extract_strided_slice %dot_general3A_8 {offsets = [128, 0], sizes = [128, 128], strides = [1, 1]} : vector<512x8192xf32> to vector<128x128xf32>
    %sub3A_728 = vector.broadcast %slice3A_726 : vector<128x1xf32> to vector<128x128xf32>
    %sub3A_729 = arith.subf %sub3A_728, %slice3A_727 : vector<128x128xf32>
    %slice3A_730 = vector.extract_strided_slice %get3A_11 {offsets = [0, 0], sizes = [1, 128], strides = [1, 1]} : vector<1x8192xf32> to vector<1x128xf32>
    %add3A_731 = vector.broadcast %slice3A_730 : vector<1x128xf32> to vector<128x128xf32>
    %add3A_732 = arith.addf %sub3A_729, %add3A_731 : vector<128x128xf32>
    %broadcast_in_dim3A_733 = arith.constant 0.000000e+00 : f32
    %broadcast_in_dim3A_734 = vector.broadcast %broadcast_in_dim3A_733 : f32 to vector<128x128xf32>
    %slice3A_735 = vector.extract_strided_slice %dot_general3A_8 {offsets = [128, 128], sizes = [128, 128], strides = [1, 1]} : vector<512x8192xf32> to vector<128x128xf32>
    %sub3A_736 = vector.broadcast %slice3A_726 : vector<128x1xf32> to vector<128x128xf32>
    %sub3A_737 = arith.subf %sub3A_736, %slice3A_735 : vector<128x128xf32>
    %slice3A_738 = vector.extract_strided_slice %get3A_11 {offsets = [0, 128], sizes = [1, 128], strides = [1, 1]} : vector<1x8192xf32> to vector<1x128xf32>
    %add3A_739 = vector.broadcast %slice3A_738 : vector<1x128xf32> to vector<128x128xf32>
    %add3A_740 = arith.addf %sub3A_737, %add3A_739 : vector<128x128xf32>
    %lt3A_741 = arith.cmpf olt, %add3A_740, %add3A_732 : vector<128x128xf32>
    %min3A_742 = arith.minimumf %add3A_732, %add3A_740 : vector<128x128xf32>
    %jit3A_743 = arith.constant 1.000000e+00 : f32
    %broadcast_in_dim3A_744 = vector.broadcast %jit3A_743 : f32 to vector<128x128xf32>
    %select_n3A_745 = arith.select %lt3A_741, %broadcast_in_dim3A_744, %broadcast_in_dim3A_734 : vector<128x128xi1>, vector<128x128xf32>
    %slice3A_746 = vector.extract_strided_slice %dot_general3A_8 {offsets = [128, 256], sizes = [128, 128], strides = [1, 1]} : vector<512x8192xf32> to vector<128x128xf32>
    %sub3A_747 = vector.broadcast %slice3A_726 : vector<128x1xf32> to vector<128x128xf32>
    %sub3A_748 = arith.subf %sub3A_747, %slice3A_746 : vector<128x128xf32>
    %slice3A_749 = vector.extract_strided_slice %get3A_11 {offsets = [0, 256], sizes = [1, 128], strides = [1, 1]} : vector<1x8192xf32> to vector<1x128xf32>
    %add3A_750 = vector.broadcast %slice3A_749 : vector<1x128xf32> to vector<128x128xf32>
    %add3A_751 = arith.addf %sub3A_748, %add3A_750 : vector<128x128xf32>
    %lt3A_752 = arith.cmpf olt, %add3A_751, %min3A_742 : vector<128x128xf32>
    %min3A_753 = arith.minimumf %min3A_742, %add3A_751 : vector<128x128xf32>
    %jit3A_754 = arith.constant 2.000000e+00 : f32
    %broadcast_in_dim3A_755 = vector.broadcast %jit3A_754 : f32 to vector<128x128xf32>
    %select_n3A_756 = arith.select %lt3A_752, %broadcast_in_dim3A_755, %select_n3A_745 : vector<128x128xi1>, vector<128x128xf32>
    %slice3A_757 = vector.extract_strided_slice %dot_general3A_8 {offsets = [128, 384], sizes = [128, 128], strides = [1, 1]} : vector<512x8192xf32> to vector<128x128xf32>
    %sub3A_758 = vector.broadcast %slice3A_726 : vector<128x1xf32> to vector<128x128xf32>
    %sub3A_759 = arith.subf %sub3A_758, %slice3A_757 : vector<128x128xf32>
    %slice3A_760 = vector.extract_strided_slice %get3A_11 {offsets = [0, 384], sizes = [1, 128], strides = [1, 1]} : vector<1x8192xf32> to vector<1x128xf32>
    %add3A_761 = vector.broadcast %slice3A_760 : vector<1x128xf32> to vector<128x128xf32>
    %add3A_762 = arith.addf %sub3A_759, %add3A_761 : vector<128x128xf32>
    %lt3A_763 = arith.cmpf olt, %add3A_762, %min3A_753 : vector<128x128xf32>
    %min3A_764 = arith.minimumf %min3A_753, %add3A_762 : vector<128x128xf32>
    %jit3A_765 = arith.constant 3.000000e+00 : f32
    %broadcast_in_dim3A_766 = vector.broadcast %jit3A_765 : f32 to vector<128x128xf32>
    %select_n3A_767 = arith.select %lt3A_763, %broadcast_in_dim3A_766, %select_n3A_756 : vector<128x128xi1>, vector<128x128xf32>
    %slice3A_768 = vector.extract_strided_slice %dot_general3A_8 {offsets = [128, 512], sizes = [128, 128], strides = [1, 1]} : vector<512x8192xf32> to vector<128x128xf32>
    %sub3A_769 = vector.broadcast %slice3A_726 : vector<128x1xf32> to vector<128x128xf32>
    %sub3A_770 = arith.subf %sub3A_769, %slice3A_768 : vector<128x128xf32>
    %slice3A_771 = vector.extract_strided_slice %get3A_11 {offsets = [0, 512], sizes = [1, 128], strides = [1, 1]} : vector<1x8192xf32> to vector<1x128xf32>
    %add3A_772 = vector.broadcast %slice3A_771 : vector<1x128xf32> to vector<128x128xf32>
    %add3A_773 = arith.addf %sub3A_770, %add3A_772 : vector<128x128xf32>
    %lt3A_774 = arith.cmpf olt, %add3A_773, %min3A_764 : vector<128x128xf32>
    %min3A_775 = arith.minimumf %min3A_764, %add3A_773 : vector<128x128xf32>
    %jit3A_776 = arith.constant 4.000000e+00 : f32
    %broadcast_in_dim3A_777 = vector.broadcast %jit3A_776 : f32 to vector<128x128xf32>
    %select_n3A_778 = arith.select %lt3A_774, %broadcast_in_dim3A_777, %select_n3A_767 : vector<128x128xi1>, vector<128x128xf32>
    %slice3A_779 = vector.extract_strided_slice %dot_general3A_8 {offsets = [128, 640], sizes = [128, 128], strides = [1, 1]} : vector<512x8192xf32> to vector<128x128xf32>
    %sub3A_780 = vector.broadcast %slice3A_726 : vector<128x1xf32> to vector<128x128xf32>
    %sub3A_781 = arith.subf %sub3A_780, %slice3A_779 : vector<128x128xf32>
    %slice3A_782 = vector.extract_strided_slice %get3A_11 {offsets = [0, 640], sizes = [1, 128], strides = [1, 1]} : vector<1x8192xf32> to vector<1x128xf32>
    %add3A_783 = vector.broadcast %slice3A_782 : vector<1x128xf32> to vector<128x128xf32>
    %add3A_784 = arith.addf %sub3A_781, %add3A_783 : vector<128x128xf32>
    %lt3A_785 = arith.cmpf olt, %add3A_784, %min3A_775 : vector<128x128xf32>
    %min3A_786 = arith.minimumf %min3A_775, %add3A_784 : vector<128x128xf32>
    %jit3A_787 = arith.constant 5.000000e+00 : f32
    %broadcast_in_dim3A_788 = vector.broadcast %jit3A_787 : f32 to vector<128x128xf32>
    %select_n3A_789 = arith.select %lt3A_785, %broadcast_in_dim3A_788, %select_n3A_778 : vector<128x128xi1>, vector<128x128xf32>
    %slice3A_790 = vector.extract_strided_slice %dot_general3A_8 {offsets = [128, 768], sizes = [128, 128], strides = [1, 1]} : vector<512x8192xf32> to vector<128x128xf32>
    %sub3A_791 = vector.broadcast %slice3A_726 : vector<128x1xf32> to vector<128x128xf32>
    %sub3A_792 = arith.subf %sub3A_791, %slice3A_790 : vector<128x128xf32>
    %slice3A_793 = vector.extract_strided_slice %get3A_11 {offsets = [0, 768], sizes = [1, 128], strides = [1, 1]} : vector<1x8192xf32> to vector<1x128xf32>
    %add3A_794 = vector.broadcast %slice3A_793 : vector<1x128xf32> to vector<128x128xf32>
    %add3A_795 = arith.addf %sub3A_792, %add3A_794 : vector<128x128xf32>
    %lt3A_796 = arith.cmpf olt, %add3A_795, %min3A_786 : vector<128x128xf32>
    %min3A_797 = arith.minimumf %min3A_786, %add3A_795 : vector<128x128xf32>
    %jit3A_798 = arith.constant 6.000000e+00 : f32
    %broadcast_in_dim3A_799 = vector.broadcast %jit3A_798 : f32 to vector<128x128xf32>
    %select_n3A_800 = arith.select %lt3A_796, %broadcast_in_dim3A_799, %select_n3A_789 : vector<128x128xi1>, vector<128x128xf32>
    %slice3A_801 = vector.extract_strided_slice %dot_general3A_8 {offsets = [128, 896], sizes = [128, 128], strides = [1, 1]} : vector<512x8192xf32> to vector<128x128xf32>
    %sub3A_802 = vector.broadcast %slice3A_726 : vector<128x1xf32> to vector<128x128xf32>
    %sub3A_803 = arith.subf %sub3A_802, %slice3A_801 : vector<128x128xf32>
    %slice3A_804 = vector.extract_strided_slice %get3A_11 {offsets = [0, 896], sizes = [1, 128], strides = [1, 1]} : vector<1x8192xf32> to vector<1x128xf32>
    %add3A_805 = vector.broadcast %slice3A_804 : vector<1x128xf32> to vector<128x128xf32>
    %add3A_806 = arith.addf %sub3A_803, %add3A_805 : vector<128x128xf32>
    %lt3A_807 = arith.cmpf olt, %add3A_806, %min3A_797 : vector<128x128xf32>
    %min3A_808 = arith.minimumf %min3A_797, %add3A_806 : vector<128x128xf32>
    %jit3A_809 = arith.constant 7.000000e+00 : f32
    %broadcast_in_dim3A_810 = vector.broadcast %jit3A_809 : f32 to vector<128x128xf32>
    %select_n3A_811 = arith.select %lt3A_807, %broadcast_in_dim3A_810, %select_n3A_800 : vector<128x128xi1>, vector<128x128xf32>
    %slice3A_812 = vector.extract_strided_slice %dot_general3A_8 {offsets = [128, 1024], sizes = [128, 128], strides = [1, 1]} : vector<512x8192xf32> to vector<128x128xf32>
    %sub3A_813 = vector.broadcast %slice3A_726 : vector<128x1xf32> to vector<128x128xf32>
    %sub3A_814 = arith.subf %sub3A_813, %slice3A_812 : vector<128x128xf32>
    %slice3A_815 = vector.extract_strided_slice %get3A_11 {offsets = [0, 1024], sizes = [1, 128], strides = [1, 1]} : vector<1x8192xf32> to vector<1x128xf32>
    %add3A_816 = vector.broadcast %slice3A_815 : vector<1x128xf32> to vector<128x128xf32>
    %add3A_817 = arith.addf %sub3A_814, %add3A_816 : vector<128x128xf32>
    %lt3A_818 = arith.cmpf olt, %add3A_817, %min3A_808 : vector<128x128xf32>
    %min3A_819 = arith.minimumf %min3A_808, %add3A_817 : vector<128x128xf32>
    %jit3A_820 = arith.constant 8.000000e+00 : f32
    %broadcast_in_dim3A_821 = vector.broadcast %jit3A_820 : f32 to vector<128x128xf32>
    %select_n3A_822 = arith.select %lt3A_818, %broadcast_in_dim3A_821, %select_n3A_811 : vector<128x128xi1>, vector<128x128xf32>
    %slice3A_823 = vector.extract_strided_slice %dot_general3A_8 {offsets = [128, 1152], sizes = [128, 128], strides = [1, 1]} : vector<512x8192xf32> to vector<128x128xf32>
    %sub3A_824 = vector.broadcast %slice3A_726 : vector<128x1xf32> to vector<128x128xf32>
    %sub3A_825 = arith.subf %sub3A_824, %slice3A_823 : vector<128x128xf32>
    %slice3A_826 = vector.extract_strided_slice %get3A_11 {offsets = [0, 1152], sizes = [1, 128], strides = [1, 1]} : vector<1x8192xf32> to vector<1x128xf32>
    %add3A_827 = vector.broadcast %slice3A_826 : vector<1x128xf32> to vector<128x128xf32>
    %add3A_828 = arith.addf %sub3A_825, %add3A_827 : vector<128x128xf32>
    %lt3A_829 = arith.cmpf olt, %add3A_828, %min3A_819 : vector<128x128xf32>
    %min3A_830 = arith.minimumf %min3A_819, %add3A_828 : vector<128x128xf32>
    %jit3A_831 = arith.constant 9.000000e+00 : f32
    %broadcast_in_dim3A_832 = vector.broadcast %jit3A_831 : f32 to vector<128x128xf32>
    %select_n3A_833 = arith.select %lt3A_829, %broadcast_in_dim3A_832, %select_n3A_822 : vector<128x128xi1>, vector<128x128xf32>
    %slice3A_834 = vector.extract_strided_slice %dot_general3A_8 {offsets = [128, 1280], sizes = [128, 128], strides = [1, 1]} : vector<512x8192xf32> to vector<128x128xf32>
    %sub3A_835 = vector.broadcast %slice3A_726 : vector<128x1xf32> to vector<128x128xf32>
    %sub3A_836 = arith.subf %sub3A_835, %slice3A_834 : vector<128x128xf32>
    %slice3A_837 = vector.extract_strided_slice %get3A_11 {offsets = [0, 1280], sizes = [1, 128], strides = [1, 1]} : vector<1x8192xf32> to vector<1x128xf32>
    %add3A_838 = vector.broadcast %slice3A_837 : vector<1x128xf32> to vector<128x128xf32>
    %add3A_839 = arith.addf %sub3A_836, %add3A_838 : vector<128x128xf32>
    %lt3A_840 = arith.cmpf olt, %add3A_839, %min3A_830 : vector<128x128xf32>
    %min3A_841 = arith.minimumf %min3A_830, %add3A_839 : vector<128x128xf32>
    %jit3A_842 = arith.constant 1.000000e+01 : f32
    %broadcast_in_dim3A_843 = vector.broadcast %jit3A_842 : f32 to vector<128x128xf32>
    %select_n3A_844 = arith.select %lt3A_840, %broadcast_in_dim3A_843, %select_n3A_833 : vector<128x128xi1>, vector<128x128xf32>
    %slice3A_845 = vector.extract_strided_slice %dot_general3A_8 {offsets = [128, 1408], sizes = [128, 128], strides = [1, 1]} : vector<512x8192xf32> to vector<128x128xf32>
    %sub3A_846 = vector.broadcast %slice3A_726 : vector<128x1xf32> to vector<128x128xf32>
    %sub3A_847 = arith.subf %sub3A_846, %slice3A_845 : vector<128x128xf32>
    %slice3A_848 = vector.extract_strided_slice %get3A_11 {offsets = [0, 1408], sizes = [1, 128], strides = [1, 1]} : vector<1x8192xf32> to vector<1x128xf32>
    %add3A_849 = vector.broadcast %slice3A_848 : vector<1x128xf32> to vector<128x128xf32>
    %add3A_850 = arith.addf %sub3A_847, %add3A_849 : vector<128x128xf32>
    %lt3A_851 = arith.cmpf olt, %add3A_850, %min3A_841 : vector<128x128xf32>
    %min3A_852 = arith.minimumf %min3A_841, %add3A_850 : vector<128x128xf32>
    %jit3A_853 = arith.constant 1.100000e+01 : f32
    %broadcast_in_dim3A_854 = vector.broadcast %jit3A_853 : f32 to vector<128x128xf32>
    %select_n3A_855 = arith.select %lt3A_851, %broadcast_in_dim3A_854, %select_n3A_844 : vector<128x128xi1>, vector<128x128xf32>
    %slice3A_856 = vector.extract_strided_slice %dot_general3A_8 {offsets = [128, 1536], sizes = [128, 128], strides = [1, 1]} : vector<512x8192xf32> to vector<128x128xf32>
    %sub3A_857 = vector.broadcast %slice3A_726 : vector<128x1xf32> to vector<128x128xf32>
    %sub3A_858 = arith.subf %sub3A_857, %slice3A_856 : vector<128x128xf32>
    %slice3A_859 = vector.extract_strided_slice %get3A_11 {offsets = [0, 1536], sizes = [1, 128], strides = [1, 1]} : vector<1x8192xf32> to vector<1x128xf32>
    %add3A_860 = vector.broadcast %slice3A_859 : vector<1x128xf32> to vector<128x128xf32>
    %add3A_861 = arith.addf %sub3A_858, %add3A_860 : vector<128x128xf32>
    %lt3A_862 = arith.cmpf olt, %add3A_861, %min3A_852 : vector<128x128xf32>
    %min3A_863 = arith.minimumf %min3A_852, %add3A_861 : vector<128x128xf32>
    %jit3A_864 = arith.constant 1.200000e+01 : f32
    %broadcast_in_dim3A_865 = vector.broadcast %jit3A_864 : f32 to vector<128x128xf32>
    %select_n3A_866 = arith.select %lt3A_862, %broadcast_in_dim3A_865, %select_n3A_855 : vector<128x128xi1>, vector<128x128xf32>
    %slice3A_867 = vector.extract_strided_slice %dot_general3A_8 {offsets = [128, 1664], sizes = [128, 128], strides = [1, 1]} : vector<512x8192xf32> to vector<128x128xf32>
    %sub3A_868 = vector.broadcast %slice3A_726 : vector<128x1xf32> to vector<128x128xf32>
    %sub3A_869 = arith.subf %sub3A_868, %slice3A_867 : vector<128x128xf32>
    %slice3A_870 = vector.extract_strided_slice %get3A_11 {offsets = [0, 1664], sizes = [1, 128], strides = [1, 1]} : vector<1x8192xf32> to vector<1x128xf32>
    %add3A_871 = vector.broadcast %slice3A_870 : vector<1x128xf32> to vector<128x128xf32>
    %add3A_872 = arith.addf %sub3A_869, %add3A_871 : vector<128x128xf32>
    %lt3A_873 = arith.cmpf olt, %add3A_872, %min3A_863 : vector<128x128xf32>
    %min3A_874 = arith.minimumf %min3A_863, %add3A_872 : vector<128x128xf32>
    %jit3A_875 = arith.constant 1.300000e+01 : f32
    %broadcast_in_dim3A_876 = vector.broadcast %jit3A_875 : f32 to vector<128x128xf32>
    %select_n3A_877 = arith.select %lt3A_873, %broadcast_in_dim3A_876, %select_n3A_866 : vector<128x128xi1>, vector<128x128xf32>
    %slice3A_878 = vector.extract_strided_slice %dot_general3A_8 {offsets = [128, 1792], sizes = [128, 128], strides = [1, 1]} : vector<512x8192xf32> to vector<128x128xf32>
    %sub3A_879 = vector.broadcast %slice3A_726 : vector<128x1xf32> to vector<128x128xf32>
    %sub3A_880 = arith.subf %sub3A_879, %slice3A_878 : vector<128x128xf32>
    %slice3A_881 = vector.extract_strided_slice %get3A_11 {offsets = [0, 1792], sizes = [1, 128], strides = [1, 1]} : vector<1x8192xf32> to vector<1x128xf32>
    %add3A_882 = vector.broadcast %slice3A_881 : vector<1x128xf32> to vector<128x128xf32>
    %add3A_883 = arith.addf %sub3A_880, %add3A_882 : vector<128x128xf32>
    %lt3A_884 = arith.cmpf olt, %add3A_883, %min3A_874 : vector<128x128xf32>
    %min3A_885 = arith.minimumf %min3A_874, %add3A_883 : vector<128x128xf32>
    %jit3A_886 = arith.constant 1.400000e+01 : f32
    %broadcast_in_dim3A_887 = vector.broadcast %jit3A_886 : f32 to vector<128x128xf32>
    %select_n3A_888 = arith.select %lt3A_884, %broadcast_in_dim3A_887, %select_n3A_877 : vector<128x128xi1>, vector<128x128xf32>
    %slice3A_889 = vector.extract_strided_slice %dot_general3A_8 {offsets = [128, 1920], sizes = [128, 128], strides = [1, 1]} : vector<512x8192xf32> to vector<128x128xf32>
    %sub3A_890 = vector.broadcast %slice3A_726 : vector<128x1xf32> to vector<128x128xf32>
    %sub3A_891 = arith.subf %sub3A_890, %slice3A_889 : vector<128x128xf32>
    %slice3A_892 = vector.extract_strided_slice %get3A_11 {offsets = [0, 1920], sizes = [1, 128], strides = [1, 1]} : vector<1x8192xf32> to vector<1x128xf32>
    %add3A_893 = vector.broadcast %slice3A_892 : vector<1x128xf32> to vector<128x128xf32>
    %add3A_894 = arith.addf %sub3A_891, %add3A_893 : vector<128x128xf32>
    %lt3A_895 = arith.cmpf olt, %add3A_894, %min3A_885 : vector<128x128xf32>
    %min3A_896 = arith.minimumf %min3A_885, %add3A_894 : vector<128x128xf32>
    %jit3A_897 = arith.constant 1.500000e+01 : f32
    %broadcast_in_dim3A_898 = vector.broadcast %jit3A_897 : f32 to vector<128x128xf32>
    %select_n3A_899 = arith.select %lt3A_895, %broadcast_in_dim3A_898, %select_n3A_888 : vector<128x128xi1>, vector<128x128xf32>
    %slice3A_900 = vector.extract_strided_slice %dot_general3A_8 {offsets = [128, 2048], sizes = [128, 128], strides = [1, 1]} : vector<512x8192xf32> to vector<128x128xf32>
    %sub3A_901 = vector.broadcast %slice3A_726 : vector<128x1xf32> to vector<128x128xf32>
    %sub3A_902 = arith.subf %sub3A_901, %slice3A_900 : vector<128x128xf32>
    %slice3A_903 = vector.extract_strided_slice %get3A_11 {offsets = [0, 2048], sizes = [1, 128], strides = [1, 1]} : vector<1x8192xf32> to vector<1x128xf32>
    %add3A_904 = vector.broadcast %slice3A_903 : vector<1x128xf32> to vector<128x128xf32>
    %add3A_905 = arith.addf %sub3A_902, %add3A_904 : vector<128x128xf32>
    %lt3A_906 = arith.cmpf olt, %add3A_905, %min3A_896 : vector<128x128xf32>
    %min3A_907 = arith.minimumf %min3A_896, %add3A_905 : vector<128x128xf32>
    %jit3A_908 = arith.constant 1.600000e+01 : f32
    %broadcast_in_dim3A_909 = vector.broadcast %jit3A_908 : f32 to vector<128x128xf32>
    %select_n3A_910 = arith.select %lt3A_906, %broadcast_in_dim3A_909, %select_n3A_899 : vector<128x128xi1>, vector<128x128xf32>
    %slice3A_911 = vector.extract_strided_slice %dot_general3A_8 {offsets = [128, 2176], sizes = [128, 128], strides = [1, 1]} : vector<512x8192xf32> to vector<128x128xf32>
    %sub3A_912 = vector.broadcast %slice3A_726 : vector<128x1xf32> to vector<128x128xf32>
    %sub3A_913 = arith.subf %sub3A_912, %slice3A_911 : vector<128x128xf32>
    %slice3A_914 = vector.extract_strided_slice %get3A_11 {offsets = [0, 2176], sizes = [1, 128], strides = [1, 1]} : vector<1x8192xf32> to vector<1x128xf32>
    %add3A_915 = vector.broadcast %slice3A_914 : vector<1x128xf32> to vector<128x128xf32>
    %add3A_916 = arith.addf %sub3A_913, %add3A_915 : vector<128x128xf32>
    %lt3A_917 = arith.cmpf olt, %add3A_916, %min3A_907 : vector<128x128xf32>
    %min3A_918 = arith.minimumf %min3A_907, %add3A_916 : vector<128x128xf32>
    %jit3A_919 = arith.constant 1.700000e+01 : f32
    %broadcast_in_dim3A_920 = vector.broadcast %jit3A_919 : f32 to vector<128x128xf32>
    %select_n3A_921 = arith.select %lt3A_917, %broadcast_in_dim3A_920, %select_n3A_910 : vector<128x128xi1>, vector<128x128xf32>
    %slice3A_922 = vector.extract_strided_slice %dot_general3A_8 {offsets = [128, 2304], sizes = [128, 128], strides = [1, 1]} : vector<512x8192xf32> to vector<128x128xf32>
    %sub3A_923 = vector.broadcast %slice3A_726 : vector<128x1xf32> to vector<128x128xf32>
    %sub3A_924 = arith.subf %sub3A_923, %slice3A_922 : vector<128x128xf32>
    %slice3A_925 = vector.extract_strided_slice %get3A_11 {offsets = [0, 2304], sizes = [1, 128], strides = [1, 1]} : vector<1x8192xf32> to vector<1x128xf32>
    %add3A_926 = vector.broadcast %slice3A_925 : vector<1x128xf32> to vector<128x128xf32>
    %add3A_927 = arith.addf %sub3A_924, %add3A_926 : vector<128x128xf32>
    %lt3A_928 = arith.cmpf olt, %add3A_927, %min3A_918 : vector<128x128xf32>
    %min3A_929 = arith.minimumf %min3A_918, %add3A_927 : vector<128x128xf32>
    %jit3A_930 = arith.constant 1.800000e+01 : f32
    %broadcast_in_dim3A_931 = vector.broadcast %jit3A_930 : f32 to vector<128x128xf32>
    %select_n3A_932 = arith.select %lt3A_928, %broadcast_in_dim3A_931, %select_n3A_921 : vector<128x128xi1>, vector<128x128xf32>
    %slice3A_933 = vector.extract_strided_slice %dot_general3A_8 {offsets = [128, 2432], sizes = [128, 128], strides = [1, 1]} : vector<512x8192xf32> to vector<128x128xf32>
    %sub3A_934 = vector.broadcast %slice3A_726 : vector<128x1xf32> to vector<128x128xf32>
    %sub3A_935 = arith.subf %sub3A_934, %slice3A_933 : vector<128x128xf32>
    %slice3A_936 = vector.extract_strided_slice %get3A_11 {offsets = [0, 2432], sizes = [1, 128], strides = [1, 1]} : vector<1x8192xf32> to vector<1x128xf32>
    %add3A_937 = vector.broadcast %slice3A_936 : vector<1x128xf32> to vector<128x128xf32>
    %add3A_938 = arith.addf %sub3A_935, %add3A_937 : vector<128x128xf32>
    %lt3A_939 = arith.cmpf olt, %add3A_938, %min3A_929 : vector<128x128xf32>
    %min3A_940 = arith.minimumf %min3A_929, %add3A_938 : vector<128x128xf32>
    %jit3A_941 = arith.constant 1.900000e+01 : f32
    %broadcast_in_dim3A_942 = vector.broadcast %jit3A_941 : f32 to vector<128x128xf32>
    %select_n3A_943 = arith.select %lt3A_939, %broadcast_in_dim3A_942, %select_n3A_932 : vector<128x128xi1>, vector<128x128xf32>
    %slice3A_944 = vector.extract_strided_slice %dot_general3A_8 {offsets = [128, 2560], sizes = [128, 128], strides = [1, 1]} : vector<512x8192xf32> to vector<128x128xf32>
    %sub3A_945 = vector.broadcast %slice3A_726 : vector<128x1xf32> to vector<128x128xf32>
    %sub3A_946 = arith.subf %sub3A_945, %slice3A_944 : vector<128x128xf32>
    %slice3A_947 = vector.extract_strided_slice %get3A_11 {offsets = [0, 2560], sizes = [1, 128], strides = [1, 1]} : vector<1x8192xf32> to vector<1x128xf32>
    %add3A_948 = vector.broadcast %slice3A_947 : vector<1x128xf32> to vector<128x128xf32>
    %add3A_949 = arith.addf %sub3A_946, %add3A_948 : vector<128x128xf32>
    %lt3A_950 = arith.cmpf olt, %add3A_949, %min3A_940 : vector<128x128xf32>
    %min3A_951 = arith.minimumf %min3A_940, %add3A_949 : vector<128x128xf32>
    %jit3A_952 = arith.constant 2.000000e+01 : f32
    %broadcast_in_dim3A_953 = vector.broadcast %jit3A_952 : f32 to vector<128x128xf32>
    %select_n3A_954 = arith.select %lt3A_950, %broadcast_in_dim3A_953, %select_n3A_943 : vector<128x128xi1>, vector<128x128xf32>
    %slice3A_955 = vector.extract_strided_slice %dot_general3A_8 {offsets = [128, 2688], sizes = [128, 128], strides = [1, 1]} : vector<512x8192xf32> to vector<128x128xf32>
    %sub3A_956 = vector.broadcast %slice3A_726 : vector<128x1xf32> to vector<128x128xf32>
    %sub3A_957 = arith.subf %sub3A_956, %slice3A_955 : vector<128x128xf32>
    %slice3A_958 = vector.extract_strided_slice %get3A_11 {offsets = [0, 2688], sizes = [1, 128], strides = [1, 1]} : vector<1x8192xf32> to vector<1x128xf32>
    %add3A_959 = vector.broadcast %slice3A_958 : vector<1x128xf32> to vector<128x128xf32>
    %add3A_960 = arith.addf %sub3A_957, %add3A_959 : vector<128x128xf32>
    %lt3A_961 = arith.cmpf olt, %add3A_960, %min3A_951 : vector<128x128xf32>
    %min3A_962 = arith.minimumf %min3A_951, %add3A_960 : vector<128x128xf32>
    %jit3A_963 = arith.constant 2.100000e+01 : f32
    %broadcast_in_dim3A_964 = vector.broadcast %jit3A_963 : f32 to vector<128x128xf32>
    %select_n3A_965 = arith.select %lt3A_961, %broadcast_in_dim3A_964, %select_n3A_954 : vector<128x128xi1>, vector<128x128xf32>
    %slice3A_966 = vector.extract_strided_slice %dot_general3A_8 {offsets = [128, 2816], sizes = [128, 128], strides = [1, 1]} : vector<512x8192xf32> to vector<128x128xf32>
    %sub3A_967 = vector.broadcast %slice3A_726 : vector<128x1xf32> to vector<128x128xf32>
    %sub3A_968 = arith.subf %sub3A_967, %slice3A_966 : vector<128x128xf32>
    %slice3A_969 = vector.extract_strided_slice %get3A_11 {offsets = [0, 2816], sizes = [1, 128], strides = [1, 1]} : vector<1x8192xf32> to vector<1x128xf32>
    %add3A_970 = vector.broadcast %slice3A_969 : vector<1x128xf32> to vector<128x128xf32>
    %add3A_971 = arith.addf %sub3A_968, %add3A_970 : vector<128x128xf32>
    %lt3A_972 = arith.cmpf olt, %add3A_971, %min3A_962 : vector<128x128xf32>
    %min3A_973 = arith.minimumf %min3A_962, %add3A_971 : vector<128x128xf32>
    %jit3A_974 = arith.constant 2.200000e+01 : f32
    %broadcast_in_dim3A_975 = vector.broadcast %jit3A_974 : f32 to vector<128x128xf32>
    %select_n3A_976 = arith.select %lt3A_972, %broadcast_in_dim3A_975, %select_n3A_965 : vector<128x128xi1>, vector<128x128xf32>
    %slice3A_977 = vector.extract_strided_slice %dot_general3A_8 {offsets = [128, 2944], sizes = [128, 128], strides = [1, 1]} : vector<512x8192xf32> to vector<128x128xf32>
    %sub3A_978 = vector.broadcast %slice3A_726 : vector<128x1xf32> to vector<128x128xf32>
    %sub3A_979 = arith.subf %sub3A_978, %slice3A_977 : vector<128x128xf32>
    %slice3A_980 = vector.extract_strided_slice %get3A_11 {offsets = [0, 2944], sizes = [1, 128], strides = [1, 1]} : vector<1x8192xf32> to vector<1x128xf32>
    %add3A_981 = vector.broadcast %slice3A_980 : vector<1x128xf32> to vector<128x128xf32>
    %add3A_982 = arith.addf %sub3A_979, %add3A_981 : vector<128x128xf32>
    %lt3A_983 = arith.cmpf olt, %add3A_982, %min3A_973 : vector<128x128xf32>
    %min3A_984 = arith.minimumf %min3A_973, %add3A_982 : vector<128x128xf32>
    %jit3A_985 = arith.constant 2.300000e+01 : f32
    %broadcast_in_dim3A_986 = vector.broadcast %jit3A_985 : f32 to vector<128x128xf32>
    %select_n3A_987 = arith.select %lt3A_983, %broadcast_in_dim3A_986, %select_n3A_976 : vector<128x128xi1>, vector<128x128xf32>
    %slice3A_988 = vector.extract_strided_slice %dot_general3A_8 {offsets = [128, 3072], sizes = [128, 128], strides = [1, 1]} : vector<512x8192xf32> to vector<128x128xf32>
    %sub3A_989 = vector.broadcast %slice3A_726 : vector<128x1xf32> to vector<128x128xf32>
    %sub3A_990 = arith.subf %sub3A_989, %slice3A_988 : vector<128x128xf32>
    %slice3A_991 = vector.extract_strided_slice %get3A_11 {offsets = [0, 3072], sizes = [1, 128], strides = [1, 1]} : vector<1x8192xf32> to vector<1x128xf32>
    %add3A_992 = vector.broadcast %slice3A_991 : vector<1x128xf32> to vector<128x128xf32>
    %add3A_993 = arith.addf %sub3A_990, %add3A_992 : vector<128x128xf32>
    %lt3A_994 = arith.cmpf olt, %add3A_993, %min3A_984 : vector<128x128xf32>
    %min3A_995 = arith.minimumf %min3A_984, %add3A_993 : vector<128x128xf32>
    %jit3A_996 = arith.constant 2.400000e+01 : f32
    %broadcast_in_dim3A_997 = vector.broadcast %jit3A_996 : f32 to vector<128x128xf32>
    %select_n3A_998 = arith.select %lt3A_994, %broadcast_in_dim3A_997, %select_n3A_987 : vector<128x128xi1>, vector<128x128xf32>
    %slice3A_999 = vector.extract_strided_slice %dot_general3A_8 {offsets = [128, 3200], sizes = [128, 128], strides = [1, 1]} : vector<512x8192xf32> to vector<128x128xf32>
    %sub3A_1000 = vector.broadcast %slice3A_726 : vector<128x1xf32> to vector<128x128xf32>
    %sub3A_1001 = arith.subf %sub3A_1000, %slice3A_999 : vector<128x128xf32>
    %slice3A_1002 = vector.extract_strided_slice %get3A_11 {offsets = [0, 3200], sizes = [1, 128], strides = [1, 1]} : vector<1x8192xf32> to vector<1x128xf32>
    %add3A_1003 = vector.broadcast %slice3A_1002 : vector<1x128xf32> to vector<128x128xf32>
    %add3A_1004 = arith.addf %sub3A_1001, %add3A_1003 : vector<128x128xf32>
    %lt3A_1005 = arith.cmpf olt, %add3A_1004, %min3A_995 : vector<128x128xf32>
    %min3A_1006 = arith.minimumf %min3A_995, %add3A_1004 : vector<128x128xf32>
    %jit3A_1007 = arith.constant 2.500000e+01 : f32
    %broadcast_in_dim3A_1008 = vector.broadcast %jit3A_1007 : f32 to vector<128x128xf32>
    %select_n3A_1009 = arith.select %lt3A_1005, %broadcast_in_dim3A_1008, %select_n3A_998 : vector<128x128xi1>, vector<128x128xf32>
    %slice3A_1010 = vector.extract_strided_slice %dot_general3A_8 {offsets = [128, 3328], sizes = [128, 128], strides = [1, 1]} : vector<512x8192xf32> to vector<128x128xf32>
    %sub3A_1011 = vector.broadcast %slice3A_726 : vector<128x1xf32> to vector<128x128xf32>
    %sub3A_1012 = arith.subf %sub3A_1011, %slice3A_1010 : vector<128x128xf32>
    %slice3A_1013 = vector.extract_strided_slice %get3A_11 {offsets = [0, 3328], sizes = [1, 128], strides = [1, 1]} : vector<1x8192xf32> to vector<1x128xf32>
    %add3A_1014 = vector.broadcast %slice3A_1013 : vector<1x128xf32> to vector<128x128xf32>
    %add3A_1015 = arith.addf %sub3A_1012, %add3A_1014 : vector<128x128xf32>
    %lt3A_1016 = arith.cmpf olt, %add3A_1015, %min3A_1006 : vector<128x128xf32>
    %min3A_1017 = arith.minimumf %min3A_1006, %add3A_1015 : vector<128x128xf32>
    %jit3A_1018 = arith.constant 2.600000e+01 : f32
    %broadcast_in_dim3A_1019 = vector.broadcast %jit3A_1018 : f32 to vector<128x128xf32>
    %select_n3A_1020 = arith.select %lt3A_1016, %broadcast_in_dim3A_1019, %select_n3A_1009 : vector<128x128xi1>, vector<128x128xf32>
    %slice3A_1021 = vector.extract_strided_slice %dot_general3A_8 {offsets = [128, 3456], sizes = [128, 128], strides = [1, 1]} : vector<512x8192xf32> to vector<128x128xf32>
    %sub3A_1022 = vector.broadcast %slice3A_726 : vector<128x1xf32> to vector<128x128xf32>
    %sub3A_1023 = arith.subf %sub3A_1022, %slice3A_1021 : vector<128x128xf32>
    %slice3A_1024 = vector.extract_strided_slice %get3A_11 {offsets = [0, 3456], sizes = [1, 128], strides = [1, 1]} : vector<1x8192xf32> to vector<1x128xf32>
    %add3A_1025 = vector.broadcast %slice3A_1024 : vector<1x128xf32> to vector<128x128xf32>
    %add3A_1026 = arith.addf %sub3A_1023, %add3A_1025 : vector<128x128xf32>
    %lt3A_1027 = arith.cmpf olt, %add3A_1026, %min3A_1017 : vector<128x128xf32>
    %min3A_1028 = arith.minimumf %min3A_1017, %add3A_1026 : vector<128x128xf32>
    %jit3A_1029 = arith.constant 2.700000e+01 : f32
    %broadcast_in_dim3A_1030 = vector.broadcast %jit3A_1029 : f32 to vector<128x128xf32>
    %select_n3A_1031 = arith.select %lt3A_1027, %broadcast_in_dim3A_1030, %select_n3A_1020 : vector<128x128xi1>, vector<128x128xf32>
    %slice3A_1032 = vector.extract_strided_slice %dot_general3A_8 {offsets = [128, 3584], sizes = [128, 128], strides = [1, 1]} : vector<512x8192xf32> to vector<128x128xf32>
    %sub3A_1033 = vector.broadcast %slice3A_726 : vector<128x1xf32> to vector<128x128xf32>
    %sub3A_1034 = arith.subf %sub3A_1033, %slice3A_1032 : vector<128x128xf32>
    %slice3A_1035 = vector.extract_strided_slice %get3A_11 {offsets = [0, 3584], sizes = [1, 128], strides = [1, 1]} : vector<1x8192xf32> to vector<1x128xf32>
    %add3A_1036 = vector.broadcast %slice3A_1035 : vector<1x128xf32> to vector<128x128xf32>
    %add3A_1037 = arith.addf %sub3A_1034, %add3A_1036 : vector<128x128xf32>
    %lt3A_1038 = arith.cmpf olt, %add3A_1037, %min3A_1028 : vector<128x128xf32>
    %min3A_1039 = arith.minimumf %min3A_1028, %add3A_1037 : vector<128x128xf32>
    %jit3A_1040 = arith.constant 2.800000e+01 : f32
    %broadcast_in_dim3A_1041 = vector.broadcast %jit3A_1040 : f32 to vector<128x128xf32>
    %select_n3A_1042 = arith.select %lt3A_1038, %broadcast_in_dim3A_1041, %select_n3A_1031 : vector<128x128xi1>, vector<128x128xf32>
    %slice3A_1043 = vector.extract_strided_slice %dot_general3A_8 {offsets = [128, 3712], sizes = [128, 128], strides = [1, 1]} : vector<512x8192xf32> to vector<128x128xf32>
    %sub3A_1044 = vector.broadcast %slice3A_726 : vector<128x1xf32> to vector<128x128xf32>
    %sub3A_1045 = arith.subf %sub3A_1044, %slice3A_1043 : vector<128x128xf32>
    %slice3A_1046 = vector.extract_strided_slice %get3A_11 {offsets = [0, 3712], sizes = [1, 128], strides = [1, 1]} : vector<1x8192xf32> to vector<1x128xf32>
    %add3A_1047 = vector.broadcast %slice3A_1046 : vector<1x128xf32> to vector<128x128xf32>
    %add3A_1048 = arith.addf %sub3A_1045, %add3A_1047 : vector<128x128xf32>
    %lt3A_1049 = arith.cmpf olt, %add3A_1048, %min3A_1039 : vector<128x128xf32>
    %min3A_1050 = arith.minimumf %min3A_1039, %add3A_1048 : vector<128x128xf32>
    %jit3A_1051 = arith.constant 2.900000e+01 : f32
    %broadcast_in_dim3A_1052 = vector.broadcast %jit3A_1051 : f32 to vector<128x128xf32>
    %select_n3A_1053 = arith.select %lt3A_1049, %broadcast_in_dim3A_1052, %select_n3A_1042 : vector<128x128xi1>, vector<128x128xf32>
    %slice3A_1054 = vector.extract_strided_slice %dot_general3A_8 {offsets = [128, 3840], sizes = [128, 128], strides = [1, 1]} : vector<512x8192xf32> to vector<128x128xf32>
    %sub3A_1055 = vector.broadcast %slice3A_726 : vector<128x1xf32> to vector<128x128xf32>
    %sub3A_1056 = arith.subf %sub3A_1055, %slice3A_1054 : vector<128x128xf32>
    %slice3A_1057 = vector.extract_strided_slice %get3A_11 {offsets = [0, 3840], sizes = [1, 128], strides = [1, 1]} : vector<1x8192xf32> to vector<1x128xf32>
    %add3A_1058 = vector.broadcast %slice3A_1057 : vector<1x128xf32> to vector<128x128xf32>
    %add3A_1059 = arith.addf %sub3A_1056, %add3A_1058 : vector<128x128xf32>
    %lt3A_1060 = arith.cmpf olt, %add3A_1059, %min3A_1050 : vector<128x128xf32>
    %min3A_1061 = arith.minimumf %min3A_1050, %add3A_1059 : vector<128x128xf32>
    %jit3A_1062 = arith.constant 3.000000e+01 : f32
    %broadcast_in_dim3A_1063 = vector.broadcast %jit3A_1062 : f32 to vector<128x128xf32>
    %select_n3A_1064 = arith.select %lt3A_1060, %broadcast_in_dim3A_1063, %select_n3A_1053 : vector<128x128xi1>, vector<128x128xf32>
    %slice3A_1065 = vector.extract_strided_slice %dot_general3A_8 {offsets = [128, 3968], sizes = [128, 128], strides = [1, 1]} : vector<512x8192xf32> to vector<128x128xf32>
    %sub3A_1066 = vector.broadcast %slice3A_726 : vector<128x1xf32> to vector<128x128xf32>
    %sub3A_1067 = arith.subf %sub3A_1066, %slice3A_1065 : vector<128x128xf32>
    %slice3A_1068 = vector.extract_strided_slice %get3A_11 {offsets = [0, 3968], sizes = [1, 128], strides = [1, 1]} : vector<1x8192xf32> to vector<1x128xf32>
    %add3A_1069 = vector.broadcast %slice3A_1068 : vector<1x128xf32> to vector<128x128xf32>
    %add3A_1070 = arith.addf %sub3A_1067, %add3A_1069 : vector<128x128xf32>
    %lt3A_1071 = arith.cmpf olt, %add3A_1070, %min3A_1061 : vector<128x128xf32>
    %min3A_1072 = arith.minimumf %min3A_1061, %add3A_1070 : vector<128x128xf32>
    %jit3A_1073 = arith.constant 3.100000e+01 : f32
    %broadcast_in_dim3A_1074 = vector.broadcast %jit3A_1073 : f32 to vector<128x128xf32>
    %select_n3A_1075 = arith.select %lt3A_1071, %broadcast_in_dim3A_1074, %select_n3A_1064 : vector<128x128xi1>, vector<128x128xf32>
    %slice3A_1076 = vector.extract_strided_slice %dot_general3A_8 {offsets = [128, 4096], sizes = [128, 128], strides = [1, 1]} : vector<512x8192xf32> to vector<128x128xf32>
    %sub3A_1077 = vector.broadcast %slice3A_726 : vector<128x1xf32> to vector<128x128xf32>
    %sub3A_1078 = arith.subf %sub3A_1077, %slice3A_1076 : vector<128x128xf32>
    %slice3A_1079 = vector.extract_strided_slice %get3A_11 {offsets = [0, 4096], sizes = [1, 128], strides = [1, 1]} : vector<1x8192xf32> to vector<1x128xf32>
    %add3A_1080 = vector.broadcast %slice3A_1079 : vector<1x128xf32> to vector<128x128xf32>
    %add3A_1081 = arith.addf %sub3A_1078, %add3A_1080 : vector<128x128xf32>
    %lt3A_1082 = arith.cmpf olt, %add3A_1081, %min3A_1072 : vector<128x128xf32>
    %min3A_1083 = arith.minimumf %min3A_1072, %add3A_1081 : vector<128x128xf32>
    %jit3A_1084 = arith.constant 3.200000e+01 : f32
    %broadcast_in_dim3A_1085 = vector.broadcast %jit3A_1084 : f32 to vector<128x128xf32>
    %select_n3A_1086 = arith.select %lt3A_1082, %broadcast_in_dim3A_1085, %select_n3A_1075 : vector<128x128xi1>, vector<128x128xf32>
    %slice3A_1087 = vector.extract_strided_slice %dot_general3A_8 {offsets = [128, 4224], sizes = [128, 128], strides = [1, 1]} : vector<512x8192xf32> to vector<128x128xf32>
    %sub3A_1088 = vector.broadcast %slice3A_726 : vector<128x1xf32> to vector<128x128xf32>
    %sub3A_1089 = arith.subf %sub3A_1088, %slice3A_1087 : vector<128x128xf32>
    %slice3A_1090 = vector.extract_strided_slice %get3A_11 {offsets = [0, 4224], sizes = [1, 128], strides = [1, 1]} : vector<1x8192xf32> to vector<1x128xf32>
    %add3A_1091 = vector.broadcast %slice3A_1090 : vector<1x128xf32> to vector<128x128xf32>
    %add3A_1092 = arith.addf %sub3A_1089, %add3A_1091 : vector<128x128xf32>
    %lt3A_1093 = arith.cmpf olt, %add3A_1092, %min3A_1083 : vector<128x128xf32>
    %min3A_1094 = arith.minimumf %min3A_1083, %add3A_1092 : vector<128x128xf32>
    %jit3A_1095 = arith.constant 3.300000e+01 : f32
    %broadcast_in_dim3A_1096 = vector.broadcast %jit3A_1095 : f32 to vector<128x128xf32>
    %select_n3A_1097 = arith.select %lt3A_1093, %broadcast_in_dim3A_1096, %select_n3A_1086 : vector<128x128xi1>, vector<128x128xf32>
    %slice3A_1098 = vector.extract_strided_slice %dot_general3A_8 {offsets = [128, 4352], sizes = [128, 128], strides = [1, 1]} : vector<512x8192xf32> to vector<128x128xf32>
    %sub3A_1099 = vector.broadcast %slice3A_726 : vector<128x1xf32> to vector<128x128xf32>
    %sub3A_1100 = arith.subf %sub3A_1099, %slice3A_1098 : vector<128x128xf32>
    %slice3A_1101 = vector.extract_strided_slice %get3A_11 {offsets = [0, 4352], sizes = [1, 128], strides = [1, 1]} : vector<1x8192xf32> to vector<1x128xf32>
    %add3A_1102 = vector.broadcast %slice3A_1101 : vector<1x128xf32> to vector<128x128xf32>
    %add3A_1103 = arith.addf %sub3A_1100, %add3A_1102 : vector<128x128xf32>
    %lt3A_1104 = arith.cmpf olt, %add3A_1103, %min3A_1094 : vector<128x128xf32>
    %min3A_1105 = arith.minimumf %min3A_1094, %add3A_1103 : vector<128x128xf32>
    %jit3A_1106 = arith.constant 3.400000e+01 : f32
    %broadcast_in_dim3A_1107 = vector.broadcast %jit3A_1106 : f32 to vector<128x128xf32>
    %select_n3A_1108 = arith.select %lt3A_1104, %broadcast_in_dim3A_1107, %select_n3A_1097 : vector<128x128xi1>, vector<128x128xf32>
    %slice3A_1109 = vector.extract_strided_slice %dot_general3A_8 {offsets = [128, 4480], sizes = [128, 128], strides = [1, 1]} : vector<512x8192xf32> to vector<128x128xf32>
    %sub3A_1110 = vector.broadcast %slice3A_726 : vector<128x1xf32> to vector<128x128xf32>
    %sub3A_1111 = arith.subf %sub3A_1110, %slice3A_1109 : vector<128x128xf32>
    %slice3A_1112 = vector.extract_strided_slice %get3A_11 {offsets = [0, 4480], sizes = [1, 128], strides = [1, 1]} : vector<1x8192xf32> to vector<1x128xf32>
    %add3A_1113 = vector.broadcast %slice3A_1112 : vector<1x128xf32> to vector<128x128xf32>
    %add3A_1114 = arith.addf %sub3A_1111, %add3A_1113 : vector<128x128xf32>
    %lt3A_1115 = arith.cmpf olt, %add3A_1114, %min3A_1105 : vector<128x128xf32>
    %min3A_1116 = arith.minimumf %min3A_1105, %add3A_1114 : vector<128x128xf32>
    %jit3A_1117 = arith.constant 3.500000e+01 : f32
    %broadcast_in_dim3A_1118 = vector.broadcast %jit3A_1117 : f32 to vector<128x128xf32>
    %select_n3A_1119 = arith.select %lt3A_1115, %broadcast_in_dim3A_1118, %select_n3A_1108 : vector<128x128xi1>, vector<128x128xf32>
    %slice3A_1120 = vector.extract_strided_slice %dot_general3A_8 {offsets = [128, 4608], sizes = [128, 128], strides = [1, 1]} : vector<512x8192xf32> to vector<128x128xf32>
    %sub3A_1121 = vector.broadcast %slice3A_726 : vector<128x1xf32> to vector<128x128xf32>
    %sub3A_1122 = arith.subf %sub3A_1121, %slice3A_1120 : vector<128x128xf32>
    %slice3A_1123 = vector.extract_strided_slice %get3A_11 {offsets = [0, 4608], sizes = [1, 128], strides = [1, 1]} : vector<1x8192xf32> to vector<1x128xf32>
    %add3A_1124 = vector.broadcast %slice3A_1123 : vector<1x128xf32> to vector<128x128xf32>
    %add3A_1125 = arith.addf %sub3A_1122, %add3A_1124 : vector<128x128xf32>
    %lt3A_1126 = arith.cmpf olt, %add3A_1125, %min3A_1116 : vector<128x128xf32>
    %min3A_1127 = arith.minimumf %min3A_1116, %add3A_1125 : vector<128x128xf32>
    %jit3A_1128 = arith.constant 3.600000e+01 : f32
    %broadcast_in_dim3A_1129 = vector.broadcast %jit3A_1128 : f32 to vector<128x128xf32>
    %select_n3A_1130 = arith.select %lt3A_1126, %broadcast_in_dim3A_1129, %select_n3A_1119 : vector<128x128xi1>, vector<128x128xf32>
    %slice3A_1131 = vector.extract_strided_slice %dot_general3A_8 {offsets = [128, 4736], sizes = [128, 128], strides = [1, 1]} : vector<512x8192xf32> to vector<128x128xf32>
    %sub3A_1132 = vector.broadcast %slice3A_726 : vector<128x1xf32> to vector<128x128xf32>
    %sub3A_1133 = arith.subf %sub3A_1132, %slice3A_1131 : vector<128x128xf32>
    %slice3A_1134 = vector.extract_strided_slice %get3A_11 {offsets = [0, 4736], sizes = [1, 128], strides = [1, 1]} : vector<1x8192xf32> to vector<1x128xf32>
    %add3A_1135 = vector.broadcast %slice3A_1134 : vector<1x128xf32> to vector<128x128xf32>
    %add3A_1136 = arith.addf %sub3A_1133, %add3A_1135 : vector<128x128xf32>
    %lt3A_1137 = arith.cmpf olt, %add3A_1136, %min3A_1127 : vector<128x128xf32>
    %min3A_1138 = arith.minimumf %min3A_1127, %add3A_1136 : vector<128x128xf32>
    %jit3A_1139 = arith.constant 3.700000e+01 : f32
    %broadcast_in_dim3A_1140 = vector.broadcast %jit3A_1139 : f32 to vector<128x128xf32>
    %select_n3A_1141 = arith.select %lt3A_1137, %broadcast_in_dim3A_1140, %select_n3A_1130 : vector<128x128xi1>, vector<128x128xf32>
    %slice3A_1142 = vector.extract_strided_slice %dot_general3A_8 {offsets = [128, 4864], sizes = [128, 128], strides = [1, 1]} : vector<512x8192xf32> to vector<128x128xf32>
    %sub3A_1143 = vector.broadcast %slice3A_726 : vector<128x1xf32> to vector<128x128xf32>
    %sub3A_1144 = arith.subf %sub3A_1143, %slice3A_1142 : vector<128x128xf32>
    %slice3A_1145 = vector.extract_strided_slice %get3A_11 {offsets = [0, 4864], sizes = [1, 128], strides = [1, 1]} : vector<1x8192xf32> to vector<1x128xf32>
    %add3A_1146 = vector.broadcast %slice3A_1145 : vector<1x128xf32> to vector<128x128xf32>
    %add3A_1147 = arith.addf %sub3A_1144, %add3A_1146 : vector<128x128xf32>
    %lt3A_1148 = arith.cmpf olt, %add3A_1147, %min3A_1138 : vector<128x128xf32>
    %min3A_1149 = arith.minimumf %min3A_1138, %add3A_1147 : vector<128x128xf32>
    %jit3A_1150 = arith.constant 3.800000e+01 : f32
    %broadcast_in_dim3A_1151 = vector.broadcast %jit3A_1150 : f32 to vector<128x128xf32>
    %select_n3A_1152 = arith.select %lt3A_1148, %broadcast_in_dim3A_1151, %select_n3A_1141 : vector<128x128xi1>, vector<128x128xf32>
    %slice3A_1153 = vector.extract_strided_slice %dot_general3A_8 {offsets = [128, 4992], sizes = [128, 128], strides = [1, 1]} : vector<512x8192xf32> to vector<128x128xf32>
    %sub3A_1154 = vector.broadcast %slice3A_726 : vector<128x1xf32> to vector<128x128xf32>
    %sub3A_1155 = arith.subf %sub3A_1154, %slice3A_1153 : vector<128x128xf32>
    %slice3A_1156 = vector.extract_strided_slice %get3A_11 {offsets = [0, 4992], sizes = [1, 128], strides = [1, 1]} : vector<1x8192xf32> to vector<1x128xf32>
    %add3A_1157 = vector.broadcast %slice3A_1156 : vector<1x128xf32> to vector<128x128xf32>
    %add3A_1158 = arith.addf %sub3A_1155, %add3A_1157 : vector<128x128xf32>
    %lt3A_1159 = arith.cmpf olt, %add3A_1158, %min3A_1149 : vector<128x128xf32>
    %min3A_1160 = arith.minimumf %min3A_1149, %add3A_1158 : vector<128x128xf32>
    %jit3A_1161 = arith.constant 3.900000e+01 : f32
    %broadcast_in_dim3A_1162 = vector.broadcast %jit3A_1161 : f32 to vector<128x128xf32>
    %select_n3A_1163 = arith.select %lt3A_1159, %broadcast_in_dim3A_1162, %select_n3A_1152 : vector<128x128xi1>, vector<128x128xf32>
    %slice3A_1164 = vector.extract_strided_slice %dot_general3A_8 {offsets = [128, 5120], sizes = [128, 128], strides = [1, 1]} : vector<512x8192xf32> to vector<128x128xf32>
    %sub3A_1165 = vector.broadcast %slice3A_726 : vector<128x1xf32> to vector<128x128xf32>
    %sub3A_1166 = arith.subf %sub3A_1165, %slice3A_1164 : vector<128x128xf32>
    %slice3A_1167 = vector.extract_strided_slice %get3A_11 {offsets = [0, 5120], sizes = [1, 128], strides = [1, 1]} : vector<1x8192xf32> to vector<1x128xf32>
    %add3A_1168 = vector.broadcast %slice3A_1167 : vector<1x128xf32> to vector<128x128xf32>
    %add3A_1169 = arith.addf %sub3A_1166, %add3A_1168 : vector<128x128xf32>
    %lt3A_1170 = arith.cmpf olt, %add3A_1169, %min3A_1160 : vector<128x128xf32>
    %min3A_1171 = arith.minimumf %min3A_1160, %add3A_1169 : vector<128x128xf32>
    %jit3A_1172 = arith.constant 4.000000e+01 : f32
    %broadcast_in_dim3A_1173 = vector.broadcast %jit3A_1172 : f32 to vector<128x128xf32>
    %select_n3A_1174 = arith.select %lt3A_1170, %broadcast_in_dim3A_1173, %select_n3A_1163 : vector<128x128xi1>, vector<128x128xf32>
    %slice3A_1175 = vector.extract_strided_slice %dot_general3A_8 {offsets = [128, 5248], sizes = [128, 128], strides = [1, 1]} : vector<512x8192xf32> to vector<128x128xf32>
    %sub3A_1176 = vector.broadcast %slice3A_726 : vector<128x1xf32> to vector<128x128xf32>
    %sub3A_1177 = arith.subf %sub3A_1176, %slice3A_1175 : vector<128x128xf32>
    %slice3A_1178 = vector.extract_strided_slice %get3A_11 {offsets = [0, 5248], sizes = [1, 128], strides = [1, 1]} : vector<1x8192xf32> to vector<1x128xf32>
    %add3A_1179 = vector.broadcast %slice3A_1178 : vector<1x128xf32> to vector<128x128xf32>
    %add3A_1180 = arith.addf %sub3A_1177, %add3A_1179 : vector<128x128xf32>
    %lt3A_1181 = arith.cmpf olt, %add3A_1180, %min3A_1171 : vector<128x128xf32>
    %min3A_1182 = arith.minimumf %min3A_1171, %add3A_1180 : vector<128x128xf32>
    %jit3A_1183 = arith.constant 4.100000e+01 : f32
    %broadcast_in_dim3A_1184 = vector.broadcast %jit3A_1183 : f32 to vector<128x128xf32>
    %select_n3A_1185 = arith.select %lt3A_1181, %broadcast_in_dim3A_1184, %select_n3A_1174 : vector<128x128xi1>, vector<128x128xf32>
    %slice3A_1186 = vector.extract_strided_slice %dot_general3A_8 {offsets = [128, 5376], sizes = [128, 128], strides = [1, 1]} : vector<512x8192xf32> to vector<128x128xf32>
    %sub3A_1187 = vector.broadcast %slice3A_726 : vector<128x1xf32> to vector<128x128xf32>
    %sub3A_1188 = arith.subf %sub3A_1187, %slice3A_1186 : vector<128x128xf32>
    %slice3A_1189 = vector.extract_strided_slice %get3A_11 {offsets = [0, 5376], sizes = [1, 128], strides = [1, 1]} : vector<1x8192xf32> to vector<1x128xf32>
    %add3A_1190 = vector.broadcast %slice3A_1189 : vector<1x128xf32> to vector<128x128xf32>
    %add3A_1191 = arith.addf %sub3A_1188, %add3A_1190 : vector<128x128xf32>
    %lt3A_1192 = arith.cmpf olt, %add3A_1191, %min3A_1182 : vector<128x128xf32>
    %min3A_1193 = arith.minimumf %min3A_1182, %add3A_1191 : vector<128x128xf32>
    %jit3A_1194 = arith.constant 4.200000e+01 : f32
    %broadcast_in_dim3A_1195 = vector.broadcast %jit3A_1194 : f32 to vector<128x128xf32>
    %select_n3A_1196 = arith.select %lt3A_1192, %broadcast_in_dim3A_1195, %select_n3A_1185 : vector<128x128xi1>, vector<128x128xf32>
    %slice3A_1197 = vector.extract_strided_slice %dot_general3A_8 {offsets = [128, 5504], sizes = [128, 128], strides = [1, 1]} : vector<512x8192xf32> to vector<128x128xf32>
    %sub3A_1198 = vector.broadcast %slice3A_726 : vector<128x1xf32> to vector<128x128xf32>
    %sub3A_1199 = arith.subf %sub3A_1198, %slice3A_1197 : vector<128x128xf32>
    %slice3A_1200 = vector.extract_strided_slice %get3A_11 {offsets = [0, 5504], sizes = [1, 128], strides = [1, 1]} : vector<1x8192xf32> to vector<1x128xf32>
    %add3A_1201 = vector.broadcast %slice3A_1200 : vector<1x128xf32> to vector<128x128xf32>
    %add3A_1202 = arith.addf %sub3A_1199, %add3A_1201 : vector<128x128xf32>
    %lt3A_1203 = arith.cmpf olt, %add3A_1202, %min3A_1193 : vector<128x128xf32>
    %min3A_1204 = arith.minimumf %min3A_1193, %add3A_1202 : vector<128x128xf32>
    %jit3A_1205 = arith.constant 4.300000e+01 : f32
    %broadcast_in_dim3A_1206 = vector.broadcast %jit3A_1205 : f32 to vector<128x128xf32>
    %select_n3A_1207 = arith.select %lt3A_1203, %broadcast_in_dim3A_1206, %select_n3A_1196 : vector<128x128xi1>, vector<128x128xf32>
    %slice3A_1208 = vector.extract_strided_slice %dot_general3A_8 {offsets = [128, 5632], sizes = [128, 128], strides = [1, 1]} : vector<512x8192xf32> to vector<128x128xf32>
    %sub3A_1209 = vector.broadcast %slice3A_726 : vector<128x1xf32> to vector<128x128xf32>
    %sub3A_1210 = arith.subf %sub3A_1209, %slice3A_1208 : vector<128x128xf32>
    %slice3A_1211 = vector.extract_strided_slice %get3A_11 {offsets = [0, 5632], sizes = [1, 128], strides = [1, 1]} : vector<1x8192xf32> to vector<1x128xf32>
    %add3A_1212 = vector.broadcast %slice3A_1211 : vector<1x128xf32> to vector<128x128xf32>
    %add3A_1213 = arith.addf %sub3A_1210, %add3A_1212 : vector<128x128xf32>
    %lt3A_1214 = arith.cmpf olt, %add3A_1213, %min3A_1204 : vector<128x128xf32>
    %min3A_1215 = arith.minimumf %min3A_1204, %add3A_1213 : vector<128x128xf32>
    %jit3A_1216 = arith.constant 4.400000e+01 : f32
    %broadcast_in_dim3A_1217 = vector.broadcast %jit3A_1216 : f32 to vector<128x128xf32>
    %select_n3A_1218 = arith.select %lt3A_1214, %broadcast_in_dim3A_1217, %select_n3A_1207 : vector<128x128xi1>, vector<128x128xf32>
    %slice3A_1219 = vector.extract_strided_slice %dot_general3A_8 {offsets = [128, 5760], sizes = [128, 128], strides = [1, 1]} : vector<512x8192xf32> to vector<128x128xf32>
    %sub3A_1220 = vector.broadcast %slice3A_726 : vector<128x1xf32> to vector<128x128xf32>
    %sub3A_1221 = arith.subf %sub3A_1220, %slice3A_1219 : vector<128x128xf32>
    %slice3A_1222 = vector.extract_strided_slice %get3A_11 {offsets = [0, 5760], sizes = [1, 128], strides = [1, 1]} : vector<1x8192xf32> to vector<1x128xf32>
    %add3A_1223 = vector.broadcast %slice3A_1222 : vector<1x128xf32> to vector<128x128xf32>
    %add3A_1224 = arith.addf %sub3A_1221, %add3A_1223 : vector<128x128xf32>
    %lt3A_1225 = arith.cmpf olt, %add3A_1224, %min3A_1215 : vector<128x128xf32>
    %min3A_1226 = arith.minimumf %min3A_1215, %add3A_1224 : vector<128x128xf32>
    %jit3A_1227 = arith.constant 4.500000e+01 : f32
    %broadcast_in_dim3A_1228 = vector.broadcast %jit3A_1227 : f32 to vector<128x128xf32>
    %select_n3A_1229 = arith.select %lt3A_1225, %broadcast_in_dim3A_1228, %select_n3A_1218 : vector<128x128xi1>, vector<128x128xf32>
    %slice3A_1230 = vector.extract_strided_slice %dot_general3A_8 {offsets = [128, 5888], sizes = [128, 128], strides = [1, 1]} : vector<512x8192xf32> to vector<128x128xf32>
    %sub3A_1231 = vector.broadcast %slice3A_726 : vector<128x1xf32> to vector<128x128xf32>
    %sub3A_1232 = arith.subf %sub3A_1231, %slice3A_1230 : vector<128x128xf32>
    %slice3A_1233 = vector.extract_strided_slice %get3A_11 {offsets = [0, 5888], sizes = [1, 128], strides = [1, 1]} : vector<1x8192xf32> to vector<1x128xf32>
    %add3A_1234 = vector.broadcast %slice3A_1233 : vector<1x128xf32> to vector<128x128xf32>
    %add3A_1235 = arith.addf %sub3A_1232, %add3A_1234 : vector<128x128xf32>
    %lt3A_1236 = arith.cmpf olt, %add3A_1235, %min3A_1226 : vector<128x128xf32>
    %min3A_1237 = arith.minimumf %min3A_1226, %add3A_1235 : vector<128x128xf32>
    %jit3A_1238 = arith.constant 4.600000e+01 : f32
    %broadcast_in_dim3A_1239 = vector.broadcast %jit3A_1238 : f32 to vector<128x128xf32>
    %select_n3A_1240 = arith.select %lt3A_1236, %broadcast_in_dim3A_1239, %select_n3A_1229 : vector<128x128xi1>, vector<128x128xf32>
    %slice3A_1241 = vector.extract_strided_slice %dot_general3A_8 {offsets = [128, 6016], sizes = [128, 128], strides = [1, 1]} : vector<512x8192xf32> to vector<128x128xf32>
    %sub3A_1242 = vector.broadcast %slice3A_726 : vector<128x1xf32> to vector<128x128xf32>
    %sub3A_1243 = arith.subf %sub3A_1242, %slice3A_1241 : vector<128x128xf32>
    %slice3A_1244 = vector.extract_strided_slice %get3A_11 {offsets = [0, 6016], sizes = [1, 128], strides = [1, 1]} : vector<1x8192xf32> to vector<1x128xf32>
    %add3A_1245 = vector.broadcast %slice3A_1244 : vector<1x128xf32> to vector<128x128xf32>
    %add3A_1246 = arith.addf %sub3A_1243, %add3A_1245 : vector<128x128xf32>
    %lt3A_1247 = arith.cmpf olt, %add3A_1246, %min3A_1237 : vector<128x128xf32>
    %min3A_1248 = arith.minimumf %min3A_1237, %add3A_1246 : vector<128x128xf32>
    %jit3A_1249 = arith.constant 4.700000e+01 : f32
    %broadcast_in_dim3A_1250 = vector.broadcast %jit3A_1249 : f32 to vector<128x128xf32>
    %select_n3A_1251 = arith.select %lt3A_1247, %broadcast_in_dim3A_1250, %select_n3A_1240 : vector<128x128xi1>, vector<128x128xf32>
    %slice3A_1252 = vector.extract_strided_slice %dot_general3A_8 {offsets = [128, 6144], sizes = [128, 128], strides = [1, 1]} : vector<512x8192xf32> to vector<128x128xf32>
    %sub3A_1253 = vector.broadcast %slice3A_726 : vector<128x1xf32> to vector<128x128xf32>
    %sub3A_1254 = arith.subf %sub3A_1253, %slice3A_1252 : vector<128x128xf32>
    %slice3A_1255 = vector.extract_strided_slice %get3A_11 {offsets = [0, 6144], sizes = [1, 128], strides = [1, 1]} : vector<1x8192xf32> to vector<1x128xf32>
    %add3A_1256 = vector.broadcast %slice3A_1255 : vector<1x128xf32> to vector<128x128xf32>
    %add3A_1257 = arith.addf %sub3A_1254, %add3A_1256 : vector<128x128xf32>
    %lt3A_1258 = arith.cmpf olt, %add3A_1257, %min3A_1248 : vector<128x128xf32>
    %min3A_1259 = arith.minimumf %min3A_1248, %add3A_1257 : vector<128x128xf32>
    %jit3A_1260 = arith.constant 4.800000e+01 : f32
    %broadcast_in_dim3A_1261 = vector.broadcast %jit3A_1260 : f32 to vector<128x128xf32>
    %select_n3A_1262 = arith.select %lt3A_1258, %broadcast_in_dim3A_1261, %select_n3A_1251 : vector<128x128xi1>, vector<128x128xf32>
    %slice3A_1263 = vector.extract_strided_slice %dot_general3A_8 {offsets = [128, 6272], sizes = [128, 128], strides = [1, 1]} : vector<512x8192xf32> to vector<128x128xf32>
    %sub3A_1264 = vector.broadcast %slice3A_726 : vector<128x1xf32> to vector<128x128xf32>
    %sub3A_1265 = arith.subf %sub3A_1264, %slice3A_1263 : vector<128x128xf32>
    %slice3A_1266 = vector.extract_strided_slice %get3A_11 {offsets = [0, 6272], sizes = [1, 128], strides = [1, 1]} : vector<1x8192xf32> to vector<1x128xf32>
    %add3A_1267 = vector.broadcast %slice3A_1266 : vector<1x128xf32> to vector<128x128xf32>
    %add3A_1268 = arith.addf %sub3A_1265, %add3A_1267 : vector<128x128xf32>
    %lt3A_1269 = arith.cmpf olt, %add3A_1268, %min3A_1259 : vector<128x128xf32>
    %min3A_1270 = arith.minimumf %min3A_1259, %add3A_1268 : vector<128x128xf32>
    %jit3A_1271 = arith.constant 4.900000e+01 : f32
    %broadcast_in_dim3A_1272 = vector.broadcast %jit3A_1271 : f32 to vector<128x128xf32>
    %select_n3A_1273 = arith.select %lt3A_1269, %broadcast_in_dim3A_1272, %select_n3A_1262 : vector<128x128xi1>, vector<128x128xf32>
    %slice3A_1274 = vector.extract_strided_slice %dot_general3A_8 {offsets = [128, 6400], sizes = [128, 128], strides = [1, 1]} : vector<512x8192xf32> to vector<128x128xf32>
    %sub3A_1275 = vector.broadcast %slice3A_726 : vector<128x1xf32> to vector<128x128xf32>
    %sub3A_1276 = arith.subf %sub3A_1275, %slice3A_1274 : vector<128x128xf32>
    %slice3A_1277 = vector.extract_strided_slice %get3A_11 {offsets = [0, 6400], sizes = [1, 128], strides = [1, 1]} : vector<1x8192xf32> to vector<1x128xf32>
    %add3A_1278 = vector.broadcast %slice3A_1277 : vector<1x128xf32> to vector<128x128xf32>
    %add3A_1279 = arith.addf %sub3A_1276, %add3A_1278 : vector<128x128xf32>
    %lt3A_1280 = arith.cmpf olt, %add3A_1279, %min3A_1270 : vector<128x128xf32>
    %min3A_1281 = arith.minimumf %min3A_1270, %add3A_1279 : vector<128x128xf32>
    %jit3A_1282 = arith.constant 5.000000e+01 : f32
    %broadcast_in_dim3A_1283 = vector.broadcast %jit3A_1282 : f32 to vector<128x128xf32>
    %select_n3A_1284 = arith.select %lt3A_1280, %broadcast_in_dim3A_1283, %select_n3A_1273 : vector<128x128xi1>, vector<128x128xf32>
    %slice3A_1285 = vector.extract_strided_slice %dot_general3A_8 {offsets = [128, 6528], sizes = [128, 128], strides = [1, 1]} : vector<512x8192xf32> to vector<128x128xf32>
    %sub3A_1286 = vector.broadcast %slice3A_726 : vector<128x1xf32> to vector<128x128xf32>
    %sub3A_1287 = arith.subf %sub3A_1286, %slice3A_1285 : vector<128x128xf32>
    %slice3A_1288 = vector.extract_strided_slice %get3A_11 {offsets = [0, 6528], sizes = [1, 128], strides = [1, 1]} : vector<1x8192xf32> to vector<1x128xf32>
    %add3A_1289 = vector.broadcast %slice3A_1288 : vector<1x128xf32> to vector<128x128xf32>
    %add3A_1290 = arith.addf %sub3A_1287, %add3A_1289 : vector<128x128xf32>
    %lt3A_1291 = arith.cmpf olt, %add3A_1290, %min3A_1281 : vector<128x128xf32>
    %min3A_1292 = arith.minimumf %min3A_1281, %add3A_1290 : vector<128x128xf32>
    %jit3A_1293 = arith.constant 5.100000e+01 : f32
    %broadcast_in_dim3A_1294 = vector.broadcast %jit3A_1293 : f32 to vector<128x128xf32>
    %select_n3A_1295 = arith.select %lt3A_1291, %broadcast_in_dim3A_1294, %select_n3A_1284 : vector<128x128xi1>, vector<128x128xf32>
    %slice3A_1296 = vector.extract_strided_slice %dot_general3A_8 {offsets = [128, 6656], sizes = [128, 128], strides = [1, 1]} : vector<512x8192xf32> to vector<128x128xf32>
    %sub3A_1297 = vector.broadcast %slice3A_726 : vector<128x1xf32> to vector<128x128xf32>
    %sub3A_1298 = arith.subf %sub3A_1297, %slice3A_1296 : vector<128x128xf32>
    %slice3A_1299 = vector.extract_strided_slice %get3A_11 {offsets = [0, 6656], sizes = [1, 128], strides = [1, 1]} : vector<1x8192xf32> to vector<1x128xf32>
    %add3A_1300 = vector.broadcast %slice3A_1299 : vector<1x128xf32> to vector<128x128xf32>
    %add3A_1301 = arith.addf %sub3A_1298, %add3A_1300 : vector<128x128xf32>
    %lt3A_1302 = arith.cmpf olt, %add3A_1301, %min3A_1292 : vector<128x128xf32>
    %min3A_1303 = arith.minimumf %min3A_1292, %add3A_1301 : vector<128x128xf32>
    %jit3A_1304 = arith.constant 5.200000e+01 : f32
    %broadcast_in_dim3A_1305 = vector.broadcast %jit3A_1304 : f32 to vector<128x128xf32>
    %select_n3A_1306 = arith.select %lt3A_1302, %broadcast_in_dim3A_1305, %select_n3A_1295 : vector<128x128xi1>, vector<128x128xf32>
    %slice3A_1307 = vector.extract_strided_slice %dot_general3A_8 {offsets = [128, 6784], sizes = [128, 128], strides = [1, 1]} : vector<512x8192xf32> to vector<128x128xf32>
    %sub3A_1308 = vector.broadcast %slice3A_726 : vector<128x1xf32> to vector<128x128xf32>
    %sub3A_1309 = arith.subf %sub3A_1308, %slice3A_1307 : vector<128x128xf32>
    %slice3A_1310 = vector.extract_strided_slice %get3A_11 {offsets = [0, 6784], sizes = [1, 128], strides = [1, 1]} : vector<1x8192xf32> to vector<1x128xf32>
    %add3A_1311 = vector.broadcast %slice3A_1310 : vector<1x128xf32> to vector<128x128xf32>
    %add3A_1312 = arith.addf %sub3A_1309, %add3A_1311 : vector<128x128xf32>
    %lt3A_1313 = arith.cmpf olt, %add3A_1312, %min3A_1303 : vector<128x128xf32>
    %min3A_1314 = arith.minimumf %min3A_1303, %add3A_1312 : vector<128x128xf32>
    %jit3A_1315 = arith.constant 5.300000e+01 : f32
    %broadcast_in_dim3A_1316 = vector.broadcast %jit3A_1315 : f32 to vector<128x128xf32>
    %select_n3A_1317 = arith.select %lt3A_1313, %broadcast_in_dim3A_1316, %select_n3A_1306 : vector<128x128xi1>, vector<128x128xf32>
    %slice3A_1318 = vector.extract_strided_slice %dot_general3A_8 {offsets = [128, 6912], sizes = [128, 128], strides = [1, 1]} : vector<512x8192xf32> to vector<128x128xf32>
    %sub3A_1319 = vector.broadcast %slice3A_726 : vector<128x1xf32> to vector<128x128xf32>
    %sub3A_1320 = arith.subf %sub3A_1319, %slice3A_1318 : vector<128x128xf32>
    %slice3A_1321 = vector.extract_strided_slice %get3A_11 {offsets = [0, 6912], sizes = [1, 128], strides = [1, 1]} : vector<1x8192xf32> to vector<1x128xf32>
    %add3A_1322 = vector.broadcast %slice3A_1321 : vector<1x128xf32> to vector<128x128xf32>
    %add3A_1323 = arith.addf %sub3A_1320, %add3A_1322 : vector<128x128xf32>
    %lt3A_1324 = arith.cmpf olt, %add3A_1323, %min3A_1314 : vector<128x128xf32>
    %min3A_1325 = arith.minimumf %min3A_1314, %add3A_1323 : vector<128x128xf32>
    %jit3A_1326 = arith.constant 5.400000e+01 : f32
    %broadcast_in_dim3A_1327 = vector.broadcast %jit3A_1326 : f32 to vector<128x128xf32>
    %select_n3A_1328 = arith.select %lt3A_1324, %broadcast_in_dim3A_1327, %select_n3A_1317 : vector<128x128xi1>, vector<128x128xf32>
    %slice3A_1329 = vector.extract_strided_slice %dot_general3A_8 {offsets = [128, 7040], sizes = [128, 128], strides = [1, 1]} : vector<512x8192xf32> to vector<128x128xf32>
    %sub3A_1330 = vector.broadcast %slice3A_726 : vector<128x1xf32> to vector<128x128xf32>
    %sub3A_1331 = arith.subf %sub3A_1330, %slice3A_1329 : vector<128x128xf32>
    %slice3A_1332 = vector.extract_strided_slice %get3A_11 {offsets = [0, 7040], sizes = [1, 128], strides = [1, 1]} : vector<1x8192xf32> to vector<1x128xf32>
    %add3A_1333 = vector.broadcast %slice3A_1332 : vector<1x128xf32> to vector<128x128xf32>
    %add3A_1334 = arith.addf %sub3A_1331, %add3A_1333 : vector<128x128xf32>
    %lt3A_1335 = arith.cmpf olt, %add3A_1334, %min3A_1325 : vector<128x128xf32>
    %min3A_1336 = arith.minimumf %min3A_1325, %add3A_1334 : vector<128x128xf32>
    %jit3A_1337 = arith.constant 5.500000e+01 : f32
    %broadcast_in_dim3A_1338 = vector.broadcast %jit3A_1337 : f32 to vector<128x128xf32>
    %select_n3A_1339 = arith.select %lt3A_1335, %broadcast_in_dim3A_1338, %select_n3A_1328 : vector<128x128xi1>, vector<128x128xf32>
    %slice3A_1340 = vector.extract_strided_slice %dot_general3A_8 {offsets = [128, 7168], sizes = [128, 128], strides = [1, 1]} : vector<512x8192xf32> to vector<128x128xf32>
    %sub3A_1341 = vector.broadcast %slice3A_726 : vector<128x1xf32> to vector<128x128xf32>
    %sub3A_1342 = arith.subf %sub3A_1341, %slice3A_1340 : vector<128x128xf32>
    %slice3A_1343 = vector.extract_strided_slice %get3A_11 {offsets = [0, 7168], sizes = [1, 128], strides = [1, 1]} : vector<1x8192xf32> to vector<1x128xf32>
    %add3A_1344 = vector.broadcast %slice3A_1343 : vector<1x128xf32> to vector<128x128xf32>
    %add3A_1345 = arith.addf %sub3A_1342, %add3A_1344 : vector<128x128xf32>
    %lt3A_1346 = arith.cmpf olt, %add3A_1345, %min3A_1336 : vector<128x128xf32>
    %min3A_1347 = arith.minimumf %min3A_1336, %add3A_1345 : vector<128x128xf32>
    %jit3A_1348 = arith.constant 5.600000e+01 : f32
    %broadcast_in_dim3A_1349 = vector.broadcast %jit3A_1348 : f32 to vector<128x128xf32>
    %select_n3A_1350 = arith.select %lt3A_1346, %broadcast_in_dim3A_1349, %select_n3A_1339 : vector<128x128xi1>, vector<128x128xf32>
    %slice3A_1351 = vector.extract_strided_slice %dot_general3A_8 {offsets = [128, 7296], sizes = [128, 128], strides = [1, 1]} : vector<512x8192xf32> to vector<128x128xf32>
    %sub3A_1352 = vector.broadcast %slice3A_726 : vector<128x1xf32> to vector<128x128xf32>
    %sub3A_1353 = arith.subf %sub3A_1352, %slice3A_1351 : vector<128x128xf32>
    %slice3A_1354 = vector.extract_strided_slice %get3A_11 {offsets = [0, 7296], sizes = [1, 128], strides = [1, 1]} : vector<1x8192xf32> to vector<1x128xf32>
    %add3A_1355 = vector.broadcast %slice3A_1354 : vector<1x128xf32> to vector<128x128xf32>
    %add3A_1356 = arith.addf %sub3A_1353, %add3A_1355 : vector<128x128xf32>
    %lt3A_1357 = arith.cmpf olt, %add3A_1356, %min3A_1347 : vector<128x128xf32>
    %min3A_1358 = arith.minimumf %min3A_1347, %add3A_1356 : vector<128x128xf32>
    %jit3A_1359 = arith.constant 5.700000e+01 : f32
    %broadcast_in_dim3A_1360 = vector.broadcast %jit3A_1359 : f32 to vector<128x128xf32>
    %select_n3A_1361 = arith.select %lt3A_1357, %broadcast_in_dim3A_1360, %select_n3A_1350 : vector<128x128xi1>, vector<128x128xf32>
    %slice3A_1362 = vector.extract_strided_slice %dot_general3A_8 {offsets = [128, 7424], sizes = [128, 128], strides = [1, 1]} : vector<512x8192xf32> to vector<128x128xf32>
    %sub3A_1363 = vector.broadcast %slice3A_726 : vector<128x1xf32> to vector<128x128xf32>
    %sub3A_1364 = arith.subf %sub3A_1363, %slice3A_1362 : vector<128x128xf32>
    %slice3A_1365 = vector.extract_strided_slice %get3A_11 {offsets = [0, 7424], sizes = [1, 128], strides = [1, 1]} : vector<1x8192xf32> to vector<1x128xf32>
    %add3A_1366 = vector.broadcast %slice3A_1365 : vector<1x128xf32> to vector<128x128xf32>
    %add3A_1367 = arith.addf %sub3A_1364, %add3A_1366 : vector<128x128xf32>
    %lt3A_1368 = arith.cmpf olt, %add3A_1367, %min3A_1358 : vector<128x128xf32>
    %min3A_1369 = arith.minimumf %min3A_1358, %add3A_1367 : vector<128x128xf32>
    %jit3A_1370 = arith.constant 5.800000e+01 : f32
    %broadcast_in_dim3A_1371 = vector.broadcast %jit3A_1370 : f32 to vector<128x128xf32>
    %select_n3A_1372 = arith.select %lt3A_1368, %broadcast_in_dim3A_1371, %select_n3A_1361 : vector<128x128xi1>, vector<128x128xf32>
    %slice3A_1373 = vector.extract_strided_slice %dot_general3A_8 {offsets = [128, 7552], sizes = [128, 128], strides = [1, 1]} : vector<512x8192xf32> to vector<128x128xf32>
    %sub3A_1374 = vector.broadcast %slice3A_726 : vector<128x1xf32> to vector<128x128xf32>
    %sub3A_1375 = arith.subf %sub3A_1374, %slice3A_1373 : vector<128x128xf32>
    %slice3A_1376 = vector.extract_strided_slice %get3A_11 {offsets = [0, 7552], sizes = [1, 128], strides = [1, 1]} : vector<1x8192xf32> to vector<1x128xf32>
    %add3A_1377 = vector.broadcast %slice3A_1376 : vector<1x128xf32> to vector<128x128xf32>
    %add3A_1378 = arith.addf %sub3A_1375, %add3A_1377 : vector<128x128xf32>
    %lt3A_1379 = arith.cmpf olt, %add3A_1378, %min3A_1369 : vector<128x128xf32>
    %min3A_1380 = arith.minimumf %min3A_1369, %add3A_1378 : vector<128x128xf32>
    %jit3A_1381 = arith.constant 5.900000e+01 : f32
    %broadcast_in_dim3A_1382 = vector.broadcast %jit3A_1381 : f32 to vector<128x128xf32>
    %select_n3A_1383 = arith.select %lt3A_1379, %broadcast_in_dim3A_1382, %select_n3A_1372 : vector<128x128xi1>, vector<128x128xf32>
    %slice3A_1384 = vector.extract_strided_slice %dot_general3A_8 {offsets = [128, 7680], sizes = [128, 128], strides = [1, 1]} : vector<512x8192xf32> to vector<128x128xf32>
    %sub3A_1385 = vector.broadcast %slice3A_726 : vector<128x1xf32> to vector<128x128xf32>
    %sub3A_1386 = arith.subf %sub3A_1385, %slice3A_1384 : vector<128x128xf32>
    %slice3A_1387 = vector.extract_strided_slice %get3A_11 {offsets = [0, 7680], sizes = [1, 128], strides = [1, 1]} : vector<1x8192xf32> to vector<1x128xf32>
    %add3A_1388 = vector.broadcast %slice3A_1387 : vector<1x128xf32> to vector<128x128xf32>
    %add3A_1389 = arith.addf %sub3A_1386, %add3A_1388 : vector<128x128xf32>
    %lt3A_1390 = arith.cmpf olt, %add3A_1389, %min3A_1380 : vector<128x128xf32>
    %min3A_1391 = arith.minimumf %min3A_1380, %add3A_1389 : vector<128x128xf32>
    %jit3A_1392 = arith.constant 6.000000e+01 : f32
    %broadcast_in_dim3A_1393 = vector.broadcast %jit3A_1392 : f32 to vector<128x128xf32>
    %select_n3A_1394 = arith.select %lt3A_1390, %broadcast_in_dim3A_1393, %select_n3A_1383 : vector<128x128xi1>, vector<128x128xf32>
    %slice3A_1395 = vector.extract_strided_slice %dot_general3A_8 {offsets = [128, 7808], sizes = [128, 128], strides = [1, 1]} : vector<512x8192xf32> to vector<128x128xf32>
    %sub3A_1396 = vector.broadcast %slice3A_726 : vector<128x1xf32> to vector<128x128xf32>
    %sub3A_1397 = arith.subf %sub3A_1396, %slice3A_1395 : vector<128x128xf32>
    %slice3A_1398 = vector.extract_strided_slice %get3A_11 {offsets = [0, 7808], sizes = [1, 128], strides = [1, 1]} : vector<1x8192xf32> to vector<1x128xf32>
    %add3A_1399 = vector.broadcast %slice3A_1398 : vector<1x128xf32> to vector<128x128xf32>
    %add3A_1400 = arith.addf %sub3A_1397, %add3A_1399 : vector<128x128xf32>
    %lt3A_1401 = arith.cmpf olt, %add3A_1400, %min3A_1391 : vector<128x128xf32>
    %min3A_1402 = arith.minimumf %min3A_1391, %add3A_1400 : vector<128x128xf32>
    %jit3A_1403 = arith.constant 6.100000e+01 : f32
    %broadcast_in_dim3A_1404 = vector.broadcast %jit3A_1403 : f32 to vector<128x128xf32>
    %select_n3A_1405 = arith.select %lt3A_1401, %broadcast_in_dim3A_1404, %select_n3A_1394 : vector<128x128xi1>, vector<128x128xf32>
    %slice3A_1406 = vector.extract_strided_slice %dot_general3A_8 {offsets = [128, 7936], sizes = [128, 128], strides = [1, 1]} : vector<512x8192xf32> to vector<128x128xf32>
    %sub3A_1407 = vector.broadcast %slice3A_726 : vector<128x1xf32> to vector<128x128xf32>
    %sub3A_1408 = arith.subf %sub3A_1407, %slice3A_1406 : vector<128x128xf32>
    %slice3A_1409 = vector.extract_strided_slice %get3A_11 {offsets = [0, 7936], sizes = [1, 128], strides = [1, 1]} : vector<1x8192xf32> to vector<1x128xf32>
    %add3A_1410 = vector.broadcast %slice3A_1409 : vector<1x128xf32> to vector<128x128xf32>
    %add3A_1411 = arith.addf %sub3A_1408, %add3A_1410 : vector<128x128xf32>
    %lt3A_1412 = arith.cmpf olt, %add3A_1411, %min3A_1402 : vector<128x128xf32>
    %min3A_1413 = arith.minimumf %min3A_1402, %add3A_1411 : vector<128x128xf32>
    %jit3A_1414 = arith.constant 6.200000e+01 : f32
    %broadcast_in_dim3A_1415 = vector.broadcast %jit3A_1414 : f32 to vector<128x128xf32>
    %select_n3A_1416 = arith.select %lt3A_1412, %broadcast_in_dim3A_1415, %select_n3A_1405 : vector<128x128xi1>, vector<128x128xf32>
    %slice3A_1417 = vector.extract_strided_slice %dot_general3A_8 {offsets = [128, 8064], sizes = [128, 128], strides = [1, 1]} : vector<512x8192xf32> to vector<128x128xf32>
    %sub3A_1418 = vector.broadcast %slice3A_726 : vector<128x1xf32> to vector<128x128xf32>
    %sub3A_1419 = arith.subf %sub3A_1418, %slice3A_1417 : vector<128x128xf32>
    %slice3A_1420 = vector.extract_strided_slice %get3A_11 {offsets = [0, 8064], sizes = [1, 128], strides = [1, 1]} : vector<1x8192xf32> to vector<1x128xf32>
    %add3A_1421 = vector.broadcast %slice3A_1420 : vector<1x128xf32> to vector<128x128xf32>
    %add3A_1422 = arith.addf %sub3A_1419, %add3A_1421 : vector<128x128xf32>
    %lt3A_1423 = arith.cmpf olt, %add3A_1422, %min3A_1413 : vector<128x128xf32>
    %min3A_1424 = arith.minimumf %min3A_1413, %add3A_1422 : vector<128x128xf32>
    %jit3A_1425 = arith.constant 6.300000e+01 : f32
    %broadcast_in_dim3A_1426 = vector.broadcast %jit3A_1425 : f32 to vector<128x128xf32>
    %select_n3A_1427 = arith.select %lt3A_1423, %broadcast_in_dim3A_1426, %select_n3A_1416 : vector<128x128xi1>, vector<128x128xf32>
    %eq3A_1428 = arith.cmpf oeq, %min3A_1424, %min3A_1424 : vector<128x128xf32>
    %jit3A_1429 = arith.constant 8.192000e+03 : f32
    %broadcast_in_dim3A_1430 = vector.broadcast %jit3A_1429 : f32 to vector<128x128xf32>
    %select_n3A_1431 = arith.select %eq3A_1428, %select_n3A_1427, %broadcast_in_dim3A_1430 : vector<128x128xi1>, vector<128x128xf32>
    %reduce_min3A_1432 = arith.constant dense<0x7F800000> : vector<128xf32>
    %reduce_min3A_1433 = vector.multi_reduction <minimumf>, %min3A_1424, %reduce_min3A_1432 [1] : vector<128x128xf32> to vector<128xf32>
    %broadcast_in_dim3A_1434 = vector.shape_cast %reduce_min3A_1433 : vector<128xf32> to vector<128x1xf32>
    %iota3A_1435 = tpu.iota {dimensions = array<i32: 1>} : vector<128x128xi32>
    %convert_element_type3A_1436 = arith.sitofp %iota3A_1435 : vector<128x128xi32> to vector<128x128xf32>
    %mul3A_1437 = arith.constant 1.280000e+02 : f32
    %mul3A_1438 = vector.broadcast %mul3A_1437 : f32 to vector<128x128xf32>
    %mul3A_1439 = arith.mulf %select_n3A_1431, %mul3A_1438 : vector<128x128xf32>
    %add3A_1440 = arith.addf %mul3A_1439, %convert_element_type3A_1436 : vector<128x128xf32>
    %eq3A_1441 = vector.broadcast %broadcast_in_dim3A_1434 : vector<128x1xf32> to vector<128x128xf32>
    %eq3A_1442 = arith.cmpf oeq, %min3A_1424, %eq3A_1441 : vector<128x128xf32>
    %jit3A_1443 = arith.constant 8.192000e+03 : f32
    %broadcast_in_dim3A_1444 = vector.broadcast %jit3A_1443 : f32 to vector<128x128xf32>
    %select_n3A_1445 = arith.select %eq3A_1442, %add3A_1440, %broadcast_in_dim3A_1444 : vector<128x128xi1>, vector<128x128xf32>
    %reduce_min3A_1446 = arith.constant dense<0x7F800000> : vector<128xf32>
    %reduce_min3A_1447 = vector.multi_reduction <minimumf>, %select_n3A_1445, %reduce_min3A_1446 [1] : vector<128x128xf32> to vector<128xf32>
    %slice3A_1448 = vector.extract_strided_slice %broadcast_in_dim3A {offsets = [256, 0], sizes = [128, 1], strides = [1, 1]} : vector<512x1xf32> to vector<128x1xf32>
    %slice3A_1449 = vector.extract_strided_slice %dot_general3A_8 {offsets = [256, 0], sizes = [128, 128], strides = [1, 1]} : vector<512x8192xf32> to vector<128x128xf32>
    %sub3A_1450 = vector.broadcast %slice3A_1448 : vector<128x1xf32> to vector<128x128xf32>
    %sub3A_1451 = arith.subf %sub3A_1450, %slice3A_1449 : vector<128x128xf32>
    %slice3A_1452 = vector.extract_strided_slice %get3A_11 {offsets = [0, 0], sizes = [1, 128], strides = [1, 1]} : vector<1x8192xf32> to vector<1x128xf32>
    %add3A_1453 = vector.broadcast %slice3A_1452 : vector<1x128xf32> to vector<128x128xf32>
    %add3A_1454 = arith.addf %sub3A_1451, %add3A_1453 : vector<128x128xf32>
    %broadcast_in_dim3A_1455 = arith.constant 0.000000e+00 : f32
    %broadcast_in_dim3A_1456 = vector.broadcast %broadcast_in_dim3A_1455 : f32 to vector<128x128xf32>
    %slice3A_1457 = vector.extract_strided_slice %dot_general3A_8 {offsets = [256, 128], sizes = [128, 128], strides = [1, 1]} : vector<512x8192xf32> to vector<128x128xf32>
    %sub3A_1458 = vector.broadcast %slice3A_1448 : vector<128x1xf32> to vector<128x128xf32>
    %sub3A_1459 = arith.subf %sub3A_1458, %slice3A_1457 : vector<128x128xf32>
    %slice3A_1460 = vector.extract_strided_slice %get3A_11 {offsets = [0, 128], sizes = [1, 128], strides = [1, 1]} : vector<1x8192xf32> to vector<1x128xf32>
    %add3A_1461 = vector.broadcast %slice3A_1460 : vector<1x128xf32> to vector<128x128xf32>
    %add3A_1462 = arith.addf %sub3A_1459, %add3A_1461 : vector<128x128xf32>
    %lt3A_1463 = arith.cmpf olt, %add3A_1462, %add3A_1454 : vector<128x128xf32>
    %min3A_1464 = arith.minimumf %add3A_1454, %add3A_1462 : vector<128x128xf32>
    %jit3A_1465 = arith.constant 1.000000e+00 : f32
    %broadcast_in_dim3A_1466 = vector.broadcast %jit3A_1465 : f32 to vector<128x128xf32>
    %select_n3A_1467 = arith.select %lt3A_1463, %broadcast_in_dim3A_1466, %broadcast_in_dim3A_1456 : vector<128x128xi1>, vector<128x128xf32>
    %slice3A_1468 = vector.extract_strided_slice %dot_general3A_8 {offsets = [256, 256], sizes = [128, 128], strides = [1, 1]} : vector<512x8192xf32> to vector<128x128xf32>
    %sub3A_1469 = vector.broadcast %slice3A_1448 : vector<128x1xf32> to vector<128x128xf32>
    %sub3A_1470 = arith.subf %sub3A_1469, %slice3A_1468 : vector<128x128xf32>
    %slice3A_1471 = vector.extract_strided_slice %get3A_11 {offsets = [0, 256], sizes = [1, 128], strides = [1, 1]} : vector<1x8192xf32> to vector<1x128xf32>
    %add3A_1472 = vector.broadcast %slice3A_1471 : vector<1x128xf32> to vector<128x128xf32>
    %add3A_1473 = arith.addf %sub3A_1470, %add3A_1472 : vector<128x128xf32>
    %lt3A_1474 = arith.cmpf olt, %add3A_1473, %min3A_1464 : vector<128x128xf32>
    %min3A_1475 = arith.minimumf %min3A_1464, %add3A_1473 : vector<128x128xf32>
    %jit3A_1476 = arith.constant 2.000000e+00 : f32
    %broadcast_in_dim3A_1477 = vector.broadcast %jit3A_1476 : f32 to vector<128x128xf32>
    %select_n3A_1478 = arith.select %lt3A_1474, %broadcast_in_dim3A_1477, %select_n3A_1467 : vector<128x128xi1>, vector<128x128xf32>
    %slice3A_1479 = vector.extract_strided_slice %dot_general3A_8 {offsets = [256, 384], sizes = [128, 128], strides = [1, 1]} : vector<512x8192xf32> to vector<128x128xf32>
    %sub3A_1480 = vector.broadcast %slice3A_1448 : vector<128x1xf32> to vector<128x128xf32>
    %sub3A_1481 = arith.subf %sub3A_1480, %slice3A_1479 : vector<128x128xf32>
    %slice3A_1482 = vector.extract_strided_slice %get3A_11 {offsets = [0, 384], sizes = [1, 128], strides = [1, 1]} : vector<1x8192xf32> to vector<1x128xf32>
    %add3A_1483 = vector.broadcast %slice3A_1482 : vector<1x128xf32> to vector<128x128xf32>
    %add3A_1484 = arith.addf %sub3A_1481, %add3A_1483 : vector<128x128xf32>
    %lt3A_1485 = arith.cmpf olt, %add3A_1484, %min3A_1475 : vector<128x128xf32>
    %min3A_1486 = arith.minimumf %min3A_1475, %add3A_1484 : vector<128x128xf32>
    %jit3A_1487 = arith.constant 3.000000e+00 : f32
    %broadcast_in_dim3A_1488 = vector.broadcast %jit3A_1487 : f32 to vector<128x128xf32>
    %select_n3A_1489 = arith.select %lt3A_1485, %broadcast_in_dim3A_1488, %select_n3A_1478 : vector<128x128xi1>, vector<128x128xf32>
    %slice3A_1490 = vector.extract_strided_slice %dot_general3A_8 {offsets = [256, 512], sizes = [128, 128], strides = [1, 1]} : vector<512x8192xf32> to vector<128x128xf32>
    %sub3A_1491 = vector.broadcast %slice3A_1448 : vector<128x1xf32> to vector<128x128xf32>
    %sub3A_1492 = arith.subf %sub3A_1491, %slice3A_1490 : vector<128x128xf32>
    %slice3A_1493 = vector.extract_strided_slice %get3A_11 {offsets = [0, 512], sizes = [1, 128], strides = [1, 1]} : vector<1x8192xf32> to vector<1x128xf32>
    %add3A_1494 = vector.broadcast %slice3A_1493 : vector<1x128xf32> to vector<128x128xf32>
    %add3A_1495 = arith.addf %sub3A_1492, %add3A_1494 : vector<128x128xf32>
    %lt3A_1496 = arith.cmpf olt, %add3A_1495, %min3A_1486 : vector<128x128xf32>
    %min3A_1497 = arith.minimumf %min3A_1486, %add3A_1495 : vector<128x128xf32>
    %jit3A_1498 = arith.constant 4.000000e+00 : f32
    %broadcast_in_dim3A_1499 = vector.broadcast %jit3A_1498 : f32 to vector<128x128xf32>
    %select_n3A_1500 = arith.select %lt3A_1496, %broadcast_in_dim3A_1499, %select_n3A_1489 : vector<128x128xi1>, vector<128x128xf32>
    %slice3A_1501 = vector.extract_strided_slice %dot_general3A_8 {offsets = [256, 640], sizes = [128, 128], strides = [1, 1]} : vector<512x8192xf32> to vector<128x128xf32>
    %sub3A_1502 = vector.broadcast %slice3A_1448 : vector<128x1xf32> to vector<128x128xf32>
    %sub3A_1503 = arith.subf %sub3A_1502, %slice3A_1501 : vector<128x128xf32>
    %slice3A_1504 = vector.extract_strided_slice %get3A_11 {offsets = [0, 640], sizes = [1, 128], strides = [1, 1]} : vector<1x8192xf32> to vector<1x128xf32>
    %add3A_1505 = vector.broadcast %slice3A_1504 : vector<1x128xf32> to vector<128x128xf32>
    %add3A_1506 = arith.addf %sub3A_1503, %add3A_1505 : vector<128x128xf32>
    %lt3A_1507 = arith.cmpf olt, %add3A_1506, %min3A_1497 : vector<128x128xf32>
    %min3A_1508 = arith.minimumf %min3A_1497, %add3A_1506 : vector<128x128xf32>
    %jit3A_1509 = arith.constant 5.000000e+00 : f32
    %broadcast_in_dim3A_1510 = vector.broadcast %jit3A_1509 : f32 to vector<128x128xf32>
    %select_n3A_1511 = arith.select %lt3A_1507, %broadcast_in_dim3A_1510, %select_n3A_1500 : vector<128x128xi1>, vector<128x128xf32>
    %slice3A_1512 = vector.extract_strided_slice %dot_general3A_8 {offsets = [256, 768], sizes = [128, 128], strides = [1, 1]} : vector<512x8192xf32> to vector<128x128xf32>
    %sub3A_1513 = vector.broadcast %slice3A_1448 : vector<128x1xf32> to vector<128x128xf32>
    %sub3A_1514 = arith.subf %sub3A_1513, %slice3A_1512 : vector<128x128xf32>
    %slice3A_1515 = vector.extract_strided_slice %get3A_11 {offsets = [0, 768], sizes = [1, 128], strides = [1, 1]} : vector<1x8192xf32> to vector<1x128xf32>
    %add3A_1516 = vector.broadcast %slice3A_1515 : vector<1x128xf32> to vector<128x128xf32>
    %add3A_1517 = arith.addf %sub3A_1514, %add3A_1516 : vector<128x128xf32>
    %lt3A_1518 = arith.cmpf olt, %add3A_1517, %min3A_1508 : vector<128x128xf32>
    %min3A_1519 = arith.minimumf %min3A_1508, %add3A_1517 : vector<128x128xf32>
    %jit3A_1520 = arith.constant 6.000000e+00 : f32
    %broadcast_in_dim3A_1521 = vector.broadcast %jit3A_1520 : f32 to vector<128x128xf32>
    %select_n3A_1522 = arith.select %lt3A_1518, %broadcast_in_dim3A_1521, %select_n3A_1511 : vector<128x128xi1>, vector<128x128xf32>
    %slice3A_1523 = vector.extract_strided_slice %dot_general3A_8 {offsets = [256, 896], sizes = [128, 128], strides = [1, 1]} : vector<512x8192xf32> to vector<128x128xf32>
    %sub3A_1524 = vector.broadcast %slice3A_1448 : vector<128x1xf32> to vector<128x128xf32>
    %sub3A_1525 = arith.subf %sub3A_1524, %slice3A_1523 : vector<128x128xf32>
    %slice3A_1526 = vector.extract_strided_slice %get3A_11 {offsets = [0, 896], sizes = [1, 128], strides = [1, 1]} : vector<1x8192xf32> to vector<1x128xf32>
    %add3A_1527 = vector.broadcast %slice3A_1526 : vector<1x128xf32> to vector<128x128xf32>
    %add3A_1528 = arith.addf %sub3A_1525, %add3A_1527 : vector<128x128xf32>
    %lt3A_1529 = arith.cmpf olt, %add3A_1528, %min3A_1519 : vector<128x128xf32>
    %min3A_1530 = arith.minimumf %min3A_1519, %add3A_1528 : vector<128x128xf32>
    %jit3A_1531 = arith.constant 7.000000e+00 : f32
    %broadcast_in_dim3A_1532 = vector.broadcast %jit3A_1531 : f32 to vector<128x128xf32>
    %select_n3A_1533 = arith.select %lt3A_1529, %broadcast_in_dim3A_1532, %select_n3A_1522 : vector<128x128xi1>, vector<128x128xf32>
    %slice3A_1534 = vector.extract_strided_slice %dot_general3A_8 {offsets = [256, 1024], sizes = [128, 128], strides = [1, 1]} : vector<512x8192xf32> to vector<128x128xf32>
    %sub3A_1535 = vector.broadcast %slice3A_1448 : vector<128x1xf32> to vector<128x128xf32>
    %sub3A_1536 = arith.subf %sub3A_1535, %slice3A_1534 : vector<128x128xf32>
    %slice3A_1537 = vector.extract_strided_slice %get3A_11 {offsets = [0, 1024], sizes = [1, 128], strides = [1, 1]} : vector<1x8192xf32> to vector<1x128xf32>
    %add3A_1538 = vector.broadcast %slice3A_1537 : vector<1x128xf32> to vector<128x128xf32>
    %add3A_1539 = arith.addf %sub3A_1536, %add3A_1538 : vector<128x128xf32>
    %lt3A_1540 = arith.cmpf olt, %add3A_1539, %min3A_1530 : vector<128x128xf32>
    %min3A_1541 = arith.minimumf %min3A_1530, %add3A_1539 : vector<128x128xf32>
    %jit3A_1542 = arith.constant 8.000000e+00 : f32
    %broadcast_in_dim3A_1543 = vector.broadcast %jit3A_1542 : f32 to vector<128x128xf32>
    %select_n3A_1544 = arith.select %lt3A_1540, %broadcast_in_dim3A_1543, %select_n3A_1533 : vector<128x128xi1>, vector<128x128xf32>
    %slice3A_1545 = vector.extract_strided_slice %dot_general3A_8 {offsets = [256, 1152], sizes = [128, 128], strides = [1, 1]} : vector<512x8192xf32> to vector<128x128xf32>
    %sub3A_1546 = vector.broadcast %slice3A_1448 : vector<128x1xf32> to vector<128x128xf32>
    %sub3A_1547 = arith.subf %sub3A_1546, %slice3A_1545 : vector<128x128xf32>
    %slice3A_1548 = vector.extract_strided_slice %get3A_11 {offsets = [0, 1152], sizes = [1, 128], strides = [1, 1]} : vector<1x8192xf32> to vector<1x128xf32>
    %add3A_1549 = vector.broadcast %slice3A_1548 : vector<1x128xf32> to vector<128x128xf32>
    %add3A_1550 = arith.addf %sub3A_1547, %add3A_1549 : vector<128x128xf32>
    %lt3A_1551 = arith.cmpf olt, %add3A_1550, %min3A_1541 : vector<128x128xf32>
    %min3A_1552 = arith.minimumf %min3A_1541, %add3A_1550 : vector<128x128xf32>
    %jit3A_1553 = arith.constant 9.000000e+00 : f32
    %broadcast_in_dim3A_1554 = vector.broadcast %jit3A_1553 : f32 to vector<128x128xf32>
    %select_n3A_1555 = arith.select %lt3A_1551, %broadcast_in_dim3A_1554, %select_n3A_1544 : vector<128x128xi1>, vector<128x128xf32>
    %slice3A_1556 = vector.extract_strided_slice %dot_general3A_8 {offsets = [256, 1280], sizes = [128, 128], strides = [1, 1]} : vector<512x8192xf32> to vector<128x128xf32>
    %sub3A_1557 = vector.broadcast %slice3A_1448 : vector<128x1xf32> to vector<128x128xf32>
    %sub3A_1558 = arith.subf %sub3A_1557, %slice3A_1556 : vector<128x128xf32>
    %slice3A_1559 = vector.extract_strided_slice %get3A_11 {offsets = [0, 1280], sizes = [1, 128], strides = [1, 1]} : vector<1x8192xf32> to vector<1x128xf32>
    %add3A_1560 = vector.broadcast %slice3A_1559 : vector<1x128xf32> to vector<128x128xf32>
    %add3A_1561 = arith.addf %sub3A_1558, %add3A_1560 : vector<128x128xf32>
    %lt3A_1562 = arith.cmpf olt, %add3A_1561, %min3A_1552 : vector<128x128xf32>
    %min3A_1563 = arith.minimumf %min3A_1552, %add3A_1561 : vector<128x128xf32>
    %jit3A_1564 = arith.constant 1.000000e+01 : f32
    %broadcast_in_dim3A_1565 = vector.broadcast %jit3A_1564 : f32 to vector<128x128xf32>
    %select_n3A_1566 = arith.select %lt3A_1562, %broadcast_in_dim3A_1565, %select_n3A_1555 : vector<128x128xi1>, vector<128x128xf32>
    %slice3A_1567 = vector.extract_strided_slice %dot_general3A_8 {offsets = [256, 1408], sizes = [128, 128], strides = [1, 1]} : vector<512x8192xf32> to vector<128x128xf32>
    %sub3A_1568 = vector.broadcast %slice3A_1448 : vector<128x1xf32> to vector<128x128xf32>
    %sub3A_1569 = arith.subf %sub3A_1568, %slice3A_1567 : vector<128x128xf32>
    %slice3A_1570 = vector.extract_strided_slice %get3A_11 {offsets = [0, 1408], sizes = [1, 128], strides = [1, 1]} : vector<1x8192xf32> to vector<1x128xf32>
    %add3A_1571 = vector.broadcast %slice3A_1570 : vector<1x128xf32> to vector<128x128xf32>
    %add3A_1572 = arith.addf %sub3A_1569, %add3A_1571 : vector<128x128xf32>
    %lt3A_1573 = arith.cmpf olt, %add3A_1572, %min3A_1563 : vector<128x128xf32>
    %min3A_1574 = arith.minimumf %min3A_1563, %add3A_1572 : vector<128x128xf32>
    %jit3A_1575 = arith.constant 1.100000e+01 : f32
    %broadcast_in_dim3A_1576 = vector.broadcast %jit3A_1575 : f32 to vector<128x128xf32>
    %select_n3A_1577 = arith.select %lt3A_1573, %broadcast_in_dim3A_1576, %select_n3A_1566 : vector<128x128xi1>, vector<128x128xf32>
    %slice3A_1578 = vector.extract_strided_slice %dot_general3A_8 {offsets = [256, 1536], sizes = [128, 128], strides = [1, 1]} : vector<512x8192xf32> to vector<128x128xf32>
    %sub3A_1579 = vector.broadcast %slice3A_1448 : vector<128x1xf32> to vector<128x128xf32>
    %sub3A_1580 = arith.subf %sub3A_1579, %slice3A_1578 : vector<128x128xf32>
    %slice3A_1581 = vector.extract_strided_slice %get3A_11 {offsets = [0, 1536], sizes = [1, 128], strides = [1, 1]} : vector<1x8192xf32> to vector<1x128xf32>
    %add3A_1582 = vector.broadcast %slice3A_1581 : vector<1x128xf32> to vector<128x128xf32>
    %add3A_1583 = arith.addf %sub3A_1580, %add3A_1582 : vector<128x128xf32>
    %lt3A_1584 = arith.cmpf olt, %add3A_1583, %min3A_1574 : vector<128x128xf32>
    %min3A_1585 = arith.minimumf %min3A_1574, %add3A_1583 : vector<128x128xf32>
    %jit3A_1586 = arith.constant 1.200000e+01 : f32
    %broadcast_in_dim3A_1587 = vector.broadcast %jit3A_1586 : f32 to vector<128x128xf32>
    %select_n3A_1588 = arith.select %lt3A_1584, %broadcast_in_dim3A_1587, %select_n3A_1577 : vector<128x128xi1>, vector<128x128xf32>
    %slice3A_1589 = vector.extract_strided_slice %dot_general3A_8 {offsets = [256, 1664], sizes = [128, 128], strides = [1, 1]} : vector<512x8192xf32> to vector<128x128xf32>
    %sub3A_1590 = vector.broadcast %slice3A_1448 : vector<128x1xf32> to vector<128x128xf32>
    %sub3A_1591 = arith.subf %sub3A_1590, %slice3A_1589 : vector<128x128xf32>
    %slice3A_1592 = vector.extract_strided_slice %get3A_11 {offsets = [0, 1664], sizes = [1, 128], strides = [1, 1]} : vector<1x8192xf32> to vector<1x128xf32>
    %add3A_1593 = vector.broadcast %slice3A_1592 : vector<1x128xf32> to vector<128x128xf32>
    %add3A_1594 = arith.addf %sub3A_1591, %add3A_1593 : vector<128x128xf32>
    %lt3A_1595 = arith.cmpf olt, %add3A_1594, %min3A_1585 : vector<128x128xf32>
    %min3A_1596 = arith.minimumf %min3A_1585, %add3A_1594 : vector<128x128xf32>
    %jit3A_1597 = arith.constant 1.300000e+01 : f32
    %broadcast_in_dim3A_1598 = vector.broadcast %jit3A_1597 : f32 to vector<128x128xf32>
    %select_n3A_1599 = arith.select %lt3A_1595, %broadcast_in_dim3A_1598, %select_n3A_1588 : vector<128x128xi1>, vector<128x128xf32>
    %slice3A_1600 = vector.extract_strided_slice %dot_general3A_8 {offsets = [256, 1792], sizes = [128, 128], strides = [1, 1]} : vector<512x8192xf32> to vector<128x128xf32>
    %sub3A_1601 = vector.broadcast %slice3A_1448 : vector<128x1xf32> to vector<128x128xf32>
    %sub3A_1602 = arith.subf %sub3A_1601, %slice3A_1600 : vector<128x128xf32>
    %slice3A_1603 = vector.extract_strided_slice %get3A_11 {offsets = [0, 1792], sizes = [1, 128], strides = [1, 1]} : vector<1x8192xf32> to vector<1x128xf32>
    %add3A_1604 = vector.broadcast %slice3A_1603 : vector<1x128xf32> to vector<128x128xf32>
    %add3A_1605 = arith.addf %sub3A_1602, %add3A_1604 : vector<128x128xf32>
    %lt3A_1606 = arith.cmpf olt, %add3A_1605, %min3A_1596 : vector<128x128xf32>
    %min3A_1607 = arith.minimumf %min3A_1596, %add3A_1605 : vector<128x128xf32>
    %jit3A_1608 = arith.constant 1.400000e+01 : f32
    %broadcast_in_dim3A_1609 = vector.broadcast %jit3A_1608 : f32 to vector<128x128xf32>
    %select_n3A_1610 = arith.select %lt3A_1606, %broadcast_in_dim3A_1609, %select_n3A_1599 : vector<128x128xi1>, vector<128x128xf32>
    %slice3A_1611 = vector.extract_strided_slice %dot_general3A_8 {offsets = [256, 1920], sizes = [128, 128], strides = [1, 1]} : vector<512x8192xf32> to vector<128x128xf32>
    %sub3A_1612 = vector.broadcast %slice3A_1448 : vector<128x1xf32> to vector<128x128xf32>
    %sub3A_1613 = arith.subf %sub3A_1612, %slice3A_1611 : vector<128x128xf32>
    %slice3A_1614 = vector.extract_strided_slice %get3A_11 {offsets = [0, 1920], sizes = [1, 128], strides = [1, 1]} : vector<1x8192xf32> to vector<1x128xf32>
    %add3A_1615 = vector.broadcast %slice3A_1614 : vector<1x128xf32> to vector<128x128xf32>
    %add3A_1616 = arith.addf %sub3A_1613, %add3A_1615 : vector<128x128xf32>
    %lt3A_1617 = arith.cmpf olt, %add3A_1616, %min3A_1607 : vector<128x128xf32>
    %min3A_1618 = arith.minimumf %min3A_1607, %add3A_1616 : vector<128x128xf32>
    %jit3A_1619 = arith.constant 1.500000e+01 : f32
    %broadcast_in_dim3A_1620 = vector.broadcast %jit3A_1619 : f32 to vector<128x128xf32>
    %select_n3A_1621 = arith.select %lt3A_1617, %broadcast_in_dim3A_1620, %select_n3A_1610 : vector<128x128xi1>, vector<128x128xf32>
    %slice3A_1622 = vector.extract_strided_slice %dot_general3A_8 {offsets = [256, 2048], sizes = [128, 128], strides = [1, 1]} : vector<512x8192xf32> to vector<128x128xf32>
    %sub3A_1623 = vector.broadcast %slice3A_1448 : vector<128x1xf32> to vector<128x128xf32>
    %sub3A_1624 = arith.subf %sub3A_1623, %slice3A_1622 : vector<128x128xf32>
    %slice3A_1625 = vector.extract_strided_slice %get3A_11 {offsets = [0, 2048], sizes = [1, 128], strides = [1, 1]} : vector<1x8192xf32> to vector<1x128xf32>
    %add3A_1626 = vector.broadcast %slice3A_1625 : vector<1x128xf32> to vector<128x128xf32>
    %add3A_1627 = arith.addf %sub3A_1624, %add3A_1626 : vector<128x128xf32>
    %lt3A_1628 = arith.cmpf olt, %add3A_1627, %min3A_1618 : vector<128x128xf32>
    %min3A_1629 = arith.minimumf %min3A_1618, %add3A_1627 : vector<128x128xf32>
    %jit3A_1630 = arith.constant 1.600000e+01 : f32
    %broadcast_in_dim3A_1631 = vector.broadcast %jit3A_1630 : f32 to vector<128x128xf32>
    %select_n3A_1632 = arith.select %lt3A_1628, %broadcast_in_dim3A_1631, %select_n3A_1621 : vector<128x128xi1>, vector<128x128xf32>
    %slice3A_1633 = vector.extract_strided_slice %dot_general3A_8 {offsets = [256, 2176], sizes = [128, 128], strides = [1, 1]} : vector<512x8192xf32> to vector<128x128xf32>
    %sub3A_1634 = vector.broadcast %slice3A_1448 : vector<128x1xf32> to vector<128x128xf32>
    %sub3A_1635 = arith.subf %sub3A_1634, %slice3A_1633 : vector<128x128xf32>
    %slice3A_1636 = vector.extract_strided_slice %get3A_11 {offsets = [0, 2176], sizes = [1, 128], strides = [1, 1]} : vector<1x8192xf32> to vector<1x128xf32>
    %add3A_1637 = vector.broadcast %slice3A_1636 : vector<1x128xf32> to vector<128x128xf32>
    %add3A_1638 = arith.addf %sub3A_1635, %add3A_1637 : vector<128x128xf32>
    %lt3A_1639 = arith.cmpf olt, %add3A_1638, %min3A_1629 : vector<128x128xf32>
    %min3A_1640 = arith.minimumf %min3A_1629, %add3A_1638 : vector<128x128xf32>
    %jit3A_1641 = arith.constant 1.700000e+01 : f32
    %broadcast_in_dim3A_1642 = vector.broadcast %jit3A_1641 : f32 to vector<128x128xf32>
    %select_n3A_1643 = arith.select %lt3A_1639, %broadcast_in_dim3A_1642, %select_n3A_1632 : vector<128x128xi1>, vector<128x128xf32>
    %slice3A_1644 = vector.extract_strided_slice %dot_general3A_8 {offsets = [256, 2304], sizes = [128, 128], strides = [1, 1]} : vector<512x8192xf32> to vector<128x128xf32>
    %sub3A_1645 = vector.broadcast %slice3A_1448 : vector<128x1xf32> to vector<128x128xf32>
    %sub3A_1646 = arith.subf %sub3A_1645, %slice3A_1644 : vector<128x128xf32>
    %slice3A_1647 = vector.extract_strided_slice %get3A_11 {offsets = [0, 2304], sizes = [1, 128], strides = [1, 1]} : vector<1x8192xf32> to vector<1x128xf32>
    %add3A_1648 = vector.broadcast %slice3A_1647 : vector<1x128xf32> to vector<128x128xf32>
    %add3A_1649 = arith.addf %sub3A_1646, %add3A_1648 : vector<128x128xf32>
    %lt3A_1650 = arith.cmpf olt, %add3A_1649, %min3A_1640 : vector<128x128xf32>
    %min3A_1651 = arith.minimumf %min3A_1640, %add3A_1649 : vector<128x128xf32>
    %jit3A_1652 = arith.constant 1.800000e+01 : f32
    %broadcast_in_dim3A_1653 = vector.broadcast %jit3A_1652 : f32 to vector<128x128xf32>
    %select_n3A_1654 = arith.select %lt3A_1650, %broadcast_in_dim3A_1653, %select_n3A_1643 : vector<128x128xi1>, vector<128x128xf32>
    %slice3A_1655 = vector.extract_strided_slice %dot_general3A_8 {offsets = [256, 2432], sizes = [128, 128], strides = [1, 1]} : vector<512x8192xf32> to vector<128x128xf32>
    %sub3A_1656 = vector.broadcast %slice3A_1448 : vector<128x1xf32> to vector<128x128xf32>
    %sub3A_1657 = arith.subf %sub3A_1656, %slice3A_1655 : vector<128x128xf32>
    %slice3A_1658 = vector.extract_strided_slice %get3A_11 {offsets = [0, 2432], sizes = [1, 128], strides = [1, 1]} : vector<1x8192xf32> to vector<1x128xf32>
    %add3A_1659 = vector.broadcast %slice3A_1658 : vector<1x128xf32> to vector<128x128xf32>
    %add3A_1660 = arith.addf %sub3A_1657, %add3A_1659 : vector<128x128xf32>
    %lt3A_1661 = arith.cmpf olt, %add3A_1660, %min3A_1651 : vector<128x128xf32>
    %min3A_1662 = arith.minimumf %min3A_1651, %add3A_1660 : vector<128x128xf32>
    %jit3A_1663 = arith.constant 1.900000e+01 : f32
    %broadcast_in_dim3A_1664 = vector.broadcast %jit3A_1663 : f32 to vector<128x128xf32>
    %select_n3A_1665 = arith.select %lt3A_1661, %broadcast_in_dim3A_1664, %select_n3A_1654 : vector<128x128xi1>, vector<128x128xf32>
    %slice3A_1666 = vector.extract_strided_slice %dot_general3A_8 {offsets = [256, 2560], sizes = [128, 128], strides = [1, 1]} : vector<512x8192xf32> to vector<128x128xf32>
    %sub3A_1667 = vector.broadcast %slice3A_1448 : vector<128x1xf32> to vector<128x128xf32>
    %sub3A_1668 = arith.subf %sub3A_1667, %slice3A_1666 : vector<128x128xf32>
    %slice3A_1669 = vector.extract_strided_slice %get3A_11 {offsets = [0, 2560], sizes = [1, 128], strides = [1, 1]} : vector<1x8192xf32> to vector<1x128xf32>
    %add3A_1670 = vector.broadcast %slice3A_1669 : vector<1x128xf32> to vector<128x128xf32>
    %add3A_1671 = arith.addf %sub3A_1668, %add3A_1670 : vector<128x128xf32>
    %lt3A_1672 = arith.cmpf olt, %add3A_1671, %min3A_1662 : vector<128x128xf32>
    %min3A_1673 = arith.minimumf %min3A_1662, %add3A_1671 : vector<128x128xf32>
    %jit3A_1674 = arith.constant 2.000000e+01 : f32
    %broadcast_in_dim3A_1675 = vector.broadcast %jit3A_1674 : f32 to vector<128x128xf32>
    %select_n3A_1676 = arith.select %lt3A_1672, %broadcast_in_dim3A_1675, %select_n3A_1665 : vector<128x128xi1>, vector<128x128xf32>
    %slice3A_1677 = vector.extract_strided_slice %dot_general3A_8 {offsets = [256, 2688], sizes = [128, 128], strides = [1, 1]} : vector<512x8192xf32> to vector<128x128xf32>
    %sub3A_1678 = vector.broadcast %slice3A_1448 : vector<128x1xf32> to vector<128x128xf32>
    %sub3A_1679 = arith.subf %sub3A_1678, %slice3A_1677 : vector<128x128xf32>
    %slice3A_1680 = vector.extract_strided_slice %get3A_11 {offsets = [0, 2688], sizes = [1, 128], strides = [1, 1]} : vector<1x8192xf32> to vector<1x128xf32>
    %add3A_1681 = vector.broadcast %slice3A_1680 : vector<1x128xf32> to vector<128x128xf32>
    %add3A_1682 = arith.addf %sub3A_1679, %add3A_1681 : vector<128x128xf32>
    %lt3A_1683 = arith.cmpf olt, %add3A_1682, %min3A_1673 : vector<128x128xf32>
    %min3A_1684 = arith.minimumf %min3A_1673, %add3A_1682 : vector<128x128xf32>
    %jit3A_1685 = arith.constant 2.100000e+01 : f32
    %broadcast_in_dim3A_1686 = vector.broadcast %jit3A_1685 : f32 to vector<128x128xf32>
    %select_n3A_1687 = arith.select %lt3A_1683, %broadcast_in_dim3A_1686, %select_n3A_1676 : vector<128x128xi1>, vector<128x128xf32>
    %slice3A_1688 = vector.extract_strided_slice %dot_general3A_8 {offsets = [256, 2816], sizes = [128, 128], strides = [1, 1]} : vector<512x8192xf32> to vector<128x128xf32>
    %sub3A_1689 = vector.broadcast %slice3A_1448 : vector<128x1xf32> to vector<128x128xf32>
    %sub3A_1690 = arith.subf %sub3A_1689, %slice3A_1688 : vector<128x128xf32>
    %slice3A_1691 = vector.extract_strided_slice %get3A_11 {offsets = [0, 2816], sizes = [1, 128], strides = [1, 1]} : vector<1x8192xf32> to vector<1x128xf32>
    %add3A_1692 = vector.broadcast %slice3A_1691 : vector<1x128xf32> to vector<128x128xf32>
    %add3A_1693 = arith.addf %sub3A_1690, %add3A_1692 : vector<128x128xf32>
    %lt3A_1694 = arith.cmpf olt, %add3A_1693, %min3A_1684 : vector<128x128xf32>
    %min3A_1695 = arith.minimumf %min3A_1684, %add3A_1693 : vector<128x128xf32>
    %jit3A_1696 = arith.constant 2.200000e+01 : f32
    %broadcast_in_dim3A_1697 = vector.broadcast %jit3A_1696 : f32 to vector<128x128xf32>
    %select_n3A_1698 = arith.select %lt3A_1694, %broadcast_in_dim3A_1697, %select_n3A_1687 : vector<128x128xi1>, vector<128x128xf32>
    %slice3A_1699 = vector.extract_strided_slice %dot_general3A_8 {offsets = [256, 2944], sizes = [128, 128], strides = [1, 1]} : vector<512x8192xf32> to vector<128x128xf32>
    %sub3A_1700 = vector.broadcast %slice3A_1448 : vector<128x1xf32> to vector<128x128xf32>
    %sub3A_1701 = arith.subf %sub3A_1700, %slice3A_1699 : vector<128x128xf32>
    %slice3A_1702 = vector.extract_strided_slice %get3A_11 {offsets = [0, 2944], sizes = [1, 128], strides = [1, 1]} : vector<1x8192xf32> to vector<1x128xf32>
    %add3A_1703 = vector.broadcast %slice3A_1702 : vector<1x128xf32> to vector<128x128xf32>
    %add3A_1704 = arith.addf %sub3A_1701, %add3A_1703 : vector<128x128xf32>
    %lt3A_1705 = arith.cmpf olt, %add3A_1704, %min3A_1695 : vector<128x128xf32>
    %min3A_1706 = arith.minimumf %min3A_1695, %add3A_1704 : vector<128x128xf32>
    %jit3A_1707 = arith.constant 2.300000e+01 : f32
    %broadcast_in_dim3A_1708 = vector.broadcast %jit3A_1707 : f32 to vector<128x128xf32>
    %select_n3A_1709 = arith.select %lt3A_1705, %broadcast_in_dim3A_1708, %select_n3A_1698 : vector<128x128xi1>, vector<128x128xf32>
    %slice3A_1710 = vector.extract_strided_slice %dot_general3A_8 {offsets = [256, 3072], sizes = [128, 128], strides = [1, 1]} : vector<512x8192xf32> to vector<128x128xf32>
    %sub3A_1711 = vector.broadcast %slice3A_1448 : vector<128x1xf32> to vector<128x128xf32>
    %sub3A_1712 = arith.subf %sub3A_1711, %slice3A_1710 : vector<128x128xf32>
    %slice3A_1713 = vector.extract_strided_slice %get3A_11 {offsets = [0, 3072], sizes = [1, 128], strides = [1, 1]} : vector<1x8192xf32> to vector<1x128xf32>
    %add3A_1714 = vector.broadcast %slice3A_1713 : vector<1x128xf32> to vector<128x128xf32>
    %add3A_1715 = arith.addf %sub3A_1712, %add3A_1714 : vector<128x128xf32>
    %lt3A_1716 = arith.cmpf olt, %add3A_1715, %min3A_1706 : vector<128x128xf32>
    %min3A_1717 = arith.minimumf %min3A_1706, %add3A_1715 : vector<128x128xf32>
    %jit3A_1718 = arith.constant 2.400000e+01 : f32
    %broadcast_in_dim3A_1719 = vector.broadcast %jit3A_1718 : f32 to vector<128x128xf32>
    %select_n3A_1720 = arith.select %lt3A_1716, %broadcast_in_dim3A_1719, %select_n3A_1709 : vector<128x128xi1>, vector<128x128xf32>
    %slice3A_1721 = vector.extract_strided_slice %dot_general3A_8 {offsets = [256, 3200], sizes = [128, 128], strides = [1, 1]} : vector<512x8192xf32> to vector<128x128xf32>
    %sub3A_1722 = vector.broadcast %slice3A_1448 : vector<128x1xf32> to vector<128x128xf32>
    %sub3A_1723 = arith.subf %sub3A_1722, %slice3A_1721 : vector<128x128xf32>
    %slice3A_1724 = vector.extract_strided_slice %get3A_11 {offsets = [0, 3200], sizes = [1, 128], strides = [1, 1]} : vector<1x8192xf32> to vector<1x128xf32>
    %add3A_1725 = vector.broadcast %slice3A_1724 : vector<1x128xf32> to vector<128x128xf32>
    %add3A_1726 = arith.addf %sub3A_1723, %add3A_1725 : vector<128x128xf32>
    %lt3A_1727 = arith.cmpf olt, %add3A_1726, %min3A_1717 : vector<128x128xf32>
    %min3A_1728 = arith.minimumf %min3A_1717, %add3A_1726 : vector<128x128xf32>
    %jit3A_1729 = arith.constant 2.500000e+01 : f32
    %broadcast_in_dim3A_1730 = vector.broadcast %jit3A_1729 : f32 to vector<128x128xf32>
    %select_n3A_1731 = arith.select %lt3A_1727, %broadcast_in_dim3A_1730, %select_n3A_1720 : vector<128x128xi1>, vector<128x128xf32>
    %slice3A_1732 = vector.extract_strided_slice %dot_general3A_8 {offsets = [256, 3328], sizes = [128, 128], strides = [1, 1]} : vector<512x8192xf32> to vector<128x128xf32>
    %sub3A_1733 = vector.broadcast %slice3A_1448 : vector<128x1xf32> to vector<128x128xf32>
    %sub3A_1734 = arith.subf %sub3A_1733, %slice3A_1732 : vector<128x128xf32>
    %slice3A_1735 = vector.extract_strided_slice %get3A_11 {offsets = [0, 3328], sizes = [1, 128], strides = [1, 1]} : vector<1x8192xf32> to vector<1x128xf32>
    %add3A_1736 = vector.broadcast %slice3A_1735 : vector<1x128xf32> to vector<128x128xf32>
    %add3A_1737 = arith.addf %sub3A_1734, %add3A_1736 : vector<128x128xf32>
    %lt3A_1738 = arith.cmpf olt, %add3A_1737, %min3A_1728 : vector<128x128xf32>
    %min3A_1739 = arith.minimumf %min3A_1728, %add3A_1737 : vector<128x128xf32>
    %jit3A_1740 = arith.constant 2.600000e+01 : f32
    %broadcast_in_dim3A_1741 = vector.broadcast %jit3A_1740 : f32 to vector<128x128xf32>
    %select_n3A_1742 = arith.select %lt3A_1738, %broadcast_in_dim3A_1741, %select_n3A_1731 : vector<128x128xi1>, vector<128x128xf32>
    %slice3A_1743 = vector.extract_strided_slice %dot_general3A_8 {offsets = [256, 3456], sizes = [128, 128], strides = [1, 1]} : vector<512x8192xf32> to vector<128x128xf32>
    %sub3A_1744 = vector.broadcast %slice3A_1448 : vector<128x1xf32> to vector<128x128xf32>
    %sub3A_1745 = arith.subf %sub3A_1744, %slice3A_1743 : vector<128x128xf32>
    %slice3A_1746 = vector.extract_strided_slice %get3A_11 {offsets = [0, 3456], sizes = [1, 128], strides = [1, 1]} : vector<1x8192xf32> to vector<1x128xf32>
    %add3A_1747 = vector.broadcast %slice3A_1746 : vector<1x128xf32> to vector<128x128xf32>
    %add3A_1748 = arith.addf %sub3A_1745, %add3A_1747 : vector<128x128xf32>
    %lt3A_1749 = arith.cmpf olt, %add3A_1748, %min3A_1739 : vector<128x128xf32>
    %min3A_1750 = arith.minimumf %min3A_1739, %add3A_1748 : vector<128x128xf32>
    %jit3A_1751 = arith.constant 2.700000e+01 : f32
    %broadcast_in_dim3A_1752 = vector.broadcast %jit3A_1751 : f32 to vector<128x128xf32>
    %select_n3A_1753 = arith.select %lt3A_1749, %broadcast_in_dim3A_1752, %select_n3A_1742 : vector<128x128xi1>, vector<128x128xf32>
    %slice3A_1754 = vector.extract_strided_slice %dot_general3A_8 {offsets = [256, 3584], sizes = [128, 128], strides = [1, 1]} : vector<512x8192xf32> to vector<128x128xf32>
    %sub3A_1755 = vector.broadcast %slice3A_1448 : vector<128x1xf32> to vector<128x128xf32>
    %sub3A_1756 = arith.subf %sub3A_1755, %slice3A_1754 : vector<128x128xf32>
    %slice3A_1757 = vector.extract_strided_slice %get3A_11 {offsets = [0, 3584], sizes = [1, 128], strides = [1, 1]} : vector<1x8192xf32> to vector<1x128xf32>
    %add3A_1758 = vector.broadcast %slice3A_1757 : vector<1x128xf32> to vector<128x128xf32>
    %add3A_1759 = arith.addf %sub3A_1756, %add3A_1758 : vector<128x128xf32>
    %lt3A_1760 = arith.cmpf olt, %add3A_1759, %min3A_1750 : vector<128x128xf32>
    %min3A_1761 = arith.minimumf %min3A_1750, %add3A_1759 : vector<128x128xf32>
    %jit3A_1762 = arith.constant 2.800000e+01 : f32
    %broadcast_in_dim3A_1763 = vector.broadcast %jit3A_1762 : f32 to vector<128x128xf32>
    %select_n3A_1764 = arith.select %lt3A_1760, %broadcast_in_dim3A_1763, %select_n3A_1753 : vector<128x128xi1>, vector<128x128xf32>
    %slice3A_1765 = vector.extract_strided_slice %dot_general3A_8 {offsets = [256, 3712], sizes = [128, 128], strides = [1, 1]} : vector<512x8192xf32> to vector<128x128xf32>
    %sub3A_1766 = vector.broadcast %slice3A_1448 : vector<128x1xf32> to vector<128x128xf32>
    %sub3A_1767 = arith.subf %sub3A_1766, %slice3A_1765 : vector<128x128xf32>
    %slice3A_1768 = vector.extract_strided_slice %get3A_11 {offsets = [0, 3712], sizes = [1, 128], strides = [1, 1]} : vector<1x8192xf32> to vector<1x128xf32>
    %add3A_1769 = vector.broadcast %slice3A_1768 : vector<1x128xf32> to vector<128x128xf32>
    %add3A_1770 = arith.addf %sub3A_1767, %add3A_1769 : vector<128x128xf32>
    %lt3A_1771 = arith.cmpf olt, %add3A_1770, %min3A_1761 : vector<128x128xf32>
    %min3A_1772 = arith.minimumf %min3A_1761, %add3A_1770 : vector<128x128xf32>
    %jit3A_1773 = arith.constant 2.900000e+01 : f32
    %broadcast_in_dim3A_1774 = vector.broadcast %jit3A_1773 : f32 to vector<128x128xf32>
    %select_n3A_1775 = arith.select %lt3A_1771, %broadcast_in_dim3A_1774, %select_n3A_1764 : vector<128x128xi1>, vector<128x128xf32>
    %slice3A_1776 = vector.extract_strided_slice %dot_general3A_8 {offsets = [256, 3840], sizes = [128, 128], strides = [1, 1]} : vector<512x8192xf32> to vector<128x128xf32>
    %sub3A_1777 = vector.broadcast %slice3A_1448 : vector<128x1xf32> to vector<128x128xf32>
    %sub3A_1778 = arith.subf %sub3A_1777, %slice3A_1776 : vector<128x128xf32>
    %slice3A_1779 = vector.extract_strided_slice %get3A_11 {offsets = [0, 3840], sizes = [1, 128], strides = [1, 1]} : vector<1x8192xf32> to vector<1x128xf32>
    %add3A_1780 = vector.broadcast %slice3A_1779 : vector<1x128xf32> to vector<128x128xf32>
    %add3A_1781 = arith.addf %sub3A_1778, %add3A_1780 : vector<128x128xf32>
    %lt3A_1782 = arith.cmpf olt, %add3A_1781, %min3A_1772 : vector<128x128xf32>
    %min3A_1783 = arith.minimumf %min3A_1772, %add3A_1781 : vector<128x128xf32>
    %jit3A_1784 = arith.constant 3.000000e+01 : f32
    %broadcast_in_dim3A_1785 = vector.broadcast %jit3A_1784 : f32 to vector<128x128xf32>
    %select_n3A_1786 = arith.select %lt3A_1782, %broadcast_in_dim3A_1785, %select_n3A_1775 : vector<128x128xi1>, vector<128x128xf32>
    %slice3A_1787 = vector.extract_strided_slice %dot_general3A_8 {offsets = [256, 3968], sizes = [128, 128], strides = [1, 1]} : vector<512x8192xf32> to vector<128x128xf32>
    %sub3A_1788 = vector.broadcast %slice3A_1448 : vector<128x1xf32> to vector<128x128xf32>
    %sub3A_1789 = arith.subf %sub3A_1788, %slice3A_1787 : vector<128x128xf32>
    %slice3A_1790 = vector.extract_strided_slice %get3A_11 {offsets = [0, 3968], sizes = [1, 128], strides = [1, 1]} : vector<1x8192xf32> to vector<1x128xf32>
    %add3A_1791 = vector.broadcast %slice3A_1790 : vector<1x128xf32> to vector<128x128xf32>
    %add3A_1792 = arith.addf %sub3A_1789, %add3A_1791 : vector<128x128xf32>
    %lt3A_1793 = arith.cmpf olt, %add3A_1792, %min3A_1783 : vector<128x128xf32>
    %min3A_1794 = arith.minimumf %min3A_1783, %add3A_1792 : vector<128x128xf32>
    %jit3A_1795 = arith.constant 3.100000e+01 : f32
    %broadcast_in_dim3A_1796 = vector.broadcast %jit3A_1795 : f32 to vector<128x128xf32>
    %select_n3A_1797 = arith.select %lt3A_1793, %broadcast_in_dim3A_1796, %select_n3A_1786 : vector<128x128xi1>, vector<128x128xf32>
    %slice3A_1798 = vector.extract_strided_slice %dot_general3A_8 {offsets = [256, 4096], sizes = [128, 128], strides = [1, 1]} : vector<512x8192xf32> to vector<128x128xf32>
    %sub3A_1799 = vector.broadcast %slice3A_1448 : vector<128x1xf32> to vector<128x128xf32>
    %sub3A_1800 = arith.subf %sub3A_1799, %slice3A_1798 : vector<128x128xf32>
    %slice3A_1801 = vector.extract_strided_slice %get3A_11 {offsets = [0, 4096], sizes = [1, 128], strides = [1, 1]} : vector<1x8192xf32> to vector<1x128xf32>
    %add3A_1802 = vector.broadcast %slice3A_1801 : vector<1x128xf32> to vector<128x128xf32>
    %add3A_1803 = arith.addf %sub3A_1800, %add3A_1802 : vector<128x128xf32>
    %lt3A_1804 = arith.cmpf olt, %add3A_1803, %min3A_1794 : vector<128x128xf32>
    %min3A_1805 = arith.minimumf %min3A_1794, %add3A_1803 : vector<128x128xf32>
    %jit3A_1806 = arith.constant 3.200000e+01 : f32
    %broadcast_in_dim3A_1807 = vector.broadcast %jit3A_1806 : f32 to vector<128x128xf32>
    %select_n3A_1808 = arith.select %lt3A_1804, %broadcast_in_dim3A_1807, %select_n3A_1797 : vector<128x128xi1>, vector<128x128xf32>
    %slice3A_1809 = vector.extract_strided_slice %dot_general3A_8 {offsets = [256, 4224], sizes = [128, 128], strides = [1, 1]} : vector<512x8192xf32> to vector<128x128xf32>
    %sub3A_1810 = vector.broadcast %slice3A_1448 : vector<128x1xf32> to vector<128x128xf32>
    %sub3A_1811 = arith.subf %sub3A_1810, %slice3A_1809 : vector<128x128xf32>
    %slice3A_1812 = vector.extract_strided_slice %get3A_11 {offsets = [0, 4224], sizes = [1, 128], strides = [1, 1]} : vector<1x8192xf32> to vector<1x128xf32>
    %add3A_1813 = vector.broadcast %slice3A_1812 : vector<1x128xf32> to vector<128x128xf32>
    %add3A_1814 = arith.addf %sub3A_1811, %add3A_1813 : vector<128x128xf32>
    %lt3A_1815 = arith.cmpf olt, %add3A_1814, %min3A_1805 : vector<128x128xf32>
    %min3A_1816 = arith.minimumf %min3A_1805, %add3A_1814 : vector<128x128xf32>
    %jit3A_1817 = arith.constant 3.300000e+01 : f32
    %broadcast_in_dim3A_1818 = vector.broadcast %jit3A_1817 : f32 to vector<128x128xf32>
    %select_n3A_1819 = arith.select %lt3A_1815, %broadcast_in_dim3A_1818, %select_n3A_1808 : vector<128x128xi1>, vector<128x128xf32>
    %slice3A_1820 = vector.extract_strided_slice %dot_general3A_8 {offsets = [256, 4352], sizes = [128, 128], strides = [1, 1]} : vector<512x8192xf32> to vector<128x128xf32>
    %sub3A_1821 = vector.broadcast %slice3A_1448 : vector<128x1xf32> to vector<128x128xf32>
    %sub3A_1822 = arith.subf %sub3A_1821, %slice3A_1820 : vector<128x128xf32>
    %slice3A_1823 = vector.extract_strided_slice %get3A_11 {offsets = [0, 4352], sizes = [1, 128], strides = [1, 1]} : vector<1x8192xf32> to vector<1x128xf32>
    %add3A_1824 = vector.broadcast %slice3A_1823 : vector<1x128xf32> to vector<128x128xf32>
    %add3A_1825 = arith.addf %sub3A_1822, %add3A_1824 : vector<128x128xf32>
    %lt3A_1826 = arith.cmpf olt, %add3A_1825, %min3A_1816 : vector<128x128xf32>
    %min3A_1827 = arith.minimumf %min3A_1816, %add3A_1825 : vector<128x128xf32>
    %jit3A_1828 = arith.constant 3.400000e+01 : f32
    %broadcast_in_dim3A_1829 = vector.broadcast %jit3A_1828 : f32 to vector<128x128xf32>
    %select_n3A_1830 = arith.select %lt3A_1826, %broadcast_in_dim3A_1829, %select_n3A_1819 : vector<128x128xi1>, vector<128x128xf32>
    %slice3A_1831 = vector.extract_strided_slice %dot_general3A_8 {offsets = [256, 4480], sizes = [128, 128], strides = [1, 1]} : vector<512x8192xf32> to vector<128x128xf32>
    %sub3A_1832 = vector.broadcast %slice3A_1448 : vector<128x1xf32> to vector<128x128xf32>
    %sub3A_1833 = arith.subf %sub3A_1832, %slice3A_1831 : vector<128x128xf32>
    %slice3A_1834 = vector.extract_strided_slice %get3A_11 {offsets = [0, 4480], sizes = [1, 128], strides = [1, 1]} : vector<1x8192xf32> to vector<1x128xf32>
    %add3A_1835 = vector.broadcast %slice3A_1834 : vector<1x128xf32> to vector<128x128xf32>
    %add3A_1836 = arith.addf %sub3A_1833, %add3A_1835 : vector<128x128xf32>
    %lt3A_1837 = arith.cmpf olt, %add3A_1836, %min3A_1827 : vector<128x128xf32>
    %min3A_1838 = arith.minimumf %min3A_1827, %add3A_1836 : vector<128x128xf32>
    %jit3A_1839 = arith.constant 3.500000e+01 : f32
    %broadcast_in_dim3A_1840 = vector.broadcast %jit3A_1839 : f32 to vector<128x128xf32>
    %select_n3A_1841 = arith.select %lt3A_1837, %broadcast_in_dim3A_1840, %select_n3A_1830 : vector<128x128xi1>, vector<128x128xf32>
    %slice3A_1842 = vector.extract_strided_slice %dot_general3A_8 {offsets = [256, 4608], sizes = [128, 128], strides = [1, 1]} : vector<512x8192xf32> to vector<128x128xf32>
    %sub3A_1843 = vector.broadcast %slice3A_1448 : vector<128x1xf32> to vector<128x128xf32>
    %sub3A_1844 = arith.subf %sub3A_1843, %slice3A_1842 : vector<128x128xf32>
    %slice3A_1845 = vector.extract_strided_slice %get3A_11 {offsets = [0, 4608], sizes = [1, 128], strides = [1, 1]} : vector<1x8192xf32> to vector<1x128xf32>
    %add3A_1846 = vector.broadcast %slice3A_1845 : vector<1x128xf32> to vector<128x128xf32>
    %add3A_1847 = arith.addf %sub3A_1844, %add3A_1846 : vector<128x128xf32>
    %lt3A_1848 = arith.cmpf olt, %add3A_1847, %min3A_1838 : vector<128x128xf32>
    %min3A_1849 = arith.minimumf %min3A_1838, %add3A_1847 : vector<128x128xf32>
    %jit3A_1850 = arith.constant 3.600000e+01 : f32
    %broadcast_in_dim3A_1851 = vector.broadcast %jit3A_1850 : f32 to vector<128x128xf32>
    %select_n3A_1852 = arith.select %lt3A_1848, %broadcast_in_dim3A_1851, %select_n3A_1841 : vector<128x128xi1>, vector<128x128xf32>
    %slice3A_1853 = vector.extract_strided_slice %dot_general3A_8 {offsets = [256, 4736], sizes = [128, 128], strides = [1, 1]} : vector<512x8192xf32> to vector<128x128xf32>
    %sub3A_1854 = vector.broadcast %slice3A_1448 : vector<128x1xf32> to vector<128x128xf32>
    %sub3A_1855 = arith.subf %sub3A_1854, %slice3A_1853 : vector<128x128xf32>
    %slice3A_1856 = vector.extract_strided_slice %get3A_11 {offsets = [0, 4736], sizes = [1, 128], strides = [1, 1]} : vector<1x8192xf32> to vector<1x128xf32>
    %add3A_1857 = vector.broadcast %slice3A_1856 : vector<1x128xf32> to vector<128x128xf32>
    %add3A_1858 = arith.addf %sub3A_1855, %add3A_1857 : vector<128x128xf32>
    %lt3A_1859 = arith.cmpf olt, %add3A_1858, %min3A_1849 : vector<128x128xf32>
    %min3A_1860 = arith.minimumf %min3A_1849, %add3A_1858 : vector<128x128xf32>
    %jit3A_1861 = arith.constant 3.700000e+01 : f32
    %broadcast_in_dim3A_1862 = vector.broadcast %jit3A_1861 : f32 to vector<128x128xf32>
    %select_n3A_1863 = arith.select %lt3A_1859, %broadcast_in_dim3A_1862, %select_n3A_1852 : vector<128x128xi1>, vector<128x128xf32>
    %slice3A_1864 = vector.extract_strided_slice %dot_general3A_8 {offsets = [256, 4864], sizes = [128, 128], strides = [1, 1]} : vector<512x8192xf32> to vector<128x128xf32>
    %sub3A_1865 = vector.broadcast %slice3A_1448 : vector<128x1xf32> to vector<128x128xf32>
    %sub3A_1866 = arith.subf %sub3A_1865, %slice3A_1864 : vector<128x128xf32>
    %slice3A_1867 = vector.extract_strided_slice %get3A_11 {offsets = [0, 4864], sizes = [1, 128], strides = [1, 1]} : vector<1x8192xf32> to vector<1x128xf32>
    %add3A_1868 = vector.broadcast %slice3A_1867 : vector<1x128xf32> to vector<128x128xf32>
    %add3A_1869 = arith.addf %sub3A_1866, %add3A_1868 : vector<128x128xf32>
    %lt3A_1870 = arith.cmpf olt, %add3A_1869, %min3A_1860 : vector<128x128xf32>
    %min3A_1871 = arith.minimumf %min3A_1860, %add3A_1869 : vector<128x128xf32>
    %jit3A_1872 = arith.constant 3.800000e+01 : f32
    %broadcast_in_dim3A_1873 = vector.broadcast %jit3A_1872 : f32 to vector<128x128xf32>
    %select_n3A_1874 = arith.select %lt3A_1870, %broadcast_in_dim3A_1873, %select_n3A_1863 : vector<128x128xi1>, vector<128x128xf32>
    %slice3A_1875 = vector.extract_strided_slice %dot_general3A_8 {offsets = [256, 4992], sizes = [128, 128], strides = [1, 1]} : vector<512x8192xf32> to vector<128x128xf32>
    %sub3A_1876 = vector.broadcast %slice3A_1448 : vector<128x1xf32> to vector<128x128xf32>
    %sub3A_1877 = arith.subf %sub3A_1876, %slice3A_1875 : vector<128x128xf32>
    %slice3A_1878 = vector.extract_strided_slice %get3A_11 {offsets = [0, 4992], sizes = [1, 128], strides = [1, 1]} : vector<1x8192xf32> to vector<1x128xf32>
    %add3A_1879 = vector.broadcast %slice3A_1878 : vector<1x128xf32> to vector<128x128xf32>
    %add3A_1880 = arith.addf %sub3A_1877, %add3A_1879 : vector<128x128xf32>
    %lt3A_1881 = arith.cmpf olt, %add3A_1880, %min3A_1871 : vector<128x128xf32>
    %min3A_1882 = arith.minimumf %min3A_1871, %add3A_1880 : vector<128x128xf32>
    %jit3A_1883 = arith.constant 3.900000e+01 : f32
    %broadcast_in_dim3A_1884 = vector.broadcast %jit3A_1883 : f32 to vector<128x128xf32>
    %select_n3A_1885 = arith.select %lt3A_1881, %broadcast_in_dim3A_1884, %select_n3A_1874 : vector<128x128xi1>, vector<128x128xf32>
    %slice3A_1886 = vector.extract_strided_slice %dot_general3A_8 {offsets = [256, 5120], sizes = [128, 128], strides = [1, 1]} : vector<512x8192xf32> to vector<128x128xf32>
    %sub3A_1887 = vector.broadcast %slice3A_1448 : vector<128x1xf32> to vector<128x128xf32>
    %sub3A_1888 = arith.subf %sub3A_1887, %slice3A_1886 : vector<128x128xf32>
    %slice3A_1889 = vector.extract_strided_slice %get3A_11 {offsets = [0, 5120], sizes = [1, 128], strides = [1, 1]} : vector<1x8192xf32> to vector<1x128xf32>
    %add3A_1890 = vector.broadcast %slice3A_1889 : vector<1x128xf32> to vector<128x128xf32>
    %add3A_1891 = arith.addf %sub3A_1888, %add3A_1890 : vector<128x128xf32>
    %lt3A_1892 = arith.cmpf olt, %add3A_1891, %min3A_1882 : vector<128x128xf32>
    %min3A_1893 = arith.minimumf %min3A_1882, %add3A_1891 : vector<128x128xf32>
    %jit3A_1894 = arith.constant 4.000000e+01 : f32
    %broadcast_in_dim3A_1895 = vector.broadcast %jit3A_1894 : f32 to vector<128x128xf32>
    %select_n3A_1896 = arith.select %lt3A_1892, %broadcast_in_dim3A_1895, %select_n3A_1885 : vector<128x128xi1>, vector<128x128xf32>
    %slice3A_1897 = vector.extract_strided_slice %dot_general3A_8 {offsets = [256, 5248], sizes = [128, 128], strides = [1, 1]} : vector<512x8192xf32> to vector<128x128xf32>
    %sub3A_1898 = vector.broadcast %slice3A_1448 : vector<128x1xf32> to vector<128x128xf32>
    %sub3A_1899 = arith.subf %sub3A_1898, %slice3A_1897 : vector<128x128xf32>
    %slice3A_1900 = vector.extract_strided_slice %get3A_11 {offsets = [0, 5248], sizes = [1, 128], strides = [1, 1]} : vector<1x8192xf32> to vector<1x128xf32>
    %add3A_1901 = vector.broadcast %slice3A_1900 : vector<1x128xf32> to vector<128x128xf32>
    %add3A_1902 = arith.addf %sub3A_1899, %add3A_1901 : vector<128x128xf32>
    %lt3A_1903 = arith.cmpf olt, %add3A_1902, %min3A_1893 : vector<128x128xf32>
    %min3A_1904 = arith.minimumf %min3A_1893, %add3A_1902 : vector<128x128xf32>
    %jit3A_1905 = arith.constant 4.100000e+01 : f32
    %broadcast_in_dim3A_1906 = vector.broadcast %jit3A_1905 : f32 to vector<128x128xf32>
    %select_n3A_1907 = arith.select %lt3A_1903, %broadcast_in_dim3A_1906, %select_n3A_1896 : vector<128x128xi1>, vector<128x128xf32>
    %slice3A_1908 = vector.extract_strided_slice %dot_general3A_8 {offsets = [256, 5376], sizes = [128, 128], strides = [1, 1]} : vector<512x8192xf32> to vector<128x128xf32>
    %sub3A_1909 = vector.broadcast %slice3A_1448 : vector<128x1xf32> to vector<128x128xf32>
    %sub3A_1910 = arith.subf %sub3A_1909, %slice3A_1908 : vector<128x128xf32>
    %slice3A_1911 = vector.extract_strided_slice %get3A_11 {offsets = [0, 5376], sizes = [1, 128], strides = [1, 1]} : vector<1x8192xf32> to vector<1x128xf32>
    %add3A_1912 = vector.broadcast %slice3A_1911 : vector<1x128xf32> to vector<128x128xf32>
    %add3A_1913 = arith.addf %sub3A_1910, %add3A_1912 : vector<128x128xf32>
    %lt3A_1914 = arith.cmpf olt, %add3A_1913, %min3A_1904 : vector<128x128xf32>
    %min3A_1915 = arith.minimumf %min3A_1904, %add3A_1913 : vector<128x128xf32>
    %jit3A_1916 = arith.constant 4.200000e+01 : f32
    %broadcast_in_dim3A_1917 = vector.broadcast %jit3A_1916 : f32 to vector<128x128xf32>
    %select_n3A_1918 = arith.select %lt3A_1914, %broadcast_in_dim3A_1917, %select_n3A_1907 : vector<128x128xi1>, vector<128x128xf32>
    %slice3A_1919 = vector.extract_strided_slice %dot_general3A_8 {offsets = [256, 5504], sizes = [128, 128], strides = [1, 1]} : vector<512x8192xf32> to vector<128x128xf32>
    %sub3A_1920 = vector.broadcast %slice3A_1448 : vector<128x1xf32> to vector<128x128xf32>
    %sub3A_1921 = arith.subf %sub3A_1920, %slice3A_1919 : vector<128x128xf32>
    %slice3A_1922 = vector.extract_strided_slice %get3A_11 {offsets = [0, 5504], sizes = [1, 128], strides = [1, 1]} : vector<1x8192xf32> to vector<1x128xf32>
    %add3A_1923 = vector.broadcast %slice3A_1922 : vector<1x128xf32> to vector<128x128xf32>
    %add3A_1924 = arith.addf %sub3A_1921, %add3A_1923 : vector<128x128xf32>
    %lt3A_1925 = arith.cmpf olt, %add3A_1924, %min3A_1915 : vector<128x128xf32>
    %min3A_1926 = arith.minimumf %min3A_1915, %add3A_1924 : vector<128x128xf32>
    %jit3A_1927 = arith.constant 4.300000e+01 : f32
    %broadcast_in_dim3A_1928 = vector.broadcast %jit3A_1927 : f32 to vector<128x128xf32>
    %select_n3A_1929 = arith.select %lt3A_1925, %broadcast_in_dim3A_1928, %select_n3A_1918 : vector<128x128xi1>, vector<128x128xf32>
    %slice3A_1930 = vector.extract_strided_slice %dot_general3A_8 {offsets = [256, 5632], sizes = [128, 128], strides = [1, 1]} : vector<512x8192xf32> to vector<128x128xf32>
    %sub3A_1931 = vector.broadcast %slice3A_1448 : vector<128x1xf32> to vector<128x128xf32>
    %sub3A_1932 = arith.subf %sub3A_1931, %slice3A_1930 : vector<128x128xf32>
    %slice3A_1933 = vector.extract_strided_slice %get3A_11 {offsets = [0, 5632], sizes = [1, 128], strides = [1, 1]} : vector<1x8192xf32> to vector<1x128xf32>
    %add3A_1934 = vector.broadcast %slice3A_1933 : vector<1x128xf32> to vector<128x128xf32>
    %add3A_1935 = arith.addf %sub3A_1932, %add3A_1934 : vector<128x128xf32>
    %lt3A_1936 = arith.cmpf olt, %add3A_1935, %min3A_1926 : vector<128x128xf32>
    %min3A_1937 = arith.minimumf %min3A_1926, %add3A_1935 : vector<128x128xf32>
    %jit3A_1938 = arith.constant 4.400000e+01 : f32
    %broadcast_in_dim3A_1939 = vector.broadcast %jit3A_1938 : f32 to vector<128x128xf32>
    %select_n3A_1940 = arith.select %lt3A_1936, %broadcast_in_dim3A_1939, %select_n3A_1929 : vector<128x128xi1>, vector<128x128xf32>
    %slice3A_1941 = vector.extract_strided_slice %dot_general3A_8 {offsets = [256, 5760], sizes = [128, 128], strides = [1, 1]} : vector<512x8192xf32> to vector<128x128xf32>
    %sub3A_1942 = vector.broadcast %slice3A_1448 : vector<128x1xf32> to vector<128x128xf32>
    %sub3A_1943 = arith.subf %sub3A_1942, %slice3A_1941 : vector<128x128xf32>
    %slice3A_1944 = vector.extract_strided_slice %get3A_11 {offsets = [0, 5760], sizes = [1, 128], strides = [1, 1]} : vector<1x8192xf32> to vector<1x128xf32>
    %add3A_1945 = vector.broadcast %slice3A_1944 : vector<1x128xf32> to vector<128x128xf32>
    %add3A_1946 = arith.addf %sub3A_1943, %add3A_1945 : vector<128x128xf32>
    %lt3A_1947 = arith.cmpf olt, %add3A_1946, %min3A_1937 : vector<128x128xf32>
    %min3A_1948 = arith.minimumf %min3A_1937, %add3A_1946 : vector<128x128xf32>
    %jit3A_1949 = arith.constant 4.500000e+01 : f32
    %broadcast_in_dim3A_1950 = vector.broadcast %jit3A_1949 : f32 to vector<128x128xf32>
    %select_n3A_1951 = arith.select %lt3A_1947, %broadcast_in_dim3A_1950, %select_n3A_1940 : vector<128x128xi1>, vector<128x128xf32>
    %slice3A_1952 = vector.extract_strided_slice %dot_general3A_8 {offsets = [256, 5888], sizes = [128, 128], strides = [1, 1]} : vector<512x8192xf32> to vector<128x128xf32>
    %sub3A_1953 = vector.broadcast %slice3A_1448 : vector<128x1xf32> to vector<128x128xf32>
    %sub3A_1954 = arith.subf %sub3A_1953, %slice3A_1952 : vector<128x128xf32>
    %slice3A_1955 = vector.extract_strided_slice %get3A_11 {offsets = [0, 5888], sizes = [1, 128], strides = [1, 1]} : vector<1x8192xf32> to vector<1x128xf32>
    %add3A_1956 = vector.broadcast %slice3A_1955 : vector<1x128xf32> to vector<128x128xf32>
    %add3A_1957 = arith.addf %sub3A_1954, %add3A_1956 : vector<128x128xf32>
    %lt3A_1958 = arith.cmpf olt, %add3A_1957, %min3A_1948 : vector<128x128xf32>
    %min3A_1959 = arith.minimumf %min3A_1948, %add3A_1957 : vector<128x128xf32>
    %jit3A_1960 = arith.constant 4.600000e+01 : f32
    %broadcast_in_dim3A_1961 = vector.broadcast %jit3A_1960 : f32 to vector<128x128xf32>
    %select_n3A_1962 = arith.select %lt3A_1958, %broadcast_in_dim3A_1961, %select_n3A_1951 : vector<128x128xi1>, vector<128x128xf32>
    %slice3A_1963 = vector.extract_strided_slice %dot_general3A_8 {offsets = [256, 6016], sizes = [128, 128], strides = [1, 1]} : vector<512x8192xf32> to vector<128x128xf32>
    %sub3A_1964 = vector.broadcast %slice3A_1448 : vector<128x1xf32> to vector<128x128xf32>
    %sub3A_1965 = arith.subf %sub3A_1964, %slice3A_1963 : vector<128x128xf32>
    %slice3A_1966 = vector.extract_strided_slice %get3A_11 {offsets = [0, 6016], sizes = [1, 128], strides = [1, 1]} : vector<1x8192xf32> to vector<1x128xf32>
    %add3A_1967 = vector.broadcast %slice3A_1966 : vector<1x128xf32> to vector<128x128xf32>
    %add3A_1968 = arith.addf %sub3A_1965, %add3A_1967 : vector<128x128xf32>
    %lt3A_1969 = arith.cmpf olt, %add3A_1968, %min3A_1959 : vector<128x128xf32>
    %min3A_1970 = arith.minimumf %min3A_1959, %add3A_1968 : vector<128x128xf32>
    %jit3A_1971 = arith.constant 4.700000e+01 : f32
    %broadcast_in_dim3A_1972 = vector.broadcast %jit3A_1971 : f32 to vector<128x128xf32>
    %select_n3A_1973 = arith.select %lt3A_1969, %broadcast_in_dim3A_1972, %select_n3A_1962 : vector<128x128xi1>, vector<128x128xf32>
    %slice3A_1974 = vector.extract_strided_slice %dot_general3A_8 {offsets = [256, 6144], sizes = [128, 128], strides = [1, 1]} : vector<512x8192xf32> to vector<128x128xf32>
    %sub3A_1975 = vector.broadcast %slice3A_1448 : vector<128x1xf32> to vector<128x128xf32>
    %sub3A_1976 = arith.subf %sub3A_1975, %slice3A_1974 : vector<128x128xf32>
    %slice3A_1977 = vector.extract_strided_slice %get3A_11 {offsets = [0, 6144], sizes = [1, 128], strides = [1, 1]} : vector<1x8192xf32> to vector<1x128xf32>
    %add3A_1978 = vector.broadcast %slice3A_1977 : vector<1x128xf32> to vector<128x128xf32>
    %add3A_1979 = arith.addf %sub3A_1976, %add3A_1978 : vector<128x128xf32>
    %lt3A_1980 = arith.cmpf olt, %add3A_1979, %min3A_1970 : vector<128x128xf32>
    %min3A_1981 = arith.minimumf %min3A_1970, %add3A_1979 : vector<128x128xf32>
    %jit3A_1982 = arith.constant 4.800000e+01 : f32
    %broadcast_in_dim3A_1983 = vector.broadcast %jit3A_1982 : f32 to vector<128x128xf32>
    %select_n3A_1984 = arith.select %lt3A_1980, %broadcast_in_dim3A_1983, %select_n3A_1973 : vector<128x128xi1>, vector<128x128xf32>
    %slice3A_1985 = vector.extract_strided_slice %dot_general3A_8 {offsets = [256, 6272], sizes = [128, 128], strides = [1, 1]} : vector<512x8192xf32> to vector<128x128xf32>
    %sub3A_1986 = vector.broadcast %slice3A_1448 : vector<128x1xf32> to vector<128x128xf32>
    %sub3A_1987 = arith.subf %sub3A_1986, %slice3A_1985 : vector<128x128xf32>
    %slice3A_1988 = vector.extract_strided_slice %get3A_11 {offsets = [0, 6272], sizes = [1, 128], strides = [1, 1]} : vector<1x8192xf32> to vector<1x128xf32>
    %add3A_1989 = vector.broadcast %slice3A_1988 : vector<1x128xf32> to vector<128x128xf32>
    %add3A_1990 = arith.addf %sub3A_1987, %add3A_1989 : vector<128x128xf32>
    %lt3A_1991 = arith.cmpf olt, %add3A_1990, %min3A_1981 : vector<128x128xf32>
    %min3A_1992 = arith.minimumf %min3A_1981, %add3A_1990 : vector<128x128xf32>
    %jit3A_1993 = arith.constant 4.900000e+01 : f32
    %broadcast_in_dim3A_1994 = vector.broadcast %jit3A_1993 : f32 to vector<128x128xf32>
    %select_n3A_1995 = arith.select %lt3A_1991, %broadcast_in_dim3A_1994, %select_n3A_1984 : vector<128x128xi1>, vector<128x128xf32>
    %slice3A_1996 = vector.extract_strided_slice %dot_general3A_8 {offsets = [256, 6400], sizes = [128, 128], strides = [1, 1]} : vector<512x8192xf32> to vector<128x128xf32>
    %sub3A_1997 = vector.broadcast %slice3A_1448 : vector<128x1xf32> to vector<128x128xf32>
    %sub3A_1998 = arith.subf %sub3A_1997, %slice3A_1996 : vector<128x128xf32>
    %slice3A_1999 = vector.extract_strided_slice %get3A_11 {offsets = [0, 6400], sizes = [1, 128], strides = [1, 1]} : vector<1x8192xf32> to vector<1x128xf32>
    %add3A_2000 = vector.broadcast %slice3A_1999 : vector<1x128xf32> to vector<128x128xf32>
    %add3A_2001 = arith.addf %sub3A_1998, %add3A_2000 : vector<128x128xf32>
    %lt3A_2002 = arith.cmpf olt, %add3A_2001, %min3A_1992 : vector<128x128xf32>
    %min3A_2003 = arith.minimumf %min3A_1992, %add3A_2001 : vector<128x128xf32>
    %jit3A_2004 = arith.constant 5.000000e+01 : f32
    %broadcast_in_dim3A_2005 = vector.broadcast %jit3A_2004 : f32 to vector<128x128xf32>
    %select_n3A_2006 = arith.select %lt3A_2002, %broadcast_in_dim3A_2005, %select_n3A_1995 : vector<128x128xi1>, vector<128x128xf32>
    %slice3A_2007 = vector.extract_strided_slice %dot_general3A_8 {offsets = [256, 6528], sizes = [128, 128], strides = [1, 1]} : vector<512x8192xf32> to vector<128x128xf32>
    %sub3A_2008 = vector.broadcast %slice3A_1448 : vector<128x1xf32> to vector<128x128xf32>
    %sub3A_2009 = arith.subf %sub3A_2008, %slice3A_2007 : vector<128x128xf32>
    %slice3A_2010 = vector.extract_strided_slice %get3A_11 {offsets = [0, 6528], sizes = [1, 128], strides = [1, 1]} : vector<1x8192xf32> to vector<1x128xf32>
    %add3A_2011 = vector.broadcast %slice3A_2010 : vector<1x128xf32> to vector<128x128xf32>
    %add3A_2012 = arith.addf %sub3A_2009, %add3A_2011 : vector<128x128xf32>
    %lt3A_2013 = arith.cmpf olt, %add3A_2012, %min3A_2003 : vector<128x128xf32>
    %min3A_2014 = arith.minimumf %min3A_2003, %add3A_2012 : vector<128x128xf32>
    %jit3A_2015 = arith.constant 5.100000e+01 : f32
    %broadcast_in_dim3A_2016 = vector.broadcast %jit3A_2015 : f32 to vector<128x128xf32>
    %select_n3A_2017 = arith.select %lt3A_2013, %broadcast_in_dim3A_2016, %select_n3A_2006 : vector<128x128xi1>, vector<128x128xf32>
    %slice3A_2018 = vector.extract_strided_slice %dot_general3A_8 {offsets = [256, 6656], sizes = [128, 128], strides = [1, 1]} : vector<512x8192xf32> to vector<128x128xf32>
    %sub3A_2019 = vector.broadcast %slice3A_1448 : vector<128x1xf32> to vector<128x128xf32>
    %sub3A_2020 = arith.subf %sub3A_2019, %slice3A_2018 : vector<128x128xf32>
    %slice3A_2021 = vector.extract_strided_slice %get3A_11 {offsets = [0, 6656], sizes = [1, 128], strides = [1, 1]} : vector<1x8192xf32> to vector<1x128xf32>
    %add3A_2022 = vector.broadcast %slice3A_2021 : vector<1x128xf32> to vector<128x128xf32>
    %add3A_2023 = arith.addf %sub3A_2020, %add3A_2022 : vector<128x128xf32>
    %lt3A_2024 = arith.cmpf olt, %add3A_2023, %min3A_2014 : vector<128x128xf32>
    %min3A_2025 = arith.minimumf %min3A_2014, %add3A_2023 : vector<128x128xf32>
    %jit3A_2026 = arith.constant 5.200000e+01 : f32
    %broadcast_in_dim3A_2027 = vector.broadcast %jit3A_2026 : f32 to vector<128x128xf32>
    %select_n3A_2028 = arith.select %lt3A_2024, %broadcast_in_dim3A_2027, %select_n3A_2017 : vector<128x128xi1>, vector<128x128xf32>
    %slice3A_2029 = vector.extract_strided_slice %dot_general3A_8 {offsets = [256, 6784], sizes = [128, 128], strides = [1, 1]} : vector<512x8192xf32> to vector<128x128xf32>
    %sub3A_2030 = vector.broadcast %slice3A_1448 : vector<128x1xf32> to vector<128x128xf32>
    %sub3A_2031 = arith.subf %sub3A_2030, %slice3A_2029 : vector<128x128xf32>
    %slice3A_2032 = vector.extract_strided_slice %get3A_11 {offsets = [0, 6784], sizes = [1, 128], strides = [1, 1]} : vector<1x8192xf32> to vector<1x128xf32>
    %add3A_2033 = vector.broadcast %slice3A_2032 : vector<1x128xf32> to vector<128x128xf32>
    %add3A_2034 = arith.addf %sub3A_2031, %add3A_2033 : vector<128x128xf32>
    %lt3A_2035 = arith.cmpf olt, %add3A_2034, %min3A_2025 : vector<128x128xf32>
    %min3A_2036 = arith.minimumf %min3A_2025, %add3A_2034 : vector<128x128xf32>
    %jit3A_2037 = arith.constant 5.300000e+01 : f32
    %broadcast_in_dim3A_2038 = vector.broadcast %jit3A_2037 : f32 to vector<128x128xf32>
    %select_n3A_2039 = arith.select %lt3A_2035, %broadcast_in_dim3A_2038, %select_n3A_2028 : vector<128x128xi1>, vector<128x128xf32>
    %slice3A_2040 = vector.extract_strided_slice %dot_general3A_8 {offsets = [256, 6912], sizes = [128, 128], strides = [1, 1]} : vector<512x8192xf32> to vector<128x128xf32>
    %sub3A_2041 = vector.broadcast %slice3A_1448 : vector<128x1xf32> to vector<128x128xf32>
    %sub3A_2042 = arith.subf %sub3A_2041, %slice3A_2040 : vector<128x128xf32>
    %slice3A_2043 = vector.extract_strided_slice %get3A_11 {offsets = [0, 6912], sizes = [1, 128], strides = [1, 1]} : vector<1x8192xf32> to vector<1x128xf32>
    %add3A_2044 = vector.broadcast %slice3A_2043 : vector<1x128xf32> to vector<128x128xf32>
    %add3A_2045 = arith.addf %sub3A_2042, %add3A_2044 : vector<128x128xf32>
    %lt3A_2046 = arith.cmpf olt, %add3A_2045, %min3A_2036 : vector<128x128xf32>
    %min3A_2047 = arith.minimumf %min3A_2036, %add3A_2045 : vector<128x128xf32>
    %jit3A_2048 = arith.constant 5.400000e+01 : f32
    %broadcast_in_dim3A_2049 = vector.broadcast %jit3A_2048 : f32 to vector<128x128xf32>
    %select_n3A_2050 = arith.select %lt3A_2046, %broadcast_in_dim3A_2049, %select_n3A_2039 : vector<128x128xi1>, vector<128x128xf32>
    %slice3A_2051 = vector.extract_strided_slice %dot_general3A_8 {offsets = [256, 7040], sizes = [128, 128], strides = [1, 1]} : vector<512x8192xf32> to vector<128x128xf32>
    %sub3A_2052 = vector.broadcast %slice3A_1448 : vector<128x1xf32> to vector<128x128xf32>
    %sub3A_2053 = arith.subf %sub3A_2052, %slice3A_2051 : vector<128x128xf32>
    %slice3A_2054 = vector.extract_strided_slice %get3A_11 {offsets = [0, 7040], sizes = [1, 128], strides = [1, 1]} : vector<1x8192xf32> to vector<1x128xf32>
    %add3A_2055 = vector.broadcast %slice3A_2054 : vector<1x128xf32> to vector<128x128xf32>
    %add3A_2056 = arith.addf %sub3A_2053, %add3A_2055 : vector<128x128xf32>
    %lt3A_2057 = arith.cmpf olt, %add3A_2056, %min3A_2047 : vector<128x128xf32>
    %min3A_2058 = arith.minimumf %min3A_2047, %add3A_2056 : vector<128x128xf32>
    %jit3A_2059 = arith.constant 5.500000e+01 : f32
    %broadcast_in_dim3A_2060 = vector.broadcast %jit3A_2059 : f32 to vector<128x128xf32>
    %select_n3A_2061 = arith.select %lt3A_2057, %broadcast_in_dim3A_2060, %select_n3A_2050 : vector<128x128xi1>, vector<128x128xf32>
    %slice3A_2062 = vector.extract_strided_slice %dot_general3A_8 {offsets = [256, 7168], sizes = [128, 128], strides = [1, 1]} : vector<512x8192xf32> to vector<128x128xf32>
    %sub3A_2063 = vector.broadcast %slice3A_1448 : vector<128x1xf32> to vector<128x128xf32>
    %sub3A_2064 = arith.subf %sub3A_2063, %slice3A_2062 : vector<128x128xf32>
    %slice3A_2065 = vector.extract_strided_slice %get3A_11 {offsets = [0, 7168], sizes = [1, 128], strides = [1, 1]} : vector<1x8192xf32> to vector<1x128xf32>
    %add3A_2066 = vector.broadcast %slice3A_2065 : vector<1x128xf32> to vector<128x128xf32>
    %add3A_2067 = arith.addf %sub3A_2064, %add3A_2066 : vector<128x128xf32>
    %lt3A_2068 = arith.cmpf olt, %add3A_2067, %min3A_2058 : vector<128x128xf32>
    %min3A_2069 = arith.minimumf %min3A_2058, %add3A_2067 : vector<128x128xf32>
    %jit3A_2070 = arith.constant 5.600000e+01 : f32
    %broadcast_in_dim3A_2071 = vector.broadcast %jit3A_2070 : f32 to vector<128x128xf32>
    %select_n3A_2072 = arith.select %lt3A_2068, %broadcast_in_dim3A_2071, %select_n3A_2061 : vector<128x128xi1>, vector<128x128xf32>
    %slice3A_2073 = vector.extract_strided_slice %dot_general3A_8 {offsets = [256, 7296], sizes = [128, 128], strides = [1, 1]} : vector<512x8192xf32> to vector<128x128xf32>
    %sub3A_2074 = vector.broadcast %slice3A_1448 : vector<128x1xf32> to vector<128x128xf32>
    %sub3A_2075 = arith.subf %sub3A_2074, %slice3A_2073 : vector<128x128xf32>
    %slice3A_2076 = vector.extract_strided_slice %get3A_11 {offsets = [0, 7296], sizes = [1, 128], strides = [1, 1]} : vector<1x8192xf32> to vector<1x128xf32>
    %add3A_2077 = vector.broadcast %slice3A_2076 : vector<1x128xf32> to vector<128x128xf32>
    %add3A_2078 = arith.addf %sub3A_2075, %add3A_2077 : vector<128x128xf32>
    %lt3A_2079 = arith.cmpf olt, %add3A_2078, %min3A_2069 : vector<128x128xf32>
    %min3A_2080 = arith.minimumf %min3A_2069, %add3A_2078 : vector<128x128xf32>
    %jit3A_2081 = arith.constant 5.700000e+01 : f32
    %broadcast_in_dim3A_2082 = vector.broadcast %jit3A_2081 : f32 to vector<128x128xf32>
    %select_n3A_2083 = arith.select %lt3A_2079, %broadcast_in_dim3A_2082, %select_n3A_2072 : vector<128x128xi1>, vector<128x128xf32>
    %slice3A_2084 = vector.extract_strided_slice %dot_general3A_8 {offsets = [256, 7424], sizes = [128, 128], strides = [1, 1]} : vector<512x8192xf32> to vector<128x128xf32>
    %sub3A_2085 = vector.broadcast %slice3A_1448 : vector<128x1xf32> to vector<128x128xf32>
    %sub3A_2086 = arith.subf %sub3A_2085, %slice3A_2084 : vector<128x128xf32>
    %slice3A_2087 = vector.extract_strided_slice %get3A_11 {offsets = [0, 7424], sizes = [1, 128], strides = [1, 1]} : vector<1x8192xf32> to vector<1x128xf32>
    %add3A_2088 = vector.broadcast %slice3A_2087 : vector<1x128xf32> to vector<128x128xf32>
    %add3A_2089 = arith.addf %sub3A_2086, %add3A_2088 : vector<128x128xf32>
    %lt3A_2090 = arith.cmpf olt, %add3A_2089, %min3A_2080 : vector<128x128xf32>
    %min3A_2091 = arith.minimumf %min3A_2080, %add3A_2089 : vector<128x128xf32>
    %jit3A_2092 = arith.constant 5.800000e+01 : f32
    %broadcast_in_dim3A_2093 = vector.broadcast %jit3A_2092 : f32 to vector<128x128xf32>
    %select_n3A_2094 = arith.select %lt3A_2090, %broadcast_in_dim3A_2093, %select_n3A_2083 : vector<128x128xi1>, vector<128x128xf32>
    %slice3A_2095 = vector.extract_strided_slice %dot_general3A_8 {offsets = [256, 7552], sizes = [128, 128], strides = [1, 1]} : vector<512x8192xf32> to vector<128x128xf32>
    %sub3A_2096 = vector.broadcast %slice3A_1448 : vector<128x1xf32> to vector<128x128xf32>
    %sub3A_2097 = arith.subf %sub3A_2096, %slice3A_2095 : vector<128x128xf32>
    %slice3A_2098 = vector.extract_strided_slice %get3A_11 {offsets = [0, 7552], sizes = [1, 128], strides = [1, 1]} : vector<1x8192xf32> to vector<1x128xf32>
    %add3A_2099 = vector.broadcast %slice3A_2098 : vector<1x128xf32> to vector<128x128xf32>
    %add3A_2100 = arith.addf %sub3A_2097, %add3A_2099 : vector<128x128xf32>
    %lt3A_2101 = arith.cmpf olt, %add3A_2100, %min3A_2091 : vector<128x128xf32>
    %min3A_2102 = arith.minimumf %min3A_2091, %add3A_2100 : vector<128x128xf32>
    %jit3A_2103 = arith.constant 5.900000e+01 : f32
    %broadcast_in_dim3A_2104 = vector.broadcast %jit3A_2103 : f32 to vector<128x128xf32>
    %select_n3A_2105 = arith.select %lt3A_2101, %broadcast_in_dim3A_2104, %select_n3A_2094 : vector<128x128xi1>, vector<128x128xf32>
    %slice3A_2106 = vector.extract_strided_slice %dot_general3A_8 {offsets = [256, 7680], sizes = [128, 128], strides = [1, 1]} : vector<512x8192xf32> to vector<128x128xf32>
    %sub3A_2107 = vector.broadcast %slice3A_1448 : vector<128x1xf32> to vector<128x128xf32>
    %sub3A_2108 = arith.subf %sub3A_2107, %slice3A_2106 : vector<128x128xf32>
    %slice3A_2109 = vector.extract_strided_slice %get3A_11 {offsets = [0, 7680], sizes = [1, 128], strides = [1, 1]} : vector<1x8192xf32> to vector<1x128xf32>
    %add3A_2110 = vector.broadcast %slice3A_2109 : vector<1x128xf32> to vector<128x128xf32>
    %add3A_2111 = arith.addf %sub3A_2108, %add3A_2110 : vector<128x128xf32>
    %lt3A_2112 = arith.cmpf olt, %add3A_2111, %min3A_2102 : vector<128x128xf32>
    %min3A_2113 = arith.minimumf %min3A_2102, %add3A_2111 : vector<128x128xf32>
    %jit3A_2114 = arith.constant 6.000000e+01 : f32
    %broadcast_in_dim3A_2115 = vector.broadcast %jit3A_2114 : f32 to vector<128x128xf32>
    %select_n3A_2116 = arith.select %lt3A_2112, %broadcast_in_dim3A_2115, %select_n3A_2105 : vector<128x128xi1>, vector<128x128xf32>
    %slice3A_2117 = vector.extract_strided_slice %dot_general3A_8 {offsets = [256, 7808], sizes = [128, 128], strides = [1, 1]} : vector<512x8192xf32> to vector<128x128xf32>
    %sub3A_2118 = vector.broadcast %slice3A_1448 : vector<128x1xf32> to vector<128x128xf32>
    %sub3A_2119 = arith.subf %sub3A_2118, %slice3A_2117 : vector<128x128xf32>
    %slice3A_2120 = vector.extract_strided_slice %get3A_11 {offsets = [0, 7808], sizes = [1, 128], strides = [1, 1]} : vector<1x8192xf32> to vector<1x128xf32>
    %add3A_2121 = vector.broadcast %slice3A_2120 : vector<1x128xf32> to vector<128x128xf32>
    %add3A_2122 = arith.addf %sub3A_2119, %add3A_2121 : vector<128x128xf32>
    %lt3A_2123 = arith.cmpf olt, %add3A_2122, %min3A_2113 : vector<128x128xf32>
    %min3A_2124 = arith.minimumf %min3A_2113, %add3A_2122 : vector<128x128xf32>
    %jit3A_2125 = arith.constant 6.100000e+01 : f32
    %broadcast_in_dim3A_2126 = vector.broadcast %jit3A_2125 : f32 to vector<128x128xf32>
    %select_n3A_2127 = arith.select %lt3A_2123, %broadcast_in_dim3A_2126, %select_n3A_2116 : vector<128x128xi1>, vector<128x128xf32>
    %slice3A_2128 = vector.extract_strided_slice %dot_general3A_8 {offsets = [256, 7936], sizes = [128, 128], strides = [1, 1]} : vector<512x8192xf32> to vector<128x128xf32>
    %sub3A_2129 = vector.broadcast %slice3A_1448 : vector<128x1xf32> to vector<128x128xf32>
    %sub3A_2130 = arith.subf %sub3A_2129, %slice3A_2128 : vector<128x128xf32>
    %slice3A_2131 = vector.extract_strided_slice %get3A_11 {offsets = [0, 7936], sizes = [1, 128], strides = [1, 1]} : vector<1x8192xf32> to vector<1x128xf32>
    %add3A_2132 = vector.broadcast %slice3A_2131 : vector<1x128xf32> to vector<128x128xf32>
    %add3A_2133 = arith.addf %sub3A_2130, %add3A_2132 : vector<128x128xf32>
    %lt3A_2134 = arith.cmpf olt, %add3A_2133, %min3A_2124 : vector<128x128xf32>
    %min3A_2135 = arith.minimumf %min3A_2124, %add3A_2133 : vector<128x128xf32>
    %jit3A_2136 = arith.constant 6.200000e+01 : f32
    %broadcast_in_dim3A_2137 = vector.broadcast %jit3A_2136 : f32 to vector<128x128xf32>
    %select_n3A_2138 = arith.select %lt3A_2134, %broadcast_in_dim3A_2137, %select_n3A_2127 : vector<128x128xi1>, vector<128x128xf32>
    %slice3A_2139 = vector.extract_strided_slice %dot_general3A_8 {offsets = [256, 8064], sizes = [128, 128], strides = [1, 1]} : vector<512x8192xf32> to vector<128x128xf32>
    %sub3A_2140 = vector.broadcast %slice3A_1448 : vector<128x1xf32> to vector<128x128xf32>
    %sub3A_2141 = arith.subf %sub3A_2140, %slice3A_2139 : vector<128x128xf32>
    %slice3A_2142 = vector.extract_strided_slice %get3A_11 {offsets = [0, 8064], sizes = [1, 128], strides = [1, 1]} : vector<1x8192xf32> to vector<1x128xf32>
    %add3A_2143 = vector.broadcast %slice3A_2142 : vector<1x128xf32> to vector<128x128xf32>
    %add3A_2144 = arith.addf %sub3A_2141, %add3A_2143 : vector<128x128xf32>
    %lt3A_2145 = arith.cmpf olt, %add3A_2144, %min3A_2135 : vector<128x128xf32>
    %min3A_2146 = arith.minimumf %min3A_2135, %add3A_2144 : vector<128x128xf32>
    %jit3A_2147 = arith.constant 6.300000e+01 : f32
    %broadcast_in_dim3A_2148 = vector.broadcast %jit3A_2147 : f32 to vector<128x128xf32>
    %select_n3A_2149 = arith.select %lt3A_2145, %broadcast_in_dim3A_2148, %select_n3A_2138 : vector<128x128xi1>, vector<128x128xf32>
    %eq3A_2150 = arith.cmpf oeq, %min3A_2146, %min3A_2146 : vector<128x128xf32>
    %jit3A_2151 = arith.constant 8.192000e+03 : f32
    %broadcast_in_dim3A_2152 = vector.broadcast %jit3A_2151 : f32 to vector<128x128xf32>
    %select_n3A_2153 = arith.select %eq3A_2150, %select_n3A_2149, %broadcast_in_dim3A_2152 : vector<128x128xi1>, vector<128x128xf32>
    %reduce_min3A_2154 = arith.constant dense<0x7F800000> : vector<128xf32>
    %reduce_min3A_2155 = vector.multi_reduction <minimumf>, %min3A_2146, %reduce_min3A_2154 [1] : vector<128x128xf32> to vector<128xf32>
    %broadcast_in_dim3A_2156 = vector.shape_cast %reduce_min3A_2155 : vector<128xf32> to vector<128x1xf32>
    %iota3A_2157 = tpu.iota {dimensions = array<i32: 1>} : vector<128x128xi32>
    %convert_element_type3A_2158 = arith.sitofp %iota3A_2157 : vector<128x128xi32> to vector<128x128xf32>
    %mul3A_2159 = arith.constant 1.280000e+02 : f32
    %mul3A_2160 = vector.broadcast %mul3A_2159 : f32 to vector<128x128xf32>
    %mul3A_2161 = arith.mulf %select_n3A_2153, %mul3A_2160 : vector<128x128xf32>
    %add3A_2162 = arith.addf %mul3A_2161, %convert_element_type3A_2158 : vector<128x128xf32>
    %eq3A_2163 = vector.broadcast %broadcast_in_dim3A_2156 : vector<128x1xf32> to vector<128x128xf32>
    %eq3A_2164 = arith.cmpf oeq, %min3A_2146, %eq3A_2163 : vector<128x128xf32>
    %jit3A_2165 = arith.constant 8.192000e+03 : f32
    %broadcast_in_dim3A_2166 = vector.broadcast %jit3A_2165 : f32 to vector<128x128xf32>
    %select_n3A_2167 = arith.select %eq3A_2164, %add3A_2162, %broadcast_in_dim3A_2166 : vector<128x128xi1>, vector<128x128xf32>
    %reduce_min3A_2168 = arith.constant dense<0x7F800000> : vector<128xf32>
    %reduce_min3A_2169 = vector.multi_reduction <minimumf>, %select_n3A_2167, %reduce_min3A_2168 [1] : vector<128x128xf32> to vector<128xf32>
    %slice3A_2170 = vector.extract_strided_slice %broadcast_in_dim3A {offsets = [384, 0], sizes = [128, 1], strides = [1, 1]} : vector<512x1xf32> to vector<128x1xf32>
    %slice3A_2171 = vector.extract_strided_slice %dot_general3A_8 {offsets = [384, 0], sizes = [128, 128], strides = [1, 1]} : vector<512x8192xf32> to vector<128x128xf32>
    %sub3A_2172 = vector.broadcast %slice3A_2170 : vector<128x1xf32> to vector<128x128xf32>
    %sub3A_2173 = arith.subf %sub3A_2172, %slice3A_2171 : vector<128x128xf32>
    %slice3A_2174 = vector.extract_strided_slice %get3A_11 {offsets = [0, 0], sizes = [1, 128], strides = [1, 1]} : vector<1x8192xf32> to vector<1x128xf32>
    %add3A_2175 = vector.broadcast %slice3A_2174 : vector<1x128xf32> to vector<128x128xf32>
    %add3A_2176 = arith.addf %sub3A_2173, %add3A_2175 : vector<128x128xf32>
    %broadcast_in_dim3A_2177 = arith.constant 0.000000e+00 : f32
    %broadcast_in_dim3A_2178 = vector.broadcast %broadcast_in_dim3A_2177 : f32 to vector<128x128xf32>
    %slice3A_2179 = vector.extract_strided_slice %dot_general3A_8 {offsets = [384, 128], sizes = [128, 128], strides = [1, 1]} : vector<512x8192xf32> to vector<128x128xf32>
    %sub3A_2180 = vector.broadcast %slice3A_2170 : vector<128x1xf32> to vector<128x128xf32>
    %sub3A_2181 = arith.subf %sub3A_2180, %slice3A_2179 : vector<128x128xf32>
    %slice3A_2182 = vector.extract_strided_slice %get3A_11 {offsets = [0, 128], sizes = [1, 128], strides = [1, 1]} : vector<1x8192xf32> to vector<1x128xf32>
    %add3A_2183 = vector.broadcast %slice3A_2182 : vector<1x128xf32> to vector<128x128xf32>
    %add3A_2184 = arith.addf %sub3A_2181, %add3A_2183 : vector<128x128xf32>
    %lt3A_2185 = arith.cmpf olt, %add3A_2184, %add3A_2176 : vector<128x128xf32>
    %min3A_2186 = arith.minimumf %add3A_2176, %add3A_2184 : vector<128x128xf32>
    %jit3A_2187 = arith.constant 1.000000e+00 : f32
    %broadcast_in_dim3A_2188 = vector.broadcast %jit3A_2187 : f32 to vector<128x128xf32>
    %select_n3A_2189 = arith.select %lt3A_2185, %broadcast_in_dim3A_2188, %broadcast_in_dim3A_2178 : vector<128x128xi1>, vector<128x128xf32>
    %slice3A_2190 = vector.extract_strided_slice %dot_general3A_8 {offsets = [384, 256], sizes = [128, 128], strides = [1, 1]} : vector<512x8192xf32> to vector<128x128xf32>
    %sub3A_2191 = vector.broadcast %slice3A_2170 : vector<128x1xf32> to vector<128x128xf32>
    %sub3A_2192 = arith.subf %sub3A_2191, %slice3A_2190 : vector<128x128xf32>
    %slice3A_2193 = vector.extract_strided_slice %get3A_11 {offsets = [0, 256], sizes = [1, 128], strides = [1, 1]} : vector<1x8192xf32> to vector<1x128xf32>
    %add3A_2194 = vector.broadcast %slice3A_2193 : vector<1x128xf32> to vector<128x128xf32>
    %add3A_2195 = arith.addf %sub3A_2192, %add3A_2194 : vector<128x128xf32>
    %lt3A_2196 = arith.cmpf olt, %add3A_2195, %min3A_2186 : vector<128x128xf32>
    %min3A_2197 = arith.minimumf %min3A_2186, %add3A_2195 : vector<128x128xf32>
    %jit3A_2198 = arith.constant 2.000000e+00 : f32
    %broadcast_in_dim3A_2199 = vector.broadcast %jit3A_2198 : f32 to vector<128x128xf32>
    %select_n3A_2200 = arith.select %lt3A_2196, %broadcast_in_dim3A_2199, %select_n3A_2189 : vector<128x128xi1>, vector<128x128xf32>
    %slice3A_2201 = vector.extract_strided_slice %dot_general3A_8 {offsets = [384, 384], sizes = [128, 128], strides = [1, 1]} : vector<512x8192xf32> to vector<128x128xf32>
    %sub3A_2202 = vector.broadcast %slice3A_2170 : vector<128x1xf32> to vector<128x128xf32>
    %sub3A_2203 = arith.subf %sub3A_2202, %slice3A_2201 : vector<128x128xf32>
    %slice3A_2204 = vector.extract_strided_slice %get3A_11 {offsets = [0, 384], sizes = [1, 128], strides = [1, 1]} : vector<1x8192xf32> to vector<1x128xf32>
    %add3A_2205 = vector.broadcast %slice3A_2204 : vector<1x128xf32> to vector<128x128xf32>
    %add3A_2206 = arith.addf %sub3A_2203, %add3A_2205 : vector<128x128xf32>
    %lt3A_2207 = arith.cmpf olt, %add3A_2206, %min3A_2197 : vector<128x128xf32>
    %min3A_2208 = arith.minimumf %min3A_2197, %add3A_2206 : vector<128x128xf32>
    %jit3A_2209 = arith.constant 3.000000e+00 : f32
    %broadcast_in_dim3A_2210 = vector.broadcast %jit3A_2209 : f32 to vector<128x128xf32>
    %select_n3A_2211 = arith.select %lt3A_2207, %broadcast_in_dim3A_2210, %select_n3A_2200 : vector<128x128xi1>, vector<128x128xf32>
    %slice3A_2212 = vector.extract_strided_slice %dot_general3A_8 {offsets = [384, 512], sizes = [128, 128], strides = [1, 1]} : vector<512x8192xf32> to vector<128x128xf32>
    %sub3A_2213 = vector.broadcast %slice3A_2170 : vector<128x1xf32> to vector<128x128xf32>
    %sub3A_2214 = arith.subf %sub3A_2213, %slice3A_2212 : vector<128x128xf32>
    %slice3A_2215 = vector.extract_strided_slice %get3A_11 {offsets = [0, 512], sizes = [1, 128], strides = [1, 1]} : vector<1x8192xf32> to vector<1x128xf32>
    %add3A_2216 = vector.broadcast %slice3A_2215 : vector<1x128xf32> to vector<128x128xf32>
    %add3A_2217 = arith.addf %sub3A_2214, %add3A_2216 : vector<128x128xf32>
    %lt3A_2218 = arith.cmpf olt, %add3A_2217, %min3A_2208 : vector<128x128xf32>
    %min3A_2219 = arith.minimumf %min3A_2208, %add3A_2217 : vector<128x128xf32>
    %jit3A_2220 = arith.constant 4.000000e+00 : f32
    %broadcast_in_dim3A_2221 = vector.broadcast %jit3A_2220 : f32 to vector<128x128xf32>
    %select_n3A_2222 = arith.select %lt3A_2218, %broadcast_in_dim3A_2221, %select_n3A_2211 : vector<128x128xi1>, vector<128x128xf32>
    %slice3A_2223 = vector.extract_strided_slice %dot_general3A_8 {offsets = [384, 640], sizes = [128, 128], strides = [1, 1]} : vector<512x8192xf32> to vector<128x128xf32>
    %sub3A_2224 = vector.broadcast %slice3A_2170 : vector<128x1xf32> to vector<128x128xf32>
    %sub3A_2225 = arith.subf %sub3A_2224, %slice3A_2223 : vector<128x128xf32>
    %slice3A_2226 = vector.extract_strided_slice %get3A_11 {offsets = [0, 640], sizes = [1, 128], strides = [1, 1]} : vector<1x8192xf32> to vector<1x128xf32>
    %add3A_2227 = vector.broadcast %slice3A_2226 : vector<1x128xf32> to vector<128x128xf32>
    %add3A_2228 = arith.addf %sub3A_2225, %add3A_2227 : vector<128x128xf32>
    %lt3A_2229 = arith.cmpf olt, %add3A_2228, %min3A_2219 : vector<128x128xf32>
    %min3A_2230 = arith.minimumf %min3A_2219, %add3A_2228 : vector<128x128xf32>
    %jit3A_2231 = arith.constant 5.000000e+00 : f32
    %broadcast_in_dim3A_2232 = vector.broadcast %jit3A_2231 : f32 to vector<128x128xf32>
    %select_n3A_2233 = arith.select %lt3A_2229, %broadcast_in_dim3A_2232, %select_n3A_2222 : vector<128x128xi1>, vector<128x128xf32>
    %slice3A_2234 = vector.extract_strided_slice %dot_general3A_8 {offsets = [384, 768], sizes = [128, 128], strides = [1, 1]} : vector<512x8192xf32> to vector<128x128xf32>
    %sub3A_2235 = vector.broadcast %slice3A_2170 : vector<128x1xf32> to vector<128x128xf32>
    %sub3A_2236 = arith.subf %sub3A_2235, %slice3A_2234 : vector<128x128xf32>
    %slice3A_2237 = vector.extract_strided_slice %get3A_11 {offsets = [0, 768], sizes = [1, 128], strides = [1, 1]} : vector<1x8192xf32> to vector<1x128xf32>
    %add3A_2238 = vector.broadcast %slice3A_2237 : vector<1x128xf32> to vector<128x128xf32>
    %add3A_2239 = arith.addf %sub3A_2236, %add3A_2238 : vector<128x128xf32>
    %lt3A_2240 = arith.cmpf olt, %add3A_2239, %min3A_2230 : vector<128x128xf32>
    %min3A_2241 = arith.minimumf %min3A_2230, %add3A_2239 : vector<128x128xf32>
    %jit3A_2242 = arith.constant 6.000000e+00 : f32
    %broadcast_in_dim3A_2243 = vector.broadcast %jit3A_2242 : f32 to vector<128x128xf32>
    %select_n3A_2244 = arith.select %lt3A_2240, %broadcast_in_dim3A_2243, %select_n3A_2233 : vector<128x128xi1>, vector<128x128xf32>
    %slice3A_2245 = vector.extract_strided_slice %dot_general3A_8 {offsets = [384, 896], sizes = [128, 128], strides = [1, 1]} : vector<512x8192xf32> to vector<128x128xf32>
    %sub3A_2246 = vector.broadcast %slice3A_2170 : vector<128x1xf32> to vector<128x128xf32>
    %sub3A_2247 = arith.subf %sub3A_2246, %slice3A_2245 : vector<128x128xf32>
    %slice3A_2248 = vector.extract_strided_slice %get3A_11 {offsets = [0, 896], sizes = [1, 128], strides = [1, 1]} : vector<1x8192xf32> to vector<1x128xf32>
    %add3A_2249 = vector.broadcast %slice3A_2248 : vector<1x128xf32> to vector<128x128xf32>
    %add3A_2250 = arith.addf %sub3A_2247, %add3A_2249 : vector<128x128xf32>
    %lt3A_2251 = arith.cmpf olt, %add3A_2250, %min3A_2241 : vector<128x128xf32>
    %min3A_2252 = arith.minimumf %min3A_2241, %add3A_2250 : vector<128x128xf32>
    %jit3A_2253 = arith.constant 7.000000e+00 : f32
    %broadcast_in_dim3A_2254 = vector.broadcast %jit3A_2253 : f32 to vector<128x128xf32>
    %select_n3A_2255 = arith.select %lt3A_2251, %broadcast_in_dim3A_2254, %select_n3A_2244 : vector<128x128xi1>, vector<128x128xf32>
    %slice3A_2256 = vector.extract_strided_slice %dot_general3A_8 {offsets = [384, 1024], sizes = [128, 128], strides = [1, 1]} : vector<512x8192xf32> to vector<128x128xf32>
    %sub3A_2257 = vector.broadcast %slice3A_2170 : vector<128x1xf32> to vector<128x128xf32>
    %sub3A_2258 = arith.subf %sub3A_2257, %slice3A_2256 : vector<128x128xf32>
    %slice3A_2259 = vector.extract_strided_slice %get3A_11 {offsets = [0, 1024], sizes = [1, 128], strides = [1, 1]} : vector<1x8192xf32> to vector<1x128xf32>
    %add3A_2260 = vector.broadcast %slice3A_2259 : vector<1x128xf32> to vector<128x128xf32>
    %add3A_2261 = arith.addf %sub3A_2258, %add3A_2260 : vector<128x128xf32>
    %lt3A_2262 = arith.cmpf olt, %add3A_2261, %min3A_2252 : vector<128x128xf32>
    %min3A_2263 = arith.minimumf %min3A_2252, %add3A_2261 : vector<128x128xf32>
    %jit3A_2264 = arith.constant 8.000000e+00 : f32
    %broadcast_in_dim3A_2265 = vector.broadcast %jit3A_2264 : f32 to vector<128x128xf32>
    %select_n3A_2266 = arith.select %lt3A_2262, %broadcast_in_dim3A_2265, %select_n3A_2255 : vector<128x128xi1>, vector<128x128xf32>
    %slice3A_2267 = vector.extract_strided_slice %dot_general3A_8 {offsets = [384, 1152], sizes = [128, 128], strides = [1, 1]} : vector<512x8192xf32> to vector<128x128xf32>
    %sub3A_2268 = vector.broadcast %slice3A_2170 : vector<128x1xf32> to vector<128x128xf32>
    %sub3A_2269 = arith.subf %sub3A_2268, %slice3A_2267 : vector<128x128xf32>
    %slice3A_2270 = vector.extract_strided_slice %get3A_11 {offsets = [0, 1152], sizes = [1, 128], strides = [1, 1]} : vector<1x8192xf32> to vector<1x128xf32>
    %add3A_2271 = vector.broadcast %slice3A_2270 : vector<1x128xf32> to vector<128x128xf32>
    %add3A_2272 = arith.addf %sub3A_2269, %add3A_2271 : vector<128x128xf32>
    %lt3A_2273 = arith.cmpf olt, %add3A_2272, %min3A_2263 : vector<128x128xf32>
    %min3A_2274 = arith.minimumf %min3A_2263, %add3A_2272 : vector<128x128xf32>
    %jit3A_2275 = arith.constant 9.000000e+00 : f32
    %broadcast_in_dim3A_2276 = vector.broadcast %jit3A_2275 : f32 to vector<128x128xf32>
    %select_n3A_2277 = arith.select %lt3A_2273, %broadcast_in_dim3A_2276, %select_n3A_2266 : vector<128x128xi1>, vector<128x128xf32>
    %slice3A_2278 = vector.extract_strided_slice %dot_general3A_8 {offsets = [384, 1280], sizes = [128, 128], strides = [1, 1]} : vector<512x8192xf32> to vector<128x128xf32>
    %sub3A_2279 = vector.broadcast %slice3A_2170 : vector<128x1xf32> to vector<128x128xf32>
    %sub3A_2280 = arith.subf %sub3A_2279, %slice3A_2278 : vector<128x128xf32>
    %slice3A_2281 = vector.extract_strided_slice %get3A_11 {offsets = [0, 1280], sizes = [1, 128], strides = [1, 1]} : vector<1x8192xf32> to vector<1x128xf32>
    %add3A_2282 = vector.broadcast %slice3A_2281 : vector<1x128xf32> to vector<128x128xf32>
    %add3A_2283 = arith.addf %sub3A_2280, %add3A_2282 : vector<128x128xf32>
    %lt3A_2284 = arith.cmpf olt, %add3A_2283, %min3A_2274 : vector<128x128xf32>
    %min3A_2285 = arith.minimumf %min3A_2274, %add3A_2283 : vector<128x128xf32>
    %jit3A_2286 = arith.constant 1.000000e+01 : f32
    %broadcast_in_dim3A_2287 = vector.broadcast %jit3A_2286 : f32 to vector<128x128xf32>
    %select_n3A_2288 = arith.select %lt3A_2284, %broadcast_in_dim3A_2287, %select_n3A_2277 : vector<128x128xi1>, vector<128x128xf32>
    %slice3A_2289 = vector.extract_strided_slice %dot_general3A_8 {offsets = [384, 1408], sizes = [128, 128], strides = [1, 1]} : vector<512x8192xf32> to vector<128x128xf32>
    %sub3A_2290 = vector.broadcast %slice3A_2170 : vector<128x1xf32> to vector<128x128xf32>
    %sub3A_2291 = arith.subf %sub3A_2290, %slice3A_2289 : vector<128x128xf32>
    %slice3A_2292 = vector.extract_strided_slice %get3A_11 {offsets = [0, 1408], sizes = [1, 128], strides = [1, 1]} : vector<1x8192xf32> to vector<1x128xf32>
    %add3A_2293 = vector.broadcast %slice3A_2292 : vector<1x128xf32> to vector<128x128xf32>
    %add3A_2294 = arith.addf %sub3A_2291, %add3A_2293 : vector<128x128xf32>
    %lt3A_2295 = arith.cmpf olt, %add3A_2294, %min3A_2285 : vector<128x128xf32>
    %min3A_2296 = arith.minimumf %min3A_2285, %add3A_2294 : vector<128x128xf32>
    %jit3A_2297 = arith.constant 1.100000e+01 : f32
    %broadcast_in_dim3A_2298 = vector.broadcast %jit3A_2297 : f32 to vector<128x128xf32>
    %select_n3A_2299 = arith.select %lt3A_2295, %broadcast_in_dim3A_2298, %select_n3A_2288 : vector<128x128xi1>, vector<128x128xf32>
    %slice3A_2300 = vector.extract_strided_slice %dot_general3A_8 {offsets = [384, 1536], sizes = [128, 128], strides = [1, 1]} : vector<512x8192xf32> to vector<128x128xf32>
    %sub3A_2301 = vector.broadcast %slice3A_2170 : vector<128x1xf32> to vector<128x128xf32>
    %sub3A_2302 = arith.subf %sub3A_2301, %slice3A_2300 : vector<128x128xf32>
    %slice3A_2303 = vector.extract_strided_slice %get3A_11 {offsets = [0, 1536], sizes = [1, 128], strides = [1, 1]} : vector<1x8192xf32> to vector<1x128xf32>
    %add3A_2304 = vector.broadcast %slice3A_2303 : vector<1x128xf32> to vector<128x128xf32>
    %add3A_2305 = arith.addf %sub3A_2302, %add3A_2304 : vector<128x128xf32>
    %lt3A_2306 = arith.cmpf olt, %add3A_2305, %min3A_2296 : vector<128x128xf32>
    %min3A_2307 = arith.minimumf %min3A_2296, %add3A_2305 : vector<128x128xf32>
    %jit3A_2308 = arith.constant 1.200000e+01 : f32
    %broadcast_in_dim3A_2309 = vector.broadcast %jit3A_2308 : f32 to vector<128x128xf32>
    %select_n3A_2310 = arith.select %lt3A_2306, %broadcast_in_dim3A_2309, %select_n3A_2299 : vector<128x128xi1>, vector<128x128xf32>
    %slice3A_2311 = vector.extract_strided_slice %dot_general3A_8 {offsets = [384, 1664], sizes = [128, 128], strides = [1, 1]} : vector<512x8192xf32> to vector<128x128xf32>
    %sub3A_2312 = vector.broadcast %slice3A_2170 : vector<128x1xf32> to vector<128x128xf32>
    %sub3A_2313 = arith.subf %sub3A_2312, %slice3A_2311 : vector<128x128xf32>
    %slice3A_2314 = vector.extract_strided_slice %get3A_11 {offsets = [0, 1664], sizes = [1, 128], strides = [1, 1]} : vector<1x8192xf32> to vector<1x128xf32>
    %add3A_2315 = vector.broadcast %slice3A_2314 : vector<1x128xf32> to vector<128x128xf32>
    %add3A_2316 = arith.addf %sub3A_2313, %add3A_2315 : vector<128x128xf32>
    %lt3A_2317 = arith.cmpf olt, %add3A_2316, %min3A_2307 : vector<128x128xf32>
    %min3A_2318 = arith.minimumf %min3A_2307, %add3A_2316 : vector<128x128xf32>
    %jit3A_2319 = arith.constant 1.300000e+01 : f32
    %broadcast_in_dim3A_2320 = vector.broadcast %jit3A_2319 : f32 to vector<128x128xf32>
    %select_n3A_2321 = arith.select %lt3A_2317, %broadcast_in_dim3A_2320, %select_n3A_2310 : vector<128x128xi1>, vector<128x128xf32>
    %slice3A_2322 = vector.extract_strided_slice %dot_general3A_8 {offsets = [384, 1792], sizes = [128, 128], strides = [1, 1]} : vector<512x8192xf32> to vector<128x128xf32>
    %sub3A_2323 = vector.broadcast %slice3A_2170 : vector<128x1xf32> to vector<128x128xf32>
    %sub3A_2324 = arith.subf %sub3A_2323, %slice3A_2322 : vector<128x128xf32>
    %slice3A_2325 = vector.extract_strided_slice %get3A_11 {offsets = [0, 1792], sizes = [1, 128], strides = [1, 1]} : vector<1x8192xf32> to vector<1x128xf32>
    %add3A_2326 = vector.broadcast %slice3A_2325 : vector<1x128xf32> to vector<128x128xf32>
    %add3A_2327 = arith.addf %sub3A_2324, %add3A_2326 : vector<128x128xf32>
    %lt3A_2328 = arith.cmpf olt, %add3A_2327, %min3A_2318 : vector<128x128xf32>
    %min3A_2329 = arith.minimumf %min3A_2318, %add3A_2327 : vector<128x128xf32>
    %jit3A_2330 = arith.constant 1.400000e+01 : f32
    %broadcast_in_dim3A_2331 = vector.broadcast %jit3A_2330 : f32 to vector<128x128xf32>
    %select_n3A_2332 = arith.select %lt3A_2328, %broadcast_in_dim3A_2331, %select_n3A_2321 : vector<128x128xi1>, vector<128x128xf32>
    %slice3A_2333 = vector.extract_strided_slice %dot_general3A_8 {offsets = [384, 1920], sizes = [128, 128], strides = [1, 1]} : vector<512x8192xf32> to vector<128x128xf32>
    %sub3A_2334 = vector.broadcast %slice3A_2170 : vector<128x1xf32> to vector<128x128xf32>
    %sub3A_2335 = arith.subf %sub3A_2334, %slice3A_2333 : vector<128x128xf32>
    %slice3A_2336 = vector.extract_strided_slice %get3A_11 {offsets = [0, 1920], sizes = [1, 128], strides = [1, 1]} : vector<1x8192xf32> to vector<1x128xf32>
    %add3A_2337 = vector.broadcast %slice3A_2336 : vector<1x128xf32> to vector<128x128xf32>
    %add3A_2338 = arith.addf %sub3A_2335, %add3A_2337 : vector<128x128xf32>
    %lt3A_2339 = arith.cmpf olt, %add3A_2338, %min3A_2329 : vector<128x128xf32>
    %min3A_2340 = arith.minimumf %min3A_2329, %add3A_2338 : vector<128x128xf32>
    %jit3A_2341 = arith.constant 1.500000e+01 : f32
    %broadcast_in_dim3A_2342 = vector.broadcast %jit3A_2341 : f32 to vector<128x128xf32>
    %select_n3A_2343 = arith.select %lt3A_2339, %broadcast_in_dim3A_2342, %select_n3A_2332 : vector<128x128xi1>, vector<128x128xf32>
    %slice3A_2344 = vector.extract_strided_slice %dot_general3A_8 {offsets = [384, 2048], sizes = [128, 128], strides = [1, 1]} : vector<512x8192xf32> to vector<128x128xf32>
    %sub3A_2345 = vector.broadcast %slice3A_2170 : vector<128x1xf32> to vector<128x128xf32>
    %sub3A_2346 = arith.subf %sub3A_2345, %slice3A_2344 : vector<128x128xf32>
    %slice3A_2347 = vector.extract_strided_slice %get3A_11 {offsets = [0, 2048], sizes = [1, 128], strides = [1, 1]} : vector<1x8192xf32> to vector<1x128xf32>
    %add3A_2348 = vector.broadcast %slice3A_2347 : vector<1x128xf32> to vector<128x128xf32>
    %add3A_2349 = arith.addf %sub3A_2346, %add3A_2348 : vector<128x128xf32>
    %lt3A_2350 = arith.cmpf olt, %add3A_2349, %min3A_2340 : vector<128x128xf32>
    %min3A_2351 = arith.minimumf %min3A_2340, %add3A_2349 : vector<128x128xf32>
    %jit3A_2352 = arith.constant 1.600000e+01 : f32
    %broadcast_in_dim3A_2353 = vector.broadcast %jit3A_2352 : f32 to vector<128x128xf32>
    %select_n3A_2354 = arith.select %lt3A_2350, %broadcast_in_dim3A_2353, %select_n3A_2343 : vector<128x128xi1>, vector<128x128xf32>
    %slice3A_2355 = vector.extract_strided_slice %dot_general3A_8 {offsets = [384, 2176], sizes = [128, 128], strides = [1, 1]} : vector<512x8192xf32> to vector<128x128xf32>
    %sub3A_2356 = vector.broadcast %slice3A_2170 : vector<128x1xf32> to vector<128x128xf32>
    %sub3A_2357 = arith.subf %sub3A_2356, %slice3A_2355 : vector<128x128xf32>
    %slice3A_2358 = vector.extract_strided_slice %get3A_11 {offsets = [0, 2176], sizes = [1, 128], strides = [1, 1]} : vector<1x8192xf32> to vector<1x128xf32>
    %add3A_2359 = vector.broadcast %slice3A_2358 : vector<1x128xf32> to vector<128x128xf32>
    %add3A_2360 = arith.addf %sub3A_2357, %add3A_2359 : vector<128x128xf32>
    %lt3A_2361 = arith.cmpf olt, %add3A_2360, %min3A_2351 : vector<128x128xf32>
    %min3A_2362 = arith.minimumf %min3A_2351, %add3A_2360 : vector<128x128xf32>
    %jit3A_2363 = arith.constant 1.700000e+01 : f32
    %broadcast_in_dim3A_2364 = vector.broadcast %jit3A_2363 : f32 to vector<128x128xf32>
    %select_n3A_2365 = arith.select %lt3A_2361, %broadcast_in_dim3A_2364, %select_n3A_2354 : vector<128x128xi1>, vector<128x128xf32>
    %slice3A_2366 = vector.extract_strided_slice %dot_general3A_8 {offsets = [384, 2304], sizes = [128, 128], strides = [1, 1]} : vector<512x8192xf32> to vector<128x128xf32>
    %sub3A_2367 = vector.broadcast %slice3A_2170 : vector<128x1xf32> to vector<128x128xf32>
    %sub3A_2368 = arith.subf %sub3A_2367, %slice3A_2366 : vector<128x128xf32>
    %slice3A_2369 = vector.extract_strided_slice %get3A_11 {offsets = [0, 2304], sizes = [1, 128], strides = [1, 1]} : vector<1x8192xf32> to vector<1x128xf32>
    %add3A_2370 = vector.broadcast %slice3A_2369 : vector<1x128xf32> to vector<128x128xf32>
    %add3A_2371 = arith.addf %sub3A_2368, %add3A_2370 : vector<128x128xf32>
    %lt3A_2372 = arith.cmpf olt, %add3A_2371, %min3A_2362 : vector<128x128xf32>
    %min3A_2373 = arith.minimumf %min3A_2362, %add3A_2371 : vector<128x128xf32>
    %jit3A_2374 = arith.constant 1.800000e+01 : f32
    %broadcast_in_dim3A_2375 = vector.broadcast %jit3A_2374 : f32 to vector<128x128xf32>
    %select_n3A_2376 = arith.select %lt3A_2372, %broadcast_in_dim3A_2375, %select_n3A_2365 : vector<128x128xi1>, vector<128x128xf32>
    %slice3A_2377 = vector.extract_strided_slice %dot_general3A_8 {offsets = [384, 2432], sizes = [128, 128], strides = [1, 1]} : vector<512x8192xf32> to vector<128x128xf32>
    %sub3A_2378 = vector.broadcast %slice3A_2170 : vector<128x1xf32> to vector<128x128xf32>
    %sub3A_2379 = arith.subf %sub3A_2378, %slice3A_2377 : vector<128x128xf32>
    %slice3A_2380 = vector.extract_strided_slice %get3A_11 {offsets = [0, 2432], sizes = [1, 128], strides = [1, 1]} : vector<1x8192xf32> to vector<1x128xf32>
    %add3A_2381 = vector.broadcast %slice3A_2380 : vector<1x128xf32> to vector<128x128xf32>
    %add3A_2382 = arith.addf %sub3A_2379, %add3A_2381 : vector<128x128xf32>
    %lt3A_2383 = arith.cmpf olt, %add3A_2382, %min3A_2373 : vector<128x128xf32>
    %min3A_2384 = arith.minimumf %min3A_2373, %add3A_2382 : vector<128x128xf32>
    %jit3A_2385 = arith.constant 1.900000e+01 : f32
    %broadcast_in_dim3A_2386 = vector.broadcast %jit3A_2385 : f32 to vector<128x128xf32>
    %select_n3A_2387 = arith.select %lt3A_2383, %broadcast_in_dim3A_2386, %select_n3A_2376 : vector<128x128xi1>, vector<128x128xf32>
    %slice3A_2388 = vector.extract_strided_slice %dot_general3A_8 {offsets = [384, 2560], sizes = [128, 128], strides = [1, 1]} : vector<512x8192xf32> to vector<128x128xf32>
    %sub3A_2389 = vector.broadcast %slice3A_2170 : vector<128x1xf32> to vector<128x128xf32>
    %sub3A_2390 = arith.subf %sub3A_2389, %slice3A_2388 : vector<128x128xf32>
    %slice3A_2391 = vector.extract_strided_slice %get3A_11 {offsets = [0, 2560], sizes = [1, 128], strides = [1, 1]} : vector<1x8192xf32> to vector<1x128xf32>
    %add3A_2392 = vector.broadcast %slice3A_2391 : vector<1x128xf32> to vector<128x128xf32>
    %add3A_2393 = arith.addf %sub3A_2390, %add3A_2392 : vector<128x128xf32>
    %lt3A_2394 = arith.cmpf olt, %add3A_2393, %min3A_2384 : vector<128x128xf32>
    %min3A_2395 = arith.minimumf %min3A_2384, %add3A_2393 : vector<128x128xf32>
    %jit3A_2396 = arith.constant 2.000000e+01 : f32
    %broadcast_in_dim3A_2397 = vector.broadcast %jit3A_2396 : f32 to vector<128x128xf32>
    %select_n3A_2398 = arith.select %lt3A_2394, %broadcast_in_dim3A_2397, %select_n3A_2387 : vector<128x128xi1>, vector<128x128xf32>
    %slice3A_2399 = vector.extract_strided_slice %dot_general3A_8 {offsets = [384, 2688], sizes = [128, 128], strides = [1, 1]} : vector<512x8192xf32> to vector<128x128xf32>
    %sub3A_2400 = vector.broadcast %slice3A_2170 : vector<128x1xf32> to vector<128x128xf32>
    %sub3A_2401 = arith.subf %sub3A_2400, %slice3A_2399 : vector<128x128xf32>
    %slice3A_2402 = vector.extract_strided_slice %get3A_11 {offsets = [0, 2688], sizes = [1, 128], strides = [1, 1]} : vector<1x8192xf32> to vector<1x128xf32>
    %add3A_2403 = vector.broadcast %slice3A_2402 : vector<1x128xf32> to vector<128x128xf32>
    %add3A_2404 = arith.addf %sub3A_2401, %add3A_2403 : vector<128x128xf32>
    %lt3A_2405 = arith.cmpf olt, %add3A_2404, %min3A_2395 : vector<128x128xf32>
    %min3A_2406 = arith.minimumf %min3A_2395, %add3A_2404 : vector<128x128xf32>
    %jit3A_2407 = arith.constant 2.100000e+01 : f32
    %broadcast_in_dim3A_2408 = vector.broadcast %jit3A_2407 : f32 to vector<128x128xf32>
    %select_n3A_2409 = arith.select %lt3A_2405, %broadcast_in_dim3A_2408, %select_n3A_2398 : vector<128x128xi1>, vector<128x128xf32>
    %slice3A_2410 = vector.extract_strided_slice %dot_general3A_8 {offsets = [384, 2816], sizes = [128, 128], strides = [1, 1]} : vector<512x8192xf32> to vector<128x128xf32>
    %sub3A_2411 = vector.broadcast %slice3A_2170 : vector<128x1xf32> to vector<128x128xf32>
    %sub3A_2412 = arith.subf %sub3A_2411, %slice3A_2410 : vector<128x128xf32>
    %slice3A_2413 = vector.extract_strided_slice %get3A_11 {offsets = [0, 2816], sizes = [1, 128], strides = [1, 1]} : vector<1x8192xf32> to vector<1x128xf32>
    %add3A_2414 = vector.broadcast %slice3A_2413 : vector<1x128xf32> to vector<128x128xf32>
    %add3A_2415 = arith.addf %sub3A_2412, %add3A_2414 : vector<128x128xf32>
    %lt3A_2416 = arith.cmpf olt, %add3A_2415, %min3A_2406 : vector<128x128xf32>
    %min3A_2417 = arith.minimumf %min3A_2406, %add3A_2415 : vector<128x128xf32>
    %jit3A_2418 = arith.constant 2.200000e+01 : f32
    %broadcast_in_dim3A_2419 = vector.broadcast %jit3A_2418 : f32 to vector<128x128xf32>
    %select_n3A_2420 = arith.select %lt3A_2416, %broadcast_in_dim3A_2419, %select_n3A_2409 : vector<128x128xi1>, vector<128x128xf32>
    %slice3A_2421 = vector.extract_strided_slice %dot_general3A_8 {offsets = [384, 2944], sizes = [128, 128], strides = [1, 1]} : vector<512x8192xf32> to vector<128x128xf32>
    %sub3A_2422 = vector.broadcast %slice3A_2170 : vector<128x1xf32> to vector<128x128xf32>
    %sub3A_2423 = arith.subf %sub3A_2422, %slice3A_2421 : vector<128x128xf32>
    %slice3A_2424 = vector.extract_strided_slice %get3A_11 {offsets = [0, 2944], sizes = [1, 128], strides = [1, 1]} : vector<1x8192xf32> to vector<1x128xf32>
    %add3A_2425 = vector.broadcast %slice3A_2424 : vector<1x128xf32> to vector<128x128xf32>
    %add3A_2426 = arith.addf %sub3A_2423, %add3A_2425 : vector<128x128xf32>
    %lt3A_2427 = arith.cmpf olt, %add3A_2426, %min3A_2417 : vector<128x128xf32>
    %min3A_2428 = arith.minimumf %min3A_2417, %add3A_2426 : vector<128x128xf32>
    %jit3A_2429 = arith.constant 2.300000e+01 : f32
    %broadcast_in_dim3A_2430 = vector.broadcast %jit3A_2429 : f32 to vector<128x128xf32>
    %select_n3A_2431 = arith.select %lt3A_2427, %broadcast_in_dim3A_2430, %select_n3A_2420 : vector<128x128xi1>, vector<128x128xf32>
    %slice3A_2432 = vector.extract_strided_slice %dot_general3A_8 {offsets = [384, 3072], sizes = [128, 128], strides = [1, 1]} : vector<512x8192xf32> to vector<128x128xf32>
    %sub3A_2433 = vector.broadcast %slice3A_2170 : vector<128x1xf32> to vector<128x128xf32>
    %sub3A_2434 = arith.subf %sub3A_2433, %slice3A_2432 : vector<128x128xf32>
    %slice3A_2435 = vector.extract_strided_slice %get3A_11 {offsets = [0, 3072], sizes = [1, 128], strides = [1, 1]} : vector<1x8192xf32> to vector<1x128xf32>
    %add3A_2436 = vector.broadcast %slice3A_2435 : vector<1x128xf32> to vector<128x128xf32>
    %add3A_2437 = arith.addf %sub3A_2434, %add3A_2436 : vector<128x128xf32>
    %lt3A_2438 = arith.cmpf olt, %add3A_2437, %min3A_2428 : vector<128x128xf32>
    %min3A_2439 = arith.minimumf %min3A_2428, %add3A_2437 : vector<128x128xf32>
    %jit3A_2440 = arith.constant 2.400000e+01 : f32
    %broadcast_in_dim3A_2441 = vector.broadcast %jit3A_2440 : f32 to vector<128x128xf32>
    %select_n3A_2442 = arith.select %lt3A_2438, %broadcast_in_dim3A_2441, %select_n3A_2431 : vector<128x128xi1>, vector<128x128xf32>
    %slice3A_2443 = vector.extract_strided_slice %dot_general3A_8 {offsets = [384, 3200], sizes = [128, 128], strides = [1, 1]} : vector<512x8192xf32> to vector<128x128xf32>
    %sub3A_2444 = vector.broadcast %slice3A_2170 : vector<128x1xf32> to vector<128x128xf32>
    %sub3A_2445 = arith.subf %sub3A_2444, %slice3A_2443 : vector<128x128xf32>
    %slice3A_2446 = vector.extract_strided_slice %get3A_11 {offsets = [0, 3200], sizes = [1, 128], strides = [1, 1]} : vector<1x8192xf32> to vector<1x128xf32>
    %add3A_2447 = vector.broadcast %slice3A_2446 : vector<1x128xf32> to vector<128x128xf32>
    %add3A_2448 = arith.addf %sub3A_2445, %add3A_2447 : vector<128x128xf32>
    %lt3A_2449 = arith.cmpf olt, %add3A_2448, %min3A_2439 : vector<128x128xf32>
    %min3A_2450 = arith.minimumf %min3A_2439, %add3A_2448 : vector<128x128xf32>
    %jit3A_2451 = arith.constant 2.500000e+01 : f32
    %broadcast_in_dim3A_2452 = vector.broadcast %jit3A_2451 : f32 to vector<128x128xf32>
    %select_n3A_2453 = arith.select %lt3A_2449, %broadcast_in_dim3A_2452, %select_n3A_2442 : vector<128x128xi1>, vector<128x128xf32>
    %slice3A_2454 = vector.extract_strided_slice %dot_general3A_8 {offsets = [384, 3328], sizes = [128, 128], strides = [1, 1]} : vector<512x8192xf32> to vector<128x128xf32>
    %sub3A_2455 = vector.broadcast %slice3A_2170 : vector<128x1xf32> to vector<128x128xf32>
    %sub3A_2456 = arith.subf %sub3A_2455, %slice3A_2454 : vector<128x128xf32>
    %slice3A_2457 = vector.extract_strided_slice %get3A_11 {offsets = [0, 3328], sizes = [1, 128], strides = [1, 1]} : vector<1x8192xf32> to vector<1x128xf32>
    %add3A_2458 = vector.broadcast %slice3A_2457 : vector<1x128xf32> to vector<128x128xf32>
    %add3A_2459 = arith.addf %sub3A_2456, %add3A_2458 : vector<128x128xf32>
    %lt3A_2460 = arith.cmpf olt, %add3A_2459, %min3A_2450 : vector<128x128xf32>
    %min3A_2461 = arith.minimumf %min3A_2450, %add3A_2459 : vector<128x128xf32>
    %jit3A_2462 = arith.constant 2.600000e+01 : f32
    %broadcast_in_dim3A_2463 = vector.broadcast %jit3A_2462 : f32 to vector<128x128xf32>
    %select_n3A_2464 = arith.select %lt3A_2460, %broadcast_in_dim3A_2463, %select_n3A_2453 : vector<128x128xi1>, vector<128x128xf32>
    %slice3A_2465 = vector.extract_strided_slice %dot_general3A_8 {offsets = [384, 3456], sizes = [128, 128], strides = [1, 1]} : vector<512x8192xf32> to vector<128x128xf32>
    %sub3A_2466 = vector.broadcast %slice3A_2170 : vector<128x1xf32> to vector<128x128xf32>
    %sub3A_2467 = arith.subf %sub3A_2466, %slice3A_2465 : vector<128x128xf32>
    %slice3A_2468 = vector.extract_strided_slice %get3A_11 {offsets = [0, 3456], sizes = [1, 128], strides = [1, 1]} : vector<1x8192xf32> to vector<1x128xf32>
    %add3A_2469 = vector.broadcast %slice3A_2468 : vector<1x128xf32> to vector<128x128xf32>
    %add3A_2470 = arith.addf %sub3A_2467, %add3A_2469 : vector<128x128xf32>
    %lt3A_2471 = arith.cmpf olt, %add3A_2470, %min3A_2461 : vector<128x128xf32>
    %min3A_2472 = arith.minimumf %min3A_2461, %add3A_2470 : vector<128x128xf32>
    %jit3A_2473 = arith.constant 2.700000e+01 : f32
    %broadcast_in_dim3A_2474 = vector.broadcast %jit3A_2473 : f32 to vector<128x128xf32>
    %select_n3A_2475 = arith.select %lt3A_2471, %broadcast_in_dim3A_2474, %select_n3A_2464 : vector<128x128xi1>, vector<128x128xf32>
    %slice3A_2476 = vector.extract_strided_slice %dot_general3A_8 {offsets = [384, 3584], sizes = [128, 128], strides = [1, 1]} : vector<512x8192xf32> to vector<128x128xf32>
    %sub3A_2477 = vector.broadcast %slice3A_2170 : vector<128x1xf32> to vector<128x128xf32>
    %sub3A_2478 = arith.subf %sub3A_2477, %slice3A_2476 : vector<128x128xf32>
    %slice3A_2479 = vector.extract_strided_slice %get3A_11 {offsets = [0, 3584], sizes = [1, 128], strides = [1, 1]} : vector<1x8192xf32> to vector<1x128xf32>
    %add3A_2480 = vector.broadcast %slice3A_2479 : vector<1x128xf32> to vector<128x128xf32>
    %add3A_2481 = arith.addf %sub3A_2478, %add3A_2480 : vector<128x128xf32>
    %lt3A_2482 = arith.cmpf olt, %add3A_2481, %min3A_2472 : vector<128x128xf32>
    %min3A_2483 = arith.minimumf %min3A_2472, %add3A_2481 : vector<128x128xf32>
    %jit3A_2484 = arith.constant 2.800000e+01 : f32
    %broadcast_in_dim3A_2485 = vector.broadcast %jit3A_2484 : f32 to vector<128x128xf32>
    %select_n3A_2486 = arith.select %lt3A_2482, %broadcast_in_dim3A_2485, %select_n3A_2475 : vector<128x128xi1>, vector<128x128xf32>
    %slice3A_2487 = vector.extract_strided_slice %dot_general3A_8 {offsets = [384, 3712], sizes = [128, 128], strides = [1, 1]} : vector<512x8192xf32> to vector<128x128xf32>
    %sub3A_2488 = vector.broadcast %slice3A_2170 : vector<128x1xf32> to vector<128x128xf32>
    %sub3A_2489 = arith.subf %sub3A_2488, %slice3A_2487 : vector<128x128xf32>
    %slice3A_2490 = vector.extract_strided_slice %get3A_11 {offsets = [0, 3712], sizes = [1, 128], strides = [1, 1]} : vector<1x8192xf32> to vector<1x128xf32>
    %add3A_2491 = vector.broadcast %slice3A_2490 : vector<1x128xf32> to vector<128x128xf32>
    %add3A_2492 = arith.addf %sub3A_2489, %add3A_2491 : vector<128x128xf32>
    %lt3A_2493 = arith.cmpf olt, %add3A_2492, %min3A_2483 : vector<128x128xf32>
    %min3A_2494 = arith.minimumf %min3A_2483, %add3A_2492 : vector<128x128xf32>
    %jit3A_2495 = arith.constant 2.900000e+01 : f32
    %broadcast_in_dim3A_2496 = vector.broadcast %jit3A_2495 : f32 to vector<128x128xf32>
    %select_n3A_2497 = arith.select %lt3A_2493, %broadcast_in_dim3A_2496, %select_n3A_2486 : vector<128x128xi1>, vector<128x128xf32>
    %slice3A_2498 = vector.extract_strided_slice %dot_general3A_8 {offsets = [384, 3840], sizes = [128, 128], strides = [1, 1]} : vector<512x8192xf32> to vector<128x128xf32>
    %sub3A_2499 = vector.broadcast %slice3A_2170 : vector<128x1xf32> to vector<128x128xf32>
    %sub3A_2500 = arith.subf %sub3A_2499, %slice3A_2498 : vector<128x128xf32>
    %slice3A_2501 = vector.extract_strided_slice %get3A_11 {offsets = [0, 3840], sizes = [1, 128], strides = [1, 1]} : vector<1x8192xf32> to vector<1x128xf32>
    %add3A_2502 = vector.broadcast %slice3A_2501 : vector<1x128xf32> to vector<128x128xf32>
    %add3A_2503 = arith.addf %sub3A_2500, %add3A_2502 : vector<128x128xf32>
    %lt3A_2504 = arith.cmpf olt, %add3A_2503, %min3A_2494 : vector<128x128xf32>
    %min3A_2505 = arith.minimumf %min3A_2494, %add3A_2503 : vector<128x128xf32>
    %jit3A_2506 = arith.constant 3.000000e+01 : f32
    %broadcast_in_dim3A_2507 = vector.broadcast %jit3A_2506 : f32 to vector<128x128xf32>
    %select_n3A_2508 = arith.select %lt3A_2504, %broadcast_in_dim3A_2507, %select_n3A_2497 : vector<128x128xi1>, vector<128x128xf32>
    %slice3A_2509 = vector.extract_strided_slice %dot_general3A_8 {offsets = [384, 3968], sizes = [128, 128], strides = [1, 1]} : vector<512x8192xf32> to vector<128x128xf32>
    %sub3A_2510 = vector.broadcast %slice3A_2170 : vector<128x1xf32> to vector<128x128xf32>
    %sub3A_2511 = arith.subf %sub3A_2510, %slice3A_2509 : vector<128x128xf32>
    %slice3A_2512 = vector.extract_strided_slice %get3A_11 {offsets = [0, 3968], sizes = [1, 128], strides = [1, 1]} : vector<1x8192xf32> to vector<1x128xf32>
    %add3A_2513 = vector.broadcast %slice3A_2512 : vector<1x128xf32> to vector<128x128xf32>
    %add3A_2514 = arith.addf %sub3A_2511, %add3A_2513 : vector<128x128xf32>
    %lt3A_2515 = arith.cmpf olt, %add3A_2514, %min3A_2505 : vector<128x128xf32>
    %min3A_2516 = arith.minimumf %min3A_2505, %add3A_2514 : vector<128x128xf32>
    %jit3A_2517 = arith.constant 3.100000e+01 : f32
    %broadcast_in_dim3A_2518 = vector.broadcast %jit3A_2517 : f32 to vector<128x128xf32>
    %select_n3A_2519 = arith.select %lt3A_2515, %broadcast_in_dim3A_2518, %select_n3A_2508 : vector<128x128xi1>, vector<128x128xf32>
    %slice3A_2520 = vector.extract_strided_slice %dot_general3A_8 {offsets = [384, 4096], sizes = [128, 128], strides = [1, 1]} : vector<512x8192xf32> to vector<128x128xf32>
    %sub3A_2521 = vector.broadcast %slice3A_2170 : vector<128x1xf32> to vector<128x128xf32>
    %sub3A_2522 = arith.subf %sub3A_2521, %slice3A_2520 : vector<128x128xf32>
    %slice3A_2523 = vector.extract_strided_slice %get3A_11 {offsets = [0, 4096], sizes = [1, 128], strides = [1, 1]} : vector<1x8192xf32> to vector<1x128xf32>
    %add3A_2524 = vector.broadcast %slice3A_2523 : vector<1x128xf32> to vector<128x128xf32>
    %add3A_2525 = arith.addf %sub3A_2522, %add3A_2524 : vector<128x128xf32>
    %lt3A_2526 = arith.cmpf olt, %add3A_2525, %min3A_2516 : vector<128x128xf32>
    %min3A_2527 = arith.minimumf %min3A_2516, %add3A_2525 : vector<128x128xf32>
    %jit3A_2528 = arith.constant 3.200000e+01 : f32
    %broadcast_in_dim3A_2529 = vector.broadcast %jit3A_2528 : f32 to vector<128x128xf32>
    %select_n3A_2530 = arith.select %lt3A_2526, %broadcast_in_dim3A_2529, %select_n3A_2519 : vector<128x128xi1>, vector<128x128xf32>
    %slice3A_2531 = vector.extract_strided_slice %dot_general3A_8 {offsets = [384, 4224], sizes = [128, 128], strides = [1, 1]} : vector<512x8192xf32> to vector<128x128xf32>
    %sub3A_2532 = vector.broadcast %slice3A_2170 : vector<128x1xf32> to vector<128x128xf32>
    %sub3A_2533 = arith.subf %sub3A_2532, %slice3A_2531 : vector<128x128xf32>
    %slice3A_2534 = vector.extract_strided_slice %get3A_11 {offsets = [0, 4224], sizes = [1, 128], strides = [1, 1]} : vector<1x8192xf32> to vector<1x128xf32>
    %add3A_2535 = vector.broadcast %slice3A_2534 : vector<1x128xf32> to vector<128x128xf32>
    %add3A_2536 = arith.addf %sub3A_2533, %add3A_2535 : vector<128x128xf32>
    %lt3A_2537 = arith.cmpf olt, %add3A_2536, %min3A_2527 : vector<128x128xf32>
    %min3A_2538 = arith.minimumf %min3A_2527, %add3A_2536 : vector<128x128xf32>
    %jit3A_2539 = arith.constant 3.300000e+01 : f32
    %broadcast_in_dim3A_2540 = vector.broadcast %jit3A_2539 : f32 to vector<128x128xf32>
    %select_n3A_2541 = arith.select %lt3A_2537, %broadcast_in_dim3A_2540, %select_n3A_2530 : vector<128x128xi1>, vector<128x128xf32>
    %slice3A_2542 = vector.extract_strided_slice %dot_general3A_8 {offsets = [384, 4352], sizes = [128, 128], strides = [1, 1]} : vector<512x8192xf32> to vector<128x128xf32>
    %sub3A_2543 = vector.broadcast %slice3A_2170 : vector<128x1xf32> to vector<128x128xf32>
    %sub3A_2544 = arith.subf %sub3A_2543, %slice3A_2542 : vector<128x128xf32>
    %slice3A_2545 = vector.extract_strided_slice %get3A_11 {offsets = [0, 4352], sizes = [1, 128], strides = [1, 1]} : vector<1x8192xf32> to vector<1x128xf32>
    %add3A_2546 = vector.broadcast %slice3A_2545 : vector<1x128xf32> to vector<128x128xf32>
    %add3A_2547 = arith.addf %sub3A_2544, %add3A_2546 : vector<128x128xf32>
    %lt3A_2548 = arith.cmpf olt, %add3A_2547, %min3A_2538 : vector<128x128xf32>
    %min3A_2549 = arith.minimumf %min3A_2538, %add3A_2547 : vector<128x128xf32>
    %jit3A_2550 = arith.constant 3.400000e+01 : f32
    %broadcast_in_dim3A_2551 = vector.broadcast %jit3A_2550 : f32 to vector<128x128xf32>
    %select_n3A_2552 = arith.select %lt3A_2548, %broadcast_in_dim3A_2551, %select_n3A_2541 : vector<128x128xi1>, vector<128x128xf32>
    %slice3A_2553 = vector.extract_strided_slice %dot_general3A_8 {offsets = [384, 4480], sizes = [128, 128], strides = [1, 1]} : vector<512x8192xf32> to vector<128x128xf32>
    %sub3A_2554 = vector.broadcast %slice3A_2170 : vector<128x1xf32> to vector<128x128xf32>
    %sub3A_2555 = arith.subf %sub3A_2554, %slice3A_2553 : vector<128x128xf32>
    %slice3A_2556 = vector.extract_strided_slice %get3A_11 {offsets = [0, 4480], sizes = [1, 128], strides = [1, 1]} : vector<1x8192xf32> to vector<1x128xf32>
    %add3A_2557 = vector.broadcast %slice3A_2556 : vector<1x128xf32> to vector<128x128xf32>
    %add3A_2558 = arith.addf %sub3A_2555, %add3A_2557 : vector<128x128xf32>
    %lt3A_2559 = arith.cmpf olt, %add3A_2558, %min3A_2549 : vector<128x128xf32>
    %min3A_2560 = arith.minimumf %min3A_2549, %add3A_2558 : vector<128x128xf32>
    %jit3A_2561 = arith.constant 3.500000e+01 : f32
    %broadcast_in_dim3A_2562 = vector.broadcast %jit3A_2561 : f32 to vector<128x128xf32>
    %select_n3A_2563 = arith.select %lt3A_2559, %broadcast_in_dim3A_2562, %select_n3A_2552 : vector<128x128xi1>, vector<128x128xf32>
    %slice3A_2564 = vector.extract_strided_slice %dot_general3A_8 {offsets = [384, 4608], sizes = [128, 128], strides = [1, 1]} : vector<512x8192xf32> to vector<128x128xf32>
    %sub3A_2565 = vector.broadcast %slice3A_2170 : vector<128x1xf32> to vector<128x128xf32>
    %sub3A_2566 = arith.subf %sub3A_2565, %slice3A_2564 : vector<128x128xf32>
    %slice3A_2567 = vector.extract_strided_slice %get3A_11 {offsets = [0, 4608], sizes = [1, 128], strides = [1, 1]} : vector<1x8192xf32> to vector<1x128xf32>
    %add3A_2568 = vector.broadcast %slice3A_2567 : vector<1x128xf32> to vector<128x128xf32>
    %add3A_2569 = arith.addf %sub3A_2566, %add3A_2568 : vector<128x128xf32>
    %lt3A_2570 = arith.cmpf olt, %add3A_2569, %min3A_2560 : vector<128x128xf32>
    %min3A_2571 = arith.minimumf %min3A_2560, %add3A_2569 : vector<128x128xf32>
    %jit3A_2572 = arith.constant 3.600000e+01 : f32
    %broadcast_in_dim3A_2573 = vector.broadcast %jit3A_2572 : f32 to vector<128x128xf32>
    %select_n3A_2574 = arith.select %lt3A_2570, %broadcast_in_dim3A_2573, %select_n3A_2563 : vector<128x128xi1>, vector<128x128xf32>
    %slice3A_2575 = vector.extract_strided_slice %dot_general3A_8 {offsets = [384, 4736], sizes = [128, 128], strides = [1, 1]} : vector<512x8192xf32> to vector<128x128xf32>
    %sub3A_2576 = vector.broadcast %slice3A_2170 : vector<128x1xf32> to vector<128x128xf32>
    %sub3A_2577 = arith.subf %sub3A_2576, %slice3A_2575 : vector<128x128xf32>
    %slice3A_2578 = vector.extract_strided_slice %get3A_11 {offsets = [0, 4736], sizes = [1, 128], strides = [1, 1]} : vector<1x8192xf32> to vector<1x128xf32>
    %add3A_2579 = vector.broadcast %slice3A_2578 : vector<1x128xf32> to vector<128x128xf32>
    %add3A_2580 = arith.addf %sub3A_2577, %add3A_2579 : vector<128x128xf32>
    %lt3A_2581 = arith.cmpf olt, %add3A_2580, %min3A_2571 : vector<128x128xf32>
    %min3A_2582 = arith.minimumf %min3A_2571, %add3A_2580 : vector<128x128xf32>
    %jit3A_2583 = arith.constant 3.700000e+01 : f32
    %broadcast_in_dim3A_2584 = vector.broadcast %jit3A_2583 : f32 to vector<128x128xf32>
    %select_n3A_2585 = arith.select %lt3A_2581, %broadcast_in_dim3A_2584, %select_n3A_2574 : vector<128x128xi1>, vector<128x128xf32>
    %slice3A_2586 = vector.extract_strided_slice %dot_general3A_8 {offsets = [384, 4864], sizes = [128, 128], strides = [1, 1]} : vector<512x8192xf32> to vector<128x128xf32>
    %sub3A_2587 = vector.broadcast %slice3A_2170 : vector<128x1xf32> to vector<128x128xf32>
    %sub3A_2588 = arith.subf %sub3A_2587, %slice3A_2586 : vector<128x128xf32>
    %slice3A_2589 = vector.extract_strided_slice %get3A_11 {offsets = [0, 4864], sizes = [1, 128], strides = [1, 1]} : vector<1x8192xf32> to vector<1x128xf32>
    %add3A_2590 = vector.broadcast %slice3A_2589 : vector<1x128xf32> to vector<128x128xf32>
    %add3A_2591 = arith.addf %sub3A_2588, %add3A_2590 : vector<128x128xf32>
    %lt3A_2592 = arith.cmpf olt, %add3A_2591, %min3A_2582 : vector<128x128xf32>
    %min3A_2593 = arith.minimumf %min3A_2582, %add3A_2591 : vector<128x128xf32>
    %jit3A_2594 = arith.constant 3.800000e+01 : f32
    %broadcast_in_dim3A_2595 = vector.broadcast %jit3A_2594 : f32 to vector<128x128xf32>
    %select_n3A_2596 = arith.select %lt3A_2592, %broadcast_in_dim3A_2595, %select_n3A_2585 : vector<128x128xi1>, vector<128x128xf32>
    %slice3A_2597 = vector.extract_strided_slice %dot_general3A_8 {offsets = [384, 4992], sizes = [128, 128], strides = [1, 1]} : vector<512x8192xf32> to vector<128x128xf32>
    %sub3A_2598 = vector.broadcast %slice3A_2170 : vector<128x1xf32> to vector<128x128xf32>
    %sub3A_2599 = arith.subf %sub3A_2598, %slice3A_2597 : vector<128x128xf32>
    %slice3A_2600 = vector.extract_strided_slice %get3A_11 {offsets = [0, 4992], sizes = [1, 128], strides = [1, 1]} : vector<1x8192xf32> to vector<1x128xf32>
    %add3A_2601 = vector.broadcast %slice3A_2600 : vector<1x128xf32> to vector<128x128xf32>
    %add3A_2602 = arith.addf %sub3A_2599, %add3A_2601 : vector<128x128xf32>
    %lt3A_2603 = arith.cmpf olt, %add3A_2602, %min3A_2593 : vector<128x128xf32>
    %min3A_2604 = arith.minimumf %min3A_2593, %add3A_2602 : vector<128x128xf32>
    %jit3A_2605 = arith.constant 3.900000e+01 : f32
    %broadcast_in_dim3A_2606 = vector.broadcast %jit3A_2605 : f32 to vector<128x128xf32>
    %select_n3A_2607 = arith.select %lt3A_2603, %broadcast_in_dim3A_2606, %select_n3A_2596 : vector<128x128xi1>, vector<128x128xf32>
    %slice3A_2608 = vector.extract_strided_slice %dot_general3A_8 {offsets = [384, 5120], sizes = [128, 128], strides = [1, 1]} : vector<512x8192xf32> to vector<128x128xf32>
    %sub3A_2609 = vector.broadcast %slice3A_2170 : vector<128x1xf32> to vector<128x128xf32>
    %sub3A_2610 = arith.subf %sub3A_2609, %slice3A_2608 : vector<128x128xf32>
    %slice3A_2611 = vector.extract_strided_slice %get3A_11 {offsets = [0, 5120], sizes = [1, 128], strides = [1, 1]} : vector<1x8192xf32> to vector<1x128xf32>
    %add3A_2612 = vector.broadcast %slice3A_2611 : vector<1x128xf32> to vector<128x128xf32>
    %add3A_2613 = arith.addf %sub3A_2610, %add3A_2612 : vector<128x128xf32>
    %lt3A_2614 = arith.cmpf olt, %add3A_2613, %min3A_2604 : vector<128x128xf32>
    %min3A_2615 = arith.minimumf %min3A_2604, %add3A_2613 : vector<128x128xf32>
    %jit3A_2616 = arith.constant 4.000000e+01 : f32
    %broadcast_in_dim3A_2617 = vector.broadcast %jit3A_2616 : f32 to vector<128x128xf32>
    %select_n3A_2618 = arith.select %lt3A_2614, %broadcast_in_dim3A_2617, %select_n3A_2607 : vector<128x128xi1>, vector<128x128xf32>
    %slice3A_2619 = vector.extract_strided_slice %dot_general3A_8 {offsets = [384, 5248], sizes = [128, 128], strides = [1, 1]} : vector<512x8192xf32> to vector<128x128xf32>
    %sub3A_2620 = vector.broadcast %slice3A_2170 : vector<128x1xf32> to vector<128x128xf32>
    %sub3A_2621 = arith.subf %sub3A_2620, %slice3A_2619 : vector<128x128xf32>
    %slice3A_2622 = vector.extract_strided_slice %get3A_11 {offsets = [0, 5248], sizes = [1, 128], strides = [1, 1]} : vector<1x8192xf32> to vector<1x128xf32>
    %add3A_2623 = vector.broadcast %slice3A_2622 : vector<1x128xf32> to vector<128x128xf32>
    %add3A_2624 = arith.addf %sub3A_2621, %add3A_2623 : vector<128x128xf32>
    %lt3A_2625 = arith.cmpf olt, %add3A_2624, %min3A_2615 : vector<128x128xf32>
    %min3A_2626 = arith.minimumf %min3A_2615, %add3A_2624 : vector<128x128xf32>
    %jit3A_2627 = arith.constant 4.100000e+01 : f32
    %broadcast_in_dim3A_2628 = vector.broadcast %jit3A_2627 : f32 to vector<128x128xf32>
    %select_n3A_2629 = arith.select %lt3A_2625, %broadcast_in_dim3A_2628, %select_n3A_2618 : vector<128x128xi1>, vector<128x128xf32>
    %slice3A_2630 = vector.extract_strided_slice %dot_general3A_8 {offsets = [384, 5376], sizes = [128, 128], strides = [1, 1]} : vector<512x8192xf32> to vector<128x128xf32>
    %sub3A_2631 = vector.broadcast %slice3A_2170 : vector<128x1xf32> to vector<128x128xf32>
    %sub3A_2632 = arith.subf %sub3A_2631, %slice3A_2630 : vector<128x128xf32>
    %slice3A_2633 = vector.extract_strided_slice %get3A_11 {offsets = [0, 5376], sizes = [1, 128], strides = [1, 1]} : vector<1x8192xf32> to vector<1x128xf32>
    %add3A_2634 = vector.broadcast %slice3A_2633 : vector<1x128xf32> to vector<128x128xf32>
    %add3A_2635 = arith.addf %sub3A_2632, %add3A_2634 : vector<128x128xf32>
    %lt3A_2636 = arith.cmpf olt, %add3A_2635, %min3A_2626 : vector<128x128xf32>
    %min3A_2637 = arith.minimumf %min3A_2626, %add3A_2635 : vector<128x128xf32>
    %jit3A_2638 = arith.constant 4.200000e+01 : f32
    %broadcast_in_dim3A_2639 = vector.broadcast %jit3A_2638 : f32 to vector<128x128xf32>
    %select_n3A_2640 = arith.select %lt3A_2636, %broadcast_in_dim3A_2639, %select_n3A_2629 : vector<128x128xi1>, vector<128x128xf32>
    %slice3A_2641 = vector.extract_strided_slice %dot_general3A_8 {offsets = [384, 5504], sizes = [128, 128], strides = [1, 1]} : vector<512x8192xf32> to vector<128x128xf32>
    %sub3A_2642 = vector.broadcast %slice3A_2170 : vector<128x1xf32> to vector<128x128xf32>
    %sub3A_2643 = arith.subf %sub3A_2642, %slice3A_2641 : vector<128x128xf32>
    %slice3A_2644 = vector.extract_strided_slice %get3A_11 {offsets = [0, 5504], sizes = [1, 128], strides = [1, 1]} : vector<1x8192xf32> to vector<1x128xf32>
    %add3A_2645 = vector.broadcast %slice3A_2644 : vector<1x128xf32> to vector<128x128xf32>
    %add3A_2646 = arith.addf %sub3A_2643, %add3A_2645 : vector<128x128xf32>
    %lt3A_2647 = arith.cmpf olt, %add3A_2646, %min3A_2637 : vector<128x128xf32>
    %min3A_2648 = arith.minimumf %min3A_2637, %add3A_2646 : vector<128x128xf32>
    %jit3A_2649 = arith.constant 4.300000e+01 : f32
    %broadcast_in_dim3A_2650 = vector.broadcast %jit3A_2649 : f32 to vector<128x128xf32>
    %select_n3A_2651 = arith.select %lt3A_2647, %broadcast_in_dim3A_2650, %select_n3A_2640 : vector<128x128xi1>, vector<128x128xf32>
    %slice3A_2652 = vector.extract_strided_slice %dot_general3A_8 {offsets = [384, 5632], sizes = [128, 128], strides = [1, 1]} : vector<512x8192xf32> to vector<128x128xf32>
    %sub3A_2653 = vector.broadcast %slice3A_2170 : vector<128x1xf32> to vector<128x128xf32>
    %sub3A_2654 = arith.subf %sub3A_2653, %slice3A_2652 : vector<128x128xf32>
    %slice3A_2655 = vector.extract_strided_slice %get3A_11 {offsets = [0, 5632], sizes = [1, 128], strides = [1, 1]} : vector<1x8192xf32> to vector<1x128xf32>
    %add3A_2656 = vector.broadcast %slice3A_2655 : vector<1x128xf32> to vector<128x128xf32>
    %add3A_2657 = arith.addf %sub3A_2654, %add3A_2656 : vector<128x128xf32>
    %lt3A_2658 = arith.cmpf olt, %add3A_2657, %min3A_2648 : vector<128x128xf32>
    %min3A_2659 = arith.minimumf %min3A_2648, %add3A_2657 : vector<128x128xf32>
    %jit3A_2660 = arith.constant 4.400000e+01 : f32
    %broadcast_in_dim3A_2661 = vector.broadcast %jit3A_2660 : f32 to vector<128x128xf32>
    %select_n3A_2662 = arith.select %lt3A_2658, %broadcast_in_dim3A_2661, %select_n3A_2651 : vector<128x128xi1>, vector<128x128xf32>
    %slice3A_2663 = vector.extract_strided_slice %dot_general3A_8 {offsets = [384, 5760], sizes = [128, 128], strides = [1, 1]} : vector<512x8192xf32> to vector<128x128xf32>
    %sub3A_2664 = vector.broadcast %slice3A_2170 : vector<128x1xf32> to vector<128x128xf32>
    %sub3A_2665 = arith.subf %sub3A_2664, %slice3A_2663 : vector<128x128xf32>
    %slice3A_2666 = vector.extract_strided_slice %get3A_11 {offsets = [0, 5760], sizes = [1, 128], strides = [1, 1]} : vector<1x8192xf32> to vector<1x128xf32>
    %add3A_2667 = vector.broadcast %slice3A_2666 : vector<1x128xf32> to vector<128x128xf32>
    %add3A_2668 = arith.addf %sub3A_2665, %add3A_2667 : vector<128x128xf32>
    %lt3A_2669 = arith.cmpf olt, %add3A_2668, %min3A_2659 : vector<128x128xf32>
    %min3A_2670 = arith.minimumf %min3A_2659, %add3A_2668 : vector<128x128xf32>
    %jit3A_2671 = arith.constant 4.500000e+01 : f32
    %broadcast_in_dim3A_2672 = vector.broadcast %jit3A_2671 : f32 to vector<128x128xf32>
    %select_n3A_2673 = arith.select %lt3A_2669, %broadcast_in_dim3A_2672, %select_n3A_2662 : vector<128x128xi1>, vector<128x128xf32>
    %slice3A_2674 = vector.extract_strided_slice %dot_general3A_8 {offsets = [384, 5888], sizes = [128, 128], strides = [1, 1]} : vector<512x8192xf32> to vector<128x128xf32>
    %sub3A_2675 = vector.broadcast %slice3A_2170 : vector<128x1xf32> to vector<128x128xf32>
    %sub3A_2676 = arith.subf %sub3A_2675, %slice3A_2674 : vector<128x128xf32>
    %slice3A_2677 = vector.extract_strided_slice %get3A_11 {offsets = [0, 5888], sizes = [1, 128], strides = [1, 1]} : vector<1x8192xf32> to vector<1x128xf32>
    %add3A_2678 = vector.broadcast %slice3A_2677 : vector<1x128xf32> to vector<128x128xf32>
    %add3A_2679 = arith.addf %sub3A_2676, %add3A_2678 : vector<128x128xf32>
    %lt3A_2680 = arith.cmpf olt, %add3A_2679, %min3A_2670 : vector<128x128xf32>
    %min3A_2681 = arith.minimumf %min3A_2670, %add3A_2679 : vector<128x128xf32>
    %jit3A_2682 = arith.constant 4.600000e+01 : f32
    %broadcast_in_dim3A_2683 = vector.broadcast %jit3A_2682 : f32 to vector<128x128xf32>
    %select_n3A_2684 = arith.select %lt3A_2680, %broadcast_in_dim3A_2683, %select_n3A_2673 : vector<128x128xi1>, vector<128x128xf32>
    %slice3A_2685 = vector.extract_strided_slice %dot_general3A_8 {offsets = [384, 6016], sizes = [128, 128], strides = [1, 1]} : vector<512x8192xf32> to vector<128x128xf32>
    %sub3A_2686 = vector.broadcast %slice3A_2170 : vector<128x1xf32> to vector<128x128xf32>
    %sub3A_2687 = arith.subf %sub3A_2686, %slice3A_2685 : vector<128x128xf32>
    %slice3A_2688 = vector.extract_strided_slice %get3A_11 {offsets = [0, 6016], sizes = [1, 128], strides = [1, 1]} : vector<1x8192xf32> to vector<1x128xf32>
    %add3A_2689 = vector.broadcast %slice3A_2688 : vector<1x128xf32> to vector<128x128xf32>
    %add3A_2690 = arith.addf %sub3A_2687, %add3A_2689 : vector<128x128xf32>
    %lt3A_2691 = arith.cmpf olt, %add3A_2690, %min3A_2681 : vector<128x128xf32>
    %min3A_2692 = arith.minimumf %min3A_2681, %add3A_2690 : vector<128x128xf32>
    %jit3A_2693 = arith.constant 4.700000e+01 : f32
    %broadcast_in_dim3A_2694 = vector.broadcast %jit3A_2693 : f32 to vector<128x128xf32>
    %select_n3A_2695 = arith.select %lt3A_2691, %broadcast_in_dim3A_2694, %select_n3A_2684 : vector<128x128xi1>, vector<128x128xf32>
    %slice3A_2696 = vector.extract_strided_slice %dot_general3A_8 {offsets = [384, 6144], sizes = [128, 128], strides = [1, 1]} : vector<512x8192xf32> to vector<128x128xf32>
    %sub3A_2697 = vector.broadcast %slice3A_2170 : vector<128x1xf32> to vector<128x128xf32>
    %sub3A_2698 = arith.subf %sub3A_2697, %slice3A_2696 : vector<128x128xf32>
    %slice3A_2699 = vector.extract_strided_slice %get3A_11 {offsets = [0, 6144], sizes = [1, 128], strides = [1, 1]} : vector<1x8192xf32> to vector<1x128xf32>
    %add3A_2700 = vector.broadcast %slice3A_2699 : vector<1x128xf32> to vector<128x128xf32>
    %add3A_2701 = arith.addf %sub3A_2698, %add3A_2700 : vector<128x128xf32>
    %lt3A_2702 = arith.cmpf olt, %add3A_2701, %min3A_2692 : vector<128x128xf32>
    %min3A_2703 = arith.minimumf %min3A_2692, %add3A_2701 : vector<128x128xf32>
    %jit3A_2704 = arith.constant 4.800000e+01 : f32
    %broadcast_in_dim3A_2705 = vector.broadcast %jit3A_2704 : f32 to vector<128x128xf32>
    %select_n3A_2706 = arith.select %lt3A_2702, %broadcast_in_dim3A_2705, %select_n3A_2695 : vector<128x128xi1>, vector<128x128xf32>
    %slice3A_2707 = vector.extract_strided_slice %dot_general3A_8 {offsets = [384, 6272], sizes = [128, 128], strides = [1, 1]} : vector<512x8192xf32> to vector<128x128xf32>
    %sub3A_2708 = vector.broadcast %slice3A_2170 : vector<128x1xf32> to vector<128x128xf32>
    %sub3A_2709 = arith.subf %sub3A_2708, %slice3A_2707 : vector<128x128xf32>
    %slice3A_2710 = vector.extract_strided_slice %get3A_11 {offsets = [0, 6272], sizes = [1, 128], strides = [1, 1]} : vector<1x8192xf32> to vector<1x128xf32>
    %add3A_2711 = vector.broadcast %slice3A_2710 : vector<1x128xf32> to vector<128x128xf32>
    %add3A_2712 = arith.addf %sub3A_2709, %add3A_2711 : vector<128x128xf32>
    %lt3A_2713 = arith.cmpf olt, %add3A_2712, %min3A_2703 : vector<128x128xf32>
    %min3A_2714 = arith.minimumf %min3A_2703, %add3A_2712 : vector<128x128xf32>
    %jit3A_2715 = arith.constant 4.900000e+01 : f32
    %broadcast_in_dim3A_2716 = vector.broadcast %jit3A_2715 : f32 to vector<128x128xf32>
    %select_n3A_2717 = arith.select %lt3A_2713, %broadcast_in_dim3A_2716, %select_n3A_2706 : vector<128x128xi1>, vector<128x128xf32>
    %slice3A_2718 = vector.extract_strided_slice %dot_general3A_8 {offsets = [384, 6400], sizes = [128, 128], strides = [1, 1]} : vector<512x8192xf32> to vector<128x128xf32>
    %sub3A_2719 = vector.broadcast %slice3A_2170 : vector<128x1xf32> to vector<128x128xf32>
    %sub3A_2720 = arith.subf %sub3A_2719, %slice3A_2718 : vector<128x128xf32>
    %slice3A_2721 = vector.extract_strided_slice %get3A_11 {offsets = [0, 6400], sizes = [1, 128], strides = [1, 1]} : vector<1x8192xf32> to vector<1x128xf32>
    %add3A_2722 = vector.broadcast %slice3A_2721 : vector<1x128xf32> to vector<128x128xf32>
    %add3A_2723 = arith.addf %sub3A_2720, %add3A_2722 : vector<128x128xf32>
    %lt3A_2724 = arith.cmpf olt, %add3A_2723, %min3A_2714 : vector<128x128xf32>
    %min3A_2725 = arith.minimumf %min3A_2714, %add3A_2723 : vector<128x128xf32>
    %jit3A_2726 = arith.constant 5.000000e+01 : f32
    %broadcast_in_dim3A_2727 = vector.broadcast %jit3A_2726 : f32 to vector<128x128xf32>
    %select_n3A_2728 = arith.select %lt3A_2724, %broadcast_in_dim3A_2727, %select_n3A_2717 : vector<128x128xi1>, vector<128x128xf32>
    %slice3A_2729 = vector.extract_strided_slice %dot_general3A_8 {offsets = [384, 6528], sizes = [128, 128], strides = [1, 1]} : vector<512x8192xf32> to vector<128x128xf32>
    %sub3A_2730 = vector.broadcast %slice3A_2170 : vector<128x1xf32> to vector<128x128xf32>
    %sub3A_2731 = arith.subf %sub3A_2730, %slice3A_2729 : vector<128x128xf32>
    %slice3A_2732 = vector.extract_strided_slice %get3A_11 {offsets = [0, 6528], sizes = [1, 128], strides = [1, 1]} : vector<1x8192xf32> to vector<1x128xf32>
    %add3A_2733 = vector.broadcast %slice3A_2732 : vector<1x128xf32> to vector<128x128xf32>
    %add3A_2734 = arith.addf %sub3A_2731, %add3A_2733 : vector<128x128xf32>
    %lt3A_2735 = arith.cmpf olt, %add3A_2734, %min3A_2725 : vector<128x128xf32>
    %min3A_2736 = arith.minimumf %min3A_2725, %add3A_2734 : vector<128x128xf32>
    %jit3A_2737 = arith.constant 5.100000e+01 : f32
    %broadcast_in_dim3A_2738 = vector.broadcast %jit3A_2737 : f32 to vector<128x128xf32>
    %select_n3A_2739 = arith.select %lt3A_2735, %broadcast_in_dim3A_2738, %select_n3A_2728 : vector<128x128xi1>, vector<128x128xf32>
    %slice3A_2740 = vector.extract_strided_slice %dot_general3A_8 {offsets = [384, 6656], sizes = [128, 128], strides = [1, 1]} : vector<512x8192xf32> to vector<128x128xf32>
    %sub3A_2741 = vector.broadcast %slice3A_2170 : vector<128x1xf32> to vector<128x128xf32>
    %sub3A_2742 = arith.subf %sub3A_2741, %slice3A_2740 : vector<128x128xf32>
    %slice3A_2743 = vector.extract_strided_slice %get3A_11 {offsets = [0, 6656], sizes = [1, 128], strides = [1, 1]} : vector<1x8192xf32> to vector<1x128xf32>
    %add3A_2744 = vector.broadcast %slice3A_2743 : vector<1x128xf32> to vector<128x128xf32>
    %add3A_2745 = arith.addf %sub3A_2742, %add3A_2744 : vector<128x128xf32>
    %lt3A_2746 = arith.cmpf olt, %add3A_2745, %min3A_2736 : vector<128x128xf32>
    %min3A_2747 = arith.minimumf %min3A_2736, %add3A_2745 : vector<128x128xf32>
    %jit3A_2748 = arith.constant 5.200000e+01 : f32
    %broadcast_in_dim3A_2749 = vector.broadcast %jit3A_2748 : f32 to vector<128x128xf32>
    %select_n3A_2750 = arith.select %lt3A_2746, %broadcast_in_dim3A_2749, %select_n3A_2739 : vector<128x128xi1>, vector<128x128xf32>
    %slice3A_2751 = vector.extract_strided_slice %dot_general3A_8 {offsets = [384, 6784], sizes = [128, 128], strides = [1, 1]} : vector<512x8192xf32> to vector<128x128xf32>
    %sub3A_2752 = vector.broadcast %slice3A_2170 : vector<128x1xf32> to vector<128x128xf32>
    %sub3A_2753 = arith.subf %sub3A_2752, %slice3A_2751 : vector<128x128xf32>
    %slice3A_2754 = vector.extract_strided_slice %get3A_11 {offsets = [0, 6784], sizes = [1, 128], strides = [1, 1]} : vector<1x8192xf32> to vector<1x128xf32>
    %add3A_2755 = vector.broadcast %slice3A_2754 : vector<1x128xf32> to vector<128x128xf32>
    %add3A_2756 = arith.addf %sub3A_2753, %add3A_2755 : vector<128x128xf32>
    %lt3A_2757 = arith.cmpf olt, %add3A_2756, %min3A_2747 : vector<128x128xf32>
    %min3A_2758 = arith.minimumf %min3A_2747, %add3A_2756 : vector<128x128xf32>
    %jit3A_2759 = arith.constant 5.300000e+01 : f32
    %broadcast_in_dim3A_2760 = vector.broadcast %jit3A_2759 : f32 to vector<128x128xf32>
    %select_n3A_2761 = arith.select %lt3A_2757, %broadcast_in_dim3A_2760, %select_n3A_2750 : vector<128x128xi1>, vector<128x128xf32>
    %slice3A_2762 = vector.extract_strided_slice %dot_general3A_8 {offsets = [384, 6912], sizes = [128, 128], strides = [1, 1]} : vector<512x8192xf32> to vector<128x128xf32>
    %sub3A_2763 = vector.broadcast %slice3A_2170 : vector<128x1xf32> to vector<128x128xf32>
    %sub3A_2764 = arith.subf %sub3A_2763, %slice3A_2762 : vector<128x128xf32>
    %slice3A_2765 = vector.extract_strided_slice %get3A_11 {offsets = [0, 6912], sizes = [1, 128], strides = [1, 1]} : vector<1x8192xf32> to vector<1x128xf32>
    %add3A_2766 = vector.broadcast %slice3A_2765 : vector<1x128xf32> to vector<128x128xf32>
    %add3A_2767 = arith.addf %sub3A_2764, %add3A_2766 : vector<128x128xf32>
    %lt3A_2768 = arith.cmpf olt, %add3A_2767, %min3A_2758 : vector<128x128xf32>
    %min3A_2769 = arith.minimumf %min3A_2758, %add3A_2767 : vector<128x128xf32>
    %jit3A_2770 = arith.constant 5.400000e+01 : f32
    %broadcast_in_dim3A_2771 = vector.broadcast %jit3A_2770 : f32 to vector<128x128xf32>
    %select_n3A_2772 = arith.select %lt3A_2768, %broadcast_in_dim3A_2771, %select_n3A_2761 : vector<128x128xi1>, vector<128x128xf32>
    %slice3A_2773 = vector.extract_strided_slice %dot_general3A_8 {offsets = [384, 7040], sizes = [128, 128], strides = [1, 1]} : vector<512x8192xf32> to vector<128x128xf32>
    %sub3A_2774 = vector.broadcast %slice3A_2170 : vector<128x1xf32> to vector<128x128xf32>
    %sub3A_2775 = arith.subf %sub3A_2774, %slice3A_2773 : vector<128x128xf32>
    %slice3A_2776 = vector.extract_strided_slice %get3A_11 {offsets = [0, 7040], sizes = [1, 128], strides = [1, 1]} : vector<1x8192xf32> to vector<1x128xf32>
    %add3A_2777 = vector.broadcast %slice3A_2776 : vector<1x128xf32> to vector<128x128xf32>
    %add3A_2778 = arith.addf %sub3A_2775, %add3A_2777 : vector<128x128xf32>
    %lt3A_2779 = arith.cmpf olt, %add3A_2778, %min3A_2769 : vector<128x128xf32>
    %min3A_2780 = arith.minimumf %min3A_2769, %add3A_2778 : vector<128x128xf32>
    %jit3A_2781 = arith.constant 5.500000e+01 : f32
    %broadcast_in_dim3A_2782 = vector.broadcast %jit3A_2781 : f32 to vector<128x128xf32>
    %select_n3A_2783 = arith.select %lt3A_2779, %broadcast_in_dim3A_2782, %select_n3A_2772 : vector<128x128xi1>, vector<128x128xf32>
    %slice3A_2784 = vector.extract_strided_slice %dot_general3A_8 {offsets = [384, 7168], sizes = [128, 128], strides = [1, 1]} : vector<512x8192xf32> to vector<128x128xf32>
    %sub3A_2785 = vector.broadcast %slice3A_2170 : vector<128x1xf32> to vector<128x128xf32>
    %sub3A_2786 = arith.subf %sub3A_2785, %slice3A_2784 : vector<128x128xf32>
    %slice3A_2787 = vector.extract_strided_slice %get3A_11 {offsets = [0, 7168], sizes = [1, 128], strides = [1, 1]} : vector<1x8192xf32> to vector<1x128xf32>
    %add3A_2788 = vector.broadcast %slice3A_2787 : vector<1x128xf32> to vector<128x128xf32>
    %add3A_2789 = arith.addf %sub3A_2786, %add3A_2788 : vector<128x128xf32>
    %lt3A_2790 = arith.cmpf olt, %add3A_2789, %min3A_2780 : vector<128x128xf32>
    %min3A_2791 = arith.minimumf %min3A_2780, %add3A_2789 : vector<128x128xf32>
    %jit3A_2792 = arith.constant 5.600000e+01 : f32
    %broadcast_in_dim3A_2793 = vector.broadcast %jit3A_2792 : f32 to vector<128x128xf32>
    %select_n3A_2794 = arith.select %lt3A_2790, %broadcast_in_dim3A_2793, %select_n3A_2783 : vector<128x128xi1>, vector<128x128xf32>
    %slice3A_2795 = vector.extract_strided_slice %dot_general3A_8 {offsets = [384, 7296], sizes = [128, 128], strides = [1, 1]} : vector<512x8192xf32> to vector<128x128xf32>
    %sub3A_2796 = vector.broadcast %slice3A_2170 : vector<128x1xf32> to vector<128x128xf32>
    %sub3A_2797 = arith.subf %sub3A_2796, %slice3A_2795 : vector<128x128xf32>
    %slice3A_2798 = vector.extract_strided_slice %get3A_11 {offsets = [0, 7296], sizes = [1, 128], strides = [1, 1]} : vector<1x8192xf32> to vector<1x128xf32>
    %add3A_2799 = vector.broadcast %slice3A_2798 : vector<1x128xf32> to vector<128x128xf32>
    %add3A_2800 = arith.addf %sub3A_2797, %add3A_2799 : vector<128x128xf32>
    %lt3A_2801 = arith.cmpf olt, %add3A_2800, %min3A_2791 : vector<128x128xf32>
    %min3A_2802 = arith.minimumf %min3A_2791, %add3A_2800 : vector<128x128xf32>
    %jit3A_2803 = arith.constant 5.700000e+01 : f32
    %broadcast_in_dim3A_2804 = vector.broadcast %jit3A_2803 : f32 to vector<128x128xf32>
    %select_n3A_2805 = arith.select %lt3A_2801, %broadcast_in_dim3A_2804, %select_n3A_2794 : vector<128x128xi1>, vector<128x128xf32>
    %slice3A_2806 = vector.extract_strided_slice %dot_general3A_8 {offsets = [384, 7424], sizes = [128, 128], strides = [1, 1]} : vector<512x8192xf32> to vector<128x128xf32>
    %sub3A_2807 = vector.broadcast %slice3A_2170 : vector<128x1xf32> to vector<128x128xf32>
    %sub3A_2808 = arith.subf %sub3A_2807, %slice3A_2806 : vector<128x128xf32>
    %slice3A_2809 = vector.extract_strided_slice %get3A_11 {offsets = [0, 7424], sizes = [1, 128], strides = [1, 1]} : vector<1x8192xf32> to vector<1x128xf32>
    %add3A_2810 = vector.broadcast %slice3A_2809 : vector<1x128xf32> to vector<128x128xf32>
    %add3A_2811 = arith.addf %sub3A_2808, %add3A_2810 : vector<128x128xf32>
    %lt3A_2812 = arith.cmpf olt, %add3A_2811, %min3A_2802 : vector<128x128xf32>
    %min3A_2813 = arith.minimumf %min3A_2802, %add3A_2811 : vector<128x128xf32>
    %jit3A_2814 = arith.constant 5.800000e+01 : f32
    %broadcast_in_dim3A_2815 = vector.broadcast %jit3A_2814 : f32 to vector<128x128xf32>
    %select_n3A_2816 = arith.select %lt3A_2812, %broadcast_in_dim3A_2815, %select_n3A_2805 : vector<128x128xi1>, vector<128x128xf32>
    %slice3A_2817 = vector.extract_strided_slice %dot_general3A_8 {offsets = [384, 7552], sizes = [128, 128], strides = [1, 1]} : vector<512x8192xf32> to vector<128x128xf32>
    %sub3A_2818 = vector.broadcast %slice3A_2170 : vector<128x1xf32> to vector<128x128xf32>
    %sub3A_2819 = arith.subf %sub3A_2818, %slice3A_2817 : vector<128x128xf32>
    %slice3A_2820 = vector.extract_strided_slice %get3A_11 {offsets = [0, 7552], sizes = [1, 128], strides = [1, 1]} : vector<1x8192xf32> to vector<1x128xf32>
    %add3A_2821 = vector.broadcast %slice3A_2820 : vector<1x128xf32> to vector<128x128xf32>
    %add3A_2822 = arith.addf %sub3A_2819, %add3A_2821 : vector<128x128xf32>
    %lt3A_2823 = arith.cmpf olt, %add3A_2822, %min3A_2813 : vector<128x128xf32>
    %min3A_2824 = arith.minimumf %min3A_2813, %add3A_2822 : vector<128x128xf32>
    %jit3A_2825 = arith.constant 5.900000e+01 : f32
    %broadcast_in_dim3A_2826 = vector.broadcast %jit3A_2825 : f32 to vector<128x128xf32>
    %select_n3A_2827 = arith.select %lt3A_2823, %broadcast_in_dim3A_2826, %select_n3A_2816 : vector<128x128xi1>, vector<128x128xf32>
    %slice3A_2828 = vector.extract_strided_slice %dot_general3A_8 {offsets = [384, 7680], sizes = [128, 128], strides = [1, 1]} : vector<512x8192xf32> to vector<128x128xf32>
    %sub3A_2829 = vector.broadcast %slice3A_2170 : vector<128x1xf32> to vector<128x128xf32>
    %sub3A_2830 = arith.subf %sub3A_2829, %slice3A_2828 : vector<128x128xf32>
    %slice3A_2831 = vector.extract_strided_slice %get3A_11 {offsets = [0, 7680], sizes = [1, 128], strides = [1, 1]} : vector<1x8192xf32> to vector<1x128xf32>
    %add3A_2832 = vector.broadcast %slice3A_2831 : vector<1x128xf32> to vector<128x128xf32>
    %add3A_2833 = arith.addf %sub3A_2830, %add3A_2832 : vector<128x128xf32>
    %lt3A_2834 = arith.cmpf olt, %add3A_2833, %min3A_2824 : vector<128x128xf32>
    %min3A_2835 = arith.minimumf %min3A_2824, %add3A_2833 : vector<128x128xf32>
    %jit3A_2836 = arith.constant 6.000000e+01 : f32
    %broadcast_in_dim3A_2837 = vector.broadcast %jit3A_2836 : f32 to vector<128x128xf32>
    %select_n3A_2838 = arith.select %lt3A_2834, %broadcast_in_dim3A_2837, %select_n3A_2827 : vector<128x128xi1>, vector<128x128xf32>
    %slice3A_2839 = vector.extract_strided_slice %dot_general3A_8 {offsets = [384, 7808], sizes = [128, 128], strides = [1, 1]} : vector<512x8192xf32> to vector<128x128xf32>
    %sub3A_2840 = vector.broadcast %slice3A_2170 : vector<128x1xf32> to vector<128x128xf32>
    %sub3A_2841 = arith.subf %sub3A_2840, %slice3A_2839 : vector<128x128xf32>
    %slice3A_2842 = vector.extract_strided_slice %get3A_11 {offsets = [0, 7808], sizes = [1, 128], strides = [1, 1]} : vector<1x8192xf32> to vector<1x128xf32>
    %add3A_2843 = vector.broadcast %slice3A_2842 : vector<1x128xf32> to vector<128x128xf32>
    %add3A_2844 = arith.addf %sub3A_2841, %add3A_2843 : vector<128x128xf32>
    %lt3A_2845 = arith.cmpf olt, %add3A_2844, %min3A_2835 : vector<128x128xf32>
    %min3A_2846 = arith.minimumf %min3A_2835, %add3A_2844 : vector<128x128xf32>
    %jit3A_2847 = arith.constant 6.100000e+01 : f32
    %broadcast_in_dim3A_2848 = vector.broadcast %jit3A_2847 : f32 to vector<128x128xf32>
    %select_n3A_2849 = arith.select %lt3A_2845, %broadcast_in_dim3A_2848, %select_n3A_2838 : vector<128x128xi1>, vector<128x128xf32>
    %slice3A_2850 = vector.extract_strided_slice %dot_general3A_8 {offsets = [384, 7936], sizes = [128, 128], strides = [1, 1]} : vector<512x8192xf32> to vector<128x128xf32>
    %sub3A_2851 = vector.broadcast %slice3A_2170 : vector<128x1xf32> to vector<128x128xf32>
    %sub3A_2852 = arith.subf %sub3A_2851, %slice3A_2850 : vector<128x128xf32>
    %slice3A_2853 = vector.extract_strided_slice %get3A_11 {offsets = [0, 7936], sizes = [1, 128], strides = [1, 1]} : vector<1x8192xf32> to vector<1x128xf32>
    %add3A_2854 = vector.broadcast %slice3A_2853 : vector<1x128xf32> to vector<128x128xf32>
    %add3A_2855 = arith.addf %sub3A_2852, %add3A_2854 : vector<128x128xf32>
    %lt3A_2856 = arith.cmpf olt, %add3A_2855, %min3A_2846 : vector<128x128xf32>
    %min3A_2857 = arith.minimumf %min3A_2846, %add3A_2855 : vector<128x128xf32>
    %jit3A_2858 = arith.constant 6.200000e+01 : f32
    %broadcast_in_dim3A_2859 = vector.broadcast %jit3A_2858 : f32 to vector<128x128xf32>
    %select_n3A_2860 = arith.select %lt3A_2856, %broadcast_in_dim3A_2859, %select_n3A_2849 : vector<128x128xi1>, vector<128x128xf32>
    %slice3A_2861 = vector.extract_strided_slice %dot_general3A_8 {offsets = [384, 8064], sizes = [128, 128], strides = [1, 1]} : vector<512x8192xf32> to vector<128x128xf32>
    %sub3A_2862 = vector.broadcast %slice3A_2170 : vector<128x1xf32> to vector<128x128xf32>
    %sub3A_2863 = arith.subf %sub3A_2862, %slice3A_2861 : vector<128x128xf32>
    %slice3A_2864 = vector.extract_strided_slice %get3A_11 {offsets = [0, 8064], sizes = [1, 128], strides = [1, 1]} : vector<1x8192xf32> to vector<1x128xf32>
    %add3A_2865 = vector.broadcast %slice3A_2864 : vector<1x128xf32> to vector<128x128xf32>
    %add3A_2866 = arith.addf %sub3A_2863, %add3A_2865 : vector<128x128xf32>
    %lt3A_2867 = arith.cmpf olt, %add3A_2866, %min3A_2857 : vector<128x128xf32>
    %min3A_2868 = arith.minimumf %min3A_2857, %add3A_2866 : vector<128x128xf32>
    %jit3A_2869 = arith.constant 6.300000e+01 : f32
    %broadcast_in_dim3A_2870 = vector.broadcast %jit3A_2869 : f32 to vector<128x128xf32>
    %select_n3A_2871 = arith.select %lt3A_2867, %broadcast_in_dim3A_2870, %select_n3A_2860 : vector<128x128xi1>, vector<128x128xf32>
    %eq3A_2872 = arith.cmpf oeq, %min3A_2868, %min3A_2868 : vector<128x128xf32>
    %jit3A_2873 = arith.constant 8.192000e+03 : f32
    %broadcast_in_dim3A_2874 = vector.broadcast %jit3A_2873 : f32 to vector<128x128xf32>
    %select_n3A_2875 = arith.select %eq3A_2872, %select_n3A_2871, %broadcast_in_dim3A_2874 : vector<128x128xi1>, vector<128x128xf32>
    %reduce_min3A_2876 = arith.constant dense<0x7F800000> : vector<128xf32>
    %reduce_min3A_2877 = vector.multi_reduction <minimumf>, %min3A_2868, %reduce_min3A_2876 [1] : vector<128x128xf32> to vector<128xf32>
    %broadcast_in_dim3A_2878 = vector.shape_cast %reduce_min3A_2877 : vector<128xf32> to vector<128x1xf32>
    %iota3A_2879 = tpu.iota {dimensions = array<i32: 1>} : vector<128x128xi32>
    %convert_element_type3A_2880 = arith.sitofp %iota3A_2879 : vector<128x128xi32> to vector<128x128xf32>
    %mul3A_2881 = arith.constant 1.280000e+02 : f32
    %mul3A_2882 = vector.broadcast %mul3A_2881 : f32 to vector<128x128xf32>
    %mul3A_2883 = arith.mulf %select_n3A_2875, %mul3A_2882 : vector<128x128xf32>
    %add3A_2884 = arith.addf %mul3A_2883, %convert_element_type3A_2880 : vector<128x128xf32>
    %eq3A_2885 = vector.broadcast %broadcast_in_dim3A_2878 : vector<128x1xf32> to vector<128x128xf32>
    %eq3A_2886 = arith.cmpf oeq, %min3A_2868, %eq3A_2885 : vector<128x128xf32>
    %jit3A_2887 = arith.constant 8.192000e+03 : f32
    %broadcast_in_dim3A_2888 = vector.broadcast %jit3A_2887 : f32 to vector<128x128xf32>
    %select_n3A_2889 = arith.select %eq3A_2886, %add3A_2884, %broadcast_in_dim3A_2888 : vector<128x128xi1>, vector<128x128xf32>
    %reduce_min3A_2890 = arith.constant dense<0x7F800000> : vector<128xf32>
    %reduce_min3A_2891 = vector.multi_reduction <minimumf>, %select_n3A_2889, %reduce_min3A_2890 [1] : vector<128x128xf32> to vector<128xf32>
    %concatenate3A = tpu.concatenate %reduce_min3A_725, %reduce_min3A_1447, %reduce_min3A_2169, %reduce_min3A_2891 in 0 : vector<128xf32>, vector<128xf32>, vector<128xf32>, vector<128xf32> -> vector<512xf32>
    %convert_element_type3A_2892 = arith.fptosi %concatenate3A : vector<512xf32> to vector<512xi32>
    %reshape3A = vector.shape_cast %convert_element_type3A_2892 : vector<512xi32> to vector<1x1x512xi32>
    %swap3A = arith.constant 0 : index
    %swap3A_2893 = arith.constant 0 : index
    %swap3A_2894 = arith.constant 0 : index
    %swap3A_2895 = vector.load %arg3[%swap3A, %swap3A_2893, %swap3A_2894] : memref<1x1x512xi32, #tpu.memory_space<vmem>>, vector<1x1x512xi32>
    tpu.vector_store %arg3[%swap3A, %swap3A_2893, %swap3A_2894], %reshape3A {strides = array<i32>} : memref<1x1x512xi32, #tpu.memory_space<vmem>>, vector<1x1x512xi32>,
    %concatenate3A_2896 = tpu.concatenate %broadcast_in_dim3A_713, %broadcast_in_dim3A_1434, %broadcast_in_dim3A_2156, %broadcast_in_dim3A_2878 in 0 : vector<128x1xf32>, vector<128x1xf32>, vector<128x1xf32>, vector<128x1xf32> -> vector<512x1xf32>
    %get3A_2897 = arith.constant 0 : index
    %get3A_2898 = arith.constant 0 : index
    %get3A_2899 = vector.load %arg4[%get3A_2897, %get3A_2898] : memref<1x1xf32, #tpu.memory_space<vmem>>, vector<1x1xf32>
    %reduce_sum3A_2900 = vector.shape_cast %concatenate3A_2896 : vector<512x1xf32> to vector<1x512x1xf32>
    %reduce_sum3A_2901 = arith.constant dense<0.000000e+00> : vector<1xf32>
    %reduce_sum3A_2902 = vector.multi_reduction <add>, %reduce_sum3A_2900, %reduce_sum3A_2901 [1, 2] : vector<1x512x1xf32> to vector<1xf32>
    %reduce_sum3A_2903 = vector.shape_cast %reduce_sum3A_2902 : vector<1xf32> to vector<1x1x1xf32>
    %reduce_sum3A_2904 = vector.extract %reduce_sum3A_2903[0, 0, 0] : f32 from vector<1x1x1xf32>
    %broadcast_in_dim3A_2905 = vector.broadcast %reduce_sum3A_2904 : f32 to vector<1x1xf32>
    %add3A_2906 = arith.addf %get3A_2899, %broadcast_in_dim3A_2905 : vector<1x1xf32>
    %swap3A_2907 = arith.constant 0 : index
    %swap3A_2908 = arith.constant 0 : index
    %swap3A_2909 = vector.load %arg4[%swap3A_2907, %swap3A_2908] : memref<1x1xf32, #tpu.memory_space<vmem>>, vector<1x1xf32>
    tpu.vector_store %arg4[%swap3A_2907, %swap3A_2908], %add3A_2906 {strides = array<i32>} : memref<1x1xf32, #tpu.memory_space<vmem>>, vector<1x1xf32>,
    %eq3A_2910 = arith.constant 15 : i32
    %eq3A_2911 = arith.cmpi eq, %arg0, %eq3A_2910 : i32
    %convert_element_type3A_2912 = arith.extui %eq3A_2911 : i1 to i32
    %cond3A_2913 = arith.constant 0 : i32
    %cond3A_2914 = arith.cmpi ne, %convert_element_type3A_2912, %cond3A_2913 : i32
    scf.if %cond3A_2914 {
      %get3A_2915 = arith.constant 0 : index
      %get3A_2916 = arith.constant 0 : index
      %get3A_2917 = vector.load %arg4[%get3A_2915, %get3A_2916] : memref<1x1xf32, #tpu.memory_space<vmem>>, vector<1x1xf32>
      %mul3A_2918 = arith.constant 1.1920929E-7 : f32
      %mul3A_2919 = vector.broadcast %mul3A_2918 : f32 to vector<1x1xf32>
      %mul3A_2920 = arith.mulf %get3A_2917, %mul3A_2919 : vector<1x1xf32>
      %swap3A_2921 = arith.constant 0 : index
      %swap3A_2922 = arith.constant 0 : index
      %swap3A_2923 = vector.load %arg4[%swap3A_2921, %swap3A_2922] : memref<1x1xf32, #tpu.memory_space<vmem>>, vector<1x1xf32>
      tpu.vector_store %arg4[%swap3A_2921, %swap3A_2922], %mul3A_2920 {strides = array<i32>} : memref<1x1xf32, #tpu.memory_space<vmem>>, vector<1x1xf32>,
    } else {
    }
    return
  }
  func.func @transform_0(%arg0: i32) -> (i32, i32) {
    %c0_i32 = arith.constant 0 : i32
    %c0_i32_0 = arith.constant 0 : i32
    return %arg0, %c0_i32 : i32, i32
  }
  func.func @transform_1(%arg0: i32) -> (i32, i32) {
    %c0_i32 = arith.constant 0 : i32
    %c0_i32_0 = arith.constant 0 : i32
    %c0_i32_1 = arith.constant 0 : i32
    return %c0_i32, %c0_i32_0 : i32, i32
  }
  func.func @transform_2(%arg0: i32) -> (i32, i32, i32) {
    %c0_i32 = arith.constant 0 : i32
    %c0_i32_0 = arith.constant 0 : i32
    %c0_i32_1 = arith.constant 0 : i32
    return %arg0, %c0_i32, %c0_i32_0 : i32, i32, i32
  }
  func.func @transform_3(%arg0: i32) -> (i32, i32) {
    %c0_i32 = arith.constant 0 : i32
    %c0_i32_0 = arith.constant 0 : i32
    %c0_i32_1 = arith.constant 0 : i32
    return %c0_i32, %c0_i32_0 : i32, i32
  }
}

</mosaic_0001>

<sc_bundles>
// kernel: kernel.4.cloned.1.call-start
scs
__scs_entry_jumppad:
0x0: {  	(pc) =	sbr.rel $0x88, $3  }
0x1: {  	(tag) =	ssettag $0x0;
	lr =	simm.s32 $0x1  }
0x2: {  	[smem:$0x3F9F] =	sst lr;
	_ =	strace $0xD0000000  }
0x3: {  	_ = 	snop  }
0x4: {  	_ = 	snop  }
0x5: {  	_ = 	snop  }
0x6: {  	_ = 	snop  }
0x7: {  	_ = 	snop  }
__scs_overlays_trampoline_lowered:
0x8: {  	[smem:$0x3FAE] =	sst s0  }
0x9: {  	[smem:$0x3FAF] =	sst s1  }
0xa: {  	[smem:$0x3FB0] =	sst s2  }
0xb: {  	[smem:$0x3FB1] =	sst s3  }
0xc: {  	[smem:$0x3FB2] =	sst s4  }
0xd: {  	[smem:$0x3FB3] =	sst s5  }
0xe: {  	[smem:$0x3FB4] =	sst s6  }
0xf: {  	[smem:$0x3FB5] =	sst s7  }
0x10: {  	[smem:$0x3FB6] =	sst s8  }
0x11: {  	[smem:$0x3FB7] =	sst s9;
	s0 =	simm.s32 @!p0 $0x0  }
0x12: {  	s1 =	sld [smem:$0x3F9D];
	s0 =	simm.s32 @p0 $0x1  }
0x13: {  	[smem:$0x3FB8] =	sst s0;
	s0 =	simm.s32 @!p1 $0x0  }
0x14: {  	s2 =	sld [smem:$0x3F9C];
	s0 =	simm.s32 @p1 $0x1  }
0x15: {  	[smem:$0x3FB9] =	sst s0;
	s0 =	simm.s32 @!p2 $0x0  }
0x16: {  	s3 =	sld [smem:$0x3FDB];
	s0 =	simm.s32 @p2 $0x1  }
0x17: {  	s4 =	simm.s32 $0x1BF5;
	[smem:$0x3FBB] =	sst s0  }
0x18: {  	s0 =	sld [smem:$0x3F9E];
	_ =	swait.ge [sflag:s4], $0x0  }
0x19: {  	s7 =	sld [smem:$0x3F9F]  }
0x1a: {  	s8 =	sadd.s32 $0xFFFFE003, lr  }
0x1b: {  	s9 =	sadd.s32 $0xFFFFFEF7, lr;
	s5 =	simm.s32 $0xFFFFFFFF;
	p2 =	slt.u32 s8, $0xFFFFF086  }
0x1c: {  	p1 =	slt.u32 s9, $0xF7A;
	s5 =	simm.s32 @!p2 $0x0  }
0x1d: {  	s5 =	simm.s32 @p1 $0x1;
	p0 =	seq.s32 s7, s2  }
0x1e: {  	s7 =	smul.u32 @!p0 $0xF7A, s2;
	p2 =	seq.s32 @!p0 s5, $0x0  }
0x1f: {  	s9 =	smul.u32 $0xF7A, s1;
	s8 =	simm.s32 @!p0 $0x1BF5;
	p2 =	por !p2, p0  }
0x20: {  	[sflag:s8] =	ssyncset.s32 @!p0 $0xFFFFF086;
	s6 =	sadd.s32 @!p0 s3, s7;
	s7 =	simm.s32 @!p0 $0x108  }
0x21: {  	s3 =	sadd.s32 s3, s9;
	s6 =	sadd.s32 @!p0 $0x88, s6;
	s7 =	simm.s32 @p2 $0x1082  }
0x22: {  	[simem:s7], [sflag:s8] =	dma.local @!p0 [hbm:s6], $0xF7A  }
0x23: {  	s9 =	sor.u32 $0xD0000000, s2;
	s6 =	simm.s32 $0x108;
	_ =	swait.ge @!p0 [sflag:s8], $0x0  }
0x24: {  	s3 =	sadd.s32 $0x88, s3;
	s6 =	simm.s32 @!p1 $0x1082;
	[sflag:s4] =	ssyncset.s32 $0xFFFFF086  }
0x25: {  	[simem:s6], [sflag:s4] =	dma.local [hbm:s3], $0xF7A  }
0x26: {  	[smem:$0x3F9F] =	sst s1;
	(tag) =	ssettag s2;
	_ =	strace s9  }
0x27: {  	s1 =	sld [smem:$0x3FAF]  }
0x28: {  	s2 =	sld [smem:$0x3FB0]  }
0x29: {  	s4 =	sld [smem:$0x3FB2]  }
0x2a: {  	p0 =	seq.s32 s5, $0x0;
	s5 =	sld [smem:$0x3FB3]  }
0x2b: {  	s6 =	sld [smem:$0x3FB4]  }
0x2c: {  	s7 =	sld [smem:$0x3FB5]  }
0x2d: {  	s3 =	simm.s32 $0x108;
	s8 =	sld [smem:$0x3FB6]  }
0x2e: {  	s3 =	simm.s32 @!p0 $0x1082;
	s9 =	sld [smem:$0x3FB7]  }
0x2f: {  	lr =	sadd.s32 s0, s3;
	s0 =	sld [smem:$0x3FAE]  }
0x30: {  	s3 =	sld [smem:$0x3FB1]  }
0x31: {  	[smem:$0x3FBA] =	sst s10  }
0x32: {  	s10 =	sld [smem:$0x3FB8];
	_ =	sdelay $0x3  }
0x33: {  	p0 =	seq.s32 s10, $0x1;
	s10 =	sld [smem:$0x3FBA];
	_ =	sdelay $0x3  }
0x34: {  	[smem:$0x3FBA] =	sst s10  }
0x35: {  	s10 =	sld [smem:$0x3FB9];
	_ =	sdelay $0x3  }
0x36: {  	p1 =	seq.s32 s10, $0x1;
	s10 =	sld [smem:$0x3FBA];
	_ =	sdelay $0x3  }
0x37: {  	[smem:$0x3FBA] =	sst s10  }
0x38: {  	s10 =	sld [smem:$0x3FBB]  }
0x39: {  	_ = 	snop;
	(pc) =	sbr.ind lr, $3  }
0x3a: {  	_ = 	snop  }
0x3b: {  	_ = 	snop  }
0x3c: {  	p2 =	seq.s32 s10, $0x1;
	s10 =	sld [smem:$0x3FBA]  }
0x3d: {  	_ =	shalt  }
0x3e: {  	_ =	shalt  }
0x3f: {  	_ =	shalt  }
0x40: {  	_ =	shalt  }
0x41: {  	_ =	shalt  }
0x42: {  	_ =	shalt  }
0x43: {  	_ =	shalt  }
0x44: {  	_ =	shalt  }
0x45: {  	_ =	shalt  }
0x46: {  	_ =	shalt  }
0x47: {  	_ =	shalt  }
0x48: {  	_ =	shalt  }
0x49: {  	_ =	shalt  }
0x4a: {  	_ =	shalt  }
0x4b: {  	_ =	shalt  }
0x4c: {  	_ =	shalt  }
0x4d: {  	_ =	shalt  }
0x4e: {  	_ =	shalt  }
0x4f: {  	_ =	shalt  }
0x50: {  	_ =	shalt  }
0x51: {  	_ =	shalt  }
0x52: {  	_ =	shalt  }
0x53: {  	_ =	shalt  }
0x54: {  	_ =	shalt  }
0x55: {  	_ =	shalt  }
0x56: {  	_ =	shalt  }
0x57: {  	_ =	shalt  }
0x58: {  	_ =	shalt  }
0x59: {  	_ =	shalt  }
0x5a: {  	_ =	shalt  }
0x5b: {  	_ =	shalt  }
0x5c: {  	_ =	shalt  }
0x5d: {  	_ =	shalt  }
0x5e: {  	_ =	shalt  }
0x5f: {  	_ =	shalt  }
0x60: {  	_ =	shalt  }
0x61: {  	_ =	shalt  }
0x62: {  	_ =	shalt  }
0x63: {  	_ =	shalt  }
0x64: {  	_ =	shalt  }
0x65: {  	_ =	shalt  }
0x66: {  	_ =	shalt  }
0x67: {  	_ =	shalt  }
0x68: {  	_ =	shalt  }
0x69: {  	_ =	shalt  }
0x6a: {  	_ =	shalt  }
0x6b: {  	_ =	shalt  }
0x6c: {  	_ =	shalt  }
0x6d: {  	_ =	shalt  }
0x6e: {  	_ =	shalt  }
0x6f: {  	_ =	shalt  }
0x70: {  	_ =	shalt  }
0x71: {  	_ =	shalt  }
0x72: {  	_ =	shalt  }
0x73: {  	_ =	shalt  }
0x74: {  	_ =	shalt  }
0x75: {  	_ =	shalt  }
0x76: {  	_ =	shalt  }
0x77: {  	_ =	shalt  }
0x78: {  	_ =	shalt  }
0x79: {  	_ =	shalt  }
0x7a: {  	_ =	shalt  }
0x7b: {  	_ =	shalt  }
0x7c: {  	_ =	shalt  }
0x7d: {  	_ =	shalt  }
0x7e: {  	_ =	shalt  }
0x7f: {  	_ =	shalt  }
0x80: {  	_ =	shalt  }
0x81: {  	_ =	shalt  }
0x82: {  	_ =	shalt  }
0x83: {  	_ =	shalt  }
0x84: {  	_ =	shalt  }
0x85: {  	_ =	shalt  }
0x86: {  	_ =	shalt  }
0x87: {  	_ =	shalt  }
.Lfunc_end0:
.L_simem_size_0:
called_computation_lowered:
.L_overlay_start_0:
0x88: {  	s2 =	sld [smem:$0x3FD9]  }
0x89: {  	s3 =	sld [smem:$0x3FFE];
	_ =	sdelay $0x1  }
0x8a: {  	s1 =	srdreg.scid  }
0x8b: {  	s0 =	sand.u32 $0x1, s1  }
0x8c: {  	s15 =	sshll.u32 s0, $0xA;
	s2 =	sadd.s32 s3, s2  }
0x8d: {  	s2 =	sadd.s32 s2, s15  }
0x8e: {  	[smem:$0x3FC6] =	sst s2  }
0x8f: {  	_ = 	snop  }
0x90: {  	s2 =	sld [smem:$0x3FD0];
	_ =	sdelay $0x2  }
0x91: {  	s4 =	simm.s32 $0xA;
	s5 =	simm.s32 $0x10;
	s16 =	sld [smem:$0x3FC8]  }
0x92: {  	[smem:s5], [sflag:s4] =	dma.local [hbm:s2], $0x1  }
0x93: {  	_ =	swait.eq [sflag:s4], $0x1  }
0x94: {  	[sflag:s4] =	ssyncset.done $0x0  }
0x95: {  	s17 =	sld [smem:$0x11];
	[sflag:s4] =	ssyncadd.s32 $0xFFFFFFFF  }
0x96: {  	s18 =	sld [smem:$0x12];
	(tm) =	ssettm $0x1  }
0x97: {  	s19 =	sld [smem:$0x3FFB];
	_ =	sdelay $0x3  }
0x98: {  	_ =	strace s19  }
0x99: {  	s5 =	sld [smem:$0x3FFC];
	_ =	sdelay $0x3  }
0x9a: {  	_ =	strace s5  }
0x9b: {  	s5 =	sld [smem:$0x3FFD];
	_ =	sdelay $0x3  }
0x9c: {  	_ =	strace s5  }
0x9d: {  	_ =	strace $0x8FFFFFFF  }
0x9e: {  	s20 =	sld [smem:$0x3FDB];
	_ =	sdelay $0x1  }
0x9f: {  	s6 =	simm.s32 $_scs_section_size  }
0xa0: {  	s7 =	simm.s32 $_size__tile_overlayer_lowered;
	s8 =	simm.s32 $_tile_overlayer_lowered  }
0xa1: {  	s23 =	simm.s32 $0x1BFF;
	s22 =	sshll.u32 s8, $0x1;
	s5 =	sadd.s32 s6, s20  }
0xa2: {  	s9 =	simm.s32 $0x0;
	s21 =	sshll.u32 s7, $0x1;
	s7 =	sadd.s32 s22, s5  }
0xa3: {  	[timem:s9], [sflag:s23] =	dma.local [hbm:s7], s21  }
0xa4: {  	_ =	swait.ge [sflag:s23], s21  }
0xa5: {  	s6 =	ssub.s32 $0x0, s21;
	[sflag:s23] =	ssyncset.done $0x0  }
0xa6: {  	[sflag:s23] =	ssyncadd.s32 s6;
	_ =	sdelay $0x1  }
0xa7: {  	s24 =	simm.s32 $0x1B8B  }
0xa8: {  	_ =	swait.ge [sflag:s24], $0x1  }
0xa9: {  	[sflag:s24] =	ssyncset.done $0x0  }
0xaa: {  	s25 =	simm.s32 $0x1B8E;
	[sflag:s24] =	ssyncadd.s32 $0xFFFFFFFF  }
0xab: {  	s26 =	simm.s32 $execute0_lowered;
	[smem:$0x3FD2] =	sst s25  }
0xac: {  	s6 =	sshll.u32 s26, $0x1;
	_ =	strace $0x80000046;
	[dreg:$0x1] =	wrdreg $0xFFFFFFFF  }
0xad: {  	s28 =	simm.s32 $_size_execute0_lowered;
	s5 =	sadd.s32 s5, s6;
	[dreg:$0x0] =	wrdreg $0x0  }
0xae: {  	s6 =	sshll.u32 s28, $0x1;
	[dreg:$0x2] =	wrdreg s5  }
0xaf: {  	[dreg:$0x3] =	wrdreg s6  }
0xb0: {  	[dreg:$0x4] =	wrdreg $0xC0  }
0xb1: {  	_ =	task [dreg:s9], $0x5FFFF  }
0xb2: {  	[dreg:$0x1] =	wrdreg $0xFFFFFFFF  }
0xb3: {  	[dreg:$0x0] =	wrdreg $0x60  }
0xb4: {  	[dreg:$0x2] =	wrdreg s16  }
0xb5: {  	[dreg:$0x3] =	wrdreg s18  }
0xb6: {  	[dreg:$0x4] =	wrdreg s17  }
0xb7: {  	[dreg:$0x5] =	wrdreg $0x9  }
0xb8: {  	_ =	task.clear_ibuf [dreg:s9], $0x6FFFF;
	_ =	strace $0x90000046  }
0xb9: {  	s29 =	simm.s32 $0x9;
	_ =	strace $0x8000004F  }
0xba: {  	_ =	swait.ge [sflag:s29], $0x1  }
0xbb: {  	[sflag:s29] =	ssyncadd.s32 $0xFFFFFFFF  }
0xbc: {  	_ =	strace $0x9000004F  }
0xbd: {  	_ =	sfence  }
0xbe: {  	s30 =	sld [smem:$0x0];
	_ =	sdelay $0x2  }
0xbf: {  	s31 =	sshll.u32 s1, $0xD;
	s1 =	sshrl.u32 s1, $0x2  }
0xc0: {  	s3 =	sand.u32 $0x4000, s31;
	s1 =	sadd.s32 s1, s30  }
0xc1: {  	s0 =	sor.u32 s3, s0;
	s1 =	sshll.u32 s1, $0x11  }
0xc2: {  	s0 =	sor.u32 s1, s0  }
0xc3: {  	s0 =	sadd.s32 $0x8F2B, s0  }
0xc4: {  	[sflag:s0] =	ssyncadd.remote.s32 $0x1  }
0xc5: {  	_ =	sfence.sel $0xFFFF  }
0xc6: {  	[dreg:$0x0] =	wrdreg $0xFFFFFFFF;
	(pc) =	sbr.abs _section_cstart, $3  }
0xc7: {  	[dreg:$0x1] =	wrdreg $0xFFFFFFFF  }
0xc8: {  	_ =	task.clear_ibuf [dreg:s9], $0x2FFFF;
	_ =	strace $0x9FFFFFFF  }
0xc9: {  	(tm) =	ssettm $0x7FFFFFFF  }
tec
execute0_lowered:
.L_overlay_start_1:
0x0: {  	(tag) =	ssettag $0x1  }
0x1: {  	s1 =	rddreg [dreg:$0x0]  }
0x2: {  	s2 =	rddreg [dreg:$0x1]  }
0x3: {  	s3 =	rddreg [dreg:$0x2]  }
0x4: {  	s4 =	srdreg.scid;
	s0 =	rddreg [dreg:$0x3]  }
0x5: {  	s5 =	simm.s32 $0x0;
	s9 =	simm.s32 $0x5;
	s10 =	simm.s32 $0x4  }
.Ltmp0:
0x6: {  	s11 =	simm.s32 $0x0;
	s6 =	sand.u32 $0x1, s4;
	(pc) =	sbr.rel .LBB2_1-.Ltmp0, $4  }
0x7: {  	s4 =	stileid.u32;
	s7 =	ssub.s32 $0x2, s6;
	s6 =	sshll.u32 s6, $0x4  }
0x8: {  	v2 =	vlaneseq.u32;
	[smem:$0x7FF] =	sst s5;
	s8 =	sshrl.u32 s7, $0x1;
	s6 =	sor.u32 s4, s6  }
0x9: {  	vm0 =	vmmov $0xffff;
	v1 =	vshrl.u32 v2, $0x3;
	_ =	strace $0x80000047;
	s8 =	ssub.s32 s7, s8;
	s31 =	sshll.u32 s6, $0x5  }
0xa: {  	v0 =	vand.u32 $0x7, v2;
	v2 =	vor.u32 $0x8, v2;
	v1 =	vmul.u32 $0x8, v1;
	s6 =	sshll.u32 s6, $0x1;
	s7 =	sadd.s32 s2, s31;
	s8 =	smax.u32 s8, $0x1  }
.LBB2_4:
0xb: {  	s12 =	sand.u32 $0x1, s12  }
0xc: {  	_ =	strace $0x8000004D;
	s12 =	sadd.s32 $0x3, s12  }
0xd: {  	_ =	swait.ge [sflag:s12], $0x8000  }
0xe: {  	[sflag:s12] =	ssyncset.done $0x0  }
0xf: {  	s11 =	sadd.s32 $0x1, s11;
	[sflag:s12] =	ssyncadd.s32 $0xFFFF8000  }
0x10: {  	p0 =	sne.s32 s11, s8;
	_ =	strace $0x9000004D  }
.Ltmp1:
0x11: {  	_ =	strace $0x8000004E;
	(pc) =	sbr.rel @!p0 .LBB2_5-.Ltmp1, $4  }
0x12: {  	_ =	swait.ge [sflag:s10], $0x8000  }
0x13: {  	[sflag:s10] =	ssyncset.done $0x0  }
0x14: {  	[sflag:s10] =	ssyncadd.s32 $0xFFFF8000  }
0x15: {  	_ =	strace $0x9000004E  }
.LBB2_1:
0x16: {  	_ =	strace $0x80000048  }
0x17: {  	p0 =	por $0x1, $0x1;
	p2 =	por $0x0, $0x0;
	s13 =	simm.s32 $0x0  }
0x18: {  	s12 =	simm.s32 $0x0;
	s17 =	simm.s32 $0x0;
	s14 =	simm.s32 $0x0  }
0x19: {  	[tilespmem:s5], [sflag:$0x1] =	stream.linear.gather [hbm4b:s7+s5], $0x80, $0x200038;
	[tilespmem:$0x10100] =	vst v63  }
0x1a: {  	s15 =	simm.s32 $0x1;
	s16 =	simm.s32 $0x0;
	_ =	strace $0x90000048  }
.LBB2_2:
0x1b: {  	s18 =	smov.u32 s13;
	s13 =	sadd.s32 $0x1, s13  }
0x1c: {  	p1 =	seq.s32 s13, $0x2  }
0x1d: {  	s13 =	simm.s32 @p1 $0x0  }
0x1e: {  	p1 =	sne.s32 s18, s13  }
0x1f: {  	p1 =	por !p0, !p1  }
0x20: {  	p1 =	por !p1, !p1  }
0x21: {  	s19 =	sadd.s32 @p1 s6, s13  }
0x22: {  	s20 =	sand.u32 @p1 $0x1, s15;
	s19 =	sshll.u32 @p1 s19, $0x4  }
0x23: {  	_ =	strace @p1 $0x80000049;
	s22 =	simm.s32 @p1 $0x0;
	s19 =	sand.u32 @p1 $0x1FFFFFF0, s19  }
0x24: {  	s21 =	sshll.u32 @p1 s20, $0x7;
	s20 =	sadd.s32 @p1 $0x1, s20;
	s19 =	sadd.s32 @p1 s2, s19  }
0x25: {  	[tilespmem:s21], [sflag:s20] =	stream.linear.gather @p1 [hbm4b:s19+s22], $0x80, $0x200038;
	[tilespmem:$0x10100] =	vst v63  }
0x26: {  	s23 =	sand.u32 $0x1, s14;
	_ =	strace @p1 $0x90000049  }
0x27: {  	s19 =	sadd.s32 $0x1, s23;
	_ =	strace $0x8000004A  }
0x28: {  	_ =	swait.ge [sflag:s19], $0x80  }
0x29: {  	[sflag:s19] =	ssyncset.done $0x0  }
0x2a: {  	[sflag:s19] =	ssyncadd.s32 $0xFFFFFF80  }
0x2b: {  	s24 =	sshll.u32 s14, $0x7;
	_ =	strace $0x9000004A  }
0x2c: {  	s22 =	sand.u32 $0x80, s24;
	_ =	strace $0x8000004B  }
0x2d: {  	v3 =	vld [tilespmem:s22+$0x0];
	_ =	sdelay $0x4  }
0x2e: {  	v4 =	vshll.u32 v3, $0x1  }
0x2f: {  	v3 =	vand.u32 $0x7, v3;
	v4 =	vand.u32 $0xFFFFFFF0, v4  }
0x30: {  	v3 =	vor.u32 v3, v4  }
0x31: {  	v4 =	vperm.xlane v3, v0;
	_ =	sdelay $0x1  }
0x32: {  	v3 =	vperm.xlane v3, v2;
	v4 =	vadd.s32 v1, v4;
	_ =	sdelay $0x1  }
0x33: {  	s19 =	sand.u32 $0x1, s17;
	v3 =	vadd.s32 v1, v3  }
0x34: {  	s21 =	sshll.u32 s19, $0xF  }
0x35: {  	s20 =	sor.u32 $0x100, s21  }
0x36: {  	[tilespmem:s20], [sflag:$0x5] =	stream.indirect_vreg.gather [hbm4b:s1+s5], $0x80, v4, vm0, $0x2000b8;
	[tilespmem:$0x10100] =	vst v63  }
0x37: {  	s23 =	sor.u32 $0x900, s21  }
0x38: {  	[tilespmem:s23], [sflag:$0x5] =	stream.indirect_vreg.gather [hbm4b:s1+s5], $0x80, v3, vm0, $0x2000b8;
	[tilespmem:$0x10100] =	vst v63  }
0x39: {  	v3 =	vld [tilespmem:s22+$0x10];
	_ =	sdelay $0x4  }
0x3a: {  	v57 =	vshll.u32 v3, $0x1  }
0x3b: {  	v3 =	vand.u32 $0x7, v3;
	v4 =	vand.u32 $0xFFFFFFF0, v57  }
0x3c: {  	v3 =	vor.u32 v3, v4  }
0x3d: {  	v4 =	vperm.xlane v3, v0;
	_ =	sdelay $0x1  }
0x3e: {  	v3 =	vperm.xlane v3, v2;
	v4 =	vadd.s32 v1, v4;
	_ =	sdelay $0x1  }
0x3f: {  	v3 =	vadd.s32 v1, v3;
	_ =	sdelay $0x1  }
0x40: {  	s25 =	sor.u32 $0x1100, s21  }
0x41: {  	[tilespmem:s25], [sflag:$0x5] =	stream.indirect_vreg.gather [hbm4b:s1+s5], $0x80, v4, vm0, $0x2000b8;
	[tilespmem:$0x10100] =	vst v63  }
0x42: {  	s26 =	sor.u32 $0x1900, s21  }
0x43: {  	[tilespmem:s26], [sflag:$0x5] =	stream.indirect_vreg.gather [hbm4b:s1+s5], $0x80, v3, vm0, $0x2000b8;
	[tilespmem:$0x10100] =	vst v63  }
0x44: {  	v3 =	vld [tilespmem:s22+$0x20];
	_ =	sdelay $0x4  }
0x45: {  	v58 =	vshll.u32 v3, $0x1  }
0x46: {  	v3 =	vand.u32 $0x7, v3;
	v4 =	vand.u32 $0xFFFFFFF0, v58  }
0x47: {  	v3 =	vor.u32 v3, v4  }
0x48: {  	v4 =	vperm.xlane v3, v0;
	_ =	sdelay $0x1  }
0x49: {  	v3 =	vperm.xlane v3, v2;
	v4 =	vadd.s32 v1, v4;
	_ =	sdelay $0x1  }
0x4a: {  	v3 =	vadd.s32 v1, v3;
	_ =	sdelay $0x1  }
0x4b: {  	s28 =	sor.u32 $0x2100, s21  }
0x4c: {  	[tilespmem:s28], [sflag:$0x5] =	stream.indirect_vreg.gather [hbm4b:s1+s5], $0x80, v4, vm0, $0x2000b8;
	[tilespmem:$0x10100] =	vst v63  }
0x4d: {  	s29 =	sor.u32 $0x2900, s21  }
0x4e: {  	[tilespmem:s29], [sflag:$0x5] =	stream.indirect_vreg.gather [hbm4b:s1+s5], $0x80, v3, vm0, $0x2000b8;
	[tilespmem:$0x10100] =	vst v63  }
0x4f: {  	v3 =	vld [tilespmem:s22+$0x30];
	_ =	sdelay $0x4  }
0x50: {  	v59 =	vshll.u32 v3, $0x1  }
0x51: {  	v3 =	vand.u32 $0x7, v3;
	v4 =	vand.u32 $0xFFFFFFF0, v59  }
0x52: {  	v3 =	vor.u32 v3, v4  }
0x53: {  	v4 =	vperm.xlane v3, v0;
	_ =	sdelay $0x1  }
0x54: {  	v3 =	vperm.xlane v3, v2;
	v4 =	vadd.s32 v1, v4;
	_ =	sdelay $0x1  }
0x55: {  	v3 =	vadd.s32 v1, v3;
	_ =	sdelay $0x1  }
0x56: {  	s30 =	sor.u32 $0x3100, s21  }
0x57: {  	[tilespmem:s30], [sflag:$0x5] =	stream.indirect_vreg.gather [hbm4b:s1+s5], $0x80, v4, vm0, $0x2000b8;
	[tilespmem:$0x10100] =	vst v63  }
0x58: {  	s31 =	sor.u32 $0x3900, s21  }
0x59: {  	[tilespmem:s31], [sflag:$0x5] =	stream.indirect_vreg.gather [hbm4b:s1+s5], $0x80, v3, vm0, $0x2000b8;
	[tilespmem:$0x10100] =	vst v63  }
0x5a: {  	v3 =	vld [tilespmem:s22+$0x40];
	_ =	sdelay $0x4  }
0x5b: {  	v60 =	vshll.u32 v3, $0x1  }
0x5c: {  	v3 =	vand.u32 $0x7, v3;
	v4 =	vand.u32 $0xFFFFFFF0, v60  }
0x5d: {  	v3 =	vor.u32 v3, v4  }
0x5e: {  	v4 =	vperm.xlane v3, v0;
	_ =	sdelay $0x1  }
0x5f: {  	v3 =	vperm.xlane v3, v2;
	v4 =	vadd.s32 v1, v4;
	_ =	sdelay $0x1  }
0x60: {  	v3 =	vadd.s32 v1, v3;
	_ =	sdelay $0x1  }
0x61: {  	s24 =	sor.u32 $0x4100, s21  }
0x62: {  	[tilespmem:s24], [sflag:$0x5] =	stream.indirect_vreg.gather [hbm4b:s1+s5], $0x80, v4, vm0, $0x2000b8;
	[tilespmem:$0x10100] =	vst v63  }
0x63: {  	s25 =	sor.u32 $0x4900, s21  }
0x64: {  	[tilespmem:s25], [sflag:$0x5] =	stream.indirect_vreg.gather [hbm4b:s1+s5], $0x80, v3, vm0, $0x2000b8;
	[tilespmem:$0x10100] =	vst v63  }
0x65: {  	v3 =	vld [tilespmem:s22+$0x50];
	_ =	sdelay $0x4  }
0x66: {  	v61 =	vshll.u32 v3, $0x1  }
0x67: {  	v3 =	vand.u32 $0x7, v3;
	v4 =	vand.u32 $0xFFFFFFF0, v61  }
0x68: {  	v3 =	vor.u32 v3, v4  }
0x69: {  	v4 =	vperm.xlane v3, v0;
	_ =	sdelay $0x1  }
0x6a: {  	v3 =	vperm.xlane v3, v2;
	v4 =	vadd.s32 v1, v4;
	_ =	sdelay $0x1  }
0x6b: {  	v3 =	vadd.s32 v1, v3;
	_ =	sdelay $0x1  }
0x6c: {  	s26 =	sor.u32 $0x5100, s21  }
0x6d: {  	[tilespmem:s26], [sflag:$0x5] =	stream.indirect_vreg.gather [hbm4b:s1+s5], $0x80, v4, vm0, $0x2000b8;
	[tilespmem:$0x10100] =	vst v63  }
0x6e: {  	s28 =	sor.u32 $0x5900, s21  }
0x6f: {  	[tilespmem:s28], [sflag:$0x5] =	stream.indirect_vreg.gather [hbm4b:s1+s5], $0x80, v3, vm0, $0x2000b8;
	[tilespmem:$0x10100] =	vst v63  }
0x70: {  	v3 =	vld [tilespmem:s22+$0x60];
	_ =	sdelay $0x4  }
0x71: {  	v62 =	vshll.u32 v3, $0x1  }
0x72: {  	v3 =	vand.u32 $0x7, v3;
	v4 =	vand.u32 $0xFFFFFFF0, v62  }
0x73: {  	v3 =	vor.u32 v3, v4  }
0x74: {  	v4 =	vperm.xlane v3, v0;
	_ =	sdelay $0x1  }
0x75: {  	v3 =	vperm.xlane v3, v2;
	v4 =	vadd.s32 v1, v4;
	_ =	sdelay $0x1  }
0x76: {  	v3 =	vadd.s32 v1, v3;
	_ =	sdelay $0x1  }
0x77: {  	s29 =	sor.u32 $0x6100, s21  }
0x78: {  	[tilespmem:s29], [sflag:$0x5] =	stream.indirect_vreg.gather [hbm4b:s1+s5], $0x80, v4, vm0, $0x2000b8;
	[tilespmem:$0x10100] =	vst v63  }
0x79: {  	s30 =	sor.u32 $0x6900, s21  }
0x7a: {  	[tilespmem:s30], [sflag:$0x5] =	stream.indirect_vreg.gather [hbm4b:s1+s5], $0x80, v3, vm0, $0x2000b8;
	[tilespmem:$0x10100] =	vst v63  }
0x7b: {  	v3 =	vld [tilespmem:s22+$0x70];
	_ =	sdelay $0x4  }
0x7c: {  	v63 =	vshll.u32 v3, $0x1  }
0x7d: {  	v3 =	vand.u32 $0x7, v3;
	v4 =	vand.u32 $0xFFFFFFF0, v63  }
0x7e: {  	v3 =	vor.u32 v3, v4  }
0x7f: {  	v4 =	vperm.xlane v3, v0;
	_ =	sdelay $0x1  }
0x80: {  	v3 =	vperm.xlane v3, v2;
	v4 =	vadd.s32 v1, v4;
	_ =	sdelay $0x1  }
0x81: {  	v3 =	vadd.s32 v1, v3;
	_ =	sdelay $0x1  }
0x82: {  	p2 =	por !p2, !p2;
	p3 =	seq.s32 s18, s13;
	s31 =	sor.u32 $0x7100, s21  }
0x83: {  	[tilespmem:s31], [sflag:$0x5] =	stream.indirect_vreg.gather [hbm4b:s1+s5], $0x80, v4, vm0, $0x2000b8;
	[tilespmem:$0x10100] =	vst v63  }
0x84: {  	p2 =	por !p2, !p3;
	s21 =	sor.u32 $0x7900, s21  }
0x85: {  	[tilespmem:s21], [sflag:$0x5] =	stream.indirect_vreg.gather [hbm4b:s1+s5], $0x80, v3, vm0, $0x2000b8;
	[tilespmem:$0x10100] =	vst v63  }
0x86: {  	s18 =	sadd.s32 s6, s18;
	p2 =	por !p2, !p2;
	_ =	swait.ge [sflag:s9], $0x8000  }
0x87: {  	s18 =	sshll.u32 @!p2 s18, $0xC;
	p0 =	por p2, p0;
	[sflag:s9] =	ssyncset.done $0x0  }
.Ltmp2:
0x88: {  	s18 =	sand.u32 @!p2 $0x1FFFF000, s18;
	[sflag:s9] =	ssyncadd.s32 $0xFFFF8000;
	(pc) =	sbr.rel @!p0 .LBB2_4-.Ltmp2, $4  }
0x89: {  	s18 =	sadd.s32 @!p2 s3, s18;
	_ =	strace $0x9000004B  }
0x8a: {  	s19 =	sadd.s32 @!p2 $0x3, s19;
	s21 =	simm.s32 @!p2 $0x0;
	_ =	strace @!p2 $0x8000004C  }
0x8b: {  	[hbm4b:s18+s21] =	stream.linear.scatter @!p2 [tilespmem:s20], [sflag:s19], $0x8000, $0x200038;
	[tilespmem:$0x10100] =	vst v63  }
0x8c: {  	_ =	strace @!p2 $0x9000004C  }
.Ltmp3:
0x8d: {  	s18 =	simm.s32 $0x1;
	(pc) =	sbr.rel .LBB2_2-.Ltmp3, $4  }
0x8e: {  	s19 =	simm.s32 @!p2 $0x1;
	s12 =	sadd.s32 s16, s12;
	s18 =	simm.s32 @!p1 $0x0  }
0x8f: {  	s16 =	simm.s32 $0x1;
	s15 =	sadd.s32 s18, s15;
	s18 =	sadd.s32 @!p2 $0x1, s17  }
0x90: {  	p0 =	por $0x0, $0x0;
	s19 =	simm.s32 @p2 $0x0;
	s18 =	smov.u32 @p2 s17  }
0x91: {  	s14 =	sadd.s32 s14, s19;
	p2 =	por $0x1, $0x1;
	s17 =	smov.u32 s18  }
.LBB2_5:
0x92: {  	_ =	sfence.sel $0x180000  }
0x93: {  	[bflag:$0x0] =	sbarrier.arrive $0xFFFF  }
0x94: {  	p0 =	sne.s32 s4, $0x0;
	_ =	strace $0x90000047  }
0x95: {  	s0 =	sadd.s32 @!p0 $0x100000, s0;
	[bflag:$0x2] =	sbarrier.arrive $0xFFFF  }
0x96: {  	[sflag:s0] =	ssyncadd.tile.s32 @!p0 $0x1;
	_ =	shalt  }
.Lfunc_end2:
_tile_overlayer_lowered:
.L_overlay_start_2:
0x97: {  	(tag) =	ssettag $0x2  }
0x98: {  	s0 =	rddreg [dreg:$0x0];
	s2 =	stileid.u32  }
0x99: {  	s1 =	rddreg [dreg:$0x1];
	p0 =	sne.s32 s2, $0x0  }
0x9a: {  	s3 =	rddreg [dreg:$0x2];
	[bflag:$0x3] =	sbarrier.arrive $0xFFFF;
	s2 =	simm.s32 @!p0 $0x1C01  }
0x9b: {  	[timem:s3], [sflag:s2] =	dma.local @!p0 [hbm:s0], s1  }
0x9c: {  	s0 =	simm.s32 @!p0 $0x1  }
0x9d: {  	_ =	swait.ge @!p0 [sflag:s0], s1  }
0x9e: {  	s1 =	ssub.s32 @!p0 $0x0, s1;
	[sflag:s0] =	ssyncset.done @!p0 $0x0  }
0x9f: {  	[sflag:s0] =	ssyncadd.s32 @!p0 s1  }
0xa0: {  	[bflag:$0x3] =	sbarrier.arrive $0xFFFF  }
0xa1: {  	_ =	shalt  }

</sc_bundles>
